<compile_context>
chip_gen: v7x
topology: tpu7x:2x2x1
jax: 0.10.2.dev20260603
libtpu: 0.0.44.dev20260713+nightly
codegen_flags: <defaults>
</compile_context>

<pallas_src>
import functools

import jax
import jax.numpy as jnp
from jax import lax
from jax.experimental import pallas as pl
from jax.experimental.pallas import tpu as pltpu
from jax.experimental.pallas import tpu_sc as plsc

BATCH = 16
BEAM = 8
VOCAB = 32768
ENC_LEN = 2048
EOS_INDEX = 32767
MAX_ATTN_SHIFT = 60.0
EOS_THRESHOLD = 1.5
MINUS_INF = -1e20
SENT = -3.4e38
BIGI = 0x7FFFFFFF
NCH = 64
CHN = VOCAB // NCH
CHV = CHN // 16
ATV = ENC_LEN // 16


def _vmax(vs):
  return functools.reduce(jnp.maximum, vs)


def _vmin(vs):
  return functools.reduce(jnp.minimum, vs)


def _body(lp_hbm, attn_hbm, prev_hbm, seq_hbm,
          sc_out, tok_out, pred_out,
          row_big, attn_buf, prev_buf, seq_buf,
          cbuf, ct_v, ct_i, mg_v, mg_i, st_v, st_t, st_p,
          vals_sh, idx_sh, cond_sh,
          sem_a, sem_r0, sem_r1):
  c = lax.axis_index("c")
  s = lax.axis_index("s")
  lane = lax.iota(jnp.int32, 16)
  sentv = jnp.full((16,), SENT, jnp.float32)
  bigv = jnp.full((16,), BIGI, jnp.int32)
  zerov = jnp.zeros((16,), jnp.int32)

  bb = s // 2
  h = s % 2
  r0 = c * 64 + s * 4

  pltpu.sync_copy(prev_hbm, prev_buf)
  pltpu.sync_copy(seq_hbm, seq_buf)

  def _extract_f(buf, idx):
    v = buf[pl.ds((idx // 16) * 16, 16)]
    return jnp.max(jnp.where(lane == idx % 16, v, SENT))

  for i in range(4):
    pltpu.async_copy(attn_hbm.at[r0 + i],
                     attn_buf.at[pl.ds(i * ENC_LEN, ENC_LEN)], sem_a)
  for i in range(4):
    pltpu.make_async_copy(attn_hbm.at[r0 + i],
                          attn_buf.at[pl.ds(i * ENC_LEN, ENC_LEN)],
                          sem_a).wait()

  def attn_row(i2, cvec):
    ab = i2 * ENC_LEN

    def attn_step(jj, carry):
      lm, aj = carry
      for u in range(8):
        v = attn_buf[pl.ds(ab + (jj * 8 + u) * 16, 16)]
        upd = v > lm
        lm = jnp.where(upd, v, lm)
        aj = jnp.where(upd, jj * 8 + u, aj)
      return lm, aj

    lm, aj = lax.fori_loop(0, ATV // 8, attn_step, (sentv, zerov))
    am = jnp.max(lm)
    peak = jnp.min(jnp.where(lm == am, aj * 16 + lane, BIGI))
    pv = _extract_f(prev_buf, r0 + i2)
    cnd = peak.astype(jnp.float32) < pv + MAX_ATTN_SHIFT
    return jnp.where(lane == i2, cnd.astype(jnp.int32), cvec)

  cvec = lax.fori_loop(0, 4, attn_row, zerov)

  def _cond(i):
    return jnp.max(jnp.where(lane == i, cvec, 0)) > 0

  ct_i[...] = cvec
  pltpu.sync_copy(ct_i, cond_sh.at[pl.ds(s * 16, 16)])
  plsc.subcore_barrier()
  pltpu.sync_copy(cond_sh, cbuf)
  cvs = []
  qs = []
  offs = 0
  for k in range(4):
    gidx = (4 * k + lane // 4) * 16 + (lane % 4)
    cvk = plsc.load_gather(cbuf, [gidx])
    qk = plsc.cumsum(cvk) - cvk + offs
    offs = offs + jnp.sum(cvk)
    cvs.append(cvk)
    qs.append(qk)
  ms = []
  for t in range(4):
    cand = [jnp.where(
        jnp.logical_and(
            cvs[k] == 1,
            jnp.logical_and(qs[k] % 16 == s, qs[k] // 16 == t)),
        16 * k + lane, BIGI) for k in range(4)]
    ms.append(jnp.min(_vmin(cand)))
  myrows = jnp.where(lane == 0, ms[0],
                     jnp.where(lane == 1, ms[1],
                               jnp.where(lane == 2, ms[2],
                                         jnp.where(lane == 3, ms[3], BIGI))))

  def _mrow(t):
    return jnp.min(jnp.where(lane == t, myrows, BIGI))

  for i in range(4):
    @pl.when(jnp.logical_not(_cond(i)))
    def _(i=i):
      sv = _extract_f(seq_buf, r0 + i)
      rowinb = h * 4 + i
      fv = jnp.float32(MINUS_INF) + sv
      ct_v[...] = jnp.where(lane < 8, fv, SENT)
      ct_i[...] = jnp.where(lane < 8, rowinb * VOCAB + lane, BIGI)
      pltpu.sync_copy(ct_v, vals_sh.at[bb, pl.ds(rowinb * 16, 16)])
      pltpu.sync_copy(ct_i, idx_sh.at[bb, pl.ds(rowinb * 16, 16)])

  @pl.when(ms[0] < BIGI)
  def _():
    pltpu.async_copy(lp_hbm.at[c * 64 + ms[0]],
                     row_big.at[pl.ds(0, VOCAB)], sem_r0)

  @pl.when(ms[1] < BIGI)
  def _():
    pltpu.async_copy(lp_hbm.at[c * 64 + ms[1]],
                     row_big.at[pl.ds(VOCAB, VOCAB)], sem_r1)

  def process_row(base0, r_local):
    sv = _extract_f(seq_buf, c * 64 + r_local)
    rowinb = r_local % 8

    lv = row_big[pl.ds(base0 + VOCAB - 16, 16)]
    e = jnp.max(jnp.where(lane == 15, lv, SENT))
    row_big[pl.ds(base0 + VOCAB - 16, 16)] = jnp.where(lane == 15, SENT, lv)

    def chunk_pass(c64, cms):
      m = sentv
      for j in range(CHV):
        m = jnp.maximum(m, row_big[pl.ds(base0 + c64 * CHN + j * 16, 16)])
      mx = jnp.max(m)
      return tuple(
          jnp.where(lane + 16 * k == c64, mx, cms[k]) for k in range(4))

    cms = lax.fori_loop(0, NCH, chunk_pass, (sentv,) * 4)
    max_non_eos = jnp.max(_vmax(cms))
    e_new = jnp.where(e < EOS_THRESHOLD * max_non_eos,
                      jnp.float32(MINUS_INF), e)
    lv2 = row_big[pl.ds(base0 + VOCAB - 16, 16)]
    row_big[pl.ds(base0 + VOCAB - 16, 16)] = jnp.where(lane == 15, e_new, lv2)
    cms = (cms[0], cms[1], cms[2],
           jnp.where(lane == 15, jnp.maximum(cms[3], e_new), cms[3]))

    def topk_step(t, carry):
      cm0, cm1, cm2, cm3, v16, i16 = carry
      cmst = (cm0, cm1, cm2, cm3)
      mval = jnp.max(_vmax(cmst))
      cstar = jnp.min(_vmin(tuple(
          jnp.where(cmst[k] == mval, lane + 16 * k, BIGI)
          for k in range(4))))
      base = base0 + cstar * CHN

      def scan_step(jj, carry2):
        slm, sl2, saj = carry2
        for u in range(8):
          v = row_big[pl.ds(base + (jj * 8 + u) * 16, 16)]
          upd = v > slm
          sl2 = jnp.maximum(sl2, jnp.where(upd, slm, v))
          slm = jnp.where(upd, v, slm)
          saj = jnp.where(upd, jj * 8 + u, saj)
        return slm, sl2, saj

      slm, sl2, saj = lax.fori_loop(0, CHV // 8, scan_step,
                                    (sentv, sentv, zerov))
      pos = jnp.min(jnp.where(slm == mval, saj * 16 + lane, BIGI))
      absi = (base - base0) + pos
      kb = base + (pos // 16) * 16
      kl = pos % 16
      kv = row_big[pl.ds(kb, 16)]
      row_big[pl.ds(kb, 16)] = jnp.where(lane == kl, SENT, kv)
      nm = jnp.max(jnp.where(lane == kl, sl2, slm))
      new_cms = tuple(
          jnp.where(lane + 16 * k == cstar, nm, cmst[k]) for k in range(4))
      v16 = jnp.where(lane == t, mval, v16)
      i16 = jnp.where(lane == t, rowinb * VOCAB + absi, i16)
      return (*new_cms, v16, i16)

    out = lax.fori_loop(0, 8, topk_step, (*cms, sentv, bigv))
    ct_v[...] = out[4] + sv
    ct_i[...] = out[5]
    pltpu.sync_copy(ct_v, vals_sh.at[r_local // 8, pl.ds(rowinb * 16, 16)])
    pltpu.sync_copy(ct_i, idx_sh.at[r_local // 8, pl.ds(rowinb * 16, 16)])

  def live_step(t, _):
    mt = _mrow(t)
    live = mt < BIGI
    p0 = t % 2 == 0

    @pl.when(jnp.logical_and(live, p0))
    def _():
      pltpu.make_async_copy(lp_hbm.at[c * 64 + mt],
                            row_big.at[pl.ds(0, VOCAB)], sem_r0).wait()

    @pl.when(jnp.logical_and(live, jnp.logical_not(p0)))
    def _():
      pltpu.make_async_copy(lp_hbm.at[c * 64 + mt],
                            row_big.at[pl.ds(VOCAB, VOCAB)], sem_r1).wait()

    @pl.when(live)
    def _():
      process_row((t % 2) * VOCAB, mt)

    mn = _mrow(t + 2)
    nx = mn < BIGI

    @pl.when(jnp.logical_and(nx, p0))
    def _():
      pltpu.async_copy(lp_hbm.at[c * 64 + mn],
                       row_big.at[pl.ds(0, VOCAB)], sem_r0)

    @pl.when(jnp.logical_and(nx, jnp.logical_not(p0)))
    def _():
      pltpu.async_copy(lp_hbm.at[c * 64 + mn],
                       row_big.at[pl.ds(VOCAB, VOCAB)], sem_r1)
    return 0

  lax.fori_loop(0, 4, live_step, 0)

  plsc.subcore_barrier()

  @pl.when(s < 8)
  def _():
    pltpu.sync_copy(vals_sh.at[s], mg_v)
    pltpu.sync_copy(idx_sh.at[s], mg_i)
    bg = c * 8 + s

    def merge_step(t, carry):
      (m0, m1, m2, m3, m4, m5, m6, m7, sc16, tk16, pd16) = carry
      mvs = (m0, m1, m2, m3, m4, m5, m6, m7)
      mis = [mg_i[pl.ds(kk * 16, 16)] for kk in range(8)]
      mval = jnp.max(_vmax(mvs))
      wi = jnp.min(_vmin([jnp.where(mvs[kk] == mval, mis[kk], BIGI)
                          for kk in range(8)]))
      mvs = tuple(jnp.where(mis[kk] == wi, SENT, mvs[kk]) for kk in range(8))
      sc16 = jnp.where(lane == t, mval, sc16)
      tk16 = jnp.where(lane == t, wi & (VOCAB - 1), tk16)
      pd16 = jnp.where(lane == t, (wi >> 15) + bg * 8, pd16)
      return (*mvs, sc16, tk16, pd16)

    init = tuple(mg_v[pl.ds(kk * 16, 16)] for kk in range(8))
    out = lax.fori_loop(0, 8, merge_step, (*init, sentv, zerov, zerov))
    st_v[...] = out[8]
    st_t[...] = out[9]
    st_p[...] = out[10]
    pltpu.sync_copy(st_v.at[pl.ds(0, 8)], sc_out.at[pl.ds(bg * 8, 8)])
    pltpu.sync_copy(st_t.at[pl.ds(0, 8)], tok_out.at[pl.ds(bg * 8, 8)])
    pltpu.sync_copy(st_p.at[pl.ds(0, 8)], pred_out.at[pl.ds(bg * 8, 8)])


@jax.jit
def _run(log_probs, attn, prev_attn_peak, sequence_scores):
  mesh = plsc.VectorSubcoreMesh(core_axis_name="c", subcore_axis_name="s",
                                num_cores=2, num_subcores=16)
  f = pl.kernel(
      _body,
      out_type=(
          jax.ShapeDtypeStruct((BATCH * BEAM,), jnp.float32),
          jax.ShapeDtypeStruct((BATCH * BEAM,), jnp.int32),
          jax.ShapeDtypeStruct((BATCH * BEAM,), jnp.int32),
      ),
      mesh=mesh,
      compiler_params=pltpu.CompilerParams(needs_layout_passes=False),
      scratch_types=[
          pltpu.VMEM((2 * VOCAB,), jnp.float32),
          pltpu.VMEM((4 * ENC_LEN,), jnp.float32),
          pltpu.VMEM((128,), jnp.float32),
          pltpu.VMEM((128,), jnp.float32),
          pltpu.VMEM((256,), jnp.int32),
          pltpu.VMEM((16,), jnp.float32),
          pltpu.VMEM((16,), jnp.int32),
          pltpu.VMEM((128,), jnp.float32),
          pltpu.VMEM((128,), jnp.int32),
          pltpu.VMEM((16,), jnp.float32),
          pltpu.VMEM((16,), jnp.int32),
          pltpu.VMEM((16,), jnp.int32),
          pltpu.VMEM_SHARED((8, 128), jnp.float32),
          pltpu.VMEM_SHARED((8, 128), jnp.int32),
          pltpu.VMEM_SHARED((256,), jnp.int32),
          pltpu.SemaphoreType.DMA,
          pltpu.SemaphoreType.DMA,
          pltpu.SemaphoreType.DMA,
      ],
  )
  sc, tok, pred = f(log_probs, attn, prev_attn_peak, sequence_scores)
  return (sc.reshape(BATCH, BEAM), tok.reshape(BATCH, BEAM),
          pred.reshape(BATCH, BEAM))


def kernel(log_probs, attn, prev_attn_peak, sequence_scores):
  return _run(log_probs, attn, prev_attn_peak, sequence_scores)

# --- scband reference (transcript-rebuilt; emitter-appended) ---
"""Pipeline reference for scband-s2-sbeam-searcher-13228499271864 (READ-ONLY COPY).

The authoritative reference and input builder live on the scoring server;
editing this copy changes nothing except your own understanding.
"""

import jax, jax.numpy as jnp
import numpy as np

BATCH = 16
BEAM = 8
VOCAB = 32768
ENC_LEN = 2048
EOS_INDEX = 32767
MAX_ATTN_SHIFT = 60.0
EOS_THRESHOLD = 1.5
MINUS_INF = -1e20


def setup_inputs(seed: int = 0) -> dict:
    key = jax.random.key(seed)
    k1, k2, k3, k4 = jax.random.split(key, 4)
    # per-beam next-token log-probs for one decoding step
    log_probs = jax.nn.log_softmax(
        jax.random.normal(k1, (BATCH * BEAM, VOCAB), dtype=jnp.float32), axis=-1
    )
    # attention weights over encoder frames for each beam
    attn = jax.random.uniform(k2, (BATCH * BEAM, ENC_LEN), dtype=jnp.float32)
    # previous attention peak positions (scaled to [0, ENC_LEN))
    prev_attn_peak = jax.random.uniform(k3, (BATCH * BEAM,), dtype=jnp.float32) * ENC_LEN
    # running sequence scores (finite mid-decode values)
    sequence_scores = jax.random.normal(k4, (BATCH * BEAM,), dtype=jnp.float32)
    return {
        "log_probs": log_probs,
        "attn": attn,
        "prev_attn_peak": prev_attn_peak,
        "sequence_scores": sequence_scores,
    }


def reference(log_probs, attn, prev_attn_peak, sequence_scores):
    # One step of S2SBeamSearcher's scoring / masking / beam top-k.
    # 1) attention-shift blocking (https://arxiv.org/abs/1904.02619, 3.1.2)
    attn_peak = jnp.argmax(attn, axis=1).astype(jnp.float32)
    condition = attn_peak < prev_attn_peak + MAX_ATTN_SHIFT
    lp = jnp.where(condition[:, None], log_probs, jnp.float32(MINUS_INF))
    # 2) eos-threshold blocking: eos allowed only if eos_prob >= thr * best non-eos prob
    max_probs = jnp.max(lp[:, :EOS_INDEX], axis=-1)
    eos_probs = lp[:, EOS_INDEX]
    eos_masked = jnp.where(eos_probs < EOS_THRESHOLD * max_probs, jnp.float32(MINUS_INF), eos_probs)
    lp = lp.at[:, EOS_INDEX].set(eos_masked)
    # 3) accumulate sequence scores and take beam-wise top-k over beam*vocab
    scores = sequence_scores[:, None] + lp
    scores = scores.reshape(BATCH, BEAM * VOCAB)
    top_scores, candidates = jax.lax.top_k(scores, BEAM)
    inp_tokens = candidates % VOCAB
    beam_offset = jnp.arange(BATCH, dtype=jnp.int32) * BEAM
    predecessors = candidates // VOCAB + beam_offset[:, None]
    return top_scores, inp_tokens, predecessors

if __name__ == "__main__":
    import jax
    _d = setup_inputs()
    print(jax.jit(kernel)(*tuple(_d.values())))

</pallas_src>

<mosaic_0001>
#map = affine_map<(d0, d1) -> (0, 0)>
#map1 = affine_map<(d0, d1) -> (0)>
module attributes {stable_mosaic.version = 14 : i64} {
  func.func @_body(%arg0: i32, %arg1: i32, %arg2: memref<128x32768xf32, #tpu.memory_space<hbm>>, %arg3: memref<128x2048xf32, #tpu.memory_space<hbm>>, %arg4: memref<128xf32, #tpu.memory_space<hbm>>, %arg5: memref<128xf32, #tpu.memory_space<hbm>>, %arg6: memref<128xf32, #tpu.memory_space<hbm>>, %arg7: memref<128xi32, #tpu.memory_space<hbm>>, %arg8: memref<128xi32, #tpu.memory_space<hbm>>, %arg9: memref<65536xf32, #tpu.memory_space<vmem>>, %arg10: memref<8192xf32, #tpu.memory_space<vmem>>, %arg11: memref<128xf32, #tpu.memory_space<vmem>>, %arg12: memref<128xf32, #tpu.memory_space<vmem>>, %arg13: memref<256xi32, #tpu.memory_space<vmem>>, %arg14: memref<16xf32, #tpu.memory_space<vmem>>, %arg15: memref<16xi32, #tpu.memory_space<vmem>>, %arg16: memref<128xf32, #tpu.memory_space<vmem>>, %arg17: memref<128xi32, #tpu.memory_space<vmem>>, %arg18: memref<16xf32, #tpu.memory_space<vmem>>, %arg19: memref<16xi32, #tpu.memory_space<vmem>>, %arg20: memref<16xi32, #tpu.memory_space<vmem>>, %arg21: memref<8x128xf32, #tpu.memory_space<vmem_shared>>, %arg22: memref<8x128xi32, #tpu.memory_space<vmem_shared>>, %arg23: memref<256xi32, #tpu.memory_space<vmem_shared>>, %arg24: memref<!tpu.dma_semaphore, #tpu.memory_space<semaphore_mem>>, %arg25: memref<!tpu.dma_semaphore, #tpu.memory_space<semaphore_mem>>, %arg26: memref<!tpu.dma_semaphore, #tpu.memory_space<semaphore_mem>>) attributes {dimension_semantics = [#tpu.dimension_semantics<core_parallel>, #tpu.dimension_semantics<subcore_parallel>], iteration_bounds = array<i64: 2, 16>, scalar_prefetch = 0 : i64, scratch_operands = 18 : i64, tpu.core_type = #tpu.core_type<sc_vector_subcore>, window_params = [{transform_indices = #map}, {transform_indices = #map}, {transform_indices = #map1}, {transform_indices = #map1}, {transform_indices = #map1}, {transform_indices = #map1}, {transform_indices = #map1}]} {
    %iota3A = tpu.iota {dimensions = array<i32: 0>} : vector<16xi32>
    %broadcast_in_dim3A = arith.constant -3.400000e+38 : f32
    %broadcast_in_dim3A_0 = vector.broadcast %broadcast_in_dim3A : f32 to vector<16xf32>
    %broadcast_in_dim3A_1 = arith.constant 2147483647 : i32
    %broadcast_in_dim3A_2 = vector.broadcast %broadcast_in_dim3A_1 : i32 to vector<16xi32>
    %broadcast_in_dim3A_3 = arith.constant 0 : i32
    %broadcast_in_dim3A_4 = vector.broadcast %broadcast_in_dim3A_3 : i32 to vector<16xi32>
    %jit3A = arith.constant 2 : i32
    %div3A = arith.divsi %arg1, %jit3A : i32
    %sign3A = arith.constant 0 : i32
    %sign3A_5 = arith.cmpi sgt, %arg1, %sign3A : i32
    %sign3A_6 = arith.extui %sign3A_5 : i1 to i32
    %sign3A_7 = arith.constant 0 : i32
    %sign3A_8 = arith.cmpi slt, %arg1, %sign3A_7 : i32
    %sign3A_9 = arith.extui %sign3A_8 : i1 to i32
    %sign3A_10 = arith.subi %sign3A_6, %sign3A_9 : i32
    %sign3A_11 = arith.constant 0 : i32
    %sign3A_12 = arith.cmpi sgt, %jit3A, %sign3A_11 : i32
    %sign3A_13 = arith.extui %sign3A_12 : i1 to i32
    %sign3A_14 = arith.constant 0 : i32
    %sign3A_15 = arith.cmpi slt, %jit3A, %sign3A_14 : i32
    %sign3A_16 = arith.extui %sign3A_15 : i1 to i32
    %sign3A_17 = arith.subi %sign3A_13, %sign3A_16 : i32
    %ne3A = arith.cmpi ne, %sign3A_10, %sign3A_17 : i32
    %rem3A = arith.remsi %arg1, %jit3A : i32
    %ne3A_18 = arith.constant 0 : i32
    %ne3A_19 = arith.cmpi ne, %rem3A, %ne3A_18 : i32
    %and3A = arith.andi %ne3A, %ne3A_19 : i1
    %sub3A = arith.constant 1 : i32
    %sub3A_20 = arith.subi %div3A, %sub3A : i32
    %select_n3A = arith.select %and3A, %sub3A_20, %div3A : i32
    %jit3A_21 = arith.constant 2 : i32
    %eq3A = arith.constant 0 : i32
    %eq3A_22 = arith.cmpi eq, %jit3A_21, %eq3A : i32
    %jit3A_23 = arith.constant 1 : i32
    %select_n3A_24 = arith.select %eq3A_22, %jit3A_23, %jit3A_21 : i32
    %rem3A_25 = arith.remsi %arg1, %select_n3A_24 : i32
    %ne3A_26 = arith.constant 0 : i32
    %ne3A_27 = arith.cmpi ne, %rem3A_25, %ne3A_26 : i32
    %lt3A = arith.constant 0 : i32
    %lt3A_28 = arith.cmpi slt, %rem3A_25, %lt3A : i32
    %lt3A_29 = arith.constant 0 : i32
    %lt3A_30 = arith.cmpi slt, %select_n3A_24, %lt3A_29 : i32
    %ne3A_31 = arith.xori %lt3A_28, %lt3A_30 : i1
    %and3A_32 = arith.andi %ne3A_31, %ne3A_27 : i1
    %add3A = arith.addi %rem3A_25, %select_n3A_24 : i32
    %select_n3A_33 = arith.select %and3A_32, %add3A, %rem3A_25 : i32
    %mul3A = arith.constant 64 : i32
    %mul3A_34 = arith.muli %arg0, %mul3A : i32
    %mul3A_35 = arith.constant 4 : i32
    %mul3A_36 = arith.muli %arg1, %mul3A_35 : i32
    %add3A_37 = arith.addi %mul3A_34, %mul3A_36 : i32
    "tpu.region"() ({
      %run_scoped3A = tpu.sem_alloc : memref<!tpu.dma_semaphore, #tpu.memory_space<semaphore_mem>>
      tpu.enqueue_dma source(%arg4 : memref<128xf32, #tpu.memory_space<hbm>>) target(%arg11 : memref<128xf32, #tpu.memory_space<vmem>>) target_semaphore(%run_scoped3A : memref<!tpu.dma_semaphore, #tpu.memory_space<semaphore_mem>>)
      tpu.wait_dma2 semaphore(%run_scoped3A : memref<!tpu.dma_semaphore, #tpu.memory_space<semaphore_mem>>) src(%arg4 : memref<128xf32, #tpu.memory_space<hbm>>) dst(%arg11 : memref<128xf32, #tpu.memory_space<vmem>>)
      tpu.yield
    }) : () -> ()
    "tpu.region"() ({
      %run_scoped3A = tpu.sem_alloc : memref<!tpu.dma_semaphore, #tpu.memory_space<semaphore_mem>>
      tpu.enqueue_dma source(%arg5 : memref<128xf32, #tpu.memory_space<hbm>>) target(%arg12 : memref<128xf32, #tpu.memory_space<vmem>>) target_semaphore(%run_scoped3A : memref<!tpu.dma_semaphore, #tpu.memory_space<semaphore_mem>>)
      tpu.wait_dma2 semaphore(%run_scoped3A : memref<!tpu.dma_semaphore, #tpu.memory_space<semaphore_mem>>) src(%arg5 : memref<128xf32, #tpu.memory_space<hbm>>) dst(%arg12 : memref<128xf32, #tpu.memory_space<vmem>>)
      tpu.yield
    }) : () -> ()
    %add3A_38 = arith.constant 0 : i32
    %add3A_39 = arith.addi %add3A_37, %add3A_38 : i32
    %dma_start3A = arith.constant 0 : i32
    %dma_start3A_40 = tpu.memref_slice %arg10[%dma_start3A] : memref<8192xf32, #tpu.memory_space<vmem>> -> memref<2048xf32, #tpu.memory_space<vmem>>
    %dma_start3A_41 = arith.constant 0 : i32
    %dma_start3A_42 = tpu.memref_slice %arg3[%add3A_39, %dma_start3A_41] : memref<128x2048xf32, #tpu.memory_space<hbm>> -> memref<1x2048xf32, #tpu.memory_space<hbm>>
    %dma_start3A_43 = tpu.memref_squeeze %dma_start3A_42 : memref<1x2048xf32, #tpu.memory_space<hbm>> -> memref<2048xf32, #tpu.memory_space<hbm>>
    %dma_start3A_44 = arith.constant 0 : i32
    %dma_start3A_45 = tpu.memref_slice %arg10[%dma_start3A_44] : memref<8192xf32, #tpu.memory_space<vmem>> -> memref<2048xf32, #tpu.memory_space<vmem>>
    %dma_start3A_46 = arith.constant 0 : i32
    %dma_start3A_47 = tpu.memref_slice %arg3[%add3A_39, %dma_start3A_46] : memref<128x2048xf32, #tpu.memory_space<hbm>> -> memref<1x2048xf32, #tpu.memory_space<hbm>>
    %dma_start3A_48 = tpu.memref_squeeze %dma_start3A_47 : memref<1x2048xf32, #tpu.memory_space<hbm>> -> memref<2048xf32, #tpu.memory_space<hbm>>
    tpu.enqueue_dma source(%dma_start3A_48 : memref<2048xf32, #tpu.memory_space<hbm>>) target(%dma_start3A_45 : memref<2048xf32, #tpu.memory_space<vmem>>) target_semaphore(%arg24 : memref<!tpu.dma_semaphore, #tpu.memory_space<semaphore_mem>>)
    %add3A_49 = arith.constant 1 : i32
    %add3A_50 = arith.addi %add3A_37, %add3A_49 : i32
    %dma_start3A_51 = arith.constant 2048 : i32
    %dma_start3A_52 = tpu.memref_slice %arg10[%dma_start3A_51] : memref<8192xf32, #tpu.memory_space<vmem>> -> memref<2048xf32, #tpu.memory_space<vmem>>
    %dma_start3A_53 = arith.constant 0 : i32
    %dma_start3A_54 = tpu.memref_slice %arg3[%add3A_50, %dma_start3A_53] : memref<128x2048xf32, #tpu.memory_space<hbm>> -> memref<1x2048xf32, #tpu.memory_space<hbm>>
    %dma_start3A_55 = tpu.memref_squeeze %dma_start3A_54 : memref<1x2048xf32, #tpu.memory_space<hbm>> -> memref<2048xf32, #tpu.memory_space<hbm>>
    %dma_start3A_56 = arith.constant 2048 : i32
    %dma_start3A_57 = tpu.memref_slice %arg10[%dma_start3A_56] : memref<8192xf32, #tpu.memory_space<vmem>> -> memref<2048xf32, #tpu.memory_space<vmem>>
    %dma_start3A_58 = arith.constant 0 : i32
    %dma_start3A_59 = tpu.memref_slice %arg3[%add3A_50, %dma_start3A_58] : memref<128x2048xf32, #tpu.memory_space<hbm>> -> memref<1x2048xf32, #tpu.memory_space<hbm>>
    %dma_start3A_60 = tpu.memref_squeeze %dma_start3A_59 : memref<1x2048xf32, #tpu.memory_space<hbm>> -> memref<2048xf32, #tpu.memory_space<hbm>>
    tpu.enqueue_dma source(%dma_start3A_60 : memref<2048xf32, #tpu.memory_space<hbm>>) target(%dma_start3A_57 : memref<2048xf32, #tpu.memory_space<vmem>>) target_semaphore(%arg24 : memref<!tpu.dma_semaphore, #tpu.memory_space<semaphore_mem>>)
    %add3A_61 = arith.constant 2 : i32
    %add3A_62 = arith.addi %add3A_37, %add3A_61 : i32
    %dma_start3A_63 = arith.constant 4096 : i32
    %dma_start3A_64 = tpu.memref_slice %arg10[%dma_start3A_63] : memref<8192xf32, #tpu.memory_space<vmem>> -> memref<2048xf32, #tpu.memory_space<vmem>>
    %dma_start3A_65 = arith.constant 0 : i32
    %dma_start3A_66 = tpu.memref_slice %arg3[%add3A_62, %dma_start3A_65] : memref<128x2048xf32, #tpu.memory_space<hbm>> -> memref<1x2048xf32, #tpu.memory_space<hbm>>
    %dma_start3A_67 = tpu.memref_squeeze %dma_start3A_66 : memref<1x2048xf32, #tpu.memory_space<hbm>> -> memref<2048xf32, #tpu.memory_space<hbm>>
    %dma_start3A_68 = arith.constant 4096 : i32
    %dma_start3A_69 = tpu.memref_slice %arg10[%dma_start3A_68] : memref<8192xf32, #tpu.memory_space<vmem>> -> memref<2048xf32, #tpu.memory_space<vmem>>
    %dma_start3A_70 = arith.constant 0 : i32
    %dma_start3A_71 = tpu.memref_slice %arg3[%add3A_62, %dma_start3A_70] : memref<128x2048xf32, #tpu.memory_space<hbm>> -> memref<1x2048xf32, #tpu.memory_space<hbm>>
    %dma_start3A_72 = tpu.memref_squeeze %dma_start3A_71 : memref<1x2048xf32, #tpu.memory_space<hbm>> -> memref<2048xf32, #tpu.memory_space<hbm>>
    tpu.enqueue_dma source(%dma_start3A_72 : memref<2048xf32, #tpu.memory_space<hbm>>) target(%dma_start3A_69 : memref<2048xf32, #tpu.memory_space<vmem>>) target_semaphore(%arg24 : memref<!tpu.dma_semaphore, #tpu.memory_space<semaphore_mem>>)
    %add3A_73 = arith.constant 3 : i32
    %add3A_74 = arith.addi %add3A_37, %add3A_73 : i32
    %dma_start3A_75 = arith.constant 6144 : i32
    %dma_start3A_76 = tpu.memref_slice %arg10[%dma_start3A_75] : memref<8192xf32, #tpu.memory_space<vmem>> -> memref<2048xf32, #tpu.memory_space<vmem>>
    %dma_start3A_77 = arith.constant 0 : i32
    %dma_start3A_78 = tpu.memref_slice %arg3[%add3A_74, %dma_start3A_77] : memref<128x2048xf32, #tpu.memory_space<hbm>> -> memref<1x2048xf32, #tpu.memory_space<hbm>>
    %dma_start3A_79 = tpu.memref_squeeze %dma_start3A_78 : memref<1x2048xf32, #tpu.memory_space<hbm>> -> memref<2048xf32, #tpu.memory_space<hbm>>
    %dma_start3A_80 = arith.constant 6144 : i32
    %dma_start3A_81 = tpu.memref_slice %arg10[%dma_start3A_80] : memref<8192xf32, #tpu.memory_space<vmem>> -> memref<2048xf32, #tpu.memory_space<vmem>>
    %dma_start3A_82 = arith.constant 0 : i32
    %dma_start3A_83 = tpu.memref_slice %arg3[%add3A_74, %dma_start3A_82] : memref<128x2048xf32, #tpu.memory_space<hbm>> -> memref<1x2048xf32, #tpu.memory_space<hbm>>
    %dma_start3A_84 = tpu.memref_squeeze %dma_start3A_83 : memref<1x2048xf32, #tpu.memory_space<hbm>> -> memref<2048xf32, #tpu.memory_space<hbm>>
    tpu.enqueue_dma source(%dma_start3A_84 : memref<2048xf32, #tpu.memory_space<hbm>>) target(%dma_start3A_81 : memref<2048xf32, #tpu.memory_space<vmem>>) target_semaphore(%arg24 : memref<!tpu.dma_semaphore, #tpu.memory_space<semaphore_mem>>)
    %add3A_85 = arith.constant 0 : i32
    %add3A_86 = arith.addi %add3A_37, %add3A_85 : i32
    %dma_wait3A = arith.constant 0 : i32
    %dma_wait3A_87 = tpu.memref_slice %arg10[%dma_wait3A] : memref<8192xf32, #tpu.memory_space<vmem>> -> memref<2048xf32, #tpu.memory_space<vmem>>
    %dma_wait3A_88 = arith.constant 0 : i32
    %dma_wait3A_89 = tpu.memref_slice %arg3[%add3A_86, %dma_wait3A_88] : memref<128x2048xf32, #tpu.memory_space<hbm>> -> memref<1x2048xf32, #tpu.memory_space<hbm>>
    %dma_wait3A_90 = tpu.memref_squeeze %dma_wait3A_89 : memref<1x2048xf32, #tpu.memory_space<hbm>> -> memref<2048xf32, #tpu.memory_space<hbm>>
    %dma_wait3A_91 = arith.constant 0 : i32
    %dma_wait3A_92 = tpu.memref_slice %arg10[%dma_wait3A_91] : memref<8192xf32, #tpu.memory_space<vmem>> -> memref<2048xf32, #tpu.memory_space<vmem>>
    %dma_wait3A_93 = arith.constant 0 : i32
    %dma_wait3A_94 = tpu.memref_slice %arg3[%add3A_86, %dma_wait3A_93] : memref<128x2048xf32, #tpu.memory_space<hbm>> -> memref<1x2048xf32, #tpu.memory_space<hbm>>
    %dma_wait3A_95 = tpu.memref_squeeze %dma_wait3A_94 : memref<1x2048xf32, #tpu.memory_space<hbm>> -> memref<2048xf32, #tpu.memory_space<hbm>>
    tpu.wait_dma2 semaphore(%arg24 : memref<!tpu.dma_semaphore, #tpu.memory_space<semaphore_mem>>) src(%dma_wait3A_95 : memref<2048xf32, #tpu.memory_space<hbm>>) dst(%dma_wait3A_92 : memref<2048xf32, #tpu.memory_space<vmem>>)
    %add3A_96 = arith.constant 1 : i32
    %add3A_97 = arith.addi %add3A_37, %add3A_96 : i32
    %dma_wait3A_98 = arith.constant 2048 : i32
    %dma_wait3A_99 = tpu.memref_slice %arg10[%dma_wait3A_98] : memref<8192xf32, #tpu.memory_space<vmem>> -> memref<2048xf32, #tpu.memory_space<vmem>>
    %dma_wait3A_100 = arith.constant 0 : i32
    %dma_wait3A_101 = tpu.memref_slice %arg3[%add3A_97, %dma_wait3A_100] : memref<128x2048xf32, #tpu.memory_space<hbm>> -> memref<1x2048xf32, #tpu.memory_space<hbm>>
    %dma_wait3A_102 = tpu.memref_squeeze %dma_wait3A_101 : memref<1x2048xf32, #tpu.memory_space<hbm>> -> memref<2048xf32, #tpu.memory_space<hbm>>
    %dma_wait3A_103 = arith.constant 2048 : i32
    %dma_wait3A_104 = tpu.memref_slice %arg10[%dma_wait3A_103] : memref<8192xf32, #tpu.memory_space<vmem>> -> memref<2048xf32, #tpu.memory_space<vmem>>
    %dma_wait3A_105 = arith.constant 0 : i32
    %dma_wait3A_106 = tpu.memref_slice %arg3[%add3A_97, %dma_wait3A_105] : memref<128x2048xf32, #tpu.memory_space<hbm>> -> memref<1x2048xf32, #tpu.memory_space<hbm>>
    %dma_wait3A_107 = tpu.memref_squeeze %dma_wait3A_106 : memref<1x2048xf32, #tpu.memory_space<hbm>> -> memref<2048xf32, #tpu.memory_space<hbm>>
    tpu.wait_dma2 semaphore(%arg24 : memref<!tpu.dma_semaphore, #tpu.memory_space<semaphore_mem>>) src(%dma_wait3A_107 : memref<2048xf32, #tpu.memory_space<hbm>>) dst(%dma_wait3A_104 : memref<2048xf32, #tpu.memory_space<vmem>>)
    %add3A_108 = arith.constant 2 : i32
    %add3A_109 = arith.addi %add3A_37, %add3A_108 : i32
    %dma_wait3A_110 = arith.constant 4096 : i32
    %dma_wait3A_111 = tpu.memref_slice %arg10[%dma_wait3A_110] : memref<8192xf32, #tpu.memory_space<vmem>> -> memref<2048xf32, #tpu.memory_space<vmem>>
    %dma_wait3A_112 = arith.constant 0 : i32
    %dma_wait3A_113 = tpu.memref_slice %arg3[%add3A_109, %dma_wait3A_112] : memref<128x2048xf32, #tpu.memory_space<hbm>> -> memref<1x2048xf32, #tpu.memory_space<hbm>>
    %dma_wait3A_114 = tpu.memref_squeeze %dma_wait3A_113 : memref<1x2048xf32, #tpu.memory_space<hbm>> -> memref<2048xf32, #tpu.memory_space<hbm>>
    %dma_wait3A_115 = arith.constant 4096 : i32
    %dma_wait3A_116 = tpu.memref_slice %arg10[%dma_wait3A_115] : memref<8192xf32, #tpu.memory_space<vmem>> -> memref<2048xf32, #tpu.memory_space<vmem>>
    %dma_wait3A_117 = arith.constant 0 : i32
    %dma_wait3A_118 = tpu.memref_slice %arg3[%add3A_109, %dma_wait3A_117] : memref<128x2048xf32, #tpu.memory_space<hbm>> -> memref<1x2048xf32, #tpu.memory_space<hbm>>
    %dma_wait3A_119 = tpu.memref_squeeze %dma_wait3A_118 : memref<1x2048xf32, #tpu.memory_space<hbm>> -> memref<2048xf32, #tpu.memory_space<hbm>>
    tpu.wait_dma2 semaphore(%arg24 : memref<!tpu.dma_semaphore, #tpu.memory_space<semaphore_mem>>) src(%dma_wait3A_119 : memref<2048xf32, #tpu.memory_space<hbm>>) dst(%dma_wait3A_116 : memref<2048xf32, #tpu.memory_space<vmem>>)
    %add3A_120 = arith.constant 3 : i32
    %add3A_121 = arith.addi %add3A_37, %add3A_120 : i32
    %dma_wait3A_122 = arith.constant 6144 : i32
    %dma_wait3A_123 = tpu.memref_slice %arg10[%dma_wait3A_122] : memref<8192xf32, #tpu.memory_space<vmem>> -> memref<2048xf32, #tpu.memory_space<vmem>>
    %dma_wait3A_124 = arith.constant 0 : i32
    %dma_wait3A_125 = tpu.memref_slice %arg3[%add3A_121, %dma_wait3A_124] : memref<128x2048xf32, #tpu.memory_space<hbm>> -> memref<1x2048xf32, #tpu.memory_space<hbm>>
    %dma_wait3A_126 = tpu.memref_squeeze %dma_wait3A_125 : memref<1x2048xf32, #tpu.memory_space<hbm>> -> memref<2048xf32, #tpu.memory_space<hbm>>
    %dma_wait3A_127 = arith.constant 6144 : i32
    %dma_wait3A_128 = tpu.memref_slice %arg10[%dma_wait3A_127] : memref<8192xf32, #tpu.memory_space<vmem>> -> memref<2048xf32, #tpu.memory_space<vmem>>
    %dma_wait3A_129 = arith.constant 0 : i32
    %dma_wait3A_130 = tpu.memref_slice %arg3[%add3A_121, %dma_wait3A_129] : memref<128x2048xf32, #tpu.memory_space<hbm>> -> memref<1x2048xf32, #tpu.memory_space<hbm>>
    %dma_wait3A_131 = tpu.memref_squeeze %dma_wait3A_130 : memref<1x2048xf32, #tpu.memory_space<hbm>> -> memref<2048xf32, #tpu.memory_space<hbm>>
    tpu.wait_dma2 semaphore(%arg24 : memref<!tpu.dma_semaphore, #tpu.memory_space<semaphore_mem>>) src(%dma_wait3A_131 : memref<2048xf32, #tpu.memory_space<hbm>>) dst(%dma_wait3A_128 : memref<2048xf32, #tpu.memory_space<vmem>>)
    %scan3A = arith.constant 0 : i32
    %scan3A_132 = arith.constant 4 : i32
    %scan3A_133 = arith.addi %scan3A, %scan3A_132 : i32
    %scan3A_134 = arith.constant 1 : i32
    %scan3A_135 = scf.for %scan3A_1697 = %scan3A to %scan3A_133 step %scan3A_134 iter_args(%scan3A_1698 = %broadcast_in_dim3A_4) -> (vector<16xi32>)  : i32 {
      %mul3A_1699 = arith.constant 2048 : i32
      %mul3A_1700 = arith.muli %scan3A_1697, %mul3A_1699 : i32
      %scan3A_1701 = arith.constant 0 : i32
      %scan3A_1702 = arith.constant 16 : i32
      %scan3A_1703 = arith.addi %scan3A_1701, %scan3A_1702 : i32
      %scan3A_1704 = arith.constant 1 : i32
      %scan3A_1705:2 = scf.for %scan3A_1790 = %scan3A_1701 to %scan3A_1703 step %scan3A_1704 iter_args(%scan3A_1791 = %broadcast_in_dim3A_0, %scan3A_1792 = %broadcast_in_dim3A_4) -> (vector<16xf32>, vector<16xi32>)  : i32 {
        %mul3A_1793 = arith.constant 8 : i32
        %mul3A_1794 = arith.muli %scan3A_1790, %mul3A_1793 : i32
        %add3A_1795 = arith.constant 0 : i32
        %add3A_1796 = arith.addi %mul3A_1794, %add3A_1795 : i32
        %mul3A_1797 = arith.constant 16 : i32
        %mul3A_1798 = arith.muli %add3A_1796, %mul3A_1797 : i32
        %add3A_1799 = arith.addi %mul3A_1700, %mul3A_1798 : i32
        %get3A_1800 = arith.index_cast %add3A_1799 : i32 to index
        %get3A_1801 = tpu.vector_load %arg10[%get3A_1800] {strides = array<i32>} : memref<8192xf32, #tpu.memory_space<vmem>>, vector<16xf32>,
        %gt3A_1802 = arith.cmpf ogt, %get3A_1801, %scan3A_1791 : vector<16xf32>
        %select_n3A_1803 = arith.select %gt3A_1802, %get3A_1801, %scan3A_1791 : vector<16xi1>, vector<16xf32>
        %mul3A_1804 = arith.constant 8 : i32
        %mul3A_1805 = arith.muli %scan3A_1790, %mul3A_1804 : i32
        %add3A_1806 = arith.constant 0 : i32
        %add3A_1807 = arith.addi %mul3A_1805, %add3A_1806 : i32
        %broadcast_in_dim3A_1808 = vector.broadcast %add3A_1807 : i32 to vector<16xi32>
        %select_n3A_1809 = arith.select %gt3A_1802, %broadcast_in_dim3A_1808, %scan3A_1792 : vector<16xi1>, vector<16xi32>
        %mul3A_1810 = arith.constant 8 : i32
        %mul3A_1811 = arith.muli %scan3A_1790, %mul3A_1810 : i32
        %add3A_1812 = arith.constant 1 : i32
        %add3A_1813 = arith.addi %mul3A_1811, %add3A_1812 : i32
        %mul3A_1814 = arith.constant 16 : i32
        %mul3A_1815 = arith.muli %add3A_1813, %mul3A_1814 : i32
        %add3A_1816 = arith.addi %mul3A_1700, %mul3A_1815 : i32
        %get3A_1817 = arith.index_cast %add3A_1816 : i32 to index
        %get3A_1818 = tpu.vector_load %arg10[%get3A_1817] {strides = array<i32>} : memref<8192xf32, #tpu.memory_space<vmem>>, vector<16xf32>,
        %gt3A_1819 = arith.cmpf ogt, %get3A_1818, %select_n3A_1803 : vector<16xf32>
        %select_n3A_1820 = arith.select %gt3A_1819, %get3A_1818, %select_n3A_1803 : vector<16xi1>, vector<16xf32>
        %mul3A_1821 = arith.constant 8 : i32
        %mul3A_1822 = arith.muli %scan3A_1790, %mul3A_1821 : i32
        %add3A_1823 = arith.constant 1 : i32
        %add3A_1824 = arith.addi %mul3A_1822, %add3A_1823 : i32
        %broadcast_in_dim3A_1825 = vector.broadcast %add3A_1824 : i32 to vector<16xi32>
        %select_n3A_1826 = arith.select %gt3A_1819, %broadcast_in_dim3A_1825, %select_n3A_1809 : vector<16xi1>, vector<16xi32>
        %mul3A_1827 = arith.constant 8 : i32
        %mul3A_1828 = arith.muli %scan3A_1790, %mul3A_1827 : i32
        %add3A_1829 = arith.constant 2 : i32
        %add3A_1830 = arith.addi %mul3A_1828, %add3A_1829 : i32
        %mul3A_1831 = arith.constant 16 : i32
        %mul3A_1832 = arith.muli %add3A_1830, %mul3A_1831 : i32
        %add3A_1833 = arith.addi %mul3A_1700, %mul3A_1832 : i32
        %get3A_1834 = arith.index_cast %add3A_1833 : i32 to index
        %get3A_1835 = tpu.vector_load %arg10[%get3A_1834] {strides = array<i32>} : memref<8192xf32, #tpu.memory_space<vmem>>, vector<16xf32>,
        %gt3A_1836 = arith.cmpf ogt, %get3A_1835, %select_n3A_1820 : vector<16xf32>
        %select_n3A_1837 = arith.select %gt3A_1836, %get3A_1835, %select_n3A_1820 : vector<16xi1>, vector<16xf32>
        %mul3A_1838 = arith.constant 8 : i32
        %mul3A_1839 = arith.muli %scan3A_1790, %mul3A_1838 : i32
        %add3A_1840 = arith.constant 2 : i32
        %add3A_1841 = arith.addi %mul3A_1839, %add3A_1840 : i32
        %broadcast_in_dim3A_1842 = vector.broadcast %add3A_1841 : i32 to vector<16xi32>
        %select_n3A_1843 = arith.select %gt3A_1836, %broadcast_in_dim3A_1842, %select_n3A_1826 : vector<16xi1>, vector<16xi32>
        %mul3A_1844 = arith.constant 8 : i32
        %mul3A_1845 = arith.muli %scan3A_1790, %mul3A_1844 : i32
        %add3A_1846 = arith.constant 3 : i32
        %add3A_1847 = arith.addi %mul3A_1845, %add3A_1846 : i32
        %mul3A_1848 = arith.constant 16 : i32
        %mul3A_1849 = arith.muli %add3A_1847, %mul3A_1848 : i32
        %add3A_1850 = arith.addi %mul3A_1700, %mul3A_1849 : i32
        %get3A_1851 = arith.index_cast %add3A_1850 : i32 to index
        %get3A_1852 = tpu.vector_load %arg10[%get3A_1851] {strides = array<i32>} : memref<8192xf32, #tpu.memory_space<vmem>>, vector<16xf32>,
        %gt3A_1853 = arith.cmpf ogt, %get3A_1852, %select_n3A_1837 : vector<16xf32>
        %select_n3A_1854 = arith.select %gt3A_1853, %get3A_1852, %select_n3A_1837 : vector<16xi1>, vector<16xf32>
        %mul3A_1855 = arith.constant 8 : i32
        %mul3A_1856 = arith.muli %scan3A_1790, %mul3A_1855 : i32
        %add3A_1857 = arith.constant 3 : i32
        %add3A_1858 = arith.addi %mul3A_1856, %add3A_1857 : i32
        %broadcast_in_dim3A_1859 = vector.broadcast %add3A_1858 : i32 to vector<16xi32>
        %select_n3A_1860 = arith.select %gt3A_1853, %broadcast_in_dim3A_1859, %select_n3A_1843 : vector<16xi1>, vector<16xi32>
        %mul3A_1861 = arith.constant 8 : i32
        %mul3A_1862 = arith.muli %scan3A_1790, %mul3A_1861 : i32
        %add3A_1863 = arith.constant 4 : i32
        %add3A_1864 = arith.addi %mul3A_1862, %add3A_1863 : i32
        %mul3A_1865 = arith.constant 16 : i32
        %mul3A_1866 = arith.muli %add3A_1864, %mul3A_1865 : i32
        %add3A_1867 = arith.addi %mul3A_1700, %mul3A_1866 : i32
        %get3A_1868 = arith.index_cast %add3A_1867 : i32 to index
        %get3A_1869 = tpu.vector_load %arg10[%get3A_1868] {strides = array<i32>} : memref<8192xf32, #tpu.memory_space<vmem>>, vector<16xf32>,
        %gt3A_1870 = arith.cmpf ogt, %get3A_1869, %select_n3A_1854 : vector<16xf32>
        %select_n3A_1871 = arith.select %gt3A_1870, %get3A_1869, %select_n3A_1854 : vector<16xi1>, vector<16xf32>
        %mul3A_1872 = arith.constant 8 : i32
        %mul3A_1873 = arith.muli %scan3A_1790, %mul3A_1872 : i32
        %add3A_1874 = arith.constant 4 : i32
        %add3A_1875 = arith.addi %mul3A_1873, %add3A_1874 : i32
        %broadcast_in_dim3A_1876 = vector.broadcast %add3A_1875 : i32 to vector<16xi32>
        %select_n3A_1877 = arith.select %gt3A_1870, %broadcast_in_dim3A_1876, %select_n3A_1860 : vector<16xi1>, vector<16xi32>
        %mul3A_1878 = arith.constant 8 : i32
        %mul3A_1879 = arith.muli %scan3A_1790, %mul3A_1878 : i32
        %add3A_1880 = arith.constant 5 : i32
        %add3A_1881 = arith.addi %mul3A_1879, %add3A_1880 : i32
        %mul3A_1882 = arith.constant 16 : i32
        %mul3A_1883 = arith.muli %add3A_1881, %mul3A_1882 : i32
        %add3A_1884 = arith.addi %mul3A_1700, %mul3A_1883 : i32
        %get3A_1885 = arith.index_cast %add3A_1884 : i32 to index
        %get3A_1886 = tpu.vector_load %arg10[%get3A_1885] {strides = array<i32>} : memref<8192xf32, #tpu.memory_space<vmem>>, vector<16xf32>,
        %gt3A_1887 = arith.cmpf ogt, %get3A_1886, %select_n3A_1871 : vector<16xf32>
        %select_n3A_1888 = arith.select %gt3A_1887, %get3A_1886, %select_n3A_1871 : vector<16xi1>, vector<16xf32>
        %mul3A_1889 = arith.constant 8 : i32
        %mul3A_1890 = arith.muli %scan3A_1790, %mul3A_1889 : i32
        %add3A_1891 = arith.constant 5 : i32
        %add3A_1892 = arith.addi %mul3A_1890, %add3A_1891 : i32
        %broadcast_in_dim3A_1893 = vector.broadcast %add3A_1892 : i32 to vector<16xi32>
        %select_n3A_1894 = arith.select %gt3A_1887, %broadcast_in_dim3A_1893, %select_n3A_1877 : vector<16xi1>, vector<16xi32>
        %mul3A_1895 = arith.constant 8 : i32
        %mul3A_1896 = arith.muli %scan3A_1790, %mul3A_1895 : i32
        %add3A_1897 = arith.constant 6 : i32
        %add3A_1898 = arith.addi %mul3A_1896, %add3A_1897 : i32
        %mul3A_1899 = arith.constant 16 : i32
        %mul3A_1900 = arith.muli %add3A_1898, %mul3A_1899 : i32
        %add3A_1901 = arith.addi %mul3A_1700, %mul3A_1900 : i32
        %get3A_1902 = arith.index_cast %add3A_1901 : i32 to index
        %get3A_1903 = tpu.vector_load %arg10[%get3A_1902] {strides = array<i32>} : memref<8192xf32, #tpu.memory_space<vmem>>, vector<16xf32>,
        %gt3A_1904 = arith.cmpf ogt, %get3A_1903, %select_n3A_1888 : vector<16xf32>
        %select_n3A_1905 = arith.select %gt3A_1904, %get3A_1903, %select_n3A_1888 : vector<16xi1>, vector<16xf32>
        %mul3A_1906 = arith.constant 8 : i32
        %mul3A_1907 = arith.muli %scan3A_1790, %mul3A_1906 : i32
        %add3A_1908 = arith.constant 6 : i32
        %add3A_1909 = arith.addi %mul3A_1907, %add3A_1908 : i32
        %broadcast_in_dim3A_1910 = vector.broadcast %add3A_1909 : i32 to vector<16xi32>
        %select_n3A_1911 = arith.select %gt3A_1904, %broadcast_in_dim3A_1910, %select_n3A_1894 : vector<16xi1>, vector<16xi32>
        %mul3A_1912 = arith.constant 8 : i32
        %mul3A_1913 = arith.muli %scan3A_1790, %mul3A_1912 : i32
        %add3A_1914 = arith.constant 7 : i32
        %add3A_1915 = arith.addi %mul3A_1913, %add3A_1914 : i32
        %mul3A_1916 = arith.constant 16 : i32
        %mul3A_1917 = arith.muli %add3A_1915, %mul3A_1916 : i32
        %add3A_1918 = arith.addi %mul3A_1700, %mul3A_1917 : i32
        %get3A_1919 = arith.index_cast %add3A_1918 : i32 to index
        %get3A_1920 = tpu.vector_load %arg10[%get3A_1919] {strides = array<i32>} : memref<8192xf32, #tpu.memory_space<vmem>>, vector<16xf32>,
        %gt3A_1921 = arith.cmpf ogt, %get3A_1920, %select_n3A_1905 : vector<16xf32>
        %select_n3A_1922 = arith.select %gt3A_1921, %get3A_1920, %select_n3A_1905 : vector<16xi1>, vector<16xf32>
        %mul3A_1923 = arith.constant 8 : i32
        %mul3A_1924 = arith.muli %scan3A_1790, %mul3A_1923 : i32
        %add3A_1925 = arith.constant 7 : i32
        %add3A_1926 = arith.addi %mul3A_1924, %add3A_1925 : i32
        %broadcast_in_dim3A_1927 = vector.broadcast %add3A_1926 : i32 to vector<16xi32>
        %select_n3A_1928 = arith.select %gt3A_1921, %broadcast_in_dim3A_1927, %select_n3A_1911 : vector<16xi1>, vector<16xi32>
        scf.yield %select_n3A_1922, %select_n3A_1928 : vector<16xf32>, vector<16xi32>
      }
      %scan3A_1706 = arith.constant 16 : i32
      %reduce_max3A_1707 = arith.constant true
      %reduce_max3A_1708 = vector.broadcast %reduce_max3A_1707 : i1 to vector<16xi1>
      %reduce_max3A_1709 = tpu.scan <max>, %scan3A_1705#0 masked %reduce_max3A_1708 : vector<16xf32>, vector<16xi1> -> vector<16xf32>
      %reduce_max3A_1710 = vector.extract %reduce_max3A_1709[15] : f32 from vector<16xf32>
      %eq3A_1711 = vector.broadcast %reduce_max3A_1710 : f32 to vector<16xf32>
      %eq3A_1712 = arith.cmpf oeq, %scan3A_1705#0, %eq3A_1711 : vector<16xf32>
      %mul3A_1713 = arith.constant 16 : i32
      %mul3A_1714 = vector.broadcast %mul3A_1713 : i32 to vector<16xi32>
      %mul3A_1715 = arith.muli %scan3A_1705#1, %mul3A_1714 : vector<16xi32>
      %add3A_1716 = arith.addi %mul3A_1715, %iota3A : vector<16xi32>
      %jit3A_1717 = arith.constant 2147483647 : i32
      %broadcast_in_dim3A_1718 = vector.broadcast %jit3A_1717 : i32 to vector<16xi32>
      %select_n3A_1719 = arith.select %eq3A_1712, %add3A_1716, %broadcast_in_dim3A_1718 : vector<16xi1>, vector<16xi32>
      %reduce_min3A_1720 = arith.constant true
      %reduce_min3A_1721 = vector.broadcast %reduce_min3A_1720 : i1 to vector<16xi1>
      %reduce_min3A_1722 = arith.constant -2147483648 : i32
      %reduce_min3A_1723 = vector.broadcast %reduce_min3A_1722 : i32 to vector<16xi32>
      %reduce_min3A_1724 = arith.xori %select_n3A_1719, %reduce_min3A_1723 : vector<16xi32>
      %reduce_min3A_1725 = tpu.scan <min>, %reduce_min3A_1724 masked %reduce_min3A_1721 : vector<16xi32>, vector<16xi1> -> vector<16xi32>
      %reduce_min3A_1726 = arith.xori %reduce_min3A_1725, %reduce_min3A_1723 : vector<16xi32>
      %reduce_min3A_1727 = vector.extract %reduce_min3A_1726[15] : i32 from vector<16xi32>
      %add3A_1728 = arith.addi %add3A_37, %scan3A_1697 : i32
      %jit3A_1729 = arith.constant 16 : i32
      %div3A_1730 = arith.divsi %add3A_1728, %jit3A_1729 : i32
      %sign3A_1731 = arith.constant 0 : i32
      %sign3A_1732 = arith.cmpi sgt, %add3A_1728, %sign3A_1731 : i32
      %sign3A_1733 = arith.extui %sign3A_1732 : i1 to i32
      %sign3A_1734 = arith.constant 0 : i32
      %sign3A_1735 = arith.cmpi slt, %add3A_1728, %sign3A_1734 : i32
      %sign3A_1736 = arith.extui %sign3A_1735 : i1 to i32
      %sign3A_1737 = arith.subi %sign3A_1733, %sign3A_1736 : i32
      %sign3A_1738 = arith.constant 0 : i32
      %sign3A_1739 = arith.cmpi sgt, %jit3A_1729, %sign3A_1738 : i32
      %sign3A_1740 = arith.extui %sign3A_1739 : i1 to i32
      %sign3A_1741 = arith.constant 0 : i32
      %sign3A_1742 = arith.cmpi slt, %jit3A_1729, %sign3A_1741 : i32
      %sign3A_1743 = arith.extui %sign3A_1742 : i1 to i32
      %sign3A_1744 = arith.subi %sign3A_1740, %sign3A_1743 : i32
      %ne3A_1745 = arith.cmpi ne, %sign3A_1737, %sign3A_1744 : i32
      %rem3A_1746 = arith.remsi %add3A_1728, %jit3A_1729 : i32
      %ne3A_1747 = arith.constant 0 : i32
      %ne3A_1748 = arith.cmpi ne, %rem3A_1746, %ne3A_1747 : i32
      %and3A_1749 = arith.andi %ne3A_1745, %ne3A_1748 : i1
      %sub3A_1750 = arith.constant 1 : i32
      %sub3A_1751 = arith.subi %div3A_1730, %sub3A_1750 : i32
      %select_n3A_1752 = arith.select %and3A_1749, %sub3A_1751, %div3A_1730 : i32
      %mul3A_1753 = arith.constant 16 : i32
      %mul3A_1754 = arith.muli %select_n3A_1752, %mul3A_1753 : i32
      %get3A = arith.index_cast %mul3A_1754 : i32 to index
      %get3A_1755 = tpu.vector_load %arg11[%get3A] {strides = array<i32>} : memref<128xf32, #tpu.memory_space<vmem>>, vector<16xf32>,
      %jit3A_1756 = arith.constant 16 : i32
      %eq3A_1757 = arith.constant 0 : i32
      %eq3A_1758 = arith.cmpi eq, %jit3A_1756, %eq3A_1757 : i32
      %jit3A_1759 = arith.constant 1 : i32
      %select_n3A_1760 = arith.select %eq3A_1758, %jit3A_1759, %jit3A_1756 : i32
      %rem3A_1761 = arith.remsi %add3A_1728, %select_n3A_1760 : i32
      %ne3A_1762 = arith.constant 0 : i32
      %ne3A_1763 = arith.cmpi ne, %rem3A_1761, %ne3A_1762 : i32
      %lt3A_1764 = arith.constant 0 : i32
      %lt3A_1765 = arith.cmpi slt, %rem3A_1761, %lt3A_1764 : i32
      %lt3A_1766 = arith.constant 0 : i32
      %lt3A_1767 = arith.cmpi slt, %select_n3A_1760, %lt3A_1766 : i32
      %ne3A_1768 = arith.xori %lt3A_1765, %lt3A_1767 : i1
      %and3A_1769 = arith.andi %ne3A_1768, %ne3A_1763 : i1
      %add3A_1770 = arith.addi %rem3A_1761, %select_n3A_1760 : i32
      %select_n3A_1771 = arith.select %and3A_1769, %add3A_1770, %rem3A_1761 : i32
      %eq3A_1772 = vector.broadcast %select_n3A_1771 : i32 to vector<16xi32>
      %eq3A_1773 = arith.cmpi eq, %iota3A, %eq3A_1772 : vector<16xi32>
      %jit3A_1774 = arith.constant -3.400000e+38 : f32
      %broadcast_in_dim3A_1775 = vector.broadcast %jit3A_1774 : f32 to vector<16xf32>
      %select_n3A_1776 = arith.select %eq3A_1773, %get3A_1755, %broadcast_in_dim3A_1775 : vector<16xi1>, vector<16xf32>
      %reduce_max3A_1777 = arith.constant true
      %reduce_max3A_1778 = vector.broadcast %reduce_max3A_1777 : i1 to vector<16xi1>
      %reduce_max3A_1779 = tpu.scan <max>, %select_n3A_1776 masked %reduce_max3A_1778 : vector<16xf32>, vector<16xi1> -> vector<16xf32>
      %reduce_max3A_1780 = vector.extract %reduce_max3A_1779[15] : f32 from vector<16xf32>
      %convert_element_type3A_1781 = arith.sitofp %reduce_min3A_1727 : i32 to f32
      %add3A_1782 = arith.constant 6.000000e+01 : f32
      %add3A_1783 = arith.addf %reduce_max3A_1780, %add3A_1782 : f32
      %lt3A_1784 = arith.cmpf olt, %convert_element_type3A_1781, %add3A_1783 : f32
      %eq3A_1785 = vector.broadcast %scan3A_1697 : i32 to vector<16xi32>
      %eq3A_1786 = arith.cmpi eq, %iota3A, %eq3A_1785 : vector<16xi32>
      %convert_element_type3A_1787 = arith.extui %lt3A_1784 : i1 to i32
      %broadcast_in_dim3A_1788 = vector.broadcast %convert_element_type3A_1787 : i32 to vector<16xi32>
      %select_n3A_1789 = arith.select %eq3A_1786, %broadcast_in_dim3A_1788, %scan3A_1698 : vector<16xi1>, vector<16xi32>
      scf.yield %select_n3A_1789 : vector<16xi32>
    }
    %scan3A_136 = arith.constant 4 : i32
    %swap3A = arith.constant 0 : index
    %swap3A_137 = tpu.vector_load %arg15[%swap3A] {strides = array<i32>} : memref<16xi32, #tpu.memory_space<vmem>>, vector<16xi32>,
    tpu.vector_store %arg15[%swap3A], %scan3A_135 {strides = array<i32>} : memref<16xi32, #tpu.memory_space<vmem>>, vector<16xi32>,
    %mul3A_138 = arith.constant 16 : i32
    %mul3A_139 = arith.muli %arg1, %mul3A_138 : i32
    "tpu.region"() ({
      %run_scoped3A = tpu.sem_alloc : memref<!tpu.dma_semaphore, #tpu.memory_space<semaphore_mem>>
      %dma_start3A_1697 = tpu.memref_slice %arg23[%mul3A_139] : memref<256xi32, #tpu.memory_space<vmem_shared>> -> memref<16xi32, #tpu.memory_space<vmem_shared>>
      %dma_start3A_1698 = tpu.memref_slice %arg23[%mul3A_139] : memref<256xi32, #tpu.memory_space<vmem_shared>> -> memref<16xi32, #tpu.memory_space<vmem_shared>>
      tpu.enqueue_dma source(%arg15 : memref<16xi32, #tpu.memory_space<vmem>>) target(%dma_start3A_1698 : memref<16xi32, #tpu.memory_space<vmem_shared>>) target_semaphore(%run_scoped3A : memref<!tpu.dma_semaphore, #tpu.memory_space<semaphore_mem>>)
      %dma_wait3A_1699 = tpu.memref_slice %arg23[%mul3A_139] : memref<256xi32, #tpu.memory_space<vmem_shared>> -> memref<16xi32, #tpu.memory_space<vmem_shared>>
      %dma_wait3A_1700 = tpu.memref_slice %arg23[%mul3A_139] : memref<256xi32, #tpu.memory_space<vmem_shared>> -> memref<16xi32, #tpu.memory_space<vmem_shared>>
      tpu.wait_dma2 semaphore(%run_scoped3A : memref<!tpu.dma_semaphore, #tpu.memory_space<semaphore_mem>>) src(%arg15 : memref<16xi32, #tpu.memory_space<vmem>>) dst(%dma_wait3A_1700 : memref<16xi32, #tpu.memory_space<vmem_shared>>)
      tpu.yield
    }) : () -> ()
    %barrier3A = arith.constant 0 : index
    tpu.barrier barrier_id(%barrier3A)
    "tpu.region"() ({
      %run_scoped3A = tpu.sem_alloc : memref<!tpu.dma_semaphore, #tpu.memory_space<semaphore_mem>>
      tpu.enqueue_dma source(%arg23 : memref<256xi32, #tpu.memory_space<vmem_shared>>) target(%arg13 : memref<256xi32, #tpu.memory_space<vmem>>) target_semaphore(%run_scoped3A : memref<!tpu.dma_semaphore, #tpu.memory_space<semaphore_mem>>)
      tpu.wait_dma2 semaphore(%run_scoped3A : memref<!tpu.dma_semaphore, #tpu.memory_space<semaphore_mem>>) src(%arg23 : memref<256xi32, #tpu.memory_space<vmem_shared>>) dst(%arg13 : memref<256xi32, #tpu.memory_space<vmem>>)
      tpu.yield
    }) : () -> ()
    %jit3A_140 = arith.constant 4 : i32
    %div3A_141 = vector.broadcast %jit3A_140 : i32 to vector<16xi32>
    %div3A_142 = arith.divsi %iota3A, %div3A_141 : vector<16xi32>
    %sign3A_143 = arith.constant 0 : i32
    %sign3A_144 = vector.broadcast %sign3A_143 : i32 to vector<16xi32>
    %sign3A_145 = arith.cmpi sgt, %iota3A, %sign3A_144 : vector<16xi32>
    %sign3A_146 = arith.extui %sign3A_145 : vector<16xi1> to vector<16xi32>
    %sign3A_147 = arith.constant 0 : i32
    %sign3A_148 = vector.broadcast %sign3A_147 : i32 to vector<16xi32>
    %sign3A_149 = arith.cmpi slt, %iota3A, %sign3A_148 : vector<16xi32>
    %sign3A_150 = arith.extui %sign3A_149 : vector<16xi1> to vector<16xi32>
    %sign3A_151 = arith.subi %sign3A_146, %sign3A_150 : vector<16xi32>
    %sign3A_152 = arith.constant 0 : i32
    %sign3A_153 = arith.cmpi sgt, %jit3A_140, %sign3A_152 : i32
    %sign3A_154 = arith.extui %sign3A_153 : i1 to i32
    %sign3A_155 = arith.constant 0 : i32
    %sign3A_156 = arith.cmpi slt, %jit3A_140, %sign3A_155 : i32
    %sign3A_157 = arith.extui %sign3A_156 : i1 to i32
    %sign3A_158 = arith.subi %sign3A_154, %sign3A_157 : i32
    %ne3A_159 = vector.broadcast %sign3A_158 : i32 to vector<16xi32>
    %ne3A_160 = arith.cmpi ne, %sign3A_151, %ne3A_159 : vector<16xi32>
    %rem3A_161 = vector.broadcast %jit3A_140 : i32 to vector<16xi32>
    %rem3A_162 = arith.remsi %iota3A, %rem3A_161 : vector<16xi32>
    %ne3A_163 = arith.constant 0 : i32
    %ne3A_164 = vector.broadcast %ne3A_163 : i32 to vector<16xi32>
    %ne3A_165 = arith.cmpi ne, %rem3A_162, %ne3A_164 : vector<16xi32>
    %and3A_166 = arith.andi %ne3A_160, %ne3A_165 : vector<16xi1>
    %sub3A_167 = arith.constant 1 : i32
    %sub3A_168 = vector.broadcast %sub3A_167 : i32 to vector<16xi32>
    %sub3A_169 = arith.subi %div3A_142, %sub3A_168 : vector<16xi32>
    %select_n3A_170 = arith.select %and3A_166, %sub3A_169, %div3A_142 : vector<16xi1>, vector<16xi32>
    %add3A_171 = arith.constant 0 : i32
    %add3A_172 = vector.broadcast %add3A_171 : i32 to vector<16xi32>
    %add3A_173 = arith.addi %add3A_172, %select_n3A_170 : vector<16xi32>
    %mul3A_174 = arith.constant 16 : i32
    %mul3A_175 = vector.broadcast %mul3A_174 : i32 to vector<16xi32>
    %mul3A_176 = arith.muli %add3A_173, %mul3A_175 : vector<16xi32>
    %jit3A_177 = arith.constant 4 : i32
    %eq3A_178 = arith.constant 0 : i32
    %eq3A_179 = arith.cmpi eq, %jit3A_177, %eq3A_178 : i32
    %jit3A_180 = arith.constant 1 : i32
    %select_n3A_181 = arith.select %eq3A_179, %jit3A_180, %jit3A_177 : i32
    %rem3A_182 = vector.broadcast %select_n3A_181 : i32 to vector<16xi32>
    %rem3A_183 = arith.remsi %iota3A, %rem3A_182 : vector<16xi32>
    %ne3A_184 = arith.constant 0 : i32
    %ne3A_185 = vector.broadcast %ne3A_184 : i32 to vector<16xi32>
    %ne3A_186 = arith.cmpi ne, %rem3A_183, %ne3A_185 : vector<16xi32>
    %lt3A_187 = arith.constant 0 : i32
    %lt3A_188 = vector.broadcast %lt3A_187 : i32 to vector<16xi32>
    %lt3A_189 = arith.cmpi slt, %rem3A_183, %lt3A_188 : vector<16xi32>
    %lt3A_190 = arith.constant 0 : i32
    %lt3A_191 = arith.cmpi slt, %select_n3A_181, %lt3A_190 : i32
    %ne3A_192 = vector.broadcast %lt3A_191 : i1 to vector<16xi1>
    %ne3A_193 = vector.broadcast %ne3A_192 : vector<16xi1> to vector<16xi1>
    %ne3A_194 = arith.xori %lt3A_189, %ne3A_193 : vector<16xi1>
    %and3A_195 = arith.andi %ne3A_194, %ne3A_186 : vector<16xi1>
    %add3A_196 = vector.broadcast %select_n3A_181 : i32 to vector<16xi32>
    %add3A_197 = arith.addi %rem3A_183, %add3A_196 : vector<16xi32>
    %select_n3A_198 = arith.select %and3A_195, %add3A_197, %rem3A_183 : vector<16xi1>, vector<16xi32>
    %add3A_199 = arith.addi %mul3A_176, %select_n3A_198 : vector<16xi32>
    %gather3A = tpu.vector_load_idx %arg13[%add3A_199] : memref<256xi32, #tpu.memory_space<vmem>>[vector<16xi32>], vector<16xi32>,
    %broadcast_in_dim3A_200 = arith.constant true
    %broadcast_in_dim3A_201 = vector.broadcast %broadcast_in_dim3A_200 : i1 to vector<16xi1>
    %masked_cumsum3A = tpu.scan <sum>, %gather3A masked %broadcast_in_dim3A_201 : vector<16xi32>, vector<16xi1> -> vector<16xi32>
    %sub3A_202 = arith.subi %masked_cumsum3A, %gather3A : vector<16xi32>
    %add3A_203 = arith.constant 0 : i32
    %add3A_204 = vector.broadcast %add3A_203 : i32 to vector<16xi32>
    %add3A_205 = arith.addi %sub3A_202, %add3A_204 : vector<16xi32>
    %reduce_sum3A = arith.constant true
    %reduce_sum3A_206 = vector.broadcast %reduce_sum3A : i1 to vector<16xi1>
    %reduce_sum3A_207 = tpu.scan <sum>, %gather3A masked %reduce_sum3A_206 : vector<16xi32>, vector<16xi1> -> vector<16xi32>
    %reduce_sum3A_208 = vector.extract %reduce_sum3A_207[15] : i32 from vector<16xi32>
    %add3A_209 = arith.constant 0 : i32
    %add3A_210 = arith.addi %add3A_209, %reduce_sum3A_208 : i32
    %jit3A_211 = arith.constant 4 : i32
    %div3A_212 = vector.broadcast %jit3A_211 : i32 to vector<16xi32>
    %div3A_213 = arith.divsi %iota3A, %div3A_212 : vector<16xi32>
    %sign3A_214 = arith.constant 0 : i32
    %sign3A_215 = vector.broadcast %sign3A_214 : i32 to vector<16xi32>
    %sign3A_216 = arith.cmpi sgt, %iota3A, %sign3A_215 : vector<16xi32>
    %sign3A_217 = arith.extui %sign3A_216 : vector<16xi1> to vector<16xi32>
    %sign3A_218 = arith.constant 0 : i32
    %sign3A_219 = vector.broadcast %sign3A_218 : i32 to vector<16xi32>
    %sign3A_220 = arith.cmpi slt, %iota3A, %sign3A_219 : vector<16xi32>
    %sign3A_221 = arith.extui %sign3A_220 : vector<16xi1> to vector<16xi32>
    %sign3A_222 = arith.subi %sign3A_217, %sign3A_221 : vector<16xi32>
    %sign3A_223 = arith.constant 0 : i32
    %sign3A_224 = arith.cmpi sgt, %jit3A_211, %sign3A_223 : i32
    %sign3A_225 = arith.extui %sign3A_224 : i1 to i32
    %sign3A_226 = arith.constant 0 : i32
    %sign3A_227 = arith.cmpi slt, %jit3A_211, %sign3A_226 : i32
    %sign3A_228 = arith.extui %sign3A_227 : i1 to i32
    %sign3A_229 = arith.subi %sign3A_225, %sign3A_228 : i32
    %ne3A_230 = vector.broadcast %sign3A_229 : i32 to vector<16xi32>
    %ne3A_231 = arith.cmpi ne, %sign3A_222, %ne3A_230 : vector<16xi32>
    %rem3A_232 = vector.broadcast %jit3A_211 : i32 to vector<16xi32>
    %rem3A_233 = arith.remsi %iota3A, %rem3A_232 : vector<16xi32>
    %ne3A_234 = arith.constant 0 : i32
    %ne3A_235 = vector.broadcast %ne3A_234 : i32 to vector<16xi32>
    %ne3A_236 = arith.cmpi ne, %rem3A_233, %ne3A_235 : vector<16xi32>
    %and3A_237 = arith.andi %ne3A_231, %ne3A_236 : vector<16xi1>
    %sub3A_238 = arith.constant 1 : i32
    %sub3A_239 = vector.broadcast %sub3A_238 : i32 to vector<16xi32>
    %sub3A_240 = arith.subi %div3A_213, %sub3A_239 : vector<16xi32>
    %select_n3A_241 = arith.select %and3A_237, %sub3A_240, %div3A_213 : vector<16xi1>, vector<16xi32>
    %add3A_242 = arith.constant 4 : i32
    %add3A_243 = vector.broadcast %add3A_242 : i32 to vector<16xi32>
    %add3A_244 = arith.addi %add3A_243, %select_n3A_241 : vector<16xi32>
    %mul3A_245 = arith.constant 16 : i32
    %mul3A_246 = vector.broadcast %mul3A_245 : i32 to vector<16xi32>
    %mul3A_247 = arith.muli %add3A_244, %mul3A_246 : vector<16xi32>
    %jit3A_248 = arith.constant 4 : i32
    %eq3A_249 = arith.constant 0 : i32
    %eq3A_250 = arith.cmpi eq, %jit3A_248, %eq3A_249 : i32
    %jit3A_251 = arith.constant 1 : i32
    %select_n3A_252 = arith.select %eq3A_250, %jit3A_251, %jit3A_248 : i32
    %rem3A_253 = vector.broadcast %select_n3A_252 : i32 to vector<16xi32>
    %rem3A_254 = arith.remsi %iota3A, %rem3A_253 : vector<16xi32>
    %ne3A_255 = arith.constant 0 : i32
    %ne3A_256 = vector.broadcast %ne3A_255 : i32 to vector<16xi32>
    %ne3A_257 = arith.cmpi ne, %rem3A_254, %ne3A_256 : vector<16xi32>
    %lt3A_258 = arith.constant 0 : i32
    %lt3A_259 = vector.broadcast %lt3A_258 : i32 to vector<16xi32>
    %lt3A_260 = arith.cmpi slt, %rem3A_254, %lt3A_259 : vector<16xi32>
    %lt3A_261 = arith.constant 0 : i32
    %lt3A_262 = arith.cmpi slt, %select_n3A_252, %lt3A_261 : i32
    %ne3A_263 = vector.broadcast %lt3A_262 : i1 to vector<16xi1>
    %ne3A_264 = vector.broadcast %ne3A_263 : vector<16xi1> to vector<16xi1>
    %ne3A_265 = arith.xori %lt3A_260, %ne3A_264 : vector<16xi1>
    %and3A_266 = arith.andi %ne3A_265, %ne3A_257 : vector<16xi1>
    %add3A_267 = vector.broadcast %select_n3A_252 : i32 to vector<16xi32>
    %add3A_268 = arith.addi %rem3A_254, %add3A_267 : vector<16xi32>
    %select_n3A_269 = arith.select %and3A_266, %add3A_268, %rem3A_254 : vector<16xi1>, vector<16xi32>
    %add3A_270 = arith.addi %mul3A_247, %select_n3A_269 : vector<16xi32>
    %gather3A_271 = tpu.vector_load_idx %arg13[%add3A_270] : memref<256xi32, #tpu.memory_space<vmem>>[vector<16xi32>], vector<16xi32>,
    %broadcast_in_dim3A_272 = arith.constant true
    %broadcast_in_dim3A_273 = vector.broadcast %broadcast_in_dim3A_272 : i1 to vector<16xi1>
    %masked_cumsum3A_274 = tpu.scan <sum>, %gather3A_271 masked %broadcast_in_dim3A_273 : vector<16xi32>, vector<16xi1> -> vector<16xi32>
    %sub3A_275 = arith.subi %masked_cumsum3A_274, %gather3A_271 : vector<16xi32>
    %add3A_276 = vector.broadcast %add3A_210 : i32 to vector<16xi32>
    %add3A_277 = arith.addi %sub3A_275, %add3A_276 : vector<16xi32>
    %reduce_sum3A_278 = arith.constant true
    %reduce_sum3A_279 = vector.broadcast %reduce_sum3A_278 : i1 to vector<16xi1>
    %reduce_sum3A_280 = tpu.scan <sum>, %gather3A_271 masked %reduce_sum3A_279 : vector<16xi32>, vector<16xi1> -> vector<16xi32>
    %reduce_sum3A_281 = vector.extract %reduce_sum3A_280[15] : i32 from vector<16xi32>
    %add3A_282 = arith.addi %add3A_210, %reduce_sum3A_281 : i32
    %jit3A_283 = arith.constant 4 : i32
    %div3A_284 = vector.broadcast %jit3A_283 : i32 to vector<16xi32>
    %div3A_285 = arith.divsi %iota3A, %div3A_284 : vector<16xi32>
    %sign3A_286 = arith.constant 0 : i32
    %sign3A_287 = vector.broadcast %sign3A_286 : i32 to vector<16xi32>
    %sign3A_288 = arith.cmpi sgt, %iota3A, %sign3A_287 : vector<16xi32>
    %sign3A_289 = arith.extui %sign3A_288 : vector<16xi1> to vector<16xi32>
    %sign3A_290 = arith.constant 0 : i32
    %sign3A_291 = vector.broadcast %sign3A_290 : i32 to vector<16xi32>
    %sign3A_292 = arith.cmpi slt, %iota3A, %sign3A_291 : vector<16xi32>
    %sign3A_293 = arith.extui %sign3A_292 : vector<16xi1> to vector<16xi32>
    %sign3A_294 = arith.subi %sign3A_289, %sign3A_293 : vector<16xi32>
    %sign3A_295 = arith.constant 0 : i32
    %sign3A_296 = arith.cmpi sgt, %jit3A_283, %sign3A_295 : i32
    %sign3A_297 = arith.extui %sign3A_296 : i1 to i32
    %sign3A_298 = arith.constant 0 : i32
    %sign3A_299 = arith.cmpi slt, %jit3A_283, %sign3A_298 : i32
    %sign3A_300 = arith.extui %sign3A_299 : i1 to i32
    %sign3A_301 = arith.subi %sign3A_297, %sign3A_300 : i32
    %ne3A_302 = vector.broadcast %sign3A_301 : i32 to vector<16xi32>
    %ne3A_303 = arith.cmpi ne, %sign3A_294, %ne3A_302 : vector<16xi32>
    %rem3A_304 = vector.broadcast %jit3A_283 : i32 to vector<16xi32>
    %rem3A_305 = arith.remsi %iota3A, %rem3A_304 : vector<16xi32>
    %ne3A_306 = arith.constant 0 : i32
    %ne3A_307 = vector.broadcast %ne3A_306 : i32 to vector<16xi32>
    %ne3A_308 = arith.cmpi ne, %rem3A_305, %ne3A_307 : vector<16xi32>
    %and3A_309 = arith.andi %ne3A_303, %ne3A_308 : vector<16xi1>
    %sub3A_310 = arith.constant 1 : i32
    %sub3A_311 = vector.broadcast %sub3A_310 : i32 to vector<16xi32>
    %sub3A_312 = arith.subi %div3A_285, %sub3A_311 : vector<16xi32>
    %select_n3A_313 = arith.select %and3A_309, %sub3A_312, %div3A_285 : vector<16xi1>, vector<16xi32>
    %add3A_314 = arith.constant 8 : i32
    %add3A_315 = vector.broadcast %add3A_314 : i32 to vector<16xi32>
    %add3A_316 = arith.addi %add3A_315, %select_n3A_313 : vector<16xi32>
    %mul3A_317 = arith.constant 16 : i32
    %mul3A_318 = vector.broadcast %mul3A_317 : i32 to vector<16xi32>
    %mul3A_319 = arith.muli %add3A_316, %mul3A_318 : vector<16xi32>
    %jit3A_320 = arith.constant 4 : i32
    %eq3A_321 = arith.constant 0 : i32
    %eq3A_322 = arith.cmpi eq, %jit3A_320, %eq3A_321 : i32
    %jit3A_323 = arith.constant 1 : i32
    %select_n3A_324 = arith.select %eq3A_322, %jit3A_323, %jit3A_320 : i32
    %rem3A_325 = vector.broadcast %select_n3A_324 : i32 to vector<16xi32>
    %rem3A_326 = arith.remsi %iota3A, %rem3A_325 : vector<16xi32>
    %ne3A_327 = arith.constant 0 : i32
    %ne3A_328 = vector.broadcast %ne3A_327 : i32 to vector<16xi32>
    %ne3A_329 = arith.cmpi ne, %rem3A_326, %ne3A_328 : vector<16xi32>
    %lt3A_330 = arith.constant 0 : i32
    %lt3A_331 = vector.broadcast %lt3A_330 : i32 to vector<16xi32>
    %lt3A_332 = arith.cmpi slt, %rem3A_326, %lt3A_331 : vector<16xi32>
    %lt3A_333 = arith.constant 0 : i32
    %lt3A_334 = arith.cmpi slt, %select_n3A_324, %lt3A_333 : i32
    %ne3A_335 = vector.broadcast %lt3A_334 : i1 to vector<16xi1>
    %ne3A_336 = vector.broadcast %ne3A_335 : vector<16xi1> to vector<16xi1>
    %ne3A_337 = arith.xori %lt3A_332, %ne3A_336 : vector<16xi1>
    %and3A_338 = arith.andi %ne3A_337, %ne3A_329 : vector<16xi1>
    %add3A_339 = vector.broadcast %select_n3A_324 : i32 to vector<16xi32>
    %add3A_340 = arith.addi %rem3A_326, %add3A_339 : vector<16xi32>
    %select_n3A_341 = arith.select %and3A_338, %add3A_340, %rem3A_326 : vector<16xi1>, vector<16xi32>
    %add3A_342 = arith.addi %mul3A_319, %select_n3A_341 : vector<16xi32>
    %gather3A_343 = tpu.vector_load_idx %arg13[%add3A_342] : memref<256xi32, #tpu.memory_space<vmem>>[vector<16xi32>], vector<16xi32>,
    %broadcast_in_dim3A_344 = arith.constant true
    %broadcast_in_dim3A_345 = vector.broadcast %broadcast_in_dim3A_344 : i1 to vector<16xi1>
    %masked_cumsum3A_346 = tpu.scan <sum>, %gather3A_343 masked %broadcast_in_dim3A_345 : vector<16xi32>, vector<16xi1> -> vector<16xi32>
    %sub3A_347 = arith.subi %masked_cumsum3A_346, %gather3A_343 : vector<16xi32>
    %add3A_348 = vector.broadcast %add3A_282 : i32 to vector<16xi32>
    %add3A_349 = arith.addi %sub3A_347, %add3A_348 : vector<16xi32>
    %reduce_sum3A_350 = arith.constant true
    %reduce_sum3A_351 = vector.broadcast %reduce_sum3A_350 : i1 to vector<16xi1>
    %reduce_sum3A_352 = tpu.scan <sum>, %gather3A_343 masked %reduce_sum3A_351 : vector<16xi32>, vector<16xi1> -> vector<16xi32>
    %reduce_sum3A_353 = vector.extract %reduce_sum3A_352[15] : i32 from vector<16xi32>
    %add3A_354 = arith.addi %add3A_282, %reduce_sum3A_353 : i32
    %jit3A_355 = arith.constant 4 : i32
    %div3A_356 = vector.broadcast %jit3A_355 : i32 to vector<16xi32>
    %div3A_357 = arith.divsi %iota3A, %div3A_356 : vector<16xi32>
    %sign3A_358 = arith.constant 0 : i32
    %sign3A_359 = vector.broadcast %sign3A_358 : i32 to vector<16xi32>
    %sign3A_360 = arith.cmpi sgt, %iota3A, %sign3A_359 : vector<16xi32>
    %sign3A_361 = arith.extui %sign3A_360 : vector<16xi1> to vector<16xi32>
    %sign3A_362 = arith.constant 0 : i32
    %sign3A_363 = vector.broadcast %sign3A_362 : i32 to vector<16xi32>
    %sign3A_364 = arith.cmpi slt, %iota3A, %sign3A_363 : vector<16xi32>
    %sign3A_365 = arith.extui %sign3A_364 : vector<16xi1> to vector<16xi32>
    %sign3A_366 = arith.subi %sign3A_361, %sign3A_365 : vector<16xi32>
    %sign3A_367 = arith.constant 0 : i32
    %sign3A_368 = arith.cmpi sgt, %jit3A_355, %sign3A_367 : i32
    %sign3A_369 = arith.extui %sign3A_368 : i1 to i32
    %sign3A_370 = arith.constant 0 : i32
    %sign3A_371 = arith.cmpi slt, %jit3A_355, %sign3A_370 : i32
    %sign3A_372 = arith.extui %sign3A_371 : i1 to i32
    %sign3A_373 = arith.subi %sign3A_369, %sign3A_372 : i32
    %ne3A_374 = vector.broadcast %sign3A_373 : i32 to vector<16xi32>
    %ne3A_375 = arith.cmpi ne, %sign3A_366, %ne3A_374 : vector<16xi32>
    %rem3A_376 = vector.broadcast %jit3A_355 : i32 to vector<16xi32>
    %rem3A_377 = arith.remsi %iota3A, %rem3A_376 : vector<16xi32>
    %ne3A_378 = arith.constant 0 : i32
    %ne3A_379 = vector.broadcast %ne3A_378 : i32 to vector<16xi32>
    %ne3A_380 = arith.cmpi ne, %rem3A_377, %ne3A_379 : vector<16xi32>
    %and3A_381 = arith.andi %ne3A_375, %ne3A_380 : vector<16xi1>
    %sub3A_382 = arith.constant 1 : i32
    %sub3A_383 = vector.broadcast %sub3A_382 : i32 to vector<16xi32>
    %sub3A_384 = arith.subi %div3A_357, %sub3A_383 : vector<16xi32>
    %select_n3A_385 = arith.select %and3A_381, %sub3A_384, %div3A_357 : vector<16xi1>, vector<16xi32>
    %add3A_386 = arith.constant 12 : i32
    %add3A_387 = vector.broadcast %add3A_386 : i32 to vector<16xi32>
    %add3A_388 = arith.addi %add3A_387, %select_n3A_385 : vector<16xi32>
    %mul3A_389 = arith.constant 16 : i32
    %mul3A_390 = vector.broadcast %mul3A_389 : i32 to vector<16xi32>
    %mul3A_391 = arith.muli %add3A_388, %mul3A_390 : vector<16xi32>
    %jit3A_392 = arith.constant 4 : i32
    %eq3A_393 = arith.constant 0 : i32
    %eq3A_394 = arith.cmpi eq, %jit3A_392, %eq3A_393 : i32
    %jit3A_395 = arith.constant 1 : i32
    %select_n3A_396 = arith.select %eq3A_394, %jit3A_395, %jit3A_392 : i32
    %rem3A_397 = vector.broadcast %select_n3A_396 : i32 to vector<16xi32>
    %rem3A_398 = arith.remsi %iota3A, %rem3A_397 : vector<16xi32>
    %ne3A_399 = arith.constant 0 : i32
    %ne3A_400 = vector.broadcast %ne3A_399 : i32 to vector<16xi32>
    %ne3A_401 = arith.cmpi ne, %rem3A_398, %ne3A_400 : vector<16xi32>
    %lt3A_402 = arith.constant 0 : i32
    %lt3A_403 = vector.broadcast %lt3A_402 : i32 to vector<16xi32>
    %lt3A_404 = arith.cmpi slt, %rem3A_398, %lt3A_403 : vector<16xi32>
    %lt3A_405 = arith.constant 0 : i32
    %lt3A_406 = arith.cmpi slt, %select_n3A_396, %lt3A_405 : i32
    %ne3A_407 = vector.broadcast %lt3A_406 : i1 to vector<16xi1>
    %ne3A_408 = vector.broadcast %ne3A_407 : vector<16xi1> to vector<16xi1>
    %ne3A_409 = arith.xori %lt3A_404, %ne3A_408 : vector<16xi1>
    %and3A_410 = arith.andi %ne3A_409, %ne3A_401 : vector<16xi1>
    %add3A_411 = vector.broadcast %select_n3A_396 : i32 to vector<16xi32>
    %add3A_412 = arith.addi %rem3A_398, %add3A_411 : vector<16xi32>
    %select_n3A_413 = arith.select %and3A_410, %add3A_412, %rem3A_398 : vector<16xi1>, vector<16xi32>
    %add3A_414 = arith.addi %mul3A_391, %select_n3A_413 : vector<16xi32>
    %gather3A_415 = tpu.vector_load_idx %arg13[%add3A_414] : memref<256xi32, #tpu.memory_space<vmem>>[vector<16xi32>], vector<16xi32>,
    %broadcast_in_dim3A_416 = arith.constant true
    %broadcast_in_dim3A_417 = vector.broadcast %broadcast_in_dim3A_416 : i1 to vector<16xi1>
    %masked_cumsum3A_418 = tpu.scan <sum>, %gather3A_415 masked %broadcast_in_dim3A_417 : vector<16xi32>, vector<16xi1> -> vector<16xi32>
    %sub3A_419 = arith.subi %masked_cumsum3A_418, %gather3A_415 : vector<16xi32>
    %add3A_420 = vector.broadcast %add3A_354 : i32 to vector<16xi32>
    %add3A_421 = arith.addi %sub3A_419, %add3A_420 : vector<16xi32>
    %reduce_sum3A_422 = arith.constant true
    %reduce_sum3A_423 = vector.broadcast %reduce_sum3A_422 : i1 to vector<16xi1>
    %reduce_sum3A_424 = tpu.scan <sum>, %gather3A_415 masked %reduce_sum3A_423 : vector<16xi32>, vector<16xi1> -> vector<16xi32>
    %reduce_sum3A_425 = vector.extract %reduce_sum3A_424[15] : i32 from vector<16xi32>
    %add3A_426 = arith.addi %add3A_354, %reduce_sum3A_425 : i32
    %eq3A_427 = arith.constant 1 : i32
    %eq3A_428 = vector.broadcast %eq3A_427 : i32 to vector<16xi32>
    %eq3A_429 = arith.cmpi eq, %gather3A, %eq3A_428 : vector<16xi32>
    %jit3A_430 = arith.constant 16 : i32
    %eq3A_431 = arith.constant 0 : i32
    %eq3A_432 = arith.cmpi eq, %jit3A_430, %eq3A_431 : i32
    %jit3A_433 = arith.constant 1 : i32
    %select_n3A_434 = arith.select %eq3A_432, %jit3A_433, %jit3A_430 : i32
    %rem3A_435 = vector.broadcast %select_n3A_434 : i32 to vector<16xi32>
    %rem3A_436 = arith.remsi %add3A_205, %rem3A_435 : vector<16xi32>
    %ne3A_437 = arith.constant 0 : i32
    %ne3A_438 = vector.broadcast %ne3A_437 : i32 to vector<16xi32>
    %ne3A_439 = arith.cmpi ne, %rem3A_436, %ne3A_438 : vector<16xi32>
    %lt3A_440 = arith.constant 0 : i32
    %lt3A_441 = vector.broadcast %lt3A_440 : i32 to vector<16xi32>
    %lt3A_442 = arith.cmpi slt, %rem3A_436, %lt3A_441 : vector<16xi32>
    %lt3A_443 = arith.constant 0 : i32
    %lt3A_444 = arith.cmpi slt, %select_n3A_434, %lt3A_443 : i32
    %ne3A_445 = vector.broadcast %lt3A_444 : i1 to vector<16xi1>
    %ne3A_446 = vector.broadcast %ne3A_445 : vector<16xi1> to vector<16xi1>
    %ne3A_447 = arith.xori %lt3A_442, %ne3A_446 : vector<16xi1>
    %and3A_448 = arith.andi %ne3A_447, %ne3A_439 : vector<16xi1>
    %add3A_449 = vector.broadcast %select_n3A_434 : i32 to vector<16xi32>
    %add3A_450 = arith.addi %rem3A_436, %add3A_449 : vector<16xi32>
    %select_n3A_451 = arith.select %and3A_448, %add3A_450, %rem3A_436 : vector<16xi1>, vector<16xi32>
    %eq3A_452 = vector.broadcast %arg1 : i32 to vector<16xi32>
    %eq3A_453 = arith.cmpi eq, %select_n3A_451, %eq3A_452 : vector<16xi32>
    %jit3A_454 = arith.constant 16 : i32
    %div3A_455 = vector.broadcast %jit3A_454 : i32 to vector<16xi32>
    %div3A_456 = arith.divsi %add3A_205, %div3A_455 : vector<16xi32>
    %sign3A_457 = arith.constant 0 : i32
    %sign3A_458 = vector.broadcast %sign3A_457 : i32 to vector<16xi32>
    %sign3A_459 = arith.cmpi sgt, %add3A_205, %sign3A_458 : vector<16xi32>
    %sign3A_460 = arith.extui %sign3A_459 : vector<16xi1> to vector<16xi32>
    %sign3A_461 = arith.constant 0 : i32
    %sign3A_462 = vector.broadcast %sign3A_461 : i32 to vector<16xi32>
    %sign3A_463 = arith.cmpi slt, %add3A_205, %sign3A_462 : vector<16xi32>
    %sign3A_464 = arith.extui %sign3A_463 : vector<16xi1> to vector<16xi32>
    %sign3A_465 = arith.subi %sign3A_460, %sign3A_464 : vector<16xi32>
    %sign3A_466 = arith.constant 0 : i32
    %sign3A_467 = arith.cmpi sgt, %jit3A_454, %sign3A_466 : i32
    %sign3A_468 = arith.extui %sign3A_467 : i1 to i32
    %sign3A_469 = arith.constant 0 : i32
    %sign3A_470 = arith.cmpi slt, %jit3A_454, %sign3A_469 : i32
    %sign3A_471 = arith.extui %sign3A_470 : i1 to i32
    %sign3A_472 = arith.subi %sign3A_468, %sign3A_471 : i32
    %ne3A_473 = vector.broadcast %sign3A_472 : i32 to vector<16xi32>
    %ne3A_474 = arith.cmpi ne, %sign3A_465, %ne3A_473 : vector<16xi32>
    %rem3A_475 = vector.broadcast %jit3A_454 : i32 to vector<16xi32>
    %rem3A_476 = arith.remsi %add3A_205, %rem3A_475 : vector<16xi32>
    %ne3A_477 = arith.constant 0 : i32
    %ne3A_478 = vector.broadcast %ne3A_477 : i32 to vector<16xi32>
    %ne3A_479 = arith.cmpi ne, %rem3A_476, %ne3A_478 : vector<16xi32>
    %and3A_480 = arith.andi %ne3A_474, %ne3A_479 : vector<16xi1>
    %sub3A_481 = arith.constant 1 : i32
    %sub3A_482 = vector.broadcast %sub3A_481 : i32 to vector<16xi32>
    %sub3A_483 = arith.subi %div3A_456, %sub3A_482 : vector<16xi32>
    %select_n3A_484 = arith.select %and3A_480, %sub3A_483, %div3A_456 : vector<16xi1>, vector<16xi32>
    %eq3A_485 = arith.constant 0 : i32
    %eq3A_486 = vector.broadcast %eq3A_485 : i32 to vector<16xi32>
    %eq3A_487 = arith.cmpi eq, %select_n3A_484, %eq3A_486 : vector<16xi32>
    %and3A_488 = arith.andi %eq3A_453, %eq3A_487 : vector<16xi1>
    %and3A_489 = arith.andi %eq3A_429, %and3A_488 : vector<16xi1>
    %add3A_490 = arith.constant 0 : i32
    %add3A_491 = vector.broadcast %add3A_490 : i32 to vector<16xi32>
    %add3A_492 = arith.addi %add3A_491, %iota3A : vector<16xi32>
    %jit3A_493 = arith.constant 2147483647 : i32
    %broadcast_in_dim3A_494 = vector.broadcast %jit3A_493 : i32 to vector<16xi32>
    %select_n3A_495 = arith.select %and3A_489, %add3A_492, %broadcast_in_dim3A_494 : vector<16xi1>, vector<16xi32>
    %eq3A_496 = arith.constant 1 : i32
    %eq3A_497 = vector.broadcast %eq3A_496 : i32 to vector<16xi32>
    %eq3A_498 = arith.cmpi eq, %gather3A_271, %eq3A_497 : vector<16xi32>
    %jit3A_499 = arith.constant 16 : i32
    %eq3A_500 = arith.constant 0 : i32
    %eq3A_501 = arith.cmpi eq, %jit3A_499, %eq3A_500 : i32
    %jit3A_502 = arith.constant 1 : i32
    %select_n3A_503 = arith.select %eq3A_501, %jit3A_502, %jit3A_499 : i32
    %rem3A_504 = vector.broadcast %select_n3A_503 : i32 to vector<16xi32>
    %rem3A_505 = arith.remsi %add3A_277, %rem3A_504 : vector<16xi32>
    %ne3A_506 = arith.constant 0 : i32
    %ne3A_507 = vector.broadcast %ne3A_506 : i32 to vector<16xi32>
    %ne3A_508 = arith.cmpi ne, %rem3A_505, %ne3A_507 : vector<16xi32>
    %lt3A_509 = arith.constant 0 : i32
    %lt3A_510 = vector.broadcast %lt3A_509 : i32 to vector<16xi32>
    %lt3A_511 = arith.cmpi slt, %rem3A_505, %lt3A_510 : vector<16xi32>
    %lt3A_512 = arith.constant 0 : i32
    %lt3A_513 = arith.cmpi slt, %select_n3A_503, %lt3A_512 : i32
    %ne3A_514 = vector.broadcast %lt3A_513 : i1 to vector<16xi1>
    %ne3A_515 = vector.broadcast %ne3A_514 : vector<16xi1> to vector<16xi1>
    %ne3A_516 = arith.xori %lt3A_511, %ne3A_515 : vector<16xi1>
    %and3A_517 = arith.andi %ne3A_516, %ne3A_508 : vector<16xi1>
    %add3A_518 = vector.broadcast %select_n3A_503 : i32 to vector<16xi32>
    %add3A_519 = arith.addi %rem3A_505, %add3A_518 : vector<16xi32>
    %select_n3A_520 = arith.select %and3A_517, %add3A_519, %rem3A_505 : vector<16xi1>, vector<16xi32>
    %eq3A_521 = vector.broadcast %arg1 : i32 to vector<16xi32>
    %eq3A_522 = arith.cmpi eq, %select_n3A_520, %eq3A_521 : vector<16xi32>
    %jit3A_523 = arith.constant 16 : i32
    %div3A_524 = vector.broadcast %jit3A_523 : i32 to vector<16xi32>
    %div3A_525 = arith.divsi %add3A_277, %div3A_524 : vector<16xi32>
    %sign3A_526 = arith.constant 0 : i32
    %sign3A_527 = vector.broadcast %sign3A_526 : i32 to vector<16xi32>
    %sign3A_528 = arith.cmpi sgt, %add3A_277, %sign3A_527 : vector<16xi32>
    %sign3A_529 = arith.extui %sign3A_528 : vector<16xi1> to vector<16xi32>
    %sign3A_530 = arith.constant 0 : i32
    %sign3A_531 = vector.broadcast %sign3A_530 : i32 to vector<16xi32>
    %sign3A_532 = arith.cmpi slt, %add3A_277, %sign3A_531 : vector<16xi32>
    %sign3A_533 = arith.extui %sign3A_532 : vector<16xi1> to vector<16xi32>
    %sign3A_534 = arith.subi %sign3A_529, %sign3A_533 : vector<16xi32>
    %sign3A_535 = arith.constant 0 : i32
    %sign3A_536 = arith.cmpi sgt, %jit3A_523, %sign3A_535 : i32
    %sign3A_537 = arith.extui %sign3A_536 : i1 to i32
    %sign3A_538 = arith.constant 0 : i32
    %sign3A_539 = arith.cmpi slt, %jit3A_523, %sign3A_538 : i32
    %sign3A_540 = arith.extui %sign3A_539 : i1 to i32
    %sign3A_541 = arith.subi %sign3A_537, %sign3A_540 : i32
    %ne3A_542 = vector.broadcast %sign3A_541 : i32 to vector<16xi32>
    %ne3A_543 = arith.cmpi ne, %sign3A_534, %ne3A_542 : vector<16xi32>
    %rem3A_544 = vector.broadcast %jit3A_523 : i32 to vector<16xi32>
    %rem3A_545 = arith.remsi %add3A_277, %rem3A_544 : vector<16xi32>
    %ne3A_546 = arith.constant 0 : i32
    %ne3A_547 = vector.broadcast %ne3A_546 : i32 to vector<16xi32>
    %ne3A_548 = arith.cmpi ne, %rem3A_545, %ne3A_547 : vector<16xi32>
    %and3A_549 = arith.andi %ne3A_543, %ne3A_548 : vector<16xi1>
    %sub3A_550 = arith.constant 1 : i32
    %sub3A_551 = vector.broadcast %sub3A_550 : i32 to vector<16xi32>
    %sub3A_552 = arith.subi %div3A_525, %sub3A_551 : vector<16xi32>
    %select_n3A_553 = arith.select %and3A_549, %sub3A_552, %div3A_525 : vector<16xi1>, vector<16xi32>
    %eq3A_554 = arith.constant 0 : i32
    %eq3A_555 = vector.broadcast %eq3A_554 : i32 to vector<16xi32>
    %eq3A_556 = arith.cmpi eq, %select_n3A_553, %eq3A_555 : vector<16xi32>
    %and3A_557 = arith.andi %eq3A_522, %eq3A_556 : vector<16xi1>
    %and3A_558 = arith.andi %eq3A_498, %and3A_557 : vector<16xi1>
    %add3A_559 = arith.constant 16 : i32
    %add3A_560 = vector.broadcast %add3A_559 : i32 to vector<16xi32>
    %add3A_561 = arith.addi %add3A_560, %iota3A : vector<16xi32>
    %jit3A_562 = arith.constant 2147483647 : i32
    %broadcast_in_dim3A_563 = vector.broadcast %jit3A_562 : i32 to vector<16xi32>
    %select_n3A_564 = arith.select %and3A_558, %add3A_561, %broadcast_in_dim3A_563 : vector<16xi1>, vector<16xi32>
    %eq3A_565 = arith.constant 1 : i32
    %eq3A_566 = vector.broadcast %eq3A_565 : i32 to vector<16xi32>
    %eq3A_567 = arith.cmpi eq, %gather3A_343, %eq3A_566 : vector<16xi32>
    %jit3A_568 = arith.constant 16 : i32
    %eq3A_569 = arith.constant 0 : i32
    %eq3A_570 = arith.cmpi eq, %jit3A_568, %eq3A_569 : i32
    %jit3A_571 = arith.constant 1 : i32
    %select_n3A_572 = arith.select %eq3A_570, %jit3A_571, %jit3A_568 : i32
    %rem3A_573 = vector.broadcast %select_n3A_572 : i32 to vector<16xi32>
    %rem3A_574 = arith.remsi %add3A_349, %rem3A_573 : vector<16xi32>
    %ne3A_575 = arith.constant 0 : i32
    %ne3A_576 = vector.broadcast %ne3A_575 : i32 to vector<16xi32>
    %ne3A_577 = arith.cmpi ne, %rem3A_574, %ne3A_576 : vector<16xi32>
    %lt3A_578 = arith.constant 0 : i32
    %lt3A_579 = vector.broadcast %lt3A_578 : i32 to vector<16xi32>
    %lt3A_580 = arith.cmpi slt, %rem3A_574, %lt3A_579 : vector<16xi32>
    %lt3A_581 = arith.constant 0 : i32
    %lt3A_582 = arith.cmpi slt, %select_n3A_572, %lt3A_581 : i32
    %ne3A_583 = vector.broadcast %lt3A_582 : i1 to vector<16xi1>
    %ne3A_584 = vector.broadcast %ne3A_583 : vector<16xi1> to vector<16xi1>
    %ne3A_585 = arith.xori %lt3A_580, %ne3A_584 : vector<16xi1>
    %and3A_586 = arith.andi %ne3A_585, %ne3A_577 : vector<16xi1>
    %add3A_587 = vector.broadcast %select_n3A_572 : i32 to vector<16xi32>
    %add3A_588 = arith.addi %rem3A_574, %add3A_587 : vector<16xi32>
    %select_n3A_589 = arith.select %and3A_586, %add3A_588, %rem3A_574 : vector<16xi1>, vector<16xi32>
    %eq3A_590 = vector.broadcast %arg1 : i32 to vector<16xi32>
    %eq3A_591 = arith.cmpi eq, %select_n3A_589, %eq3A_590 : vector<16xi32>
    %jit3A_592 = arith.constant 16 : i32
    %div3A_593 = vector.broadcast %jit3A_592 : i32 to vector<16xi32>
    %div3A_594 = arith.divsi %add3A_349, %div3A_593 : vector<16xi32>
    %sign3A_595 = arith.constant 0 : i32
    %sign3A_596 = vector.broadcast %sign3A_595 : i32 to vector<16xi32>
    %sign3A_597 = arith.cmpi sgt, %add3A_349, %sign3A_596 : vector<16xi32>
    %sign3A_598 = arith.extui %sign3A_597 : vector<16xi1> to vector<16xi32>
    %sign3A_599 = arith.constant 0 : i32
    %sign3A_600 = vector.broadcast %sign3A_599 : i32 to vector<16xi32>
    %sign3A_601 = arith.cmpi slt, %add3A_349, %sign3A_600 : vector<16xi32>
    %sign3A_602 = arith.extui %sign3A_601 : vector<16xi1> to vector<16xi32>
    %sign3A_603 = arith.subi %sign3A_598, %sign3A_602 : vector<16xi32>
    %sign3A_604 = arith.constant 0 : i32
    %sign3A_605 = arith.cmpi sgt, %jit3A_592, %sign3A_604 : i32
    %sign3A_606 = arith.extui %sign3A_605 : i1 to i32
    %sign3A_607 = arith.constant 0 : i32
    %sign3A_608 = arith.cmpi slt, %jit3A_592, %sign3A_607 : i32
    %sign3A_609 = arith.extui %sign3A_608 : i1 to i32
    %sign3A_610 = arith.subi %sign3A_606, %sign3A_609 : i32
    %ne3A_611 = vector.broadcast %sign3A_610 : i32 to vector<16xi32>
    %ne3A_612 = arith.cmpi ne, %sign3A_603, %ne3A_611 : vector<16xi32>
    %rem3A_613 = vector.broadcast %jit3A_592 : i32 to vector<16xi32>
    %rem3A_614 = arith.remsi %add3A_349, %rem3A_613 : vector<16xi32>
    %ne3A_615 = arith.constant 0 : i32
    %ne3A_616 = vector.broadcast %ne3A_615 : i32 to vector<16xi32>
    %ne3A_617 = arith.cmpi ne, %rem3A_614, %ne3A_616 : vector<16xi32>
    %and3A_618 = arith.andi %ne3A_612, %ne3A_617 : vector<16xi1>
    %sub3A_619 = arith.constant 1 : i32
    %sub3A_620 = vector.broadcast %sub3A_619 : i32 to vector<16xi32>
    %sub3A_621 = arith.subi %div3A_594, %sub3A_620 : vector<16xi32>
    %select_n3A_622 = arith.select %and3A_618, %sub3A_621, %div3A_594 : vector<16xi1>, vector<16xi32>
    %eq3A_623 = arith.constant 0 : i32
    %eq3A_624 = vector.broadcast %eq3A_623 : i32 to vector<16xi32>
    %eq3A_625 = arith.cmpi eq, %select_n3A_622, %eq3A_624 : vector<16xi32>
    %and3A_626 = arith.andi %eq3A_591, %eq3A_625 : vector<16xi1>
    %and3A_627 = arith.andi %eq3A_567, %and3A_626 : vector<16xi1>
    %add3A_628 = arith.constant 32 : i32
    %add3A_629 = vector.broadcast %add3A_628 : i32 to vector<16xi32>
    %add3A_630 = arith.addi %add3A_629, %iota3A : vector<16xi32>
    %jit3A_631 = arith.constant 2147483647 : i32
    %broadcast_in_dim3A_632 = vector.broadcast %jit3A_631 : i32 to vector<16xi32>
    %select_n3A_633 = arith.select %and3A_627, %add3A_630, %broadcast_in_dim3A_632 : vector<16xi1>, vector<16xi32>
    %eq3A_634 = arith.constant 1 : i32
    %eq3A_635 = vector.broadcast %eq3A_634 : i32 to vector<16xi32>
    %eq3A_636 = arith.cmpi eq, %gather3A_415, %eq3A_635 : vector<16xi32>
    %jit3A_637 = arith.constant 16 : i32
    %eq3A_638 = arith.constant 0 : i32
    %eq3A_639 = arith.cmpi eq, %jit3A_637, %eq3A_638 : i32
    %jit3A_640 = arith.constant 1 : i32
    %select_n3A_641 = arith.select %eq3A_639, %jit3A_640, %jit3A_637 : i32
    %rem3A_642 = vector.broadcast %select_n3A_641 : i32 to vector<16xi32>
    %rem3A_643 = arith.remsi %add3A_421, %rem3A_642 : vector<16xi32>
    %ne3A_644 = arith.constant 0 : i32
    %ne3A_645 = vector.broadcast %ne3A_644 : i32 to vector<16xi32>
    %ne3A_646 = arith.cmpi ne, %rem3A_643, %ne3A_645 : vector<16xi32>
    %lt3A_647 = arith.constant 0 : i32
    %lt3A_648 = vector.broadcast %lt3A_647 : i32 to vector<16xi32>
    %lt3A_649 = arith.cmpi slt, %rem3A_643, %lt3A_648 : vector<16xi32>
    %lt3A_650 = arith.constant 0 : i32
    %lt3A_651 = arith.cmpi slt, %select_n3A_641, %lt3A_650 : i32
    %ne3A_652 = vector.broadcast %lt3A_651 : i1 to vector<16xi1>
    %ne3A_653 = vector.broadcast %ne3A_652 : vector<16xi1> to vector<16xi1>
    %ne3A_654 = arith.xori %lt3A_649, %ne3A_653 : vector<16xi1>
    %and3A_655 = arith.andi %ne3A_654, %ne3A_646 : vector<16xi1>
    %add3A_656 = vector.broadcast %select_n3A_641 : i32 to vector<16xi32>
    %add3A_657 = arith.addi %rem3A_643, %add3A_656 : vector<16xi32>
    %select_n3A_658 = arith.select %and3A_655, %add3A_657, %rem3A_643 : vector<16xi1>, vector<16xi32>
    %eq3A_659 = vector.broadcast %arg1 : i32 to vector<16xi32>
    %eq3A_660 = arith.cmpi eq, %select_n3A_658, %eq3A_659 : vector<16xi32>
    %jit3A_661 = arith.constant 16 : i32
    %div3A_662 = vector.broadcast %jit3A_661 : i32 to vector<16xi32>
    %div3A_663 = arith.divsi %add3A_421, %div3A_662 : vector<16xi32>
    %sign3A_664 = arith.constant 0 : i32
    %sign3A_665 = vector.broadcast %sign3A_664 : i32 to vector<16xi32>
    %sign3A_666 = arith.cmpi sgt, %add3A_421, %sign3A_665 : vector<16xi32>
    %sign3A_667 = arith.extui %sign3A_666 : vector<16xi1> to vector<16xi32>
    %sign3A_668 = arith.constant 0 : i32
    %sign3A_669 = vector.broadcast %sign3A_668 : i32 to vector<16xi32>
    %sign3A_670 = arith.cmpi slt, %add3A_421, %sign3A_669 : vector<16xi32>
    %sign3A_671 = arith.extui %sign3A_670 : vector<16xi1> to vector<16xi32>
    %sign3A_672 = arith.subi %sign3A_667, %sign3A_671 : vector<16xi32>
    %sign3A_673 = arith.constant 0 : i32
    %sign3A_674 = arith.cmpi sgt, %jit3A_661, %sign3A_673 : i32
    %sign3A_675 = arith.extui %sign3A_674 : i1 to i32
    %sign3A_676 = arith.constant 0 : i32
    %sign3A_677 = arith.cmpi slt, %jit3A_661, %sign3A_676 : i32
    %sign3A_678 = arith.extui %sign3A_677 : i1 to i32
    %sign3A_679 = arith.subi %sign3A_675, %sign3A_678 : i32
    %ne3A_680 = vector.broadcast %sign3A_679 : i32 to vector<16xi32>
    %ne3A_681 = arith.cmpi ne, %sign3A_672, %ne3A_680 : vector<16xi32>
    %rem3A_682 = vector.broadcast %jit3A_661 : i32 to vector<16xi32>
    %rem3A_683 = arith.remsi %add3A_421, %rem3A_682 : vector<16xi32>
    %ne3A_684 = arith.constant 0 : i32
    %ne3A_685 = vector.broadcast %ne3A_684 : i32 to vector<16xi32>
    %ne3A_686 = arith.cmpi ne, %rem3A_683, %ne3A_685 : vector<16xi32>
    %and3A_687 = arith.andi %ne3A_681, %ne3A_686 : vector<16xi1>
    %sub3A_688 = arith.constant 1 : i32
    %sub3A_689 = vector.broadcast %sub3A_688 : i32 to vector<16xi32>
    %sub3A_690 = arith.subi %div3A_663, %sub3A_689 : vector<16xi32>
    %select_n3A_691 = arith.select %and3A_687, %sub3A_690, %div3A_663 : vector<16xi1>, vector<16xi32>
    %eq3A_692 = arith.constant 0 : i32
    %eq3A_693 = vector.broadcast %eq3A_692 : i32 to vector<16xi32>
    %eq3A_694 = arith.cmpi eq, %select_n3A_691, %eq3A_693 : vector<16xi32>
    %and3A_695 = arith.andi %eq3A_660, %eq3A_694 : vector<16xi1>
    %and3A_696 = arith.andi %eq3A_636, %and3A_695 : vector<16xi1>
    %add3A_697 = arith.constant 48 : i32
    %add3A_698 = vector.broadcast %add3A_697 : i32 to vector<16xi32>
    %add3A_699 = arith.addi %add3A_698, %iota3A : vector<16xi32>
    %jit3A_700 = arith.constant 2147483647 : i32
    %broadcast_in_dim3A_701 = vector.broadcast %jit3A_700 : i32 to vector<16xi32>
    %select_n3A_702 = arith.select %and3A_696, %add3A_699, %broadcast_in_dim3A_701 : vector<16xi1>, vector<16xi32>
    %min3A = arith.minsi %select_n3A_495, %select_n3A_564 : vector<16xi32>
    %min3A_703 = arith.minsi %min3A, %select_n3A_633 : vector<16xi32>
    %min3A_704 = arith.minsi %min3A_703, %select_n3A_702 : vector<16xi32>
    %reduce_min3A = arith.constant true
    %reduce_min3A_705 = vector.broadcast %reduce_min3A : i1 to vector<16xi1>
    %reduce_min3A_706 = arith.constant -2147483648 : i32
    %reduce_min3A_707 = vector.broadcast %reduce_min3A_706 : i32 to vector<16xi32>
    %reduce_min3A_708 = arith.xori %min3A_704, %reduce_min3A_707 : vector<16xi32>
    %reduce_min3A_709 = tpu.scan <min>, %reduce_min3A_708 masked %reduce_min3A_705 : vector<16xi32>, vector<16xi1> -> vector<16xi32>
    %reduce_min3A_710 = arith.xori %reduce_min3A_709, %reduce_min3A_707 : vector<16xi32>
    %reduce_min3A_711 = vector.extract %reduce_min3A_710[15] : i32 from vector<16xi32>
    %eq3A_712 = arith.constant 1 : i32
    %eq3A_713 = vector.broadcast %eq3A_712 : i32 to vector<16xi32>
    %eq3A_714 = arith.cmpi eq, %gather3A, %eq3A_713 : vector<16xi32>
    %jit3A_715 = arith.constant 16 : i32
    %eq3A_716 = arith.constant 0 : i32
    %eq3A_717 = arith.cmpi eq, %jit3A_715, %eq3A_716 : i32
    %jit3A_718 = arith.constant 1 : i32
    %select_n3A_719 = arith.select %eq3A_717, %jit3A_718, %jit3A_715 : i32
    %rem3A_720 = vector.broadcast %select_n3A_719 : i32 to vector<16xi32>
    %rem3A_721 = arith.remsi %add3A_205, %rem3A_720 : vector<16xi32>
    %ne3A_722 = arith.constant 0 : i32
    %ne3A_723 = vector.broadcast %ne3A_722 : i32 to vector<16xi32>
    %ne3A_724 = arith.cmpi ne, %rem3A_721, %ne3A_723 : vector<16xi32>
    %lt3A_725 = arith.constant 0 : i32
    %lt3A_726 = vector.broadcast %lt3A_725 : i32 to vector<16xi32>
    %lt3A_727 = arith.cmpi slt, %rem3A_721, %lt3A_726 : vector<16xi32>
    %lt3A_728 = arith.constant 0 : i32
    %lt3A_729 = arith.cmpi slt, %select_n3A_719, %lt3A_728 : i32
    %ne3A_730 = vector.broadcast %lt3A_729 : i1 to vector<16xi1>
    %ne3A_731 = vector.broadcast %ne3A_730 : vector<16xi1> to vector<16xi1>
    %ne3A_732 = arith.xori %lt3A_727, %ne3A_731 : vector<16xi1>
    %and3A_733 = arith.andi %ne3A_732, %ne3A_724 : vector<16xi1>
    %add3A_734 = vector.broadcast %select_n3A_719 : i32 to vector<16xi32>
    %add3A_735 = arith.addi %rem3A_721, %add3A_734 : vector<16xi32>
    %select_n3A_736 = arith.select %and3A_733, %add3A_735, %rem3A_721 : vector<16xi1>, vector<16xi32>
    %eq3A_737 = vector.broadcast %arg1 : i32 to vector<16xi32>
    %eq3A_738 = arith.cmpi eq, %select_n3A_736, %eq3A_737 : vector<16xi32>
    %jit3A_739 = arith.constant 16 : i32
    %div3A_740 = vector.broadcast %jit3A_739 : i32 to vector<16xi32>
    %div3A_741 = arith.divsi %add3A_205, %div3A_740 : vector<16xi32>
    %sign3A_742 = arith.constant 0 : i32
    %sign3A_743 = vector.broadcast %sign3A_742 : i32 to vector<16xi32>
    %sign3A_744 = arith.cmpi sgt, %add3A_205, %sign3A_743 : vector<16xi32>
    %sign3A_745 = arith.extui %sign3A_744 : vector<16xi1> to vector<16xi32>
    %sign3A_746 = arith.constant 0 : i32
    %sign3A_747 = vector.broadcast %sign3A_746 : i32 to vector<16xi32>
    %sign3A_748 = arith.cmpi slt, %add3A_205, %sign3A_747 : vector<16xi32>
    %sign3A_749 = arith.extui %sign3A_748 : vector<16xi1> to vector<16xi32>
    %sign3A_750 = arith.subi %sign3A_745, %sign3A_749 : vector<16xi32>
    %sign3A_751 = arith.constant 0 : i32
    %sign3A_752 = arith.cmpi sgt, %jit3A_739, %sign3A_751 : i32
    %sign3A_753 = arith.extui %sign3A_752 : i1 to i32
    %sign3A_754 = arith.constant 0 : i32
    %sign3A_755 = arith.cmpi slt, %jit3A_739, %sign3A_754 : i32
    %sign3A_756 = arith.extui %sign3A_755 : i1 to i32
    %sign3A_757 = arith.subi %sign3A_753, %sign3A_756 : i32
    %ne3A_758 = vector.broadcast %sign3A_757 : i32 to vector<16xi32>
    %ne3A_759 = arith.cmpi ne, %sign3A_750, %ne3A_758 : vector<16xi32>
    %rem3A_760 = vector.broadcast %jit3A_739 : i32 to vector<16xi32>
    %rem3A_761 = arith.remsi %add3A_205, %rem3A_760 : vector<16xi32>
    %ne3A_762 = arith.constant 0 : i32
    %ne3A_763 = vector.broadcast %ne3A_762 : i32 to vector<16xi32>
    %ne3A_764 = arith.cmpi ne, %rem3A_761, %ne3A_763 : vector<16xi32>
    %and3A_765 = arith.andi %ne3A_759, %ne3A_764 : vector<16xi1>
    %sub3A_766 = arith.constant 1 : i32
    %sub3A_767 = vector.broadcast %sub3A_766 : i32 to vector<16xi32>
    %sub3A_768 = arith.subi %div3A_741, %sub3A_767 : vector<16xi32>
    %select_n3A_769 = arith.select %and3A_765, %sub3A_768, %div3A_741 : vector<16xi1>, vector<16xi32>
    %eq3A_770 = arith.constant 1 : i32
    %eq3A_771 = vector.broadcast %eq3A_770 : i32 to vector<16xi32>
    %eq3A_772 = arith.cmpi eq, %select_n3A_769, %eq3A_771 : vector<16xi32>
    %and3A_773 = arith.andi %eq3A_738, %eq3A_772 : vector<16xi1>
    %and3A_774 = arith.andi %eq3A_714, %and3A_773 : vector<16xi1>
    %add3A_775 = arith.constant 0 : i32
    %add3A_776 = vector.broadcast %add3A_775 : i32 to vector<16xi32>
    %add3A_777 = arith.addi %add3A_776, %iota3A : vector<16xi32>
    %jit3A_778 = arith.constant 2147483647 : i32
    %broadcast_in_dim3A_779 = vector.broadcast %jit3A_778 : i32 to vector<16xi32>
    %select_n3A_780 = arith.select %and3A_774, %add3A_777, %broadcast_in_dim3A_779 : vector<16xi1>, vector<16xi32>
    %eq3A_781 = arith.constant 1 : i32
    %eq3A_782 = vector.broadcast %eq3A_781 : i32 to vector<16xi32>
    %eq3A_783 = arith.cmpi eq, %gather3A_271, %eq3A_782 : vector<16xi32>
    %jit3A_784 = arith.constant 16 : i32
    %eq3A_785 = arith.constant 0 : i32
    %eq3A_786 = arith.cmpi eq, %jit3A_784, %eq3A_785 : i32
    %jit3A_787 = arith.constant 1 : i32
    %select_n3A_788 = arith.select %eq3A_786, %jit3A_787, %jit3A_784 : i32
    %rem3A_789 = vector.broadcast %select_n3A_788 : i32 to vector<16xi32>
    %rem3A_790 = arith.remsi %add3A_277, %rem3A_789 : vector<16xi32>
    %ne3A_791 = arith.constant 0 : i32
    %ne3A_792 = vector.broadcast %ne3A_791 : i32 to vector<16xi32>
    %ne3A_793 = arith.cmpi ne, %rem3A_790, %ne3A_792 : vector<16xi32>
    %lt3A_794 = arith.constant 0 : i32
    %lt3A_795 = vector.broadcast %lt3A_794 : i32 to vector<16xi32>
    %lt3A_796 = arith.cmpi slt, %rem3A_790, %lt3A_795 : vector<16xi32>
    %lt3A_797 = arith.constant 0 : i32
    %lt3A_798 = arith.cmpi slt, %select_n3A_788, %lt3A_797 : i32
    %ne3A_799 = vector.broadcast %lt3A_798 : i1 to vector<16xi1>
    %ne3A_800 = vector.broadcast %ne3A_799 : vector<16xi1> to vector<16xi1>
    %ne3A_801 = arith.xori %lt3A_796, %ne3A_800 : vector<16xi1>
    %and3A_802 = arith.andi %ne3A_801, %ne3A_793 : vector<16xi1>
    %add3A_803 = vector.broadcast %select_n3A_788 : i32 to vector<16xi32>
    %add3A_804 = arith.addi %rem3A_790, %add3A_803 : vector<16xi32>
    %select_n3A_805 = arith.select %and3A_802, %add3A_804, %rem3A_790 : vector<16xi1>, vector<16xi32>
    %eq3A_806 = vector.broadcast %arg1 : i32 to vector<16xi32>
    %eq3A_807 = arith.cmpi eq, %select_n3A_805, %eq3A_806 : vector<16xi32>
    %jit3A_808 = arith.constant 16 : i32
    %div3A_809 = vector.broadcast %jit3A_808 : i32 to vector<16xi32>
    %div3A_810 = arith.divsi %add3A_277, %div3A_809 : vector<16xi32>
    %sign3A_811 = arith.constant 0 : i32
    %sign3A_812 = vector.broadcast %sign3A_811 : i32 to vector<16xi32>
    %sign3A_813 = arith.cmpi sgt, %add3A_277, %sign3A_812 : vector<16xi32>
    %sign3A_814 = arith.extui %sign3A_813 : vector<16xi1> to vector<16xi32>
    %sign3A_815 = arith.constant 0 : i32
    %sign3A_816 = vector.broadcast %sign3A_815 : i32 to vector<16xi32>
    %sign3A_817 = arith.cmpi slt, %add3A_277, %sign3A_816 : vector<16xi32>
    %sign3A_818 = arith.extui %sign3A_817 : vector<16xi1> to vector<16xi32>
    %sign3A_819 = arith.subi %sign3A_814, %sign3A_818 : vector<16xi32>
    %sign3A_820 = arith.constant 0 : i32
    %sign3A_821 = arith.cmpi sgt, %jit3A_808, %sign3A_820 : i32
    %sign3A_822 = arith.extui %sign3A_821 : i1 to i32
    %sign3A_823 = arith.constant 0 : i32
    %sign3A_824 = arith.cmpi slt, %jit3A_808, %sign3A_823 : i32
    %sign3A_825 = arith.extui %sign3A_824 : i1 to i32
    %sign3A_826 = arith.subi %sign3A_822, %sign3A_825 : i32
    %ne3A_827 = vector.broadcast %sign3A_826 : i32 to vector<16xi32>
    %ne3A_828 = arith.cmpi ne, %sign3A_819, %ne3A_827 : vector<16xi32>
    %rem3A_829 = vector.broadcast %jit3A_808 : i32 to vector<16xi32>
    %rem3A_830 = arith.remsi %add3A_277, %rem3A_829 : vector<16xi32>
    %ne3A_831 = arith.constant 0 : i32
    %ne3A_832 = vector.broadcast %ne3A_831 : i32 to vector<16xi32>
    %ne3A_833 = arith.cmpi ne, %rem3A_830, %ne3A_832 : vector<16xi32>
    %and3A_834 = arith.andi %ne3A_828, %ne3A_833 : vector<16xi1>
    %sub3A_835 = arith.constant 1 : i32
    %sub3A_836 = vector.broadcast %sub3A_835 : i32 to vector<16xi32>
    %sub3A_837 = arith.subi %div3A_810, %sub3A_836 : vector<16xi32>
    %select_n3A_838 = arith.select %and3A_834, %sub3A_837, %div3A_810 : vector<16xi1>, vector<16xi32>
    %eq3A_839 = arith.constant 1 : i32
    %eq3A_840 = vector.broadcast %eq3A_839 : i32 to vector<16xi32>
    %eq3A_841 = arith.cmpi eq, %select_n3A_838, %eq3A_840 : vector<16xi32>
    %and3A_842 = arith.andi %eq3A_807, %eq3A_841 : vector<16xi1>
    %and3A_843 = arith.andi %eq3A_783, %and3A_842 : vector<16xi1>
    %add3A_844 = arith.constant 16 : i32
    %add3A_845 = vector.broadcast %add3A_844 : i32 to vector<16xi32>
    %add3A_846 = arith.addi %add3A_845, %iota3A : vector<16xi32>
    %jit3A_847 = arith.constant 2147483647 : i32
    %broadcast_in_dim3A_848 = vector.broadcast %jit3A_847 : i32 to vector<16xi32>
    %select_n3A_849 = arith.select %and3A_843, %add3A_846, %broadcast_in_dim3A_848 : vector<16xi1>, vector<16xi32>
    %eq3A_850 = arith.constant 1 : i32
    %eq3A_851 = vector.broadcast %eq3A_850 : i32 to vector<16xi32>
    %eq3A_852 = arith.cmpi eq, %gather3A_343, %eq3A_851 : vector<16xi32>
    %jit3A_853 = arith.constant 16 : i32
    %eq3A_854 = arith.constant 0 : i32
    %eq3A_855 = arith.cmpi eq, %jit3A_853, %eq3A_854 : i32
    %jit3A_856 = arith.constant 1 : i32
    %select_n3A_857 = arith.select %eq3A_855, %jit3A_856, %jit3A_853 : i32
    %rem3A_858 = vector.broadcast %select_n3A_857 : i32 to vector<16xi32>
    %rem3A_859 = arith.remsi %add3A_349, %rem3A_858 : vector<16xi32>
    %ne3A_860 = arith.constant 0 : i32
    %ne3A_861 = vector.broadcast %ne3A_860 : i32 to vector<16xi32>
    %ne3A_862 = arith.cmpi ne, %rem3A_859, %ne3A_861 : vector<16xi32>
    %lt3A_863 = arith.constant 0 : i32
    %lt3A_864 = vector.broadcast %lt3A_863 : i32 to vector<16xi32>
    %lt3A_865 = arith.cmpi slt, %rem3A_859, %lt3A_864 : vector<16xi32>
    %lt3A_866 = arith.constant 0 : i32
    %lt3A_867 = arith.cmpi slt, %select_n3A_857, %lt3A_866 : i32
    %ne3A_868 = vector.broadcast %lt3A_867 : i1 to vector<16xi1>
    %ne3A_869 = vector.broadcast %ne3A_868 : vector<16xi1> to vector<16xi1>
    %ne3A_870 = arith.xori %lt3A_865, %ne3A_869 : vector<16xi1>
    %and3A_871 = arith.andi %ne3A_870, %ne3A_862 : vector<16xi1>
    %add3A_872 = vector.broadcast %select_n3A_857 : i32 to vector<16xi32>
    %add3A_873 = arith.addi %rem3A_859, %add3A_872 : vector<16xi32>
    %select_n3A_874 = arith.select %and3A_871, %add3A_873, %rem3A_859 : vector<16xi1>, vector<16xi32>
    %eq3A_875 = vector.broadcast %arg1 : i32 to vector<16xi32>
    %eq3A_876 = arith.cmpi eq, %select_n3A_874, %eq3A_875 : vector<16xi32>
    %jit3A_877 = arith.constant 16 : i32
    %div3A_878 = vector.broadcast %jit3A_877 : i32 to vector<16xi32>
    %div3A_879 = arith.divsi %add3A_349, %div3A_878 : vector<16xi32>
    %sign3A_880 = arith.constant 0 : i32
    %sign3A_881 = vector.broadcast %sign3A_880 : i32 to vector<16xi32>
    %sign3A_882 = arith.cmpi sgt, %add3A_349, %sign3A_881 : vector<16xi32>
    %sign3A_883 = arith.extui %sign3A_882 : vector<16xi1> to vector<16xi32>
    %sign3A_884 = arith.constant 0 : i32
    %sign3A_885 = vector.broadcast %sign3A_884 : i32 to vector<16xi32>
    %sign3A_886 = arith.cmpi slt, %add3A_349, %sign3A_885 : vector<16xi32>
    %sign3A_887 = arith.extui %sign3A_886 : vector<16xi1> to vector<16xi32>
    %sign3A_888 = arith.subi %sign3A_883, %sign3A_887 : vector<16xi32>
    %sign3A_889 = arith.constant 0 : i32
    %sign3A_890 = arith.cmpi sgt, %jit3A_877, %sign3A_889 : i32
    %sign3A_891 = arith.extui %sign3A_890 : i1 to i32
    %sign3A_892 = arith.constant 0 : i32
    %sign3A_893 = arith.cmpi slt, %jit3A_877, %sign3A_892 : i32
    %sign3A_894 = arith.extui %sign3A_893 : i1 to i32
    %sign3A_895 = arith.subi %sign3A_891, %sign3A_894 : i32
    %ne3A_896 = vector.broadcast %sign3A_895 : i32 to vector<16xi32>
    %ne3A_897 = arith.cmpi ne, %sign3A_888, %ne3A_896 : vector<16xi32>
    %rem3A_898 = vector.broadcast %jit3A_877 : i32 to vector<16xi32>
    %rem3A_899 = arith.remsi %add3A_349, %rem3A_898 : vector<16xi32>
    %ne3A_900 = arith.constant 0 : i32
    %ne3A_901 = vector.broadcast %ne3A_900 : i32 to vector<16xi32>
    %ne3A_902 = arith.cmpi ne, %rem3A_899, %ne3A_901 : vector<16xi32>
    %and3A_903 = arith.andi %ne3A_897, %ne3A_902 : vector<16xi1>
    %sub3A_904 = arith.constant 1 : i32
    %sub3A_905 = vector.broadcast %sub3A_904 : i32 to vector<16xi32>
    %sub3A_906 = arith.subi %div3A_879, %sub3A_905 : vector<16xi32>
    %select_n3A_907 = arith.select %and3A_903, %sub3A_906, %div3A_879 : vector<16xi1>, vector<16xi32>
    %eq3A_908 = arith.constant 1 : i32
    %eq3A_909 = vector.broadcast %eq3A_908 : i32 to vector<16xi32>
    %eq3A_910 = arith.cmpi eq, %select_n3A_907, %eq3A_909 : vector<16xi32>
    %and3A_911 = arith.andi %eq3A_876, %eq3A_910 : vector<16xi1>
    %and3A_912 = arith.andi %eq3A_852, %and3A_911 : vector<16xi1>
    %add3A_913 = arith.constant 32 : i32
    %add3A_914 = vector.broadcast %add3A_913 : i32 to vector<16xi32>
    %add3A_915 = arith.addi %add3A_914, %iota3A : vector<16xi32>
    %jit3A_916 = arith.constant 2147483647 : i32
    %broadcast_in_dim3A_917 = vector.broadcast %jit3A_916 : i32 to vector<16xi32>
    %select_n3A_918 = arith.select %and3A_912, %add3A_915, %broadcast_in_dim3A_917 : vector<16xi1>, vector<16xi32>
    %eq3A_919 = arith.constant 1 : i32
    %eq3A_920 = vector.broadcast %eq3A_919 : i32 to vector<16xi32>
    %eq3A_921 = arith.cmpi eq, %gather3A_415, %eq3A_920 : vector<16xi32>
    %jit3A_922 = arith.constant 16 : i32
    %eq3A_923 = arith.constant 0 : i32
    %eq3A_924 = arith.cmpi eq, %jit3A_922, %eq3A_923 : i32
    %jit3A_925 = arith.constant 1 : i32
    %select_n3A_926 = arith.select %eq3A_924, %jit3A_925, %jit3A_922 : i32
    %rem3A_927 = vector.broadcast %select_n3A_926 : i32 to vector<16xi32>
    %rem3A_928 = arith.remsi %add3A_421, %rem3A_927 : vector<16xi32>
    %ne3A_929 = arith.constant 0 : i32
    %ne3A_930 = vector.broadcast %ne3A_929 : i32 to vector<16xi32>
    %ne3A_931 = arith.cmpi ne, %rem3A_928, %ne3A_930 : vector<16xi32>
    %lt3A_932 = arith.constant 0 : i32
    %lt3A_933 = vector.broadcast %lt3A_932 : i32 to vector<16xi32>
    %lt3A_934 = arith.cmpi slt, %rem3A_928, %lt3A_933 : vector<16xi32>
    %lt3A_935 = arith.constant 0 : i32
    %lt3A_936 = arith.cmpi slt, %select_n3A_926, %lt3A_935 : i32
    %ne3A_937 = vector.broadcast %lt3A_936 : i1 to vector<16xi1>
    %ne3A_938 = vector.broadcast %ne3A_937 : vector<16xi1> to vector<16xi1>
    %ne3A_939 = arith.xori %lt3A_934, %ne3A_938 : vector<16xi1>
    %and3A_940 = arith.andi %ne3A_939, %ne3A_931 : vector<16xi1>
    %add3A_941 = vector.broadcast %select_n3A_926 : i32 to vector<16xi32>
    %add3A_942 = arith.addi %rem3A_928, %add3A_941 : vector<16xi32>
    %select_n3A_943 = arith.select %and3A_940, %add3A_942, %rem3A_928 : vector<16xi1>, vector<16xi32>
    %eq3A_944 = vector.broadcast %arg1 : i32 to vector<16xi32>
    %eq3A_945 = arith.cmpi eq, %select_n3A_943, %eq3A_944 : vector<16xi32>
    %jit3A_946 = arith.constant 16 : i32
    %div3A_947 = vector.broadcast %jit3A_946 : i32 to vector<16xi32>
    %div3A_948 = arith.divsi %add3A_421, %div3A_947 : vector<16xi32>
    %sign3A_949 = arith.constant 0 : i32
    %sign3A_950 = vector.broadcast %sign3A_949 : i32 to vector<16xi32>
    %sign3A_951 = arith.cmpi sgt, %add3A_421, %sign3A_950 : vector<16xi32>
    %sign3A_952 = arith.extui %sign3A_951 : vector<16xi1> to vector<16xi32>
    %sign3A_953 = arith.constant 0 : i32
    %sign3A_954 = vector.broadcast %sign3A_953 : i32 to vector<16xi32>
    %sign3A_955 = arith.cmpi slt, %add3A_421, %sign3A_954 : vector<16xi32>
    %sign3A_956 = arith.extui %sign3A_955 : vector<16xi1> to vector<16xi32>
    %sign3A_957 = arith.subi %sign3A_952, %sign3A_956 : vector<16xi32>
    %sign3A_958 = arith.constant 0 : i32
    %sign3A_959 = arith.cmpi sgt, %jit3A_946, %sign3A_958 : i32
    %sign3A_960 = arith.extui %sign3A_959 : i1 to i32
    %sign3A_961 = arith.constant 0 : i32
    %sign3A_962 = arith.cmpi slt, %jit3A_946, %sign3A_961 : i32
    %sign3A_963 = arith.extui %sign3A_962 : i1 to i32
    %sign3A_964 = arith.subi %sign3A_960, %sign3A_963 : i32
    %ne3A_965 = vector.broadcast %sign3A_964 : i32 to vector<16xi32>
    %ne3A_966 = arith.cmpi ne, %sign3A_957, %ne3A_965 : vector<16xi32>
    %rem3A_967 = vector.broadcast %jit3A_946 : i32 to vector<16xi32>
    %rem3A_968 = arith.remsi %add3A_421, %rem3A_967 : vector<16xi32>
    %ne3A_969 = arith.constant 0 : i32
    %ne3A_970 = vector.broadcast %ne3A_969 : i32 to vector<16xi32>
    %ne3A_971 = arith.cmpi ne, %rem3A_968, %ne3A_970 : vector<16xi32>
    %and3A_972 = arith.andi %ne3A_966, %ne3A_971 : vector<16xi1>
    %sub3A_973 = arith.constant 1 : i32
    %sub3A_974 = vector.broadcast %sub3A_973 : i32 to vector<16xi32>
    %sub3A_975 = arith.subi %div3A_948, %sub3A_974 : vector<16xi32>
    %select_n3A_976 = arith.select %and3A_972, %sub3A_975, %div3A_948 : vector<16xi1>, vector<16xi32>
    %eq3A_977 = arith.constant 1 : i32
    %eq3A_978 = vector.broadcast %eq3A_977 : i32 to vector<16xi32>
    %eq3A_979 = arith.cmpi eq, %select_n3A_976, %eq3A_978 : vector<16xi32>
    %and3A_980 = arith.andi %eq3A_945, %eq3A_979 : vector<16xi1>
    %and3A_981 = arith.andi %eq3A_921, %and3A_980 : vector<16xi1>
    %add3A_982 = arith.constant 48 : i32
    %add3A_983 = vector.broadcast %add3A_982 : i32 to vector<16xi32>
    %add3A_984 = arith.addi %add3A_983, %iota3A : vector<16xi32>
    %jit3A_985 = arith.constant 2147483647 : i32
    %broadcast_in_dim3A_986 = vector.broadcast %jit3A_985 : i32 to vector<16xi32>
    %select_n3A_987 = arith.select %and3A_981, %add3A_984, %broadcast_in_dim3A_986 : vector<16xi1>, vector<16xi32>
    %min3A_988 = arith.minsi %select_n3A_780, %select_n3A_849 : vector<16xi32>
    %min3A_989 = arith.minsi %min3A_988, %select_n3A_918 : vector<16xi32>
    %min3A_990 = arith.minsi %min3A_989, %select_n3A_987 : vector<16xi32>
    %reduce_min3A_991 = arith.constant true
    %reduce_min3A_992 = vector.broadcast %reduce_min3A_991 : i1 to vector<16xi1>
    %reduce_min3A_993 = arith.constant -2147483648 : i32
    %reduce_min3A_994 = vector.broadcast %reduce_min3A_993 : i32 to vector<16xi32>
    %reduce_min3A_995 = arith.xori %min3A_990, %reduce_min3A_994 : vector<16xi32>
    %reduce_min3A_996 = tpu.scan <min>, %reduce_min3A_995 masked %reduce_min3A_992 : vector<16xi32>, vector<16xi1> -> vector<16xi32>
    %reduce_min3A_997 = arith.xori %reduce_min3A_996, %reduce_min3A_994 : vector<16xi32>
    %reduce_min3A_998 = vector.extract %reduce_min3A_997[15] : i32 from vector<16xi32>
    %eq3A_999 = arith.constant 1 : i32
    %eq3A_1000 = vector.broadcast %eq3A_999 : i32 to vector<16xi32>
    %eq3A_1001 = arith.cmpi eq, %gather3A, %eq3A_1000 : vector<16xi32>
    %jit3A_1002 = arith.constant 16 : i32
    %eq3A_1003 = arith.constant 0 : i32
    %eq3A_1004 = arith.cmpi eq, %jit3A_1002, %eq3A_1003 : i32
    %jit3A_1005 = arith.constant 1 : i32
    %select_n3A_1006 = arith.select %eq3A_1004, %jit3A_1005, %jit3A_1002 : i32
    %rem3A_1007 = vector.broadcast %select_n3A_1006 : i32 to vector<16xi32>
    %rem3A_1008 = arith.remsi %add3A_205, %rem3A_1007 : vector<16xi32>
    %ne3A_1009 = arith.constant 0 : i32
    %ne3A_1010 = vector.broadcast %ne3A_1009 : i32 to vector<16xi32>
    %ne3A_1011 = arith.cmpi ne, %rem3A_1008, %ne3A_1010 : vector<16xi32>
    %lt3A_1012 = arith.constant 0 : i32
    %lt3A_1013 = vector.broadcast %lt3A_1012 : i32 to vector<16xi32>
    %lt3A_1014 = arith.cmpi slt, %rem3A_1008, %lt3A_1013 : vector<16xi32>
    %lt3A_1015 = arith.constant 0 : i32
    %lt3A_1016 = arith.cmpi slt, %select_n3A_1006, %lt3A_1015 : i32
    %ne3A_1017 = vector.broadcast %lt3A_1016 : i1 to vector<16xi1>
    %ne3A_1018 = vector.broadcast %ne3A_1017 : vector<16xi1> to vector<16xi1>
    %ne3A_1019 = arith.xori %lt3A_1014, %ne3A_1018 : vector<16xi1>
    %and3A_1020 = arith.andi %ne3A_1019, %ne3A_1011 : vector<16xi1>
    %add3A_1021 = vector.broadcast %select_n3A_1006 : i32 to vector<16xi32>
    %add3A_1022 = arith.addi %rem3A_1008, %add3A_1021 : vector<16xi32>
    %select_n3A_1023 = arith.select %and3A_1020, %add3A_1022, %rem3A_1008 : vector<16xi1>, vector<16xi32>
    %eq3A_1024 = vector.broadcast %arg1 : i32 to vector<16xi32>
    %eq3A_1025 = arith.cmpi eq, %select_n3A_1023, %eq3A_1024 : vector<16xi32>
    %jit3A_1026 = arith.constant 16 : i32
    %div3A_1027 = vector.broadcast %jit3A_1026 : i32 to vector<16xi32>
    %div3A_1028 = arith.divsi %add3A_205, %div3A_1027 : vector<16xi32>
    %sign3A_1029 = arith.constant 0 : i32
    %sign3A_1030 = vector.broadcast %sign3A_1029 : i32 to vector<16xi32>
    %sign3A_1031 = arith.cmpi sgt, %add3A_205, %sign3A_1030 : vector<16xi32>
    %sign3A_1032 = arith.extui %sign3A_1031 : vector<16xi1> to vector<16xi32>
    %sign3A_1033 = arith.constant 0 : i32
    %sign3A_1034 = vector.broadcast %sign3A_1033 : i32 to vector<16xi32>
    %sign3A_1035 = arith.cmpi slt, %add3A_205, %sign3A_1034 : vector<16xi32>
    %sign3A_1036 = arith.extui %sign3A_1035 : vector<16xi1> to vector<16xi32>
    %sign3A_1037 = arith.subi %sign3A_1032, %sign3A_1036 : vector<16xi32>
    %sign3A_1038 = arith.constant 0 : i32
    %sign3A_1039 = arith.cmpi sgt, %jit3A_1026, %sign3A_1038 : i32
    %sign3A_1040 = arith.extui %sign3A_1039 : i1 to i32
    %sign3A_1041 = arith.constant 0 : i32
    %sign3A_1042 = arith.cmpi slt, %jit3A_1026, %sign3A_1041 : i32
    %sign3A_1043 = arith.extui %sign3A_1042 : i1 to i32
    %sign3A_1044 = arith.subi %sign3A_1040, %sign3A_1043 : i32
    %ne3A_1045 = vector.broadcast %sign3A_1044 : i32 to vector<16xi32>
    %ne3A_1046 = arith.cmpi ne, %sign3A_1037, %ne3A_1045 : vector<16xi32>
    %rem3A_1047 = vector.broadcast %jit3A_1026 : i32 to vector<16xi32>
    %rem3A_1048 = arith.remsi %add3A_205, %rem3A_1047 : vector<16xi32>
    %ne3A_1049 = arith.constant 0 : i32
    %ne3A_1050 = vector.broadcast %ne3A_1049 : i32 to vector<16xi32>
    %ne3A_1051 = arith.cmpi ne, %rem3A_1048, %ne3A_1050 : vector<16xi32>
    %and3A_1052 = arith.andi %ne3A_1046, %ne3A_1051 : vector<16xi1>
    %sub3A_1053 = arith.constant 1 : i32
    %sub3A_1054 = vector.broadcast %sub3A_1053 : i32 to vector<16xi32>
    %sub3A_1055 = arith.subi %div3A_1028, %sub3A_1054 : vector<16xi32>
    %select_n3A_1056 = arith.select %and3A_1052, %sub3A_1055, %div3A_1028 : vector<16xi1>, vector<16xi32>
    %eq3A_1057 = arith.constant 2 : i32
    %eq3A_1058 = vector.broadcast %eq3A_1057 : i32 to vector<16xi32>
    %eq3A_1059 = arith.cmpi eq, %select_n3A_1056, %eq3A_1058 : vector<16xi32>
    %and3A_1060 = arith.andi %eq3A_1025, %eq3A_1059 : vector<16xi1>
    %and3A_1061 = arith.andi %eq3A_1001, %and3A_1060 : vector<16xi1>
    %add3A_1062 = arith.constant 0 : i32
    %add3A_1063 = vector.broadcast %add3A_1062 : i32 to vector<16xi32>
    %add3A_1064 = arith.addi %add3A_1063, %iota3A : vector<16xi32>
    %jit3A_1065 = arith.constant 2147483647 : i32
    %broadcast_in_dim3A_1066 = vector.broadcast %jit3A_1065 : i32 to vector<16xi32>
    %select_n3A_1067 = arith.select %and3A_1061, %add3A_1064, %broadcast_in_dim3A_1066 : vector<16xi1>, vector<16xi32>
    %eq3A_1068 = arith.constant 1 : i32
    %eq3A_1069 = vector.broadcast %eq3A_1068 : i32 to vector<16xi32>
    %eq3A_1070 = arith.cmpi eq, %gather3A_271, %eq3A_1069 : vector<16xi32>
    %jit3A_1071 = arith.constant 16 : i32
    %eq3A_1072 = arith.constant 0 : i32
    %eq3A_1073 = arith.cmpi eq, %jit3A_1071, %eq3A_1072 : i32
    %jit3A_1074 = arith.constant 1 : i32
    %select_n3A_1075 = arith.select %eq3A_1073, %jit3A_1074, %jit3A_1071 : i32
    %rem3A_1076 = vector.broadcast %select_n3A_1075 : i32 to vector<16xi32>
    %rem3A_1077 = arith.remsi %add3A_277, %rem3A_1076 : vector<16xi32>
    %ne3A_1078 = arith.constant 0 : i32
    %ne3A_1079 = vector.broadcast %ne3A_1078 : i32 to vector<16xi32>
    %ne3A_1080 = arith.cmpi ne, %rem3A_1077, %ne3A_1079 : vector<16xi32>
    %lt3A_1081 = arith.constant 0 : i32
    %lt3A_1082 = vector.broadcast %lt3A_1081 : i32 to vector<16xi32>
    %lt3A_1083 = arith.cmpi slt, %rem3A_1077, %lt3A_1082 : vector<16xi32>
    %lt3A_1084 = arith.constant 0 : i32
    %lt3A_1085 = arith.cmpi slt, %select_n3A_1075, %lt3A_1084 : i32
    %ne3A_1086 = vector.broadcast %lt3A_1085 : i1 to vector<16xi1>
    %ne3A_1087 = vector.broadcast %ne3A_1086 : vector<16xi1> to vector<16xi1>
    %ne3A_1088 = arith.xori %lt3A_1083, %ne3A_1087 : vector<16xi1>
    %and3A_1089 = arith.andi %ne3A_1088, %ne3A_1080 : vector<16xi1>
    %add3A_1090 = vector.broadcast %select_n3A_1075 : i32 to vector<16xi32>
    %add3A_1091 = arith.addi %rem3A_1077, %add3A_1090 : vector<16xi32>
    %select_n3A_1092 = arith.select %and3A_1089, %add3A_1091, %rem3A_1077 : vector<16xi1>, vector<16xi32>
    %eq3A_1093 = vector.broadcast %arg1 : i32 to vector<16xi32>
    %eq3A_1094 = arith.cmpi eq, %select_n3A_1092, %eq3A_1093 : vector<16xi32>
    %jit3A_1095 = arith.constant 16 : i32
    %div3A_1096 = vector.broadcast %jit3A_1095 : i32 to vector<16xi32>
    %div3A_1097 = arith.divsi %add3A_277, %div3A_1096 : vector<16xi32>
    %sign3A_1098 = arith.constant 0 : i32
    %sign3A_1099 = vector.broadcast %sign3A_1098 : i32 to vector<16xi32>
    %sign3A_1100 = arith.cmpi sgt, %add3A_277, %sign3A_1099 : vector<16xi32>
    %sign3A_1101 = arith.extui %sign3A_1100 : vector<16xi1> to vector<16xi32>
    %sign3A_1102 = arith.constant 0 : i32
    %sign3A_1103 = vector.broadcast %sign3A_1102 : i32 to vector<16xi32>
    %sign3A_1104 = arith.cmpi slt, %add3A_277, %sign3A_1103 : vector<16xi32>
    %sign3A_1105 = arith.extui %sign3A_1104 : vector<16xi1> to vector<16xi32>
    %sign3A_1106 = arith.subi %sign3A_1101, %sign3A_1105 : vector<16xi32>
    %sign3A_1107 = arith.constant 0 : i32
    %sign3A_1108 = arith.cmpi sgt, %jit3A_1095, %sign3A_1107 : i32
    %sign3A_1109 = arith.extui %sign3A_1108 : i1 to i32
    %sign3A_1110 = arith.constant 0 : i32
    %sign3A_1111 = arith.cmpi slt, %jit3A_1095, %sign3A_1110 : i32
    %sign3A_1112 = arith.extui %sign3A_1111 : i1 to i32
    %sign3A_1113 = arith.subi %sign3A_1109, %sign3A_1112 : i32
    %ne3A_1114 = vector.broadcast %sign3A_1113 : i32 to vector<16xi32>
    %ne3A_1115 = arith.cmpi ne, %sign3A_1106, %ne3A_1114 : vector<16xi32>
    %rem3A_1116 = vector.broadcast %jit3A_1095 : i32 to vector<16xi32>
    %rem3A_1117 = arith.remsi %add3A_277, %rem3A_1116 : vector<16xi32>
    %ne3A_1118 = arith.constant 0 : i32
    %ne3A_1119 = vector.broadcast %ne3A_1118 : i32 to vector<16xi32>
    %ne3A_1120 = arith.cmpi ne, %rem3A_1117, %ne3A_1119 : vector<16xi32>
    %and3A_1121 = arith.andi %ne3A_1115, %ne3A_1120 : vector<16xi1>
    %sub3A_1122 = arith.constant 1 : i32
    %sub3A_1123 = vector.broadcast %sub3A_1122 : i32 to vector<16xi32>
    %sub3A_1124 = arith.subi %div3A_1097, %sub3A_1123 : vector<16xi32>
    %select_n3A_1125 = arith.select %and3A_1121, %sub3A_1124, %div3A_1097 : vector<16xi1>, vector<16xi32>
    %eq3A_1126 = arith.constant 2 : i32
    %eq3A_1127 = vector.broadcast %eq3A_1126 : i32 to vector<16xi32>
    %eq3A_1128 = arith.cmpi eq, %select_n3A_1125, %eq3A_1127 : vector<16xi32>
    %and3A_1129 = arith.andi %eq3A_1094, %eq3A_1128 : vector<16xi1>
    %and3A_1130 = arith.andi %eq3A_1070, %and3A_1129 : vector<16xi1>
    %add3A_1131 = arith.constant 16 : i32
    %add3A_1132 = vector.broadcast %add3A_1131 : i32 to vector<16xi32>
    %add3A_1133 = arith.addi %add3A_1132, %iota3A : vector<16xi32>
    %jit3A_1134 = arith.constant 2147483647 : i32
    %broadcast_in_dim3A_1135 = vector.broadcast %jit3A_1134 : i32 to vector<16xi32>
    %select_n3A_1136 = arith.select %and3A_1130, %add3A_1133, %broadcast_in_dim3A_1135 : vector<16xi1>, vector<16xi32>
    %eq3A_1137 = arith.constant 1 : i32
    %eq3A_1138 = vector.broadcast %eq3A_1137 : i32 to vector<16xi32>
    %eq3A_1139 = arith.cmpi eq, %gather3A_343, %eq3A_1138 : vector<16xi32>
    %jit3A_1140 = arith.constant 16 : i32
    %eq3A_1141 = arith.constant 0 : i32
    %eq3A_1142 = arith.cmpi eq, %jit3A_1140, %eq3A_1141 : i32
    %jit3A_1143 = arith.constant 1 : i32
    %select_n3A_1144 = arith.select %eq3A_1142, %jit3A_1143, %jit3A_1140 : i32
    %rem3A_1145 = vector.broadcast %select_n3A_1144 : i32 to vector<16xi32>
    %rem3A_1146 = arith.remsi %add3A_349, %rem3A_1145 : vector<16xi32>
    %ne3A_1147 = arith.constant 0 : i32
    %ne3A_1148 = vector.broadcast %ne3A_1147 : i32 to vector<16xi32>
    %ne3A_1149 = arith.cmpi ne, %rem3A_1146, %ne3A_1148 : vector<16xi32>
    %lt3A_1150 = arith.constant 0 : i32
    %lt3A_1151 = vector.broadcast %lt3A_1150 : i32 to vector<16xi32>
    %lt3A_1152 = arith.cmpi slt, %rem3A_1146, %lt3A_1151 : vector<16xi32>
    %lt3A_1153 = arith.constant 0 : i32
    %lt3A_1154 = arith.cmpi slt, %select_n3A_1144, %lt3A_1153 : i32
    %ne3A_1155 = vector.broadcast %lt3A_1154 : i1 to vector<16xi1>
    %ne3A_1156 = vector.broadcast %ne3A_1155 : vector<16xi1> to vector<16xi1>
    %ne3A_1157 = arith.xori %lt3A_1152, %ne3A_1156 : vector<16xi1>
    %and3A_1158 = arith.andi %ne3A_1157, %ne3A_1149 : vector<16xi1>
    %add3A_1159 = vector.broadcast %select_n3A_1144 : i32 to vector<16xi32>
    %add3A_1160 = arith.addi %rem3A_1146, %add3A_1159 : vector<16xi32>
    %select_n3A_1161 = arith.select %and3A_1158, %add3A_1160, %rem3A_1146 : vector<16xi1>, vector<16xi32>
    %eq3A_1162 = vector.broadcast %arg1 : i32 to vector<16xi32>
    %eq3A_1163 = arith.cmpi eq, %select_n3A_1161, %eq3A_1162 : vector<16xi32>
    %jit3A_1164 = arith.constant 16 : i32
    %div3A_1165 = vector.broadcast %jit3A_1164 : i32 to vector<16xi32>
    %div3A_1166 = arith.divsi %add3A_349, %div3A_1165 : vector<16xi32>
    %sign3A_1167 = arith.constant 0 : i32
    %sign3A_1168 = vector.broadcast %sign3A_1167 : i32 to vector<16xi32>
    %sign3A_1169 = arith.cmpi sgt, %add3A_349, %sign3A_1168 : vector<16xi32>
    %sign3A_1170 = arith.extui %sign3A_1169 : vector<16xi1> to vector<16xi32>
    %sign3A_1171 = arith.constant 0 : i32
    %sign3A_1172 = vector.broadcast %sign3A_1171 : i32 to vector<16xi32>
    %sign3A_1173 = arith.cmpi slt, %add3A_349, %sign3A_1172 : vector<16xi32>
    %sign3A_1174 = arith.extui %sign3A_1173 : vector<16xi1> to vector<16xi32>
    %sign3A_1175 = arith.subi %sign3A_1170, %sign3A_1174 : vector<16xi32>
    %sign3A_1176 = arith.constant 0 : i32
    %sign3A_1177 = arith.cmpi sgt, %jit3A_1164, %sign3A_1176 : i32
    %sign3A_1178 = arith.extui %sign3A_1177 : i1 to i32
    %sign3A_1179 = arith.constant 0 : i32
    %sign3A_1180 = arith.cmpi slt, %jit3A_1164, %sign3A_1179 : i32
    %sign3A_1181 = arith.extui %sign3A_1180 : i1 to i32
    %sign3A_1182 = arith.subi %sign3A_1178, %sign3A_1181 : i32
    %ne3A_1183 = vector.broadcast %sign3A_1182 : i32 to vector<16xi32>
    %ne3A_1184 = arith.cmpi ne, %sign3A_1175, %ne3A_1183 : vector<16xi32>
    %rem3A_1185 = vector.broadcast %jit3A_1164 : i32 to vector<16xi32>
    %rem3A_1186 = arith.remsi %add3A_349, %rem3A_1185 : vector<16xi32>
    %ne3A_1187 = arith.constant 0 : i32
    %ne3A_1188 = vector.broadcast %ne3A_1187 : i32 to vector<16xi32>
    %ne3A_1189 = arith.cmpi ne, %rem3A_1186, %ne3A_1188 : vector<16xi32>
    %and3A_1190 = arith.andi %ne3A_1184, %ne3A_1189 : vector<16xi1>
    %sub3A_1191 = arith.constant 1 : i32
    %sub3A_1192 = vector.broadcast %sub3A_1191 : i32 to vector<16xi32>
    %sub3A_1193 = arith.subi %div3A_1166, %sub3A_1192 : vector<16xi32>
    %select_n3A_1194 = arith.select %and3A_1190, %sub3A_1193, %div3A_1166 : vector<16xi1>, vector<16xi32>
    %eq3A_1195 = arith.constant 2 : i32
    %eq3A_1196 = vector.broadcast %eq3A_1195 : i32 to vector<16xi32>
    %eq3A_1197 = arith.cmpi eq, %select_n3A_1194, %eq3A_1196 : vector<16xi32>
    %and3A_1198 = arith.andi %eq3A_1163, %eq3A_1197 : vector<16xi1>
    %and3A_1199 = arith.andi %eq3A_1139, %and3A_1198 : vector<16xi1>
    %add3A_1200 = arith.constant 32 : i32
    %add3A_1201 = vector.broadcast %add3A_1200 : i32 to vector<16xi32>
    %add3A_1202 = arith.addi %add3A_1201, %iota3A : vector<16xi32>
    %jit3A_1203 = arith.constant 2147483647 : i32
    %broadcast_in_dim3A_1204 = vector.broadcast %jit3A_1203 : i32 to vector<16xi32>
    %select_n3A_1205 = arith.select %and3A_1199, %add3A_1202, %broadcast_in_dim3A_1204 : vector<16xi1>, vector<16xi32>
    %eq3A_1206 = arith.constant 1 : i32
    %eq3A_1207 = vector.broadcast %eq3A_1206 : i32 to vector<16xi32>
    %eq3A_1208 = arith.cmpi eq, %gather3A_415, %eq3A_1207 : vector<16xi32>
    %jit3A_1209 = arith.constant 16 : i32
    %eq3A_1210 = arith.constant 0 : i32
    %eq3A_1211 = arith.cmpi eq, %jit3A_1209, %eq3A_1210 : i32
    %jit3A_1212 = arith.constant 1 : i32
    %select_n3A_1213 = arith.select %eq3A_1211, %jit3A_1212, %jit3A_1209 : i32
    %rem3A_1214 = vector.broadcast %select_n3A_1213 : i32 to vector<16xi32>
    %rem3A_1215 = arith.remsi %add3A_421, %rem3A_1214 : vector<16xi32>
    %ne3A_1216 = arith.constant 0 : i32
    %ne3A_1217 = vector.broadcast %ne3A_1216 : i32 to vector<16xi32>
    %ne3A_1218 = arith.cmpi ne, %rem3A_1215, %ne3A_1217 : vector<16xi32>
    %lt3A_1219 = arith.constant 0 : i32
    %lt3A_1220 = vector.broadcast %lt3A_1219 : i32 to vector<16xi32>
    %lt3A_1221 = arith.cmpi slt, %rem3A_1215, %lt3A_1220 : vector<16xi32>
    %lt3A_1222 = arith.constant 0 : i32
    %lt3A_1223 = arith.cmpi slt, %select_n3A_1213, %lt3A_1222 : i32
    %ne3A_1224 = vector.broadcast %lt3A_1223 : i1 to vector<16xi1>
    %ne3A_1225 = vector.broadcast %ne3A_1224 : vector<16xi1> to vector<16xi1>
    %ne3A_1226 = arith.xori %lt3A_1221, %ne3A_1225 : vector<16xi1>
    %and3A_1227 = arith.andi %ne3A_1226, %ne3A_1218 : vector<16xi1>
    %add3A_1228 = vector.broadcast %select_n3A_1213 : i32 to vector<16xi32>
    %add3A_1229 = arith.addi %rem3A_1215, %add3A_1228 : vector<16xi32>
    %select_n3A_1230 = arith.select %and3A_1227, %add3A_1229, %rem3A_1215 : vector<16xi1>, vector<16xi32>
    %eq3A_1231 = vector.broadcast %arg1 : i32 to vector<16xi32>
    %eq3A_1232 = arith.cmpi eq, %select_n3A_1230, %eq3A_1231 : vector<16xi32>
    %jit3A_1233 = arith.constant 16 : i32
    %div3A_1234 = vector.broadcast %jit3A_1233 : i32 to vector<16xi32>
    %div3A_1235 = arith.divsi %add3A_421, %div3A_1234 : vector<16xi32>
    %sign3A_1236 = arith.constant 0 : i32
    %sign3A_1237 = vector.broadcast %sign3A_1236 : i32 to vector<16xi32>
    %sign3A_1238 = arith.cmpi sgt, %add3A_421, %sign3A_1237 : vector<16xi32>
    %sign3A_1239 = arith.extui %sign3A_1238 : vector<16xi1> to vector<16xi32>
    %sign3A_1240 = arith.constant 0 : i32
    %sign3A_1241 = vector.broadcast %sign3A_1240 : i32 to vector<16xi32>
    %sign3A_1242 = arith.cmpi slt, %add3A_421, %sign3A_1241 : vector<16xi32>
    %sign3A_1243 = arith.extui %sign3A_1242 : vector<16xi1> to vector<16xi32>
    %sign3A_1244 = arith.subi %sign3A_1239, %sign3A_1243 : vector<16xi32>
    %sign3A_1245 = arith.constant 0 : i32
    %sign3A_1246 = arith.cmpi sgt, %jit3A_1233, %sign3A_1245 : i32
    %sign3A_1247 = arith.extui %sign3A_1246 : i1 to i32
    %sign3A_1248 = arith.constant 0 : i32
    %sign3A_1249 = arith.cmpi slt, %jit3A_1233, %sign3A_1248 : i32
    %sign3A_1250 = arith.extui %sign3A_1249 : i1 to i32
    %sign3A_1251 = arith.subi %sign3A_1247, %sign3A_1250 : i32
    %ne3A_1252 = vector.broadcast %sign3A_1251 : i32 to vector<16xi32>
    %ne3A_1253 = arith.cmpi ne, %sign3A_1244, %ne3A_1252 : vector<16xi32>
    %rem3A_1254 = vector.broadcast %jit3A_1233 : i32 to vector<16xi32>
    %rem3A_1255 = arith.remsi %add3A_421, %rem3A_1254 : vector<16xi32>
    %ne3A_1256 = arith.constant 0 : i32
    %ne3A_1257 = vector.broadcast %ne3A_1256 : i32 to vector<16xi32>
    %ne3A_1258 = arith.cmpi ne, %rem3A_1255, %ne3A_1257 : vector<16xi32>
    %and3A_1259 = arith.andi %ne3A_1253, %ne3A_1258 : vector<16xi1>
    %sub3A_1260 = arith.constant 1 : i32
    %sub3A_1261 = vector.broadcast %sub3A_1260 : i32 to vector<16xi32>
    %sub3A_1262 = arith.subi %div3A_1235, %sub3A_1261 : vector<16xi32>
    %select_n3A_1263 = arith.select %and3A_1259, %sub3A_1262, %div3A_1235 : vector<16xi1>, vector<16xi32>
    %eq3A_1264 = arith.constant 2 : i32
    %eq3A_1265 = vector.broadcast %eq3A_1264 : i32 to vector<16xi32>
    %eq3A_1266 = arith.cmpi eq, %select_n3A_1263, %eq3A_1265 : vector<16xi32>
    %and3A_1267 = arith.andi %eq3A_1232, %eq3A_1266 : vector<16xi1>
    %and3A_1268 = arith.andi %eq3A_1208, %and3A_1267 : vector<16xi1>
    %add3A_1269 = arith.constant 48 : i32
    %add3A_1270 = vector.broadcast %add3A_1269 : i32 to vector<16xi32>
    %add3A_1271 = arith.addi %add3A_1270, %iota3A : vector<16xi32>
    %jit3A_1272 = arith.constant 2147483647 : i32
    %broadcast_in_dim3A_1273 = vector.broadcast %jit3A_1272 : i32 to vector<16xi32>
    %select_n3A_1274 = arith.select %and3A_1268, %add3A_1271, %broadcast_in_dim3A_1273 : vector<16xi1>, vector<16xi32>
    %min3A_1275 = arith.minsi %select_n3A_1067, %select_n3A_1136 : vector<16xi32>
    %min3A_1276 = arith.minsi %min3A_1275, %select_n3A_1205 : vector<16xi32>
    %min3A_1277 = arith.minsi %min3A_1276, %select_n3A_1274 : vector<16xi32>
    %reduce_min3A_1278 = arith.constant true
    %reduce_min3A_1279 = vector.broadcast %reduce_min3A_1278 : i1 to vector<16xi1>
    %reduce_min3A_1280 = arith.constant -2147483648 : i32
    %reduce_min3A_1281 = vector.broadcast %reduce_min3A_1280 : i32 to vector<16xi32>
    %reduce_min3A_1282 = arith.xori %min3A_1277, %reduce_min3A_1281 : vector<16xi32>
    %reduce_min3A_1283 = tpu.scan <min>, %reduce_min3A_1282 masked %reduce_min3A_1279 : vector<16xi32>, vector<16xi1> -> vector<16xi32>
    %reduce_min3A_1284 = arith.xori %reduce_min3A_1283, %reduce_min3A_1281 : vector<16xi32>
    %reduce_min3A_1285 = vector.extract %reduce_min3A_1284[15] : i32 from vector<16xi32>
    %eq3A_1286 = arith.constant 1 : i32
    %eq3A_1287 = vector.broadcast %eq3A_1286 : i32 to vector<16xi32>
    %eq3A_1288 = arith.cmpi eq, %gather3A, %eq3A_1287 : vector<16xi32>
    %jit3A_1289 = arith.constant 16 : i32
    %eq3A_1290 = arith.constant 0 : i32
    %eq3A_1291 = arith.cmpi eq, %jit3A_1289, %eq3A_1290 : i32
    %jit3A_1292 = arith.constant 1 : i32
    %select_n3A_1293 = arith.select %eq3A_1291, %jit3A_1292, %jit3A_1289 : i32
    %rem3A_1294 = vector.broadcast %select_n3A_1293 : i32 to vector<16xi32>
    %rem3A_1295 = arith.remsi %add3A_205, %rem3A_1294 : vector<16xi32>
    %ne3A_1296 = arith.constant 0 : i32
    %ne3A_1297 = vector.broadcast %ne3A_1296 : i32 to vector<16xi32>
    %ne3A_1298 = arith.cmpi ne, %rem3A_1295, %ne3A_1297 : vector<16xi32>
    %lt3A_1299 = arith.constant 0 : i32
    %lt3A_1300 = vector.broadcast %lt3A_1299 : i32 to vector<16xi32>
    %lt3A_1301 = arith.cmpi slt, %rem3A_1295, %lt3A_1300 : vector<16xi32>
    %lt3A_1302 = arith.constant 0 : i32
    %lt3A_1303 = arith.cmpi slt, %select_n3A_1293, %lt3A_1302 : i32
    %ne3A_1304 = vector.broadcast %lt3A_1303 : i1 to vector<16xi1>
    %ne3A_1305 = vector.broadcast %ne3A_1304 : vector<16xi1> to vector<16xi1>
    %ne3A_1306 = arith.xori %lt3A_1301, %ne3A_1305 : vector<16xi1>
    %and3A_1307 = arith.andi %ne3A_1306, %ne3A_1298 : vector<16xi1>
    %add3A_1308 = vector.broadcast %select_n3A_1293 : i32 to vector<16xi32>
    %add3A_1309 = arith.addi %rem3A_1295, %add3A_1308 : vector<16xi32>
    %select_n3A_1310 = arith.select %and3A_1307, %add3A_1309, %rem3A_1295 : vector<16xi1>, vector<16xi32>
    %eq3A_1311 = vector.broadcast %arg1 : i32 to vector<16xi32>
    %eq3A_1312 = arith.cmpi eq, %select_n3A_1310, %eq3A_1311 : vector<16xi32>
    %jit3A_1313 = arith.constant 16 : i32
    %div3A_1314 = vector.broadcast %jit3A_1313 : i32 to vector<16xi32>
    %div3A_1315 = arith.divsi %add3A_205, %div3A_1314 : vector<16xi32>
    %sign3A_1316 = arith.constant 0 : i32
    %sign3A_1317 = vector.broadcast %sign3A_1316 : i32 to vector<16xi32>
    %sign3A_1318 = arith.cmpi sgt, %add3A_205, %sign3A_1317 : vector<16xi32>
    %sign3A_1319 = arith.extui %sign3A_1318 : vector<16xi1> to vector<16xi32>
    %sign3A_1320 = arith.constant 0 : i32
    %sign3A_1321 = vector.broadcast %sign3A_1320 : i32 to vector<16xi32>
    %sign3A_1322 = arith.cmpi slt, %add3A_205, %sign3A_1321 : vector<16xi32>
    %sign3A_1323 = arith.extui %sign3A_1322 : vector<16xi1> to vector<16xi32>
    %sign3A_1324 = arith.subi %sign3A_1319, %sign3A_1323 : vector<16xi32>
    %sign3A_1325 = arith.constant 0 : i32
    %sign3A_1326 = arith.cmpi sgt, %jit3A_1313, %sign3A_1325 : i32
    %sign3A_1327 = arith.extui %sign3A_1326 : i1 to i32
    %sign3A_1328 = arith.constant 0 : i32
    %sign3A_1329 = arith.cmpi slt, %jit3A_1313, %sign3A_1328 : i32
    %sign3A_1330 = arith.extui %sign3A_1329 : i1 to i32
    %sign3A_1331 = arith.subi %sign3A_1327, %sign3A_1330 : i32
    %ne3A_1332 = vector.broadcast %sign3A_1331 : i32 to vector<16xi32>
    %ne3A_1333 = arith.cmpi ne, %sign3A_1324, %ne3A_1332 : vector<16xi32>
    %rem3A_1334 = vector.broadcast %jit3A_1313 : i32 to vector<16xi32>
    %rem3A_1335 = arith.remsi %add3A_205, %rem3A_1334 : vector<16xi32>
    %ne3A_1336 = arith.constant 0 : i32
    %ne3A_1337 = vector.broadcast %ne3A_1336 : i32 to vector<16xi32>
    %ne3A_1338 = arith.cmpi ne, %rem3A_1335, %ne3A_1337 : vector<16xi32>
    %and3A_1339 = arith.andi %ne3A_1333, %ne3A_1338 : vector<16xi1>
    %sub3A_1340 = arith.constant 1 : i32
    %sub3A_1341 = vector.broadcast %sub3A_1340 : i32 to vector<16xi32>
    %sub3A_1342 = arith.subi %div3A_1315, %sub3A_1341 : vector<16xi32>
    %select_n3A_1343 = arith.select %and3A_1339, %sub3A_1342, %div3A_1315 : vector<16xi1>, vector<16xi32>
    %eq3A_1344 = arith.constant 3 : i32
    %eq3A_1345 = vector.broadcast %eq3A_1344 : i32 to vector<16xi32>
    %eq3A_1346 = arith.cmpi eq, %select_n3A_1343, %eq3A_1345 : vector<16xi32>
    %and3A_1347 = arith.andi %eq3A_1312, %eq3A_1346 : vector<16xi1>
    %and3A_1348 = arith.andi %eq3A_1288, %and3A_1347 : vector<16xi1>
    %add3A_1349 = arith.constant 0 : i32
    %add3A_1350 = vector.broadcast %add3A_1349 : i32 to vector<16xi32>
    %add3A_1351 = arith.addi %add3A_1350, %iota3A : vector<16xi32>
    %jit3A_1352 = arith.constant 2147483647 : i32
    %broadcast_in_dim3A_1353 = vector.broadcast %jit3A_1352 : i32 to vector<16xi32>
    %select_n3A_1354 = arith.select %and3A_1348, %add3A_1351, %broadcast_in_dim3A_1353 : vector<16xi1>, vector<16xi32>
    %eq3A_1355 = arith.constant 1 : i32
    %eq3A_1356 = vector.broadcast %eq3A_1355 : i32 to vector<16xi32>
    %eq3A_1357 = arith.cmpi eq, %gather3A_271, %eq3A_1356 : vector<16xi32>
    %jit3A_1358 = arith.constant 16 : i32
    %eq3A_1359 = arith.constant 0 : i32
    %eq3A_1360 = arith.cmpi eq, %jit3A_1358, %eq3A_1359 : i32
    %jit3A_1361 = arith.constant 1 : i32
    %select_n3A_1362 = arith.select %eq3A_1360, %jit3A_1361, %jit3A_1358 : i32
    %rem3A_1363 = vector.broadcast %select_n3A_1362 : i32 to vector<16xi32>
    %rem3A_1364 = arith.remsi %add3A_277, %rem3A_1363 : vector<16xi32>
    %ne3A_1365 = arith.constant 0 : i32
    %ne3A_1366 = vector.broadcast %ne3A_1365 : i32 to vector<16xi32>
    %ne3A_1367 = arith.cmpi ne, %rem3A_1364, %ne3A_1366 : vector<16xi32>
    %lt3A_1368 = arith.constant 0 : i32
    %lt3A_1369 = vector.broadcast %lt3A_1368 : i32 to vector<16xi32>
    %lt3A_1370 = arith.cmpi slt, %rem3A_1364, %lt3A_1369 : vector<16xi32>
    %lt3A_1371 = arith.constant 0 : i32
    %lt3A_1372 = arith.cmpi slt, %select_n3A_1362, %lt3A_1371 : i32
    %ne3A_1373 = vector.broadcast %lt3A_1372 : i1 to vector<16xi1>
    %ne3A_1374 = vector.broadcast %ne3A_1373 : vector<16xi1> to vector<16xi1>
    %ne3A_1375 = arith.xori %lt3A_1370, %ne3A_1374 : vector<16xi1>
    %and3A_1376 = arith.andi %ne3A_1375, %ne3A_1367 : vector<16xi1>
    %add3A_1377 = vector.broadcast %select_n3A_1362 : i32 to vector<16xi32>
    %add3A_1378 = arith.addi %rem3A_1364, %add3A_1377 : vector<16xi32>
    %select_n3A_1379 = arith.select %and3A_1376, %add3A_1378, %rem3A_1364 : vector<16xi1>, vector<16xi32>
    %eq3A_1380 = vector.broadcast %arg1 : i32 to vector<16xi32>
    %eq3A_1381 = arith.cmpi eq, %select_n3A_1379, %eq3A_1380 : vector<16xi32>
    %jit3A_1382 = arith.constant 16 : i32
    %div3A_1383 = vector.broadcast %jit3A_1382 : i32 to vector<16xi32>
    %div3A_1384 = arith.divsi %add3A_277, %div3A_1383 : vector<16xi32>
    %sign3A_1385 = arith.constant 0 : i32
    %sign3A_1386 = vector.broadcast %sign3A_1385 : i32 to vector<16xi32>
    %sign3A_1387 = arith.cmpi sgt, %add3A_277, %sign3A_1386 : vector<16xi32>
    %sign3A_1388 = arith.extui %sign3A_1387 : vector<16xi1> to vector<16xi32>
    %sign3A_1389 = arith.constant 0 : i32
    %sign3A_1390 = vector.broadcast %sign3A_1389 : i32 to vector<16xi32>
    %sign3A_1391 = arith.cmpi slt, %add3A_277, %sign3A_1390 : vector<16xi32>
    %sign3A_1392 = arith.extui %sign3A_1391 : vector<16xi1> to vector<16xi32>
    %sign3A_1393 = arith.subi %sign3A_1388, %sign3A_1392 : vector<16xi32>
    %sign3A_1394 = arith.constant 0 : i32
    %sign3A_1395 = arith.cmpi sgt, %jit3A_1382, %sign3A_1394 : i32
    %sign3A_1396 = arith.extui %sign3A_1395 : i1 to i32
    %sign3A_1397 = arith.constant 0 : i32
    %sign3A_1398 = arith.cmpi slt, %jit3A_1382, %sign3A_1397 : i32
    %sign3A_1399 = arith.extui %sign3A_1398 : i1 to i32
    %sign3A_1400 = arith.subi %sign3A_1396, %sign3A_1399 : i32
    %ne3A_1401 = vector.broadcast %sign3A_1400 : i32 to vector<16xi32>
    %ne3A_1402 = arith.cmpi ne, %sign3A_1393, %ne3A_1401 : vector<16xi32>
    %rem3A_1403 = vector.broadcast %jit3A_1382 : i32 to vector<16xi32>
    %rem3A_1404 = arith.remsi %add3A_277, %rem3A_1403 : vector<16xi32>
    %ne3A_1405 = arith.constant 0 : i32
    %ne3A_1406 = vector.broadcast %ne3A_1405 : i32 to vector<16xi32>
    %ne3A_1407 = arith.cmpi ne, %rem3A_1404, %ne3A_1406 : vector<16xi32>
    %and3A_1408 = arith.andi %ne3A_1402, %ne3A_1407 : vector<16xi1>
    %sub3A_1409 = arith.constant 1 : i32
    %sub3A_1410 = vector.broadcast %sub3A_1409 : i32 to vector<16xi32>
    %sub3A_1411 = arith.subi %div3A_1384, %sub3A_1410 : vector<16xi32>
    %select_n3A_1412 = arith.select %and3A_1408, %sub3A_1411, %div3A_1384 : vector<16xi1>, vector<16xi32>
    %eq3A_1413 = arith.constant 3 : i32
    %eq3A_1414 = vector.broadcast %eq3A_1413 : i32 to vector<16xi32>
    %eq3A_1415 = arith.cmpi eq, %select_n3A_1412, %eq3A_1414 : vector<16xi32>
    %and3A_1416 = arith.andi %eq3A_1381, %eq3A_1415 : vector<16xi1>
    %and3A_1417 = arith.andi %eq3A_1357, %and3A_1416 : vector<16xi1>
    %add3A_1418 = arith.constant 16 : i32
    %add3A_1419 = vector.broadcast %add3A_1418 : i32 to vector<16xi32>
    %add3A_1420 = arith.addi %add3A_1419, %iota3A : vector<16xi32>
    %jit3A_1421 = arith.constant 2147483647 : i32
    %broadcast_in_dim3A_1422 = vector.broadcast %jit3A_1421 : i32 to vector<16xi32>
    %select_n3A_1423 = arith.select %and3A_1417, %add3A_1420, %broadcast_in_dim3A_1422 : vector<16xi1>, vector<16xi32>
    %eq3A_1424 = arith.constant 1 : i32
    %eq3A_1425 = vector.broadcast %eq3A_1424 : i32 to vector<16xi32>
    %eq3A_1426 = arith.cmpi eq, %gather3A_343, %eq3A_1425 : vector<16xi32>
    %jit3A_1427 = arith.constant 16 : i32
    %eq3A_1428 = arith.constant 0 : i32
    %eq3A_1429 = arith.cmpi eq, %jit3A_1427, %eq3A_1428 : i32
    %jit3A_1430 = arith.constant 1 : i32
    %select_n3A_1431 = arith.select %eq3A_1429, %jit3A_1430, %jit3A_1427 : i32
    %rem3A_1432 = vector.broadcast %select_n3A_1431 : i32 to vector<16xi32>
    %rem3A_1433 = arith.remsi %add3A_349, %rem3A_1432 : vector<16xi32>
    %ne3A_1434 = arith.constant 0 : i32
    %ne3A_1435 = vector.broadcast %ne3A_1434 : i32 to vector<16xi32>
    %ne3A_1436 = arith.cmpi ne, %rem3A_1433, %ne3A_1435 : vector<16xi32>
    %lt3A_1437 = arith.constant 0 : i32
    %lt3A_1438 = vector.broadcast %lt3A_1437 : i32 to vector<16xi32>
    %lt3A_1439 = arith.cmpi slt, %rem3A_1433, %lt3A_1438 : vector<16xi32>
    %lt3A_1440 = arith.constant 0 : i32
    %lt3A_1441 = arith.cmpi slt, %select_n3A_1431, %lt3A_1440 : i32
    %ne3A_1442 = vector.broadcast %lt3A_1441 : i1 to vector<16xi1>
    %ne3A_1443 = vector.broadcast %ne3A_1442 : vector<16xi1> to vector<16xi1>
    %ne3A_1444 = arith.xori %lt3A_1439, %ne3A_1443 : vector<16xi1>
    %and3A_1445 = arith.andi %ne3A_1444, %ne3A_1436 : vector<16xi1>
    %add3A_1446 = vector.broadcast %select_n3A_1431 : i32 to vector<16xi32>
    %add3A_1447 = arith.addi %rem3A_1433, %add3A_1446 : vector<16xi32>
    %select_n3A_1448 = arith.select %and3A_1445, %add3A_1447, %rem3A_1433 : vector<16xi1>, vector<16xi32>
    %eq3A_1449 = vector.broadcast %arg1 : i32 to vector<16xi32>
    %eq3A_1450 = arith.cmpi eq, %select_n3A_1448, %eq3A_1449 : vector<16xi32>
    %jit3A_1451 = arith.constant 16 : i32
    %div3A_1452 = vector.broadcast %jit3A_1451 : i32 to vector<16xi32>
    %div3A_1453 = arith.divsi %add3A_349, %div3A_1452 : vector<16xi32>
    %sign3A_1454 = arith.constant 0 : i32
    %sign3A_1455 = vector.broadcast %sign3A_1454 : i32 to vector<16xi32>
    %sign3A_1456 = arith.cmpi sgt, %add3A_349, %sign3A_1455 : vector<16xi32>
    %sign3A_1457 = arith.extui %sign3A_1456 : vector<16xi1> to vector<16xi32>
    %sign3A_1458 = arith.constant 0 : i32
    %sign3A_1459 = vector.broadcast %sign3A_1458 : i32 to vector<16xi32>
    %sign3A_1460 = arith.cmpi slt, %add3A_349, %sign3A_1459 : vector<16xi32>
    %sign3A_1461 = arith.extui %sign3A_1460 : vector<16xi1> to vector<16xi32>
    %sign3A_1462 = arith.subi %sign3A_1457, %sign3A_1461 : vector<16xi32>
    %sign3A_1463 = arith.constant 0 : i32
    %sign3A_1464 = arith.cmpi sgt, %jit3A_1451, %sign3A_1463 : i32
    %sign3A_1465 = arith.extui %sign3A_1464 : i1 to i32
    %sign3A_1466 = arith.constant 0 : i32
    %sign3A_1467 = arith.cmpi slt, %jit3A_1451, %sign3A_1466 : i32
    %sign3A_1468 = arith.extui %sign3A_1467 : i1 to i32
    %sign3A_1469 = arith.subi %sign3A_1465, %sign3A_1468 : i32
    %ne3A_1470 = vector.broadcast %sign3A_1469 : i32 to vector<16xi32>
    %ne3A_1471 = arith.cmpi ne, %sign3A_1462, %ne3A_1470 : vector<16xi32>
    %rem3A_1472 = vector.broadcast %jit3A_1451 : i32 to vector<16xi32>
    %rem3A_1473 = arith.remsi %add3A_349, %rem3A_1472 : vector<16xi32>
    %ne3A_1474 = arith.constant 0 : i32
    %ne3A_1475 = vector.broadcast %ne3A_1474 : i32 to vector<16xi32>
    %ne3A_1476 = arith.cmpi ne, %rem3A_1473, %ne3A_1475 : vector<16xi32>
    %and3A_1477 = arith.andi %ne3A_1471, %ne3A_1476 : vector<16xi1>
    %sub3A_1478 = arith.constant 1 : i32
    %sub3A_1479 = vector.broadcast %sub3A_1478 : i32 to vector<16xi32>
    %sub3A_1480 = arith.subi %div3A_1453, %sub3A_1479 : vector<16xi32>
    %select_n3A_1481 = arith.select %and3A_1477, %sub3A_1480, %div3A_1453 : vector<16xi1>, vector<16xi32>
    %eq3A_1482 = arith.constant 3 : i32
    %eq3A_1483 = vector.broadcast %eq3A_1482 : i32 to vector<16xi32>
    %eq3A_1484 = arith.cmpi eq, %select_n3A_1481, %eq3A_1483 : vector<16xi32>
    %and3A_1485 = arith.andi %eq3A_1450, %eq3A_1484 : vector<16xi1>
    %and3A_1486 = arith.andi %eq3A_1426, %and3A_1485 : vector<16xi1>
    %add3A_1487 = arith.constant 32 : i32
    %add3A_1488 = vector.broadcast %add3A_1487 : i32 to vector<16xi32>
    %add3A_1489 = arith.addi %add3A_1488, %iota3A : vector<16xi32>
    %jit3A_1490 = arith.constant 2147483647 : i32
    %broadcast_in_dim3A_1491 = vector.broadcast %jit3A_1490 : i32 to vector<16xi32>
    %select_n3A_1492 = arith.select %and3A_1486, %add3A_1489, %broadcast_in_dim3A_1491 : vector<16xi1>, vector<16xi32>
    %eq3A_1493 = arith.constant 1 : i32
    %eq3A_1494 = vector.broadcast %eq3A_1493 : i32 to vector<16xi32>
    %eq3A_1495 = arith.cmpi eq, %gather3A_415, %eq3A_1494 : vector<16xi32>
    %jit3A_1496 = arith.constant 16 : i32
    %eq3A_1497 = arith.constant 0 : i32
    %eq3A_1498 = arith.cmpi eq, %jit3A_1496, %eq3A_1497 : i32
    %jit3A_1499 = arith.constant 1 : i32
    %select_n3A_1500 = arith.select %eq3A_1498, %jit3A_1499, %jit3A_1496 : i32
    %rem3A_1501 = vector.broadcast %select_n3A_1500 : i32 to vector<16xi32>
    %rem3A_1502 = arith.remsi %add3A_421, %rem3A_1501 : vector<16xi32>
    %ne3A_1503 = arith.constant 0 : i32
    %ne3A_1504 = vector.broadcast %ne3A_1503 : i32 to vector<16xi32>
    %ne3A_1505 = arith.cmpi ne, %rem3A_1502, %ne3A_1504 : vector<16xi32>
    %lt3A_1506 = arith.constant 0 : i32
    %lt3A_1507 = vector.broadcast %lt3A_1506 : i32 to vector<16xi32>
    %lt3A_1508 = arith.cmpi slt, %rem3A_1502, %lt3A_1507 : vector<16xi32>
    %lt3A_1509 = arith.constant 0 : i32
    %lt3A_1510 = arith.cmpi slt, %select_n3A_1500, %lt3A_1509 : i32
    %ne3A_1511 = vector.broadcast %lt3A_1510 : i1 to vector<16xi1>
    %ne3A_1512 = vector.broadcast %ne3A_1511 : vector<16xi1> to vector<16xi1>
    %ne3A_1513 = arith.xori %lt3A_1508, %ne3A_1512 : vector<16xi1>
    %and3A_1514 = arith.andi %ne3A_1513, %ne3A_1505 : vector<16xi1>
    %add3A_1515 = vector.broadcast %select_n3A_1500 : i32 to vector<16xi32>
    %add3A_1516 = arith.addi %rem3A_1502, %add3A_1515 : vector<16xi32>
    %select_n3A_1517 = arith.select %and3A_1514, %add3A_1516, %rem3A_1502 : vector<16xi1>, vector<16xi32>
    %eq3A_1518 = vector.broadcast %arg1 : i32 to vector<16xi32>
    %eq3A_1519 = arith.cmpi eq, %select_n3A_1517, %eq3A_1518 : vector<16xi32>
    %jit3A_1520 = arith.constant 16 : i32
    %div3A_1521 = vector.broadcast %jit3A_1520 : i32 to vector<16xi32>
    %div3A_1522 = arith.divsi %add3A_421, %div3A_1521 : vector<16xi32>
    %sign3A_1523 = arith.constant 0 : i32
    %sign3A_1524 = vector.broadcast %sign3A_1523 : i32 to vector<16xi32>
    %sign3A_1525 = arith.cmpi sgt, %add3A_421, %sign3A_1524 : vector<16xi32>
    %sign3A_1526 = arith.extui %sign3A_1525 : vector<16xi1> to vector<16xi32>
    %sign3A_1527 = arith.constant 0 : i32
    %sign3A_1528 = vector.broadcast %sign3A_1527 : i32 to vector<16xi32>
    %sign3A_1529 = arith.cmpi slt, %add3A_421, %sign3A_1528 : vector<16xi32>
    %sign3A_1530 = arith.extui %sign3A_1529 : vector<16xi1> to vector<16xi32>
    %sign3A_1531 = arith.subi %sign3A_1526, %sign3A_1530 : vector<16xi32>
    %sign3A_1532 = arith.constant 0 : i32
    %sign3A_1533 = arith.cmpi sgt, %jit3A_1520, %sign3A_1532 : i32
    %sign3A_1534 = arith.extui %sign3A_1533 : i1 to i32
    %sign3A_1535 = arith.constant 0 : i32
    %sign3A_1536 = arith.cmpi slt, %jit3A_1520, %sign3A_1535 : i32
    %sign3A_1537 = arith.extui %sign3A_1536 : i1 to i32
    %sign3A_1538 = arith.subi %sign3A_1534, %sign3A_1537 : i32
    %ne3A_1539 = vector.broadcast %sign3A_1538 : i32 to vector<16xi32>
    %ne3A_1540 = arith.cmpi ne, %sign3A_1531, %ne3A_1539 : vector<16xi32>
    %rem3A_1541 = vector.broadcast %jit3A_1520 : i32 to vector<16xi32>
    %rem3A_1542 = arith.remsi %add3A_421, %rem3A_1541 : vector<16xi32>
    %ne3A_1543 = arith.constant 0 : i32
    %ne3A_1544 = vector.broadcast %ne3A_1543 : i32 to vector<16xi32>
    %ne3A_1545 = arith.cmpi ne, %rem3A_1542, %ne3A_1544 : vector<16xi32>
    %and3A_1546 = arith.andi %ne3A_1540, %ne3A_1545 : vector<16xi1>
    %sub3A_1547 = arith.constant 1 : i32
    %sub3A_1548 = vector.broadcast %sub3A_1547 : i32 to vector<16xi32>
    %sub3A_1549 = arith.subi %div3A_1522, %sub3A_1548 : vector<16xi32>
    %select_n3A_1550 = arith.select %and3A_1546, %sub3A_1549, %div3A_1522 : vector<16xi1>, vector<16xi32>
    %eq3A_1551 = arith.constant 3 : i32
    %eq3A_1552 = vector.broadcast %eq3A_1551 : i32 to vector<16xi32>
    %eq3A_1553 = arith.cmpi eq, %select_n3A_1550, %eq3A_1552 : vector<16xi32>
    %and3A_1554 = arith.andi %eq3A_1519, %eq3A_1553 : vector<16xi1>
    %and3A_1555 = arith.andi %eq3A_1495, %and3A_1554 : vector<16xi1>
    %add3A_1556 = arith.constant 48 : i32
    %add3A_1557 = vector.broadcast %add3A_1556 : i32 to vector<16xi32>
    %add3A_1558 = arith.addi %add3A_1557, %iota3A : vector<16xi32>
    %jit3A_1559 = arith.constant 2147483647 : i32
    %broadcast_in_dim3A_1560 = vector.broadcast %jit3A_1559 : i32 to vector<16xi32>
    %select_n3A_1561 = arith.select %and3A_1555, %add3A_1558, %broadcast_in_dim3A_1560 : vector<16xi1>, vector<16xi32>
    %min3A_1562 = arith.minsi %select_n3A_1354, %select_n3A_1423 : vector<16xi32>
    %min3A_1563 = arith.minsi %min3A_1562, %select_n3A_1492 : vector<16xi32>
    %min3A_1564 = arith.minsi %min3A_1563, %select_n3A_1561 : vector<16xi32>
    %reduce_min3A_1565 = arith.constant true
    %reduce_min3A_1566 = vector.broadcast %reduce_min3A_1565 : i1 to vector<16xi1>
    %reduce_min3A_1567 = arith.constant -2147483648 : i32
    %reduce_min3A_1568 = vector.broadcast %reduce_min3A_1567 : i32 to vector<16xi32>
    %reduce_min3A_1569 = arith.xori %min3A_1564, %reduce_min3A_1568 : vector<16xi32>
    %reduce_min3A_1570 = tpu.scan <min>, %reduce_min3A_1569 masked %reduce_min3A_1566 : vector<16xi32>, vector<16xi1> -> vector<16xi32>
    %reduce_min3A_1571 = arith.xori %reduce_min3A_1570, %reduce_min3A_1568 : vector<16xi32>
    %reduce_min3A_1572 = vector.extract %reduce_min3A_1571[15] : i32 from vector<16xi32>
    %eq3A_1573 = arith.constant 0 : i32
    %eq3A_1574 = vector.broadcast %eq3A_1573 : i32 to vector<16xi32>
    %eq3A_1575 = arith.cmpi eq, %iota3A, %eq3A_1574 : vector<16xi32>
    %eq3A_1576 = arith.constant 1 : i32
    %eq3A_1577 = vector.broadcast %eq3A_1576 : i32 to vector<16xi32>
    %eq3A_1578 = arith.cmpi eq, %iota3A, %eq3A_1577 : vector<16xi32>
    %eq3A_1579 = arith.constant 2 : i32
    %eq3A_1580 = vector.broadcast %eq3A_1579 : i32 to vector<16xi32>
    %eq3A_1581 = arith.cmpi eq, %iota3A, %eq3A_1580 : vector<16xi32>
    %eq3A_1582 = arith.constant 3 : i32
    %eq3A_1583 = vector.broadcast %eq3A_1582 : i32 to vector<16xi32>
    %eq3A_1584 = arith.cmpi eq, %iota3A, %eq3A_1583 : vector<16xi32>
    %jit3A_1585 = arith.constant 2147483647 : i32
    %broadcast_in_dim3A_1586 = vector.broadcast %reduce_min3A_1572 : i32 to vector<16xi32>
    %broadcast_in_dim3A_1587 = vector.broadcast %jit3A_1585 : i32 to vector<16xi32>
    %select_n3A_1588 = arith.select %eq3A_1584, %broadcast_in_dim3A_1586, %broadcast_in_dim3A_1587 : vector<16xi1>, vector<16xi32>
    %broadcast_in_dim3A_1589 = vector.broadcast %reduce_min3A_1285 : i32 to vector<16xi32>
    %select_n3A_1590 = arith.select %eq3A_1581, %broadcast_in_dim3A_1589, %select_n3A_1588 : vector<16xi1>, vector<16xi32>
    %broadcast_in_dim3A_1591 = vector.broadcast %reduce_min3A_998 : i32 to vector<16xi32>
    %select_n3A_1592 = arith.select %eq3A_1578, %broadcast_in_dim3A_1591, %select_n3A_1590 : vector<16xi1>, vector<16xi32>
    %broadcast_in_dim3A_1593 = vector.broadcast %reduce_min3A_711 : i32 to vector<16xi32>
    %select_n3A_1594 = arith.select %eq3A_1575, %broadcast_in_dim3A_1593, %select_n3A_1592 : vector<16xi1>, vector<16xi32>
    %eq3A_1595 = arith.constant 0 : i32
    %eq3A_1596 = vector.broadcast %eq3A_1595 : i32 to vector<16xi32>
    %eq3A_1597 = arith.cmpi eq, %iota3A, %eq3A_1596 : vector<16xi32>
    %jit3A_1598 = arith.constant 0 : i32
    %broadcast_in_dim3A_1599 = vector.broadcast %jit3A_1598 : i32 to vector<16xi32>
    %select_n3A_1600 = arith.select %eq3A_1597, %scan3A_135, %broadcast_in_dim3A_1599 : vector<16xi1>, vector<16xi32>
    %reduce_max3A = arith.constant true
    %reduce_max3A_1601 = vector.broadcast %reduce_max3A : i1 to vector<16xi1>
    %reduce_max3A_1602 = arith.constant -2147483648 : i32
    %reduce_max3A_1603 = vector.broadcast %reduce_max3A_1602 : i32 to vector<16xi32>
    %reduce_max3A_1604 = arith.xori %select_n3A_1600, %reduce_max3A_1603 : vector<16xi32>
    %reduce_max3A_1605 = tpu.scan <max>, %reduce_max3A_1604 masked %reduce_max3A_1601 : vector<16xi32>, vector<16xi1> -> vector<16xi32>
    %reduce_max3A_1606 = arith.xori %reduce_max3A_1605, %reduce_max3A_1603 : vector<16xi32>
    %reduce_max3A_1607 = vector.extract %reduce_max3A_1606[15] : i32 from vector<16xi32>
    %gt3A = arith.constant 0 : i32
    %gt3A_1608 = arith.cmpi sgt, %reduce_max3A_1607, %gt3A : i32
    %not3A = arith.constant true
    %not3A_1609 = arith.xori %gt3A_1608, %not3A : i1
    %convert_element_type3A = arith.extui %not3A_1609 : i1 to i32
    %cond3A = arith.constant 0 : i32
    %cond3A_1610 = arith.cmpi ne, %convert_element_type3A, %cond3A : i32
    scf.if %cond3A_1610 {
      %add3A_1697 = arith.constant 0 : i32
      %add3A_1698 = arith.addi %add3A_37, %add3A_1697 : i32
      %jit3A_1699 = arith.constant 16 : i32
      %div3A_1700 = arith.divsi %add3A_1698, %jit3A_1699 : i32
      %sign3A_1701 = arith.constant 0 : i32
      %sign3A_1702 = arith.cmpi sgt, %add3A_1698, %sign3A_1701 : i32
      %sign3A_1703 = arith.extui %sign3A_1702 : i1 to i32
      %sign3A_1704 = arith.constant 0 : i32
      %sign3A_1705 = arith.cmpi slt, %add3A_1698, %sign3A_1704 : i32
      %sign3A_1706 = arith.extui %sign3A_1705 : i1 to i32
      %sign3A_1707 = arith.subi %sign3A_1703, %sign3A_1706 : i32
      %sign3A_1708 = arith.constant 0 : i32
      %sign3A_1709 = arith.cmpi sgt, %jit3A_1699, %sign3A_1708 : i32
      %sign3A_1710 = arith.extui %sign3A_1709 : i1 to i32
      %sign3A_1711 = arith.constant 0 : i32
      %sign3A_1712 = arith.cmpi slt, %jit3A_1699, %sign3A_1711 : i32
      %sign3A_1713 = arith.extui %sign3A_1712 : i1 to i32
      %sign3A_1714 = arith.subi %sign3A_1710, %sign3A_1713 : i32
      %ne3A_1715 = arith.cmpi ne, %sign3A_1707, %sign3A_1714 : i32
      %rem3A_1716 = arith.remsi %add3A_1698, %jit3A_1699 : i32
      %ne3A_1717 = arith.constant 0 : i32
      %ne3A_1718 = arith.cmpi ne, %rem3A_1716, %ne3A_1717 : i32
      %and3A_1719 = arith.andi %ne3A_1715, %ne3A_1718 : i1
      %sub3A_1720 = arith.constant 1 : i32
      %sub3A_1721 = arith.subi %div3A_1700, %sub3A_1720 : i32
      %select_n3A_1722 = arith.select %and3A_1719, %sub3A_1721, %div3A_1700 : i32
      %mul3A_1723 = arith.constant 16 : i32
      %mul3A_1724 = arith.muli %select_n3A_1722, %mul3A_1723 : i32
      %get3A = arith.index_cast %mul3A_1724 : i32 to index
      %get3A_1725 = tpu.vector_load %arg12[%get3A] {strides = array<i32>} : memref<128xf32, #tpu.memory_space<vmem>>, vector<16xf32>,
      %jit3A_1726 = arith.constant 16 : i32
      %eq3A_1727 = arith.constant 0 : i32
      %eq3A_1728 = arith.cmpi eq, %jit3A_1726, %eq3A_1727 : i32
      %jit3A_1729 = arith.constant 1 : i32
      %select_n3A_1730 = arith.select %eq3A_1728, %jit3A_1729, %jit3A_1726 : i32
      %rem3A_1731 = arith.remsi %add3A_1698, %select_n3A_1730 : i32
      %ne3A_1732 = arith.constant 0 : i32
      %ne3A_1733 = arith.cmpi ne, %rem3A_1731, %ne3A_1732 : i32
      %lt3A_1734 = arith.constant 0 : i32
      %lt3A_1735 = arith.cmpi slt, %rem3A_1731, %lt3A_1734 : i32
      %lt3A_1736 = arith.constant 0 : i32
      %lt3A_1737 = arith.cmpi slt, %select_n3A_1730, %lt3A_1736 : i32
      %ne3A_1738 = arith.xori %lt3A_1735, %lt3A_1737 : i1
      %and3A_1739 = arith.andi %ne3A_1738, %ne3A_1733 : i1
      %add3A_1740 = arith.addi %rem3A_1731, %select_n3A_1730 : i32
      %select_n3A_1741 = arith.select %and3A_1739, %add3A_1740, %rem3A_1731 : i32
      %eq3A_1742 = vector.broadcast %select_n3A_1741 : i32 to vector<16xi32>
      %eq3A_1743 = arith.cmpi eq, %iota3A, %eq3A_1742 : vector<16xi32>
      %jit3A_1744 = arith.constant -3.400000e+38 : f32
      %broadcast_in_dim3A_1745 = vector.broadcast %jit3A_1744 : f32 to vector<16xf32>
      %select_n3A_1746 = arith.select %eq3A_1743, %get3A_1725, %broadcast_in_dim3A_1745 : vector<16xi1>, vector<16xf32>
      %reduce_max3A_1747 = arith.constant true
      %reduce_max3A_1748 = vector.broadcast %reduce_max3A_1747 : i1 to vector<16xi1>
      %reduce_max3A_1749 = tpu.scan <max>, %select_n3A_1746 masked %reduce_max3A_1748 : vector<16xf32>, vector<16xi1> -> vector<16xf32>
      %reduce_max3A_1750 = vector.extract %reduce_max3A_1749[15] : f32 from vector<16xf32>
      %mul3A_1751 = arith.constant 4 : i32
      %mul3A_1752 = arith.muli %select_n3A_33, %mul3A_1751 : i32
      %add3A_1753 = arith.constant 0 : i32
      %add3A_1754 = arith.addi %mul3A_1752, %add3A_1753 : i32
      %add3A_1755 = arith.constant -1.000000e+20 : f32
      %add3A_1756 = arith.addf %add3A_1755, %reduce_max3A_1750 : f32
      %lt3A_1757 = arith.constant 8 : i32
      %lt3A_1758 = vector.broadcast %lt3A_1757 : i32 to vector<16xi32>
      %lt3A_1759 = arith.cmpi slt, %iota3A, %lt3A_1758 : vector<16xi32>
      %jit3A_1760 = arith.constant -3.400000e+38 : f32
      %broadcast_in_dim3A_1761 = vector.broadcast %add3A_1756 : f32 to vector<16xf32>
      %broadcast_in_dim3A_1762 = vector.broadcast %jit3A_1760 : f32 to vector<16xf32>
      %select_n3A_1763 = arith.select %lt3A_1759, %broadcast_in_dim3A_1761, %broadcast_in_dim3A_1762 : vector<16xi1>, vector<16xf32>
      %swap3A_1764 = arith.constant 0 : index
      %swap3A_1765 = tpu.vector_load %arg14[%swap3A_1764] {strides = array<i32>} : memref<16xf32, #tpu.memory_space<vmem>>, vector<16xf32>,
      tpu.vector_store %arg14[%swap3A_1764], %select_n3A_1763 {strides = array<i32>} : memref<16xf32, #tpu.memory_space<vmem>>, vector<16xf32>,
      %lt3A_1766 = arith.constant 8 : i32
      %lt3A_1767 = vector.broadcast %lt3A_1766 : i32 to vector<16xi32>
      %lt3A_1768 = arith.cmpi slt, %iota3A, %lt3A_1767 : vector<16xi32>
      %mul3A_1769 = arith.constant 32768 : i32
      %mul3A_1770 = arith.muli %add3A_1754, %mul3A_1769 : i32
      %add3A_1771 = vector.broadcast %mul3A_1770 : i32 to vector<16xi32>
      %add3A_1772 = arith.addi %add3A_1771, %iota3A : vector<16xi32>
      %jit3A_1773 = arith.constant 2147483647 : i32
      %broadcast_in_dim3A_1774 = vector.broadcast %jit3A_1773 : i32 to vector<16xi32>
      %select_n3A_1775 = arith.select %lt3A_1768, %add3A_1772, %broadcast_in_dim3A_1774 : vector<16xi1>, vector<16xi32>
      %swap3A_1776 = arith.constant 0 : index
      %swap3A_1777 = tpu.vector_load %arg15[%swap3A_1776] {strides = array<i32>} : memref<16xi32, #tpu.memory_space<vmem>>, vector<16xi32>,
      tpu.vector_store %arg15[%swap3A_1776], %select_n3A_1775 {strides = array<i32>} : memref<16xi32, #tpu.memory_space<vmem>>, vector<16xi32>,
      %mul3A_1778 = arith.constant 16 : i32
      %mul3A_1779 = arith.muli %add3A_1754, %mul3A_1778 : i32
      "tpu.region"() ({
        %run_scoped3A = tpu.sem_alloc : memref<!tpu.dma_semaphore, #tpu.memory_space<semaphore_mem>>
        %dma_start3A_1782 = tpu.memref_slice %arg21[%select_n3A, %mul3A_1779] : memref<8x128xf32, #tpu.memory_space<vmem_shared>> -> memref<1x16xf32, #tpu.memory_space<vmem_shared>>
        %dma_start3A_1783 = tpu.memref_squeeze %dma_start3A_1782 : memref<1x16xf32, #tpu.memory_space<vmem_shared>> -> memref<16xf32, #tpu.memory_space<vmem_shared>>
        %dma_start3A_1784 = tpu.memref_slice %arg21[%select_n3A, %mul3A_1779] : memref<8x128xf32, #tpu.memory_space<vmem_shared>> -> memref<1x16xf32, #tpu.memory_space<vmem_shared>>
        %dma_start3A_1785 = tpu.memref_squeeze %dma_start3A_1784 : memref<1x16xf32, #tpu.memory_space<vmem_shared>> -> memref<16xf32, #tpu.memory_space<vmem_shared>>
        tpu.enqueue_dma source(%arg14 : memref<16xf32, #tpu.memory_space<vmem>>) target(%dma_start3A_1785 : memref<16xf32, #tpu.memory_space<vmem_shared>>) target_semaphore(%run_scoped3A : memref<!tpu.dma_semaphore, #tpu.memory_space<semaphore_mem>>)
        %dma_wait3A_1786 = tpu.memref_slice %arg21[%select_n3A, %mul3A_1779] : memref<8x128xf32, #tpu.memory_space<vmem_shared>> -> memref<1x16xf32, #tpu.memory_space<vmem_shared>>
        %dma_wait3A_1787 = tpu.memref_squeeze %dma_wait3A_1786 : memref<1x16xf32, #tpu.memory_space<vmem_shared>> -> memref<16xf32, #tpu.memory_space<vmem_shared>>
        %dma_wait3A_1788 = tpu.memref_slice %arg21[%select_n3A, %mul3A_1779] : memref<8x128xf32, #tpu.memory_space<vmem_shared>> -> memref<1x16xf32, #tpu.memory_space<vmem_shared>>
        %dma_wait3A_1789 = tpu.memref_squeeze %dma_wait3A_1788 : memref<1x16xf32, #tpu.memory_space<vmem_shared>> -> memref<16xf32, #tpu.memory_space<vmem_shared>>
        tpu.wait_dma2 semaphore(%run_scoped3A : memref<!tpu.dma_semaphore, #tpu.memory_space<semaphore_mem>>) src(%arg14 : memref<16xf32, #tpu.memory_space<vmem>>) dst(%dma_wait3A_1789 : memref<16xf32, #tpu.memory_space<vmem_shared>>)
        tpu.yield
      }) : () -> ()
      %mul3A_1780 = arith.constant 16 : i32
      %mul3A_1781 = arith.muli %add3A_1754, %mul3A_1780 : i32
      "tpu.region"() ({
        %run_scoped3A = tpu.sem_alloc : memref<!tpu.dma_semaphore, #tpu.memory_space<semaphore_mem>>
        %dma_start3A_1782 = tpu.memref_slice %arg22[%select_n3A, %mul3A_1781] : memref<8x128xi32, #tpu.memory_space<vmem_shared>> -> memref<1x16xi32, #tpu.memory_space<vmem_shared>>
        %dma_start3A_1783 = tpu.memref_squeeze %dma_start3A_1782 : memref<1x16xi32, #tpu.memory_space<vmem_shared>> -> memref<16xi32, #tpu.memory_space<vmem_shared>>
        %dma_start3A_1784 = tpu.memref_slice %arg22[%select_n3A, %mul3A_1781] : memref<8x128xi32, #tpu.memory_space<vmem_shared>> -> memref<1x16xi32, #tpu.memory_space<vmem_shared>>
        %dma_start3A_1785 = tpu.memref_squeeze %dma_start3A_1784 : memref<1x16xi32, #tpu.memory_space<vmem_shared>> -> memref<16xi32, #tpu.memory_space<vmem_shared>>
        tpu.enqueue_dma source(%arg15 : memref<16xi32, #tpu.memory_space<vmem>>) target(%dma_start3A_1785 : memref<16xi32, #tpu.memory_space<vmem_shared>>) target_semaphore(%run_scoped3A : memref<!tpu.dma_semaphore, #tpu.memory_space<semaphore_mem>>)
        %dma_wait3A_1786 = tpu.memref_slice %arg22[%select_n3A, %mul3A_1781] : memref<8x128xi32, #tpu.memory_space<vmem_shared>> -> memref<1x16xi32, #tpu.memory_space<vmem_shared>>
        %dma_wait3A_1787 = tpu.memref_squeeze %dma_wait3A_1786 : memref<1x16xi32, #tpu.memory_space<vmem_shared>> -> memref<16xi32, #tpu.memory_space<vmem_shared>>
        %dma_wait3A_1788 = tpu.memref_slice %arg22[%select_n3A, %mul3A_1781] : memref<8x128xi32, #tpu.memory_space<vmem_shared>> -> memref<1x16xi32, #tpu.memory_space<vmem_shared>>
        %dma_wait3A_1789 = tpu.memref_squeeze %dma_wait3A_1788 : memref<1x16xi32, #tpu.memory_space<vmem_shared>> -> memref<16xi32, #tpu.memory_space<vmem_shared>>
        tpu.wait_dma2 semaphore(%run_scoped3A : memref<!tpu.dma_semaphore, #tpu.memory_space<semaphore_mem>>) src(%arg15 : memref<16xi32, #tpu.memory_space<vmem>>) dst(%dma_wait3A_1789 : memref<16xi32, #tpu.memory_space<vmem_shared>>)
        tpu.yield
      }) : () -> ()
    } else {
    }
    %eq3A_1611 = arith.constant 1 : i32
    %eq3A_1612 = vector.broadcast %eq3A_1611 : i32 to vector<16xi32>
    %eq3A_1613 = arith.cmpi eq, %iota3A, %eq3A_1612 : vector<16xi32>
    %jit3A_1614 = arith.constant 0 : i32
    %broadcast_in_dim3A_1615 = vector.broadcast %jit3A_1614 : i32 to vector<16xi32>
    %select_n3A_1616 = arith.select %eq3A_1613, %scan3A_135, %broadcast_in_dim3A_1615 : vector<16xi1>, vector<16xi32>
    %reduce_max3A_1617 = arith.constant true
    %reduce_max3A_1618 = vector.broadcast %reduce_max3A_1617 : i1 to vector<16xi1>
    %reduce_max3A_1619 = arith.constant -2147483648 : i32
    %reduce_max3A_1620 = vector.broadcast %reduce_max3A_1619 : i32 to vector<16xi32>
    %reduce_max3A_1621 = arith.xori %select_n3A_1616, %reduce_max3A_1620 : vector<16xi32>
    %reduce_max3A_1622 = tpu.scan <max>, %reduce_max3A_1621 masked %reduce_max3A_1618 : vector<16xi32>, vector<16xi1> -> vector<16xi32>
    %reduce_max3A_1623 = arith.xori %reduce_max3A_1622, %reduce_max3A_1620 : vector<16xi32>
    %reduce_max3A_1624 = vector.extract %reduce_max3A_1623[15] : i32 from vector<16xi32>
    %gt3A_1625 = arith.constant 0 : i32
    %gt3A_1626 = arith.cmpi sgt, %reduce_max3A_1624, %gt3A_1625 : i32
    %not3A_1627 = arith.constant true
    %not3A_1628 = arith.xori %gt3A_1626, %not3A_1627 : i1
    %convert_element_type3A_1629 = arith.extui %not3A_1628 : i1 to i32
    %cond3A_1630 = arith.constant 0 : i32
    %cond3A_1631 = arith.cmpi ne, %convert_element_type3A_1629, %cond3A_1630 : i32
    scf.if %cond3A_1631 {
      %add3A_1697 = arith.constant 1 : i32
      %add3A_1698 = arith.addi %add3A_37, %add3A_1697 : i32
      %jit3A_1699 = arith.constant 16 : i32
      %div3A_1700 = arith.divsi %add3A_1698, %jit3A_1699 : i32
      %sign3A_1701 = arith.constant 0 : i32
      %sign3A_1702 = arith.cmpi sgt, %add3A_1698, %sign3A_1701 : i32
      %sign3A_1703 = arith.extui %sign3A_1702 : i1 to i32
      %sign3A_1704 = arith.constant 0 : i32
      %sign3A_1705 = arith.cmpi slt, %add3A_1698, %sign3A_1704 : i32
      %sign3A_1706 = arith.extui %sign3A_1705 : i1 to i32
      %sign3A_1707 = arith.subi %sign3A_1703, %sign3A_1706 : i32
      %sign3A_1708 = arith.constant 0 : i32
      %sign3A_1709 = arith.cmpi sgt, %jit3A_1699, %sign3A_1708 : i32
      %sign3A_1710 = arith.extui %sign3A_1709 : i1 to i32
      %sign3A_1711 = arith.constant 0 : i32
      %sign3A_1712 = arith.cmpi slt, %jit3A_1699, %sign3A_1711 : i32
      %sign3A_1713 = arith.extui %sign3A_1712 : i1 to i32
      %sign3A_1714 = arith.subi %sign3A_1710, %sign3A_1713 : i32
      %ne3A_1715 = arith.cmpi ne, %sign3A_1707, %sign3A_1714 : i32
      %rem3A_1716 = arith.remsi %add3A_1698, %jit3A_1699 : i32
      %ne3A_1717 = arith.constant 0 : i32
      %ne3A_1718 = arith.cmpi ne, %rem3A_1716, %ne3A_1717 : i32
      %and3A_1719 = arith.andi %ne3A_1715, %ne3A_1718 : i1
      %sub3A_1720 = arith.constant 1 : i32
      %sub3A_1721 = arith.subi %div3A_1700, %sub3A_1720 : i32
      %select_n3A_1722 = arith.select %and3A_1719, %sub3A_1721, %div3A_1700 : i32
      %mul3A_1723 = arith.constant 16 : i32
      %mul3A_1724 = arith.muli %select_n3A_1722, %mul3A_1723 : i32
      %get3A = arith.index_cast %mul3A_1724 : i32 to index
      %get3A_1725 = tpu.vector_load %arg12[%get3A] {strides = array<i32>} : memref<128xf32, #tpu.memory_space<vmem>>, vector<16xf32>,
      %jit3A_1726 = arith.constant 16 : i32
      %eq3A_1727 = arith.constant 0 : i32
      %eq3A_1728 = arith.cmpi eq, %jit3A_1726, %eq3A_1727 : i32
      %jit3A_1729 = arith.constant 1 : i32
      %select_n3A_1730 = arith.select %eq3A_1728, %jit3A_1729, %jit3A_1726 : i32
      %rem3A_1731 = arith.remsi %add3A_1698, %select_n3A_1730 : i32
      %ne3A_1732 = arith.constant 0 : i32
      %ne3A_1733 = arith.cmpi ne, %rem3A_1731, %ne3A_1732 : i32
      %lt3A_1734 = arith.constant 0 : i32
      %lt3A_1735 = arith.cmpi slt, %rem3A_1731, %lt3A_1734 : i32
      %lt3A_1736 = arith.constant 0 : i32
      %lt3A_1737 = arith.cmpi slt, %select_n3A_1730, %lt3A_1736 : i32
      %ne3A_1738 = arith.xori %lt3A_1735, %lt3A_1737 : i1
      %and3A_1739 = arith.andi %ne3A_1738, %ne3A_1733 : i1
      %add3A_1740 = arith.addi %rem3A_1731, %select_n3A_1730 : i32
      %select_n3A_1741 = arith.select %and3A_1739, %add3A_1740, %rem3A_1731 : i32
      %eq3A_1742 = vector.broadcast %select_n3A_1741 : i32 to vector<16xi32>
      %eq3A_1743 = arith.cmpi eq, %iota3A, %eq3A_1742 : vector<16xi32>
      %jit3A_1744 = arith.constant -3.400000e+38 : f32
      %broadcast_in_dim3A_1745 = vector.broadcast %jit3A_1744 : f32 to vector<16xf32>
      %select_n3A_1746 = arith.select %eq3A_1743, %get3A_1725, %broadcast_in_dim3A_1745 : vector<16xi1>, vector<16xf32>
      %reduce_max3A_1747 = arith.constant true
      %reduce_max3A_1748 = vector.broadcast %reduce_max3A_1747 : i1 to vector<16xi1>
      %reduce_max3A_1749 = tpu.scan <max>, %select_n3A_1746 masked %reduce_max3A_1748 : vector<16xf32>, vector<16xi1> -> vector<16xf32>
      %reduce_max3A_1750 = vector.extract %reduce_max3A_1749[15] : f32 from vector<16xf32>
      %mul3A_1751 = arith.constant 4 : i32
      %mul3A_1752 = arith.muli %select_n3A_33, %mul3A_1751 : i32
      %add3A_1753 = arith.constant 1 : i32
      %add3A_1754 = arith.addi %mul3A_1752, %add3A_1753 : i32
      %add3A_1755 = arith.constant -1.000000e+20 : f32
      %add3A_1756 = arith.addf %add3A_1755, %reduce_max3A_1750 : f32
      %lt3A_1757 = arith.constant 8 : i32
      %lt3A_1758 = vector.broadcast %lt3A_1757 : i32 to vector<16xi32>
      %lt3A_1759 = arith.cmpi slt, %iota3A, %lt3A_1758 : vector<16xi32>
      %jit3A_1760 = arith.constant -3.400000e+38 : f32
      %broadcast_in_dim3A_1761 = vector.broadcast %add3A_1756 : f32 to vector<16xf32>
      %broadcast_in_dim3A_1762 = vector.broadcast %jit3A_1760 : f32 to vector<16xf32>
      %select_n3A_1763 = arith.select %lt3A_1759, %broadcast_in_dim3A_1761, %broadcast_in_dim3A_1762 : vector<16xi1>, vector<16xf32>
      %swap3A_1764 = arith.constant 0 : index
      %swap3A_1765 = tpu.vector_load %arg14[%swap3A_1764] {strides = array<i32>} : memref<16xf32, #tpu.memory_space<vmem>>, vector<16xf32>,
      tpu.vector_store %arg14[%swap3A_1764], %select_n3A_1763 {strides = array<i32>} : memref<16xf32, #tpu.memory_space<vmem>>, vector<16xf32>,
      %lt3A_1766 = arith.constant 8 : i32
      %lt3A_1767 = vector.broadcast %lt3A_1766 : i32 to vector<16xi32>
      %lt3A_1768 = arith.cmpi slt, %iota3A, %lt3A_1767 : vector<16xi32>
      %mul3A_1769 = arith.constant 32768 : i32
      %mul3A_1770 = arith.muli %add3A_1754, %mul3A_1769 : i32
      %add3A_1771 = vector.broadcast %mul3A_1770 : i32 to vector<16xi32>
      %add3A_1772 = arith.addi %add3A_1771, %iota3A : vector<16xi32>
      %jit3A_1773 = arith.constant 2147483647 : i32
      %broadcast_in_dim3A_1774 = vector.broadcast %jit3A_1773 : i32 to vector<16xi32>
      %select_n3A_1775 = arith.select %lt3A_1768, %add3A_1772, %broadcast_in_dim3A_1774 : vector<16xi1>, vector<16xi32>
      %swap3A_1776 = arith.constant 0 : index
      %swap3A_1777 = tpu.vector_load %arg15[%swap3A_1776] {strides = array<i32>} : memref<16xi32, #tpu.memory_space<vmem>>, vector<16xi32>,
      tpu.vector_store %arg15[%swap3A_1776], %select_n3A_1775 {strides = array<i32>} : memref<16xi32, #tpu.memory_space<vmem>>, vector<16xi32>,
      %mul3A_1778 = arith.constant 16 : i32
      %mul3A_1779 = arith.muli %add3A_1754, %mul3A_1778 : i32
      "tpu.region"() ({
        %run_scoped3A = tpu.sem_alloc : memref<!tpu.dma_semaphore, #tpu.memory_space<semaphore_mem>>
        %dma_start3A_1782 = tpu.memref_slice %arg21[%select_n3A, %mul3A_1779] : memref<8x128xf32, #tpu.memory_space<vmem_shared>> -> memref<1x16xf32, #tpu.memory_space<vmem_shared>>
        %dma_start3A_1783 = tpu.memref_squeeze %dma_start3A_1782 : memref<1x16xf32, #tpu.memory_space<vmem_shared>> -> memref<16xf32, #tpu.memory_space<vmem_shared>>
        %dma_start3A_1784 = tpu.memref_slice %arg21[%select_n3A, %mul3A_1779] : memref<8x128xf32, #tpu.memory_space<vmem_shared>> -> memref<1x16xf32, #tpu.memory_space<vmem_shared>>
        %dma_start3A_1785 = tpu.memref_squeeze %dma_start3A_1784 : memref<1x16xf32, #tpu.memory_space<vmem_shared>> -> memref<16xf32, #tpu.memory_space<vmem_shared>>
        tpu.enqueue_dma source(%arg14 : memref<16xf32, #tpu.memory_space<vmem>>) target(%dma_start3A_1785 : memref<16xf32, #tpu.memory_space<vmem_shared>>) target_semaphore(%run_scoped3A : memref<!tpu.dma_semaphore, #tpu.memory_space<semaphore_mem>>)
        %dma_wait3A_1786 = tpu.memref_slice %arg21[%select_n3A, %mul3A_1779] : memref<8x128xf32, #tpu.memory_space<vmem_shared>> -> memref<1x16xf32, #tpu.memory_space<vmem_shared>>
        %dma_wait3A_1787 = tpu.memref_squeeze %dma_wait3A_1786 : memref<1x16xf32, #tpu.memory_space<vmem_shared>> -> memref<16xf32, #tpu.memory_space<vmem_shared>>
        %dma_wait3A_1788 = tpu.memref_slice %arg21[%select_n3A, %mul3A_1779] : memref<8x128xf32, #tpu.memory_space<vmem_shared>> -> memref<1x16xf32, #tpu.memory_space<vmem_shared>>
        %dma_wait3A_1789 = tpu.memref_squeeze %dma_wait3A_1788 : memref<1x16xf32, #tpu.memory_space<vmem_shared>> -> memref<16xf32, #tpu.memory_space<vmem_shared>>
        tpu.wait_dma2 semaphore(%run_scoped3A : memref<!tpu.dma_semaphore, #tpu.memory_space<semaphore_mem>>) src(%arg14 : memref<16xf32, #tpu.memory_space<vmem>>) dst(%dma_wait3A_1789 : memref<16xf32, #tpu.memory_space<vmem_shared>>)
        tpu.yield
      }) : () -> ()
      %mul3A_1780 = arith.constant 16 : i32
      %mul3A_1781 = arith.muli %add3A_1754, %mul3A_1780 : i32
      "tpu.region"() ({
        %run_scoped3A = tpu.sem_alloc : memref<!tpu.dma_semaphore, #tpu.memory_space<semaphore_mem>>
        %dma_start3A_1782 = tpu.memref_slice %arg22[%select_n3A, %mul3A_1781] : memref<8x128xi32, #tpu.memory_space<vmem_shared>> -> memref<1x16xi32, #tpu.memory_space<vmem_shared>>
        %dma_start3A_1783 = tpu.memref_squeeze %dma_start3A_1782 : memref<1x16xi32, #tpu.memory_space<vmem_shared>> -> memref<16xi32, #tpu.memory_space<vmem_shared>>
        %dma_start3A_1784 = tpu.memref_slice %arg22[%select_n3A, %mul3A_1781] : memref<8x128xi32, #tpu.memory_space<vmem_shared>> -> memref<1x16xi32, #tpu.memory_space<vmem_shared>>
        %dma_start3A_1785 = tpu.memref_squeeze %dma_start3A_1784 : memref<1x16xi32, #tpu.memory_space<vmem_shared>> -> memref<16xi32, #tpu.memory_space<vmem_shared>>
        tpu.enqueue_dma source(%arg15 : memref<16xi32, #tpu.memory_space<vmem>>) target(%dma_start3A_1785 : memref<16xi32, #tpu.memory_space<vmem_shared>>) target_semaphore(%run_scoped3A : memref<!tpu.dma_semaphore, #tpu.memory_space<semaphore_mem>>)
        %dma_wait3A_1786 = tpu.memref_slice %arg22[%select_n3A, %mul3A_1781] : memref<8x128xi32, #tpu.memory_space<vmem_shared>> -> memref<1x16xi32, #tpu.memory_space<vmem_shared>>
        %dma_wait3A_1787 = tpu.memref_squeeze %dma_wait3A_1786 : memref<1x16xi32, #tpu.memory_space<vmem_shared>> -> memref<16xi32, #tpu.memory_space<vmem_shared>>
        %dma_wait3A_1788 = tpu.memref_slice %arg22[%select_n3A, %mul3A_1781] : memref<8x128xi32, #tpu.memory_space<vmem_shared>> -> memref<1x16xi32, #tpu.memory_space<vmem_shared>>
        %dma_wait3A_1789 = tpu.memref_squeeze %dma_wait3A_1788 : memref<1x16xi32, #tpu.memory_space<vmem_shared>> -> memref<16xi32, #tpu.memory_space<vmem_shared>>
        tpu.wait_dma2 semaphore(%run_scoped3A : memref<!tpu.dma_semaphore, #tpu.memory_space<semaphore_mem>>) src(%arg15 : memref<16xi32, #tpu.memory_space<vmem>>) dst(%dma_wait3A_1789 : memref<16xi32, #tpu.memory_space<vmem_shared>>)
        tpu.yield
      }) : () -> ()
    } else {
    }
    %eq3A_1632 = arith.constant 2 : i32
    %eq3A_1633 = vector.broadcast %eq3A_1632 : i32 to vector<16xi32>
    %eq3A_1634 = arith.cmpi eq, %iota3A, %eq3A_1633 : vector<16xi32>
    %jit3A_1635 = arith.constant 0 : i32
    %broadcast_in_dim3A_1636 = vector.broadcast %jit3A_1635 : i32 to vector<16xi32>
    %select_n3A_1637 = arith.select %eq3A_1634, %scan3A_135, %broadcast_in_dim3A_1636 : vector<16xi1>, vector<16xi32>
    %reduce_max3A_1638 = arith.constant true
    %reduce_max3A_1639 = vector.broadcast %reduce_max3A_1638 : i1 to vector<16xi1>
    %reduce_max3A_1640 = arith.constant -2147483648 : i32
    %reduce_max3A_1641 = vector.broadcast %reduce_max3A_1640 : i32 to vector<16xi32>
    %reduce_max3A_1642 = arith.xori %select_n3A_1637, %reduce_max3A_1641 : vector<16xi32>
    %reduce_max3A_1643 = tpu.scan <max>, %reduce_max3A_1642 masked %reduce_max3A_1639 : vector<16xi32>, vector<16xi1> -> vector<16xi32>
    %reduce_max3A_1644 = arith.xori %reduce_max3A_1643, %reduce_max3A_1641 : vector<16xi32>
    %reduce_max3A_1645 = vector.extract %reduce_max3A_1644[15] : i32 from vector<16xi32>
    %gt3A_1646 = arith.constant 0 : i32
    %gt3A_1647 = arith.cmpi sgt, %reduce_max3A_1645, %gt3A_1646 : i32
    %not3A_1648 = arith.constant true
    %not3A_1649 = arith.xori %gt3A_1647, %not3A_1648 : i1
    %convert_element_type3A_1650 = arith.extui %not3A_1649 : i1 to i32
    %cond3A_1651 = arith.constant 0 : i32
    %cond3A_1652 = arith.cmpi ne, %convert_element_type3A_1650, %cond3A_1651 : i32
    scf.if %cond3A_1652 {
      %add3A_1697 = arith.constant 2 : i32
      %add3A_1698 = arith.addi %add3A_37, %add3A_1697 : i32
      %jit3A_1699 = arith.constant 16 : i32
      %div3A_1700 = arith.divsi %add3A_1698, %jit3A_1699 : i32
      %sign3A_1701 = arith.constant 0 : i32
      %sign3A_1702 = arith.cmpi sgt, %add3A_1698, %sign3A_1701 : i32
      %sign3A_1703 = arith.extui %sign3A_1702 : i1 to i32
      %sign3A_1704 = arith.constant 0 : i32
      %sign3A_1705 = arith.cmpi slt, %add3A_1698, %sign3A_1704 : i32
      %sign3A_1706 = arith.extui %sign3A_1705 : i1 to i32
      %sign3A_1707 = arith.subi %sign3A_1703, %sign3A_1706 : i32
      %sign3A_1708 = arith.constant 0 : i32
      %sign3A_1709 = arith.cmpi sgt, %jit3A_1699, %sign3A_1708 : i32
      %sign3A_1710 = arith.extui %sign3A_1709 : i1 to i32
      %sign3A_1711 = arith.constant 0 : i32
      %sign3A_1712 = arith.cmpi slt, %jit3A_1699, %sign3A_1711 : i32
      %sign3A_1713 = arith.extui %sign3A_1712 : i1 to i32
      %sign3A_1714 = arith.subi %sign3A_1710, %sign3A_1713 : i32
      %ne3A_1715 = arith.cmpi ne, %sign3A_1707, %sign3A_1714 : i32
      %rem3A_1716 = arith.remsi %add3A_1698, %jit3A_1699 : i32
      %ne3A_1717 = arith.constant 0 : i32
      %ne3A_1718 = arith.cmpi ne, %rem3A_1716, %ne3A_1717 : i32
      %and3A_1719 = arith.andi %ne3A_1715, %ne3A_1718 : i1
      %sub3A_1720 = arith.constant 1 : i32
      %sub3A_1721 = arith.subi %div3A_1700, %sub3A_1720 : i32
      %select_n3A_1722 = arith.select %and3A_1719, %sub3A_1721, %div3A_1700 : i32
      %mul3A_1723 = arith.constant 16 : i32
      %mul3A_1724 = arith.muli %select_n3A_1722, %mul3A_1723 : i32
      %get3A = arith.index_cast %mul3A_1724 : i32 to index
      %get3A_1725 = tpu.vector_load %arg12[%get3A] {strides = array<i32>} : memref<128xf32, #tpu.memory_space<vmem>>, vector<16xf32>,
      %jit3A_1726 = arith.constant 16 : i32
      %eq3A_1727 = arith.constant 0 : i32
      %eq3A_1728 = arith.cmpi eq, %jit3A_1726, %eq3A_1727 : i32
      %jit3A_1729 = arith.constant 1 : i32
      %select_n3A_1730 = arith.select %eq3A_1728, %jit3A_1729, %jit3A_1726 : i32
      %rem3A_1731 = arith.remsi %add3A_1698, %select_n3A_1730 : i32
      %ne3A_1732 = arith.constant 0 : i32
      %ne3A_1733 = arith.cmpi ne, %rem3A_1731, %ne3A_1732 : i32
      %lt3A_1734 = arith.constant 0 : i32
      %lt3A_1735 = arith.cmpi slt, %rem3A_1731, %lt3A_1734 : i32
      %lt3A_1736 = arith.constant 0 : i32
      %lt3A_1737 = arith.cmpi slt, %select_n3A_1730, %lt3A_1736 : i32
      %ne3A_1738 = arith.xori %lt3A_1735, %lt3A_1737 : i1
      %and3A_1739 = arith.andi %ne3A_1738, %ne3A_1733 : i1
      %add3A_1740 = arith.addi %rem3A_1731, %select_n3A_1730 : i32
      %select_n3A_1741 = arith.select %and3A_1739, %add3A_1740, %rem3A_1731 : i32
      %eq3A_1742 = vector.broadcast %select_n3A_1741 : i32 to vector<16xi32>
      %eq3A_1743 = arith.cmpi eq, %iota3A, %eq3A_1742 : vector<16xi32>
      %jit3A_1744 = arith.constant -3.400000e+38 : f32
      %broadcast_in_dim3A_1745 = vector.broadcast %jit3A_1744 : f32 to vector<16xf32>
      %select_n3A_1746 = arith.select %eq3A_1743, %get3A_1725, %broadcast_in_dim3A_1745 : vector<16xi1>, vector<16xf32>
      %reduce_max3A_1747 = arith.constant true
      %reduce_max3A_1748 = vector.broadcast %reduce_max3A_1747 : i1 to vector<16xi1>
      %reduce_max3A_1749 = tpu.scan <max>, %select_n3A_1746 masked %reduce_max3A_1748 : vector<16xf32>, vector<16xi1> -> vector<16xf32>
      %reduce_max3A_1750 = vector.extract %reduce_max3A_1749[15] : f32 from vector<16xf32>
      %mul3A_1751 = arith.constant 4 : i32
      %mul3A_1752 = arith.muli %select_n3A_33, %mul3A_1751 : i32
      %add3A_1753 = arith.constant 2 : i32
      %add3A_1754 = arith.addi %mul3A_1752, %add3A_1753 : i32
      %add3A_1755 = arith.constant -1.000000e+20 : f32
      %add3A_1756 = arith.addf %add3A_1755, %reduce_max3A_1750 : f32
      %lt3A_1757 = arith.constant 8 : i32
      %lt3A_1758 = vector.broadcast %lt3A_1757 : i32 to vector<16xi32>
      %lt3A_1759 = arith.cmpi slt, %iota3A, %lt3A_1758 : vector<16xi32>
      %jit3A_1760 = arith.constant -3.400000e+38 : f32
      %broadcast_in_dim3A_1761 = vector.broadcast %add3A_1756 : f32 to vector<16xf32>
      %broadcast_in_dim3A_1762 = vector.broadcast %jit3A_1760 : f32 to vector<16xf32>
      %select_n3A_1763 = arith.select %lt3A_1759, %broadcast_in_dim3A_1761, %broadcast_in_dim3A_1762 : vector<16xi1>, vector<16xf32>
      %swap3A_1764 = arith.constant 0 : index
      %swap3A_1765 = tpu.vector_load %arg14[%swap3A_1764] {strides = array<i32>} : memref<16xf32, #tpu.memory_space<vmem>>, vector<16xf32>,
      tpu.vector_store %arg14[%swap3A_1764], %select_n3A_1763 {strides = array<i32>} : memref<16xf32, #tpu.memory_space<vmem>>, vector<16xf32>,
      %lt3A_1766 = arith.constant 8 : i32
      %lt3A_1767 = vector.broadcast %lt3A_1766 : i32 to vector<16xi32>
      %lt3A_1768 = arith.cmpi slt, %iota3A, %lt3A_1767 : vector<16xi32>
      %mul3A_1769 = arith.constant 32768 : i32
      %mul3A_1770 = arith.muli %add3A_1754, %mul3A_1769 : i32
      %add3A_1771 = vector.broadcast %mul3A_1770 : i32 to vector<16xi32>
      %add3A_1772 = arith.addi %add3A_1771, %iota3A : vector<16xi32>
      %jit3A_1773 = arith.constant 2147483647 : i32
      %broadcast_in_dim3A_1774 = vector.broadcast %jit3A_1773 : i32 to vector<16xi32>
      %select_n3A_1775 = arith.select %lt3A_1768, %add3A_1772, %broadcast_in_dim3A_1774 : vector<16xi1>, vector<16xi32>
      %swap3A_1776 = arith.constant 0 : index
      %swap3A_1777 = tpu.vector_load %arg15[%swap3A_1776] {strides = array<i32>} : memref<16xi32, #tpu.memory_space<vmem>>, vector<16xi32>,
      tpu.vector_store %arg15[%swap3A_1776], %select_n3A_1775 {strides = array<i32>} : memref<16xi32, #tpu.memory_space<vmem>>, vector<16xi32>,
      %mul3A_1778 = arith.constant 16 : i32
      %mul3A_1779 = arith.muli %add3A_1754, %mul3A_1778 : i32
      "tpu.region"() ({
        %run_scoped3A = tpu.sem_alloc : memref<!tpu.dma_semaphore, #tpu.memory_space<semaphore_mem>>
        %dma_start3A_1782 = tpu.memref_slice %arg21[%select_n3A, %mul3A_1779] : memref<8x128xf32, #tpu.memory_space<vmem_shared>> -> memref<1x16xf32, #tpu.memory_space<vmem_shared>>
        %dma_start3A_1783 = tpu.memref_squeeze %dma_start3A_1782 : memref<1x16xf32, #tpu.memory_space<vmem_shared>> -> memref<16xf32, #tpu.memory_space<vmem_shared>>
        %dma_start3A_1784 = tpu.memref_slice %arg21[%select_n3A, %mul3A_1779] : memref<8x128xf32, #tpu.memory_space<vmem_shared>> -> memref<1x16xf32, #tpu.memory_space<vmem_shared>>
        %dma_start3A_1785 = tpu.memref_squeeze %dma_start3A_1784 : memref<1x16xf32, #tpu.memory_space<vmem_shared>> -> memref<16xf32, #tpu.memory_space<vmem_shared>>
        tpu.enqueue_dma source(%arg14 : memref<16xf32, #tpu.memory_space<vmem>>) target(%dma_start3A_1785 : memref<16xf32, #tpu.memory_space<vmem_shared>>) target_semaphore(%run_scoped3A : memref<!tpu.dma_semaphore, #tpu.memory_space<semaphore_mem>>)
        %dma_wait3A_1786 = tpu.memref_slice %arg21[%select_n3A, %mul3A_1779] : memref<8x128xf32, #tpu.memory_space<vmem_shared>> -> memref<1x16xf32, #tpu.memory_space<vmem_shared>>
        %dma_wait3A_1787 = tpu.memref_squeeze %dma_wait3A_1786 : memref<1x16xf32, #tpu.memory_space<vmem_shared>> -> memref<16xf32, #tpu.memory_space<vmem_shared>>
        %dma_wait3A_1788 = tpu.memref_slice %arg21[%select_n3A, %mul3A_1779] : memref<8x128xf32, #tpu.memory_space<vmem_shared>> -> memref<1x16xf32, #tpu.memory_space<vmem_shared>>
        %dma_wait3A_1789 = tpu.memref_squeeze %dma_wait3A_1788 : memref<1x16xf32, #tpu.memory_space<vmem_shared>> -> memref<16xf32, #tpu.memory_space<vmem_shared>>
        tpu.wait_dma2 semaphore(%run_scoped3A : memref<!tpu.dma_semaphore, #tpu.memory_space<semaphore_mem>>) src(%arg14 : memref<16xf32, #tpu.memory_space<vmem>>) dst(%dma_wait3A_1789 : memref<16xf32, #tpu.memory_space<vmem_shared>>)
        tpu.yield
      }) : () -> ()
      %mul3A_1780 = arith.constant 16 : i32
      %mul3A_1781 = arith.muli %add3A_1754, %mul3A_1780 : i32
      "tpu.region"() ({
        %run_scoped3A = tpu.sem_alloc : memref<!tpu.dma_semaphore, #tpu.memory_space<semaphore_mem>>
        %dma_start3A_1782 = tpu.memref_slice %arg22[%select_n3A, %mul3A_1781] : memref<8x128xi32, #tpu.memory_space<vmem_shared>> -> memref<1x16xi32, #tpu.memory_space<vmem_shared>>
        %dma_start3A_1783 = tpu.memref_squeeze %dma_start3A_1782 : memref<1x16xi32, #tpu.memory_space<vmem_shared>> -> memref<16xi32, #tpu.memory_space<vmem_shared>>
        %dma_start3A_1784 = tpu.memref_slice %arg22[%select_n3A, %mul3A_1781] : memref<8x128xi32, #tpu.memory_space<vmem_shared>> -> memref<1x16xi32, #tpu.memory_space<vmem_shared>>
        %dma_start3A_1785 = tpu.memref_squeeze %dma_start3A_1784 : memref<1x16xi32, #tpu.memory_space<vmem_shared>> -> memref<16xi32, #tpu.memory_space<vmem_shared>>
        tpu.enqueue_dma source(%arg15 : memref<16xi32, #tpu.memory_space<vmem>>) target(%dma_start3A_1785 : memref<16xi32, #tpu.memory_space<vmem_shared>>) target_semaphore(%run_scoped3A : memref<!tpu.dma_semaphore, #tpu.memory_space<semaphore_mem>>)
        %dma_wait3A_1786 = tpu.memref_slice %arg22[%select_n3A, %mul3A_1781] : memref<8x128xi32, #tpu.memory_space<vmem_shared>> -> memref<1x16xi32, #tpu.memory_space<vmem_shared>>
        %dma_wait3A_1787 = tpu.memref_squeeze %dma_wait3A_1786 : memref<1x16xi32, #tpu.memory_space<vmem_shared>> -> memref<16xi32, #tpu.memory_space<vmem_shared>>
        %dma_wait3A_1788 = tpu.memref_slice %arg22[%select_n3A, %mul3A_1781] : memref<8x128xi32, #tpu.memory_space<vmem_shared>> -> memref<1x16xi32, #tpu.memory_space<vmem_shared>>
        %dma_wait3A_1789 = tpu.memref_squeeze %dma_wait3A_1788 : memref<1x16xi32, #tpu.memory_space<vmem_shared>> -> memref<16xi32, #tpu.memory_space<vmem_shared>>
        tpu.wait_dma2 semaphore(%run_scoped3A : memref<!tpu.dma_semaphore, #tpu.memory_space<semaphore_mem>>) src(%arg15 : memref<16xi32, #tpu.memory_space<vmem>>) dst(%dma_wait3A_1789 : memref<16xi32, #tpu.memory_space<vmem_shared>>)
        tpu.yield
      }) : () -> ()
    } else {
    }
    %eq3A_1653 = arith.constant 3 : i32
    %eq3A_1654 = vector.broadcast %eq3A_1653 : i32 to vector<16xi32>
    %eq3A_1655 = arith.cmpi eq, %iota3A, %eq3A_1654 : vector<16xi32>
    %jit3A_1656 = arith.constant 0 : i32
    %broadcast_in_dim3A_1657 = vector.broadcast %jit3A_1656 : i32 to vector<16xi32>
    %select_n3A_1658 = arith.select %eq3A_1655, %scan3A_135, %broadcast_in_dim3A_1657 : vector<16xi1>, vector<16xi32>
    %reduce_max3A_1659 = arith.constant true
    %reduce_max3A_1660 = vector.broadcast %reduce_max3A_1659 : i1 to vector<16xi1>
    %reduce_max3A_1661 = arith.constant -2147483648 : i32
    %reduce_max3A_1662 = vector.broadcast %reduce_max3A_1661 : i32 to vector<16xi32>
    %reduce_max3A_1663 = arith.xori %select_n3A_1658, %reduce_max3A_1662 : vector<16xi32>
    %reduce_max3A_1664 = tpu.scan <max>, %reduce_max3A_1663 masked %reduce_max3A_1660 : vector<16xi32>, vector<16xi1> -> vector<16xi32>
    %reduce_max3A_1665 = arith.xori %reduce_max3A_1664, %reduce_max3A_1662 : vector<16xi32>
    %reduce_max3A_1666 = vector.extract %reduce_max3A_1665[15] : i32 from vector<16xi32>
    %gt3A_1667 = arith.constant 0 : i32
    %gt3A_1668 = arith.cmpi sgt, %reduce_max3A_1666, %gt3A_1667 : i32
    %not3A_1669 = arith.constant true
    %not3A_1670 = arith.xori %gt3A_1668, %not3A_1669 : i1
    %convert_element_type3A_1671 = arith.extui %not3A_1670 : i1 to i32
    %cond3A_1672 = arith.constant 0 : i32
    %cond3A_1673 = arith.cmpi ne, %convert_element_type3A_1671, %cond3A_1672 : i32
    scf.if %cond3A_1673 {
      %add3A_1697 = arith.constant 3 : i32
      %add3A_1698 = arith.addi %add3A_37, %add3A_1697 : i32
      %jit3A_1699 = arith.constant 16 : i32
      %div3A_1700 = arith.divsi %add3A_1698, %jit3A_1699 : i32
      %sign3A_1701 = arith.constant 0 : i32
      %sign3A_1702 = arith.cmpi sgt, %add3A_1698, %sign3A_1701 : i32
      %sign3A_1703 = arith.extui %sign3A_1702 : i1 to i32
      %sign3A_1704 = arith.constant 0 : i32
      %sign3A_1705 = arith.cmpi slt, %add3A_1698, %sign3A_1704 : i32
      %sign3A_1706 = arith.extui %sign3A_1705 : i1 to i32
      %sign3A_1707 = arith.subi %sign3A_1703, %sign3A_1706 : i32
      %sign3A_1708 = arith.constant 0 : i32
      %sign3A_1709 = arith.cmpi sgt, %jit3A_1699, %sign3A_1708 : i32
      %sign3A_1710 = arith.extui %sign3A_1709 : i1 to i32
      %sign3A_1711 = arith.constant 0 : i32
      %sign3A_1712 = arith.cmpi slt, %jit3A_1699, %sign3A_1711 : i32
      %sign3A_1713 = arith.extui %sign3A_1712 : i1 to i32
      %sign3A_1714 = arith.subi %sign3A_1710, %sign3A_1713 : i32
      %ne3A_1715 = arith.cmpi ne, %sign3A_1707, %sign3A_1714 : i32
      %rem3A_1716 = arith.remsi %add3A_1698, %jit3A_1699 : i32
      %ne3A_1717 = arith.constant 0 : i32
      %ne3A_1718 = arith.cmpi ne, %rem3A_1716, %ne3A_1717 : i32
      %and3A_1719 = arith.andi %ne3A_1715, %ne3A_1718 : i1
      %sub3A_1720 = arith.constant 1 : i32
      %sub3A_1721 = arith.subi %div3A_1700, %sub3A_1720 : i32
      %select_n3A_1722 = arith.select %and3A_1719, %sub3A_1721, %div3A_1700 : i32
      %mul3A_1723 = arith.constant 16 : i32
      %mul3A_1724 = arith.muli %select_n3A_1722, %mul3A_1723 : i32
      %get3A = arith.index_cast %mul3A_1724 : i32 to index
      %get3A_1725 = tpu.vector_load %arg12[%get3A] {strides = array<i32>} : memref<128xf32, #tpu.memory_space<vmem>>, vector<16xf32>,
      %jit3A_1726 = arith.constant 16 : i32
      %eq3A_1727 = arith.constant 0 : i32
      %eq3A_1728 = arith.cmpi eq, %jit3A_1726, %eq3A_1727 : i32
      %jit3A_1729 = arith.constant 1 : i32
      %select_n3A_1730 = arith.select %eq3A_1728, %jit3A_1729, %jit3A_1726 : i32
      %rem3A_1731 = arith.remsi %add3A_1698, %select_n3A_1730 : i32
      %ne3A_1732 = arith.constant 0 : i32
      %ne3A_1733 = arith.cmpi ne, %rem3A_1731, %ne3A_1732 : i32
      %lt3A_1734 = arith.constant 0 : i32
      %lt3A_1735 = arith.cmpi slt, %rem3A_1731, %lt3A_1734 : i32
      %lt3A_1736 = arith.constant 0 : i32
      %lt3A_1737 = arith.cmpi slt, %select_n3A_1730, %lt3A_1736 : i32
      %ne3A_1738 = arith.xori %lt3A_1735, %lt3A_1737 : i1
      %and3A_1739 = arith.andi %ne3A_1738, %ne3A_1733 : i1
      %add3A_1740 = arith.addi %rem3A_1731, %select_n3A_1730 : i32
      %select_n3A_1741 = arith.select %and3A_1739, %add3A_1740, %rem3A_1731 : i32
      %eq3A_1742 = vector.broadcast %select_n3A_1741 : i32 to vector<16xi32>
      %eq3A_1743 = arith.cmpi eq, %iota3A, %eq3A_1742 : vector<16xi32>
      %jit3A_1744 = arith.constant -3.400000e+38 : f32
      %broadcast_in_dim3A_1745 = vector.broadcast %jit3A_1744 : f32 to vector<16xf32>
      %select_n3A_1746 = arith.select %eq3A_1743, %get3A_1725, %broadcast_in_dim3A_1745 : vector<16xi1>, vector<16xf32>
      %reduce_max3A_1747 = arith.constant true
      %reduce_max3A_1748 = vector.broadcast %reduce_max3A_1747 : i1 to vector<16xi1>
      %reduce_max3A_1749 = tpu.scan <max>, %select_n3A_1746 masked %reduce_max3A_1748 : vector<16xf32>, vector<16xi1> -> vector<16xf32>
      %reduce_max3A_1750 = vector.extract %reduce_max3A_1749[15] : f32 from vector<16xf32>
      %mul3A_1751 = arith.constant 4 : i32
      %mul3A_1752 = arith.muli %select_n3A_33, %mul3A_1751 : i32
      %add3A_1753 = arith.constant 3 : i32
      %add3A_1754 = arith.addi %mul3A_1752, %add3A_1753 : i32
      %add3A_1755 = arith.constant -1.000000e+20 : f32
      %add3A_1756 = arith.addf %add3A_1755, %reduce_max3A_1750 : f32
      %lt3A_1757 = arith.constant 8 : i32
      %lt3A_1758 = vector.broadcast %lt3A_1757 : i32 to vector<16xi32>
      %lt3A_1759 = arith.cmpi slt, %iota3A, %lt3A_1758 : vector<16xi32>
      %jit3A_1760 = arith.constant -3.400000e+38 : f32
      %broadcast_in_dim3A_1761 = vector.broadcast %add3A_1756 : f32 to vector<16xf32>
      %broadcast_in_dim3A_1762 = vector.broadcast %jit3A_1760 : f32 to vector<16xf32>
      %select_n3A_1763 = arith.select %lt3A_1759, %broadcast_in_dim3A_1761, %broadcast_in_dim3A_1762 : vector<16xi1>, vector<16xf32>
      %swap3A_1764 = arith.constant 0 : index
      %swap3A_1765 = tpu.vector_load %arg14[%swap3A_1764] {strides = array<i32>} : memref<16xf32, #tpu.memory_space<vmem>>, vector<16xf32>,
      tpu.vector_store %arg14[%swap3A_1764], %select_n3A_1763 {strides = array<i32>} : memref<16xf32, #tpu.memory_space<vmem>>, vector<16xf32>,
      %lt3A_1766 = arith.constant 8 : i32
      %lt3A_1767 = vector.broadcast %lt3A_1766 : i32 to vector<16xi32>
      %lt3A_1768 = arith.cmpi slt, %iota3A, %lt3A_1767 : vector<16xi32>
      %mul3A_1769 = arith.constant 32768 : i32
      %mul3A_1770 = arith.muli %add3A_1754, %mul3A_1769 : i32
      %add3A_1771 = vector.broadcast %mul3A_1770 : i32 to vector<16xi32>
      %add3A_1772 = arith.addi %add3A_1771, %iota3A : vector<16xi32>
      %jit3A_1773 = arith.constant 2147483647 : i32
      %broadcast_in_dim3A_1774 = vector.broadcast %jit3A_1773 : i32 to vector<16xi32>
      %select_n3A_1775 = arith.select %lt3A_1768, %add3A_1772, %broadcast_in_dim3A_1774 : vector<16xi1>, vector<16xi32>
      %swap3A_1776 = arith.constant 0 : index
      %swap3A_1777 = tpu.vector_load %arg15[%swap3A_1776] {strides = array<i32>} : memref<16xi32, #tpu.memory_space<vmem>>, vector<16xi32>,
      tpu.vector_store %arg15[%swap3A_1776], %select_n3A_1775 {strides = array<i32>} : memref<16xi32, #tpu.memory_space<vmem>>, vector<16xi32>,
      %mul3A_1778 = arith.constant 16 : i32
      %mul3A_1779 = arith.muli %add3A_1754, %mul3A_1778 : i32
      "tpu.region"() ({
        %run_scoped3A = tpu.sem_alloc : memref<!tpu.dma_semaphore, #tpu.memory_space<semaphore_mem>>
        %dma_start3A_1782 = tpu.memref_slice %arg21[%select_n3A, %mul3A_1779] : memref<8x128xf32, #tpu.memory_space<vmem_shared>> -> memref<1x16xf32, #tpu.memory_space<vmem_shared>>
        %dma_start3A_1783 = tpu.memref_squeeze %dma_start3A_1782 : memref<1x16xf32, #tpu.memory_space<vmem_shared>> -> memref<16xf32, #tpu.memory_space<vmem_shared>>
        %dma_start3A_1784 = tpu.memref_slice %arg21[%select_n3A, %mul3A_1779] : memref<8x128xf32, #tpu.memory_space<vmem_shared>> -> memref<1x16xf32, #tpu.memory_space<vmem_shared>>
        %dma_start3A_1785 = tpu.memref_squeeze %dma_start3A_1784 : memref<1x16xf32, #tpu.memory_space<vmem_shared>> -> memref<16xf32, #tpu.memory_space<vmem_shared>>
        tpu.enqueue_dma source(%arg14 : memref<16xf32, #tpu.memory_space<vmem>>) target(%dma_start3A_1785 : memref<16xf32, #tpu.memory_space<vmem_shared>>) target_semaphore(%run_scoped3A : memref<!tpu.dma_semaphore, #tpu.memory_space<semaphore_mem>>)
        %dma_wait3A_1786 = tpu.memref_slice %arg21[%select_n3A, %mul3A_1779] : memref<8x128xf32, #tpu.memory_space<vmem_shared>> -> memref<1x16xf32, #tpu.memory_space<vmem_shared>>
        %dma_wait3A_1787 = tpu.memref_squeeze %dma_wait3A_1786 : memref<1x16xf32, #tpu.memory_space<vmem_shared>> -> memref<16xf32, #tpu.memory_space<vmem_shared>>
        %dma_wait3A_1788 = tpu.memref_slice %arg21[%select_n3A, %mul3A_1779] : memref<8x128xf32, #tpu.memory_space<vmem_shared>> -> memref<1x16xf32, #tpu.memory_space<vmem_shared>>
        %dma_wait3A_1789 = tpu.memref_squeeze %dma_wait3A_1788 : memref<1x16xf32, #tpu.memory_space<vmem_shared>> -> memref<16xf32, #tpu.memory_space<vmem_shared>>
        tpu.wait_dma2 semaphore(%run_scoped3A : memref<!tpu.dma_semaphore, #tpu.memory_space<semaphore_mem>>) src(%arg14 : memref<16xf32, #tpu.memory_space<vmem>>) dst(%dma_wait3A_1789 : memref<16xf32, #tpu.memory_space<vmem_shared>>)
        tpu.yield
      }) : () -> ()
      %mul3A_1780 = arith.constant 16 : i32
      %mul3A_1781 = arith.muli %add3A_1754, %mul3A_1780 : i32
      "tpu.region"() ({
        %run_scoped3A = tpu.sem_alloc : memref<!tpu.dma_semaphore, #tpu.memory_space<semaphore_mem>>
        %dma_start3A_1782 = tpu.memref_slice %arg22[%select_n3A, %mul3A_1781] : memref<8x128xi32, #tpu.memory_space<vmem_shared>> -> memref<1x16xi32, #tpu.memory_space<vmem_shared>>
        %dma_start3A_1783 = tpu.memref_squeeze %dma_start3A_1782 : memref<1x16xi32, #tpu.memory_space<vmem_shared>> -> memref<16xi32, #tpu.memory_space<vmem_shared>>
        %dma_start3A_1784 = tpu.memref_slice %arg22[%select_n3A, %mul3A_1781] : memref<8x128xi32, #tpu.memory_space<vmem_shared>> -> memref<1x16xi32, #tpu.memory_space<vmem_shared>>
        %dma_start3A_1785 = tpu.memref_squeeze %dma_start3A_1784 : memref<1x16xi32, #tpu.memory_space<vmem_shared>> -> memref<16xi32, #tpu.memory_space<vmem_shared>>
        tpu.enqueue_dma source(%arg15 : memref<16xi32, #tpu.memory_space<vmem>>) target(%dma_start3A_1785 : memref<16xi32, #tpu.memory_space<vmem_shared>>) target_semaphore(%run_scoped3A : memref<!tpu.dma_semaphore, #tpu.memory_space<semaphore_mem>>)
        %dma_wait3A_1786 = tpu.memref_slice %arg22[%select_n3A, %mul3A_1781] : memref<8x128xi32, #tpu.memory_space<vmem_shared>> -> memref<1x16xi32, #tpu.memory_space<vmem_shared>>
        %dma_wait3A_1787 = tpu.memref_squeeze %dma_wait3A_1786 : memref<1x16xi32, #tpu.memory_space<vmem_shared>> -> memref<16xi32, #tpu.memory_space<vmem_shared>>
        %dma_wait3A_1788 = tpu.memref_slice %arg22[%select_n3A, %mul3A_1781] : memref<8x128xi32, #tpu.memory_space<vmem_shared>> -> memref<1x16xi32, #tpu.memory_space<vmem_shared>>
        %dma_wait3A_1789 = tpu.memref_squeeze %dma_wait3A_1788 : memref<1x16xi32, #tpu.memory_space<vmem_shared>> -> memref<16xi32, #tpu.memory_space<vmem_shared>>
        tpu.wait_dma2 semaphore(%run_scoped3A : memref<!tpu.dma_semaphore, #tpu.memory_space<semaphore_mem>>) src(%arg15 : memref<16xi32, #tpu.memory_space<vmem>>) dst(%dma_wait3A_1789 : memref<16xi32, #tpu.memory_space<vmem_shared>>)
        tpu.yield
      }) : () -> ()
    } else {
    }
    %lt3A_1674 = arith.constant 2147483647 : i32
    %lt3A_1675 = arith.cmpi slt, %reduce_min3A_711, %lt3A_1674 : i32
    %convert_element_type3A_1676 = arith.extui %lt3A_1675 : i1 to i32
    %cond3A_1677 = arith.constant 0 : i32
    %cond3A_1678 = arith.cmpi ne, %convert_element_type3A_1676, %cond3A_1677 : i32
    scf.if %cond3A_1678 {
      %mul3A_1697 = arith.constant 64 : i32
      %mul3A_1698 = arith.muli %arg0, %mul3A_1697 : i32
      %add3A_1699 = arith.addi %mul3A_1698, %reduce_min3A_711 : i32
      %dma_start3A_1700 = arith.constant 0 : i32
      %dma_start3A_1701 = tpu.memref_slice %arg9[%dma_start3A_1700] : memref<65536xf32, #tpu.memory_space<vmem>> -> memref<32768xf32, #tpu.memory_space<vmem>>
      %dma_start3A_1702 = arith.constant 0 : i32
      %dma_start3A_1703 = tpu.memref_slice %arg2[%add3A_1699, %dma_start3A_1702] : memref<128x32768xf32, #tpu.memory_space<hbm>> -> memref<1x32768xf32, #tpu.memory_space<hbm>>
      %dma_start3A_1704 = tpu.memref_squeeze %dma_start3A_1703 : memref<1x32768xf32, #tpu.memory_space<hbm>> -> memref<32768xf32, #tpu.memory_space<hbm>>
      %dma_start3A_1705 = arith.constant 0 : i32
      %dma_start3A_1706 = tpu.memref_slice %arg9[%dma_start3A_1705] : memref<65536xf32, #tpu.memory_space<vmem>> -> memref<32768xf32, #tpu.memory_space<vmem>>
      %dma_start3A_1707 = arith.constant 0 : i32
      %dma_start3A_1708 = tpu.memref_slice %arg2[%add3A_1699, %dma_start3A_1707] : memref<128x32768xf32, #tpu.memory_space<hbm>> -> memref<1x32768xf32, #tpu.memory_space<hbm>>
      %dma_start3A_1709 = tpu.memref_squeeze %dma_start3A_1708 : memref<1x32768xf32, #tpu.memory_space<hbm>> -> memref<32768xf32, #tpu.memory_space<hbm>>
      tpu.enqueue_dma source(%dma_start3A_1709 : memref<32768xf32, #tpu.memory_space<hbm>>) target(%dma_start3A_1706 : memref<32768xf32, #tpu.memory_space<vmem>>) target_semaphore(%arg25 : memref<!tpu.dma_semaphore, #tpu.memory_space<semaphore_mem>>)
    } else {
    }
    %lt3A_1679 = arith.constant 2147483647 : i32
    %lt3A_1680 = arith.cmpi slt, %reduce_min3A_998, %lt3A_1679 : i32
    %convert_element_type3A_1681 = arith.extui %lt3A_1680 : i1 to i32
    %cond3A_1682 = arith.constant 0 : i32
    %cond3A_1683 = arith.cmpi ne, %convert_element_type3A_1681, %cond3A_1682 : i32
    scf.if %cond3A_1683 {
      %mul3A_1697 = arith.constant 64 : i32
      %mul3A_1698 = arith.muli %arg0, %mul3A_1697 : i32
      %add3A_1699 = arith.addi %mul3A_1698, %reduce_min3A_998 : i32
      %dma_start3A_1700 = arith.constant 32768 : i32
      %dma_start3A_1701 = tpu.memref_slice %arg9[%dma_start3A_1700] : memref<65536xf32, #tpu.memory_space<vmem>> -> memref<32768xf32, #tpu.memory_space<vmem>>
      %dma_start3A_1702 = arith.constant 0 : i32
      %dma_start3A_1703 = tpu.memref_slice %arg2[%add3A_1699, %dma_start3A_1702] : memref<128x32768xf32, #tpu.memory_space<hbm>> -> memref<1x32768xf32, #tpu.memory_space<hbm>>
      %dma_start3A_1704 = tpu.memref_squeeze %dma_start3A_1703 : memref<1x32768xf32, #tpu.memory_space<hbm>> -> memref<32768xf32, #tpu.memory_space<hbm>>
      %dma_start3A_1705 = arith.constant 32768 : i32
      %dma_start3A_1706 = tpu.memref_slice %arg9[%dma_start3A_1705] : memref<65536xf32, #tpu.memory_space<vmem>> -> memref<32768xf32, #tpu.memory_space<vmem>>
      %dma_start3A_1707 = arith.constant 0 : i32
      %dma_start3A_1708 = tpu.memref_slice %arg2[%add3A_1699, %dma_start3A_1707] : memref<128x32768xf32, #tpu.memory_space<hbm>> -> memref<1x32768xf32, #tpu.memory_space<hbm>>
      %dma_start3A_1709 = tpu.memref_squeeze %dma_start3A_1708 : memref<1x32768xf32, #tpu.memory_space<hbm>> -> memref<32768xf32, #tpu.memory_space<hbm>>
      tpu.enqueue_dma source(%dma_start3A_1709 : memref<32768xf32, #tpu.memory_space<hbm>>) target(%dma_start3A_1706 : memref<32768xf32, #tpu.memory_space<vmem>>) target_semaphore(%arg26 : memref<!tpu.dma_semaphore, #tpu.memory_space<semaphore_mem>>)
    } else {
    }
    %scan3A_1684 = arith.constant 0 : i32
    %scan3A_1685 = arith.constant 0 : i32
    %scan3A_1686 = arith.constant 4 : i32
    %scan3A_1687 = arith.addi %scan3A_1685, %scan3A_1686 : i32
    %scan3A_1688 = arith.constant 1 : i32
    %scan3A_1689 = scf.for %scan3A_1697 = %scan3A_1685 to %scan3A_1687 step %scan3A_1688 iter_args(%scan3A_1698 = %scan3A_1684) -> (i32)  : i32 {
      %eq3A_1699 = vector.broadcast %scan3A_1697 : i32 to vector<16xi32>
      %eq3A_1700 = arith.cmpi eq, %iota3A, %eq3A_1699 : vector<16xi32>
      %jit3A_1701 = arith.constant 2147483647 : i32
      %broadcast_in_dim3A_1702 = vector.broadcast %jit3A_1701 : i32 to vector<16xi32>
      %select_n3A_1703 = arith.select %eq3A_1700, %select_n3A_1594, %broadcast_in_dim3A_1702 : vector<16xi1>, vector<16xi32>
      %reduce_min3A_1704 = arith.constant true
      %reduce_min3A_1705 = vector.broadcast %reduce_min3A_1704 : i1 to vector<16xi1>
      %reduce_min3A_1706 = arith.constant -2147483648 : i32
      %reduce_min3A_1707 = vector.broadcast %reduce_min3A_1706 : i32 to vector<16xi32>
      %reduce_min3A_1708 = arith.xori %select_n3A_1703, %reduce_min3A_1707 : vector<16xi32>
      %reduce_min3A_1709 = tpu.scan <min>, %reduce_min3A_1708 masked %reduce_min3A_1705 : vector<16xi32>, vector<16xi1> -> vector<16xi32>
      %reduce_min3A_1710 = arith.xori %reduce_min3A_1709, %reduce_min3A_1707 : vector<16xi32>
      %reduce_min3A_1711 = vector.extract %reduce_min3A_1710[15] : i32 from vector<16xi32>
      %lt3A_1712 = arith.constant 2147483647 : i32
      %lt3A_1713 = arith.cmpi slt, %reduce_min3A_1711, %lt3A_1712 : i32
      %jit3A_1714 = arith.constant 2 : i32
      %eq3A_1715 = arith.constant 0 : i32
      %eq3A_1716 = arith.cmpi eq, %jit3A_1714, %eq3A_1715 : i32
      %jit3A_1717 = arith.constant 1 : i32
      %select_n3A_1718 = arith.select %eq3A_1716, %jit3A_1717, %jit3A_1714 : i32
      %rem3A_1719 = arith.remsi %scan3A_1697, %select_n3A_1718 : i32
      %ne3A_1720 = arith.constant 0 : i32
      %ne3A_1721 = arith.cmpi ne, %rem3A_1719, %ne3A_1720 : i32
      %lt3A_1722 = arith.constant 0 : i32
      %lt3A_1723 = arith.cmpi slt, %rem3A_1719, %lt3A_1722 : i32
      %lt3A_1724 = arith.constant 0 : i32
      %lt3A_1725 = arith.cmpi slt, %select_n3A_1718, %lt3A_1724 : i32
      %ne3A_1726 = arith.xori %lt3A_1723, %lt3A_1725 : i1
      %and3A_1727 = arith.andi %ne3A_1726, %ne3A_1721 : i1
      %add3A_1728 = arith.addi %rem3A_1719, %select_n3A_1718 : i32
      %select_n3A_1729 = arith.select %and3A_1727, %add3A_1728, %rem3A_1719 : i32
      %eq3A_1730 = arith.constant 0 : i32
      %eq3A_1731 = arith.cmpi eq, %select_n3A_1729, %eq3A_1730 : i32
      %and3A_1732 = arith.andi %lt3A_1713, %eq3A_1731 : i1
      %convert_element_type3A_1733 = arith.extui %and3A_1732 : i1 to i32
      %cond3A_1734 = arith.constant 0 : i32
      %cond3A_1735 = arith.cmpi ne, %convert_element_type3A_1733, %cond3A_1734 : i32
      scf.if %cond3A_1735 {
        %mul3A_1773 = arith.constant 64 : i32
        %mul3A_1774 = arith.muli %arg0, %mul3A_1773 : i32
        %add3A_1775 = arith.addi %mul3A_1774, %reduce_min3A_1711 : i32
        %dma_wait3A_1776 = arith.constant 0 : i32
        %dma_wait3A_1777 = tpu.memref_slice %arg9[%dma_wait3A_1776] : memref<65536xf32, #tpu.memory_space<vmem>> -> memref<32768xf32, #tpu.memory_space<vmem>>
        %dma_wait3A_1778 = arith.constant 0 : i32
        %dma_wait3A_1779 = tpu.memref_slice %arg2[%add3A_1775, %dma_wait3A_1778] : memref<128x32768xf32, #tpu.memory_space<hbm>> -> memref<1x32768xf32, #tpu.memory_space<hbm>>
        %dma_wait3A_1780 = tpu.memref_squeeze %dma_wait3A_1779 : memref<1x32768xf32, #tpu.memory_space<hbm>> -> memref<32768xf32, #tpu.memory_space<hbm>>
        %dma_wait3A_1781 = arith.constant 0 : i32
        %dma_wait3A_1782 = tpu.memref_slice %arg9[%dma_wait3A_1781] : memref<65536xf32, #tpu.memory_space<vmem>> -> memref<32768xf32, #tpu.memory_space<vmem>>
        %dma_wait3A_1783 = arith.constant 0 : i32
        %dma_wait3A_1784 = tpu.memref_slice %arg2[%add3A_1775, %dma_wait3A_1783] : memref<128x32768xf32, #tpu.memory_space<hbm>> -> memref<1x32768xf32, #tpu.memory_space<hbm>>
        %dma_wait3A_1785 = tpu.memref_squeeze %dma_wait3A_1784 : memref<1x32768xf32, #tpu.memory_space<hbm>> -> memref<32768xf32, #tpu.memory_space<hbm>>
        tpu.wait_dma2 semaphore(%arg25 : memref<!tpu.dma_semaphore, #tpu.memory_space<semaphore_mem>>) src(%dma_wait3A_1785 : memref<32768xf32, #tpu.memory_space<hbm>>) dst(%dma_wait3A_1782 : memref<32768xf32, #tpu.memory_space<vmem>>)
      } else {
      }
      %not3A_1736 = arith.constant true
      %not3A_1737 = arith.xori %eq3A_1731, %not3A_1736 : i1
      %and3A_1738 = arith.andi %lt3A_1713, %not3A_1737 : i1
      %convert_element_type3A_1739 = arith.extui %and3A_1738 : i1 to i32
      %cond3A_1740 = arith.constant 0 : i32
      %cond3A_1741 = arith.cmpi ne, %convert_element_type3A_1739, %cond3A_1740 : i32
      scf.if %cond3A_1741 {
        %mul3A_1773 = arith.constant 64 : i32
        %mul3A_1774 = arith.muli %arg0, %mul3A_1773 : i32
        %add3A_1775 = arith.addi %mul3A_1774, %reduce_min3A_1711 : i32
        %dma_wait3A_1776 = arith.constant 32768 : i32
        %dma_wait3A_1777 = tpu.memref_slice %arg9[%dma_wait3A_1776] : memref<65536xf32, #tpu.memory_space<vmem>> -> memref<32768xf32, #tpu.memory_space<vmem>>
        %dma_wait3A_1778 = arith.constant 0 : i32
        %dma_wait3A_1779 = tpu.memref_slice %arg2[%add3A_1775, %dma_wait3A_1778] : memref<128x32768xf32, #tpu.memory_space<hbm>> -> memref<1x32768xf32, #tpu.memory_space<hbm>>
        %dma_wait3A_1780 = tpu.memref_squeeze %dma_wait3A_1779 : memref<1x32768xf32, #tpu.memory_space<hbm>> -> memref<32768xf32, #tpu.memory_space<hbm>>
        %dma_wait3A_1781 = arith.constant 32768 : i32
        %dma_wait3A_1782 = tpu.memref_slice %arg9[%dma_wait3A_1781] : memref<65536xf32, #tpu.memory_space<vmem>> -> memref<32768xf32, #tpu.memory_space<vmem>>
        %dma_wait3A_1783 = arith.constant 0 : i32
        %dma_wait3A_1784 = tpu.memref_slice %arg2[%add3A_1775, %dma_wait3A_1783] : memref<128x32768xf32, #tpu.memory_space<hbm>> -> memref<1x32768xf32, #tpu.memory_space<hbm>>
        %dma_wait3A_1785 = tpu.memref_squeeze %dma_wait3A_1784 : memref<1x32768xf32, #tpu.memory_space<hbm>> -> memref<32768xf32, #tpu.memory_space<hbm>>
        tpu.wait_dma2 semaphore(%arg26 : memref<!tpu.dma_semaphore, #tpu.memory_space<semaphore_mem>>) src(%dma_wait3A_1785 : memref<32768xf32, #tpu.memory_space<hbm>>) dst(%dma_wait3A_1782 : memref<32768xf32, #tpu.memory_space<vmem>>)
      } else {
      }
      %convert_element_type3A_1742 = arith.extui %lt3A_1713 : i1 to i32
      %cond3A_1743 = arith.constant 0 : i32
      %cond3A_1744 = arith.cmpi ne, %convert_element_type3A_1742, %cond3A_1743 : i32
      scf.if %cond3A_1744 {
        %jit3A_1773 = arith.constant 2 : i32
        %eq3A_1774 = arith.constant 0 : i32
        %eq3A_1775 = arith.cmpi eq, %jit3A_1773, %eq3A_1774 : i32
        %jit3A_1776 = arith.constant 1 : i32
        %select_n3A_1777 = arith.select %eq3A_1775, %jit3A_1776, %jit3A_1773 : i32
        %rem3A_1778 = arith.remsi %scan3A_1697, %select_n3A_1777 : i32
        %ne3A_1779 = arith.constant 0 : i32
        %ne3A_1780 = arith.cmpi ne, %rem3A_1778, %ne3A_1779 : i32
        %lt3A_1781 = arith.constant 0 : i32
        %lt3A_1782 = arith.cmpi slt, %rem3A_1778, %lt3A_1781 : i32
        %lt3A_1783 = arith.constant 0 : i32
        %lt3A_1784 = arith.cmpi slt, %select_n3A_1777, %lt3A_1783 : i32
        %ne3A_1785 = arith.xori %lt3A_1782, %lt3A_1784 : i1
        %and3A_1786 = arith.andi %ne3A_1785, %ne3A_1780 : i1
        %add3A_1787 = arith.addi %rem3A_1778, %select_n3A_1777 : i32
        %select_n3A_1788 = arith.select %and3A_1786, %add3A_1787, %rem3A_1778 : i32
        %mul3A_1789 = arith.constant 32768 : i32
        %mul3A_1790 = arith.muli %select_n3A_1788, %mul3A_1789 : i32
        %mul3A_1791 = arith.constant 64 : i32
        %mul3A_1792 = arith.muli %arg0, %mul3A_1791 : i32
        %add3A_1793 = arith.addi %mul3A_1792, %reduce_min3A_1711 : i32
        %jit3A_1794 = arith.constant 16 : i32
        %div3A_1795 = arith.divsi %add3A_1793, %jit3A_1794 : i32
        %sign3A_1796 = arith.constant 0 : i32
        %sign3A_1797 = arith.cmpi sgt, %add3A_1793, %sign3A_1796 : i32
        %sign3A_1798 = arith.extui %sign3A_1797 : i1 to i32
        %sign3A_1799 = arith.constant 0 : i32
        %sign3A_1800 = arith.cmpi slt, %add3A_1793, %sign3A_1799 : i32
        %sign3A_1801 = arith.extui %sign3A_1800 : i1 to i32
        %sign3A_1802 = arith.subi %sign3A_1798, %sign3A_1801 : i32
        %sign3A_1803 = arith.constant 0 : i32
        %sign3A_1804 = arith.cmpi sgt, %jit3A_1794, %sign3A_1803 : i32
        %sign3A_1805 = arith.extui %sign3A_1804 : i1 to i32
        %sign3A_1806 = arith.constant 0 : i32
        %sign3A_1807 = arith.cmpi slt, %jit3A_1794, %sign3A_1806 : i32
        %sign3A_1808 = arith.extui %sign3A_1807 : i1 to i32
        %sign3A_1809 = arith.subi %sign3A_1805, %sign3A_1808 : i32
        %ne3A_1810 = arith.cmpi ne, %sign3A_1802, %sign3A_1809 : i32
        %rem3A_1811 = arith.remsi %add3A_1793, %jit3A_1794 : i32
        %ne3A_1812 = arith.constant 0 : i32
        %ne3A_1813 = arith.cmpi ne, %rem3A_1811, %ne3A_1812 : i32
        %and3A_1814 = arith.andi %ne3A_1810, %ne3A_1813 : i1
        %sub3A_1815 = arith.constant 1 : i32
        %sub3A_1816 = arith.subi %div3A_1795, %sub3A_1815 : i32
        %select_n3A_1817 = arith.select %and3A_1814, %sub3A_1816, %div3A_1795 : i32
        %mul3A_1818 = arith.constant 16 : i32
        %mul3A_1819 = arith.muli %select_n3A_1817, %mul3A_1818 : i32
        %get3A = arith.index_cast %mul3A_1819 : i32 to index
        %get3A_1820 = tpu.vector_load %arg12[%get3A] {strides = array<i32>} : memref<128xf32, #tpu.memory_space<vmem>>, vector<16xf32>,
        %jit3A_1821 = arith.constant 16 : i32
        %eq3A_1822 = arith.constant 0 : i32
        %eq3A_1823 = arith.cmpi eq, %jit3A_1821, %eq3A_1822 : i32
        %jit3A_1824 = arith.constant 1 : i32
        %select_n3A_1825 = arith.select %eq3A_1823, %jit3A_1824, %jit3A_1821 : i32
        %rem3A_1826 = arith.remsi %add3A_1793, %select_n3A_1825 : i32
        %ne3A_1827 = arith.constant 0 : i32
        %ne3A_1828 = arith.cmpi ne, %rem3A_1826, %ne3A_1827 : i32
        %lt3A_1829 = arith.constant 0 : i32
        %lt3A_1830 = arith.cmpi slt, %rem3A_1826, %lt3A_1829 : i32
        %lt3A_1831 = arith.constant 0 : i32
        %lt3A_1832 = arith.cmpi slt, %select_n3A_1825, %lt3A_1831 : i32
        %ne3A_1833 = arith.xori %lt3A_1830, %lt3A_1832 : i1
        %and3A_1834 = arith.andi %ne3A_1833, %ne3A_1828 : i1
        %add3A_1835 = arith.addi %rem3A_1826, %select_n3A_1825 : i32
        %select_n3A_1836 = arith.select %and3A_1834, %add3A_1835, %rem3A_1826 : i32
        %eq3A_1837 = vector.broadcast %select_n3A_1836 : i32 to vector<16xi32>
        %eq3A_1838 = arith.cmpi eq, %iota3A, %eq3A_1837 : vector<16xi32>
        %jit3A_1839 = arith.constant -3.400000e+38 : f32
        %broadcast_in_dim3A_1840 = vector.broadcast %jit3A_1839 : f32 to vector<16xf32>
        %select_n3A_1841 = arith.select %eq3A_1838, %get3A_1820, %broadcast_in_dim3A_1840 : vector<16xi1>, vector<16xf32>
        %reduce_max3A_1842 = arith.constant true
        %reduce_max3A_1843 = vector.broadcast %reduce_max3A_1842 : i1 to vector<16xi1>
        %reduce_max3A_1844 = tpu.scan <max>, %select_n3A_1841 masked %reduce_max3A_1843 : vector<16xf32>, vector<16xi1> -> vector<16xf32>
        %reduce_max3A_1845 = vector.extract %reduce_max3A_1844[15] : f32 from vector<16xf32>
        %jit3A_1846 = arith.constant 8 : i32
        %eq3A_1847 = arith.constant 0 : i32
        %eq3A_1848 = arith.cmpi eq, %jit3A_1846, %eq3A_1847 : i32
        %jit3A_1849 = arith.constant 1 : i32
        %select_n3A_1850 = arith.select %eq3A_1848, %jit3A_1849, %jit3A_1846 : i32
        %rem3A_1851 = arith.remsi %reduce_min3A_1711, %select_n3A_1850 : i32
        %ne3A_1852 = arith.constant 0 : i32
        %ne3A_1853 = arith.cmpi ne, %rem3A_1851, %ne3A_1852 : i32
        %lt3A_1854 = arith.constant 0 : i32
        %lt3A_1855 = arith.cmpi slt, %rem3A_1851, %lt3A_1854 : i32
        %lt3A_1856 = arith.constant 0 : i32
        %lt3A_1857 = arith.cmpi slt, %select_n3A_1850, %lt3A_1856 : i32
        %ne3A_1858 = arith.xori %lt3A_1855, %lt3A_1857 : i1
        %and3A_1859 = arith.andi %ne3A_1858, %ne3A_1853 : i1
        %add3A_1860 = arith.addi %rem3A_1851, %select_n3A_1850 : i32
        %select_n3A_1861 = arith.select %and3A_1859, %add3A_1860, %rem3A_1851 : i32
        %add3A_1862 = arith.constant 32768 : i32
        %add3A_1863 = arith.addi %mul3A_1790, %add3A_1862 : i32
        %sub3A_1864 = arith.constant 16 : i32
        %sub3A_1865 = arith.subi %add3A_1863, %sub3A_1864 : i32
        %get3A_1866 = arith.index_cast %sub3A_1865 : i32 to index
        %get3A_1867 = tpu.vector_load %arg9[%get3A_1866] {strides = array<i32>} : memref<65536xf32, #tpu.memory_space<vmem>>, vector<16xf32>,
        %eq3A_1868 = arith.constant 15 : i32
        %eq3A_1869 = vector.broadcast %eq3A_1868 : i32 to vector<16xi32>
        %eq3A_1870 = arith.cmpi eq, %iota3A, %eq3A_1869 : vector<16xi32>
        %jit3A_1871 = arith.constant -3.400000e+38 : f32
        %broadcast_in_dim3A_1872 = vector.broadcast %jit3A_1871 : f32 to vector<16xf32>
        %select_n3A_1873 = arith.select %eq3A_1870, %get3A_1867, %broadcast_in_dim3A_1872 : vector<16xi1>, vector<16xf32>
        %reduce_max3A_1874 = arith.constant true
        %reduce_max3A_1875 = vector.broadcast %reduce_max3A_1874 : i1 to vector<16xi1>
        %reduce_max3A_1876 = tpu.scan <max>, %select_n3A_1873 masked %reduce_max3A_1875 : vector<16xf32>, vector<16xi1> -> vector<16xf32>
        %reduce_max3A_1877 = vector.extract %reduce_max3A_1876[15] : f32 from vector<16xf32>
        %eq3A_1878 = arith.constant 15 : i32
        %eq3A_1879 = vector.broadcast %eq3A_1878 : i32 to vector<16xi32>
        %eq3A_1880 = arith.cmpi eq, %iota3A, %eq3A_1879 : vector<16xi32>
        %jit3A_1881 = arith.constant -3.400000e+38 : f32
        %broadcast_in_dim3A_1882 = vector.broadcast %jit3A_1881 : f32 to vector<16xf32>
        %select_n3A_1883 = arith.select %eq3A_1880, %broadcast_in_dim3A_1882, %get3A_1867 : vector<16xi1>, vector<16xf32>
        %add3A_1884 = arith.constant 32768 : i32
        %add3A_1885 = arith.addi %mul3A_1790, %add3A_1884 : i32
        %sub3A_1886 = arith.constant 16 : i32
        %sub3A_1887 = arith.subi %add3A_1885, %sub3A_1886 : i32
        %swap3A_1888 = arith.index_cast %sub3A_1887 : i32 to index
        %swap3A_1889 = tpu.vector_load %arg9[%swap3A_1888] {strides = array<i32>} : memref<65536xf32, #tpu.memory_space<vmem>>, vector<16xf32>,
        tpu.vector_store %arg9[%swap3A_1888], %select_n3A_1883 {strides = array<i32>} : memref<65536xf32, #tpu.memory_space<vmem>>, vector<16xf32>,
        %scan3A_1890 = arith.constant 0 : i32
        %scan3A_1891 = arith.constant 64 : i32
        %scan3A_1892 = arith.addi %scan3A_1890, %scan3A_1891 : i32
        %scan3A_1893 = arith.constant 1 : i32
        %scan3A_1894:4 = scf.for %scan3A_1994 = %scan3A_1890 to %scan3A_1892 step %scan3A_1893 iter_args(%scan3A_1995 = %broadcast_in_dim3A_0, %scan3A_1996 = %broadcast_in_dim3A_0, %scan3A_1997 = %broadcast_in_dim3A_0, %scan3A_1998 = %broadcast_in_dim3A_0) -> (vector<16xf32>, vector<16xf32>, vector<16xf32>, vector<16xf32>)  : i32 {
          %mul3A_1999 = arith.constant 512 : i32
          %mul3A_2000 = arith.muli %scan3A_1994, %mul3A_1999 : i32
          %add3A_2001 = arith.addi %mul3A_1790, %mul3A_2000 : i32
          %add3A_2002 = arith.constant 0 : i32
          %add3A_2003 = arith.addi %add3A_2001, %add3A_2002 : i32
          %get3A_2004 = arith.index_cast %add3A_2003 : i32 to index
          %get3A_2005 = tpu.vector_load %arg9[%get3A_2004] {strides = array<i32>} : memref<65536xf32, #tpu.memory_space<vmem>>, vector<16xf32>,
          %max3A_2006 = arith.maximumf %broadcast_in_dim3A_0, %get3A_2005 : vector<16xf32>
          %mul3A_2007 = arith.constant 512 : i32
          %mul3A_2008 = arith.muli %scan3A_1994, %mul3A_2007 : i32
          %add3A_2009 = arith.addi %mul3A_1790, %mul3A_2008 : i32
          %add3A_2010 = arith.constant 16 : i32
          %add3A_2011 = arith.addi %add3A_2009, %add3A_2010 : i32
          %get3A_2012 = arith.index_cast %add3A_2011 : i32 to index
          %get3A_2013 = tpu.vector_load %arg9[%get3A_2012] {strides = array<i32>} : memref<65536xf32, #tpu.memory_space<vmem>>, vector<16xf32>,
          %max3A_2014 = arith.maximumf %max3A_2006, %get3A_2013 : vector<16xf32>
          %mul3A_2015 = arith.constant 512 : i32
          %mul3A_2016 = arith.muli %scan3A_1994, %mul3A_2015 : i32
          %add3A_2017 = arith.addi %mul3A_1790, %mul3A_2016 : i32
          %add3A_2018 = arith.constant 32 : i32
          %add3A_2019 = arith.addi %add3A_2017, %add3A_2018 : i32
          %get3A_2020 = arith.index_cast %add3A_2019 : i32 to index
          %get3A_2021 = tpu.vector_load %arg9[%get3A_2020] {strides = array<i32>} : memref<65536xf32, #tpu.memory_space<vmem>>, vector<16xf32>,
          %max3A_2022 = arith.maximumf %max3A_2014, %get3A_2021 : vector<16xf32>
          %mul3A_2023 = arith.constant 512 : i32
          %mul3A_2024 = arith.muli %scan3A_1994, %mul3A_2023 : i32
          %add3A_2025 = arith.addi %mul3A_1790, %mul3A_2024 : i32
          %add3A_2026 = arith.constant 48 : i32
          %add3A_2027 = arith.addi %add3A_2025, %add3A_2026 : i32
          %get3A_2028 = arith.index_cast %add3A_2027 : i32 to index
          %get3A_2029 = tpu.vector_load %arg9[%get3A_2028] {strides = array<i32>} : memref<65536xf32, #tpu.memory_space<vmem>>, vector<16xf32>,
          %max3A_2030 = arith.maximumf %max3A_2022, %get3A_2029 : vector<16xf32>
          %mul3A_2031 = arith.constant 512 : i32
          %mul3A_2032 = arith.muli %scan3A_1994, %mul3A_2031 : i32
          %add3A_2033 = arith.addi %mul3A_1790, %mul3A_2032 : i32
          %add3A_2034 = arith.constant 64 : i32
          %add3A_2035 = arith.addi %add3A_2033, %add3A_2034 : i32
          %get3A_2036 = arith.index_cast %add3A_2035 : i32 to index
          %get3A_2037 = tpu.vector_load %arg9[%get3A_2036] {strides = array<i32>} : memref<65536xf32, #tpu.memory_space<vmem>>, vector<16xf32>,
          %max3A_2038 = arith.maximumf %max3A_2030, %get3A_2037 : vector<16xf32>
          %mul3A_2039 = arith.constant 512 : i32
          %mul3A_2040 = arith.muli %scan3A_1994, %mul3A_2039 : i32
          %add3A_2041 = arith.addi %mul3A_1790, %mul3A_2040 : i32
          %add3A_2042 = arith.constant 80 : i32
          %add3A_2043 = arith.addi %add3A_2041, %add3A_2042 : i32
          %get3A_2044 = arith.index_cast %add3A_2043 : i32 to index
          %get3A_2045 = tpu.vector_load %arg9[%get3A_2044] {strides = array<i32>} : memref<65536xf32, #tpu.memory_space<vmem>>, vector<16xf32>,
          %max3A_2046 = arith.maximumf %max3A_2038, %get3A_2045 : vector<16xf32>
          %mul3A_2047 = arith.constant 512 : i32
          %mul3A_2048 = arith.muli %scan3A_1994, %mul3A_2047 : i32
          %add3A_2049 = arith.addi %mul3A_1790, %mul3A_2048 : i32
          %add3A_2050 = arith.constant 96 : i32
          %add3A_2051 = arith.addi %add3A_2049, %add3A_2050 : i32
          %get3A_2052 = arith.index_cast %add3A_2051 : i32 to index
          %get3A_2053 = tpu.vector_load %arg9[%get3A_2052] {strides = array<i32>} : memref<65536xf32, #tpu.memory_space<vmem>>, vector<16xf32>,
          %max3A_2054 = arith.maximumf %max3A_2046, %get3A_2053 : vector<16xf32>
          %mul3A_2055 = arith.constant 512 : i32
          %mul3A_2056 = arith.muli %scan3A_1994, %mul3A_2055 : i32
          %add3A_2057 = arith.addi %mul3A_1790, %mul3A_2056 : i32
          %add3A_2058 = arith.constant 112 : i32
          %add3A_2059 = arith.addi %add3A_2057, %add3A_2058 : i32
          %get3A_2060 = arith.index_cast %add3A_2059 : i32 to index
          %get3A_2061 = tpu.vector_load %arg9[%get3A_2060] {strides = array<i32>} : memref<65536xf32, #tpu.memory_space<vmem>>, vector<16xf32>,
          %max3A_2062 = arith.maximumf %max3A_2054, %get3A_2061 : vector<16xf32>
          %mul3A_2063 = arith.constant 512 : i32
          %mul3A_2064 = arith.muli %scan3A_1994, %mul3A_2063 : i32
          %add3A_2065 = arith.addi %mul3A_1790, %mul3A_2064 : i32
          %add3A_2066 = arith.constant 128 : i32
          %add3A_2067 = arith.addi %add3A_2065, %add3A_2066 : i32
          %get3A_2068 = arith.index_cast %add3A_2067 : i32 to index
          %get3A_2069 = tpu.vector_load %arg9[%get3A_2068] {strides = array<i32>} : memref<65536xf32, #tpu.memory_space<vmem>>, vector<16xf32>,
          %max3A_2070 = arith.maximumf %max3A_2062, %get3A_2069 : vector<16xf32>
          %mul3A_2071 = arith.constant 512 : i32
          %mul3A_2072 = arith.muli %scan3A_1994, %mul3A_2071 : i32
          %add3A_2073 = arith.addi %mul3A_1790, %mul3A_2072 : i32
          %add3A_2074 = arith.constant 144 : i32
          %add3A_2075 = arith.addi %add3A_2073, %add3A_2074 : i32
          %get3A_2076 = arith.index_cast %add3A_2075 : i32 to index
          %get3A_2077 = tpu.vector_load %arg9[%get3A_2076] {strides = array<i32>} : memref<65536xf32, #tpu.memory_space<vmem>>, vector<16xf32>,
          %max3A_2078 = arith.maximumf %max3A_2070, %get3A_2077 : vector<16xf32>
          %mul3A_2079 = arith.constant 512 : i32
          %mul3A_2080 = arith.muli %scan3A_1994, %mul3A_2079 : i32
          %add3A_2081 = arith.addi %mul3A_1790, %mul3A_2080 : i32
          %add3A_2082 = arith.constant 160 : i32
          %add3A_2083 = arith.addi %add3A_2081, %add3A_2082 : i32
          %get3A_2084 = arith.index_cast %add3A_2083 : i32 to index
          %get3A_2085 = tpu.vector_load %arg9[%get3A_2084] {strides = array<i32>} : memref<65536xf32, #tpu.memory_space<vmem>>, vector<16xf32>,
          %max3A_2086 = arith.maximumf %max3A_2078, %get3A_2085 : vector<16xf32>
          %mul3A_2087 = arith.constant 512 : i32
          %mul3A_2088 = arith.muli %scan3A_1994, %mul3A_2087 : i32
          %add3A_2089 = arith.addi %mul3A_1790, %mul3A_2088 : i32
          %add3A_2090 = arith.constant 176 : i32
          %add3A_2091 = arith.addi %add3A_2089, %add3A_2090 : i32
          %get3A_2092 = arith.index_cast %add3A_2091 : i32 to index
          %get3A_2093 = tpu.vector_load %arg9[%get3A_2092] {strides = array<i32>} : memref<65536xf32, #tpu.memory_space<vmem>>, vector<16xf32>,
          %max3A_2094 = arith.maximumf %max3A_2086, %get3A_2093 : vector<16xf32>
          %mul3A_2095 = arith.constant 512 : i32
          %mul3A_2096 = arith.muli %scan3A_1994, %mul3A_2095 : i32
          %add3A_2097 = arith.addi %mul3A_1790, %mul3A_2096 : i32
          %add3A_2098 = arith.constant 192 : i32
          %add3A_2099 = arith.addi %add3A_2097, %add3A_2098 : i32
          %get3A_2100 = arith.index_cast %add3A_2099 : i32 to index
          %get3A_2101 = tpu.vector_load %arg9[%get3A_2100] {strides = array<i32>} : memref<65536xf32, #tpu.memory_space<vmem>>, vector<16xf32>,
          %max3A_2102 = arith.maximumf %max3A_2094, %get3A_2101 : vector<16xf32>
          %mul3A_2103 = arith.constant 512 : i32
          %mul3A_2104 = arith.muli %scan3A_1994, %mul3A_2103 : i32
          %add3A_2105 = arith.addi %mul3A_1790, %mul3A_2104 : i32
          %add3A_2106 = arith.constant 208 : i32
          %add3A_2107 = arith.addi %add3A_2105, %add3A_2106 : i32
          %get3A_2108 = arith.index_cast %add3A_2107 : i32 to index
          %get3A_2109 = tpu.vector_load %arg9[%get3A_2108] {strides = array<i32>} : memref<65536xf32, #tpu.memory_space<vmem>>, vector<16xf32>,
          %max3A_2110 = arith.maximumf %max3A_2102, %get3A_2109 : vector<16xf32>
          %mul3A_2111 = arith.constant 512 : i32
          %mul3A_2112 = arith.muli %scan3A_1994, %mul3A_2111 : i32
          %add3A_2113 = arith.addi %mul3A_1790, %mul3A_2112 : i32
          %add3A_2114 = arith.constant 224 : i32
          %add3A_2115 = arith.addi %add3A_2113, %add3A_2114 : i32
          %get3A_2116 = arith.index_cast %add3A_2115 : i32 to index
          %get3A_2117 = tpu.vector_load %arg9[%get3A_2116] {strides = array<i32>} : memref<65536xf32, #tpu.memory_space<vmem>>, vector<16xf32>,
          %max3A_2118 = arith.maximumf %max3A_2110, %get3A_2117 : vector<16xf32>
          %mul3A_2119 = arith.constant 512 : i32
          %mul3A_2120 = arith.muli %scan3A_1994, %mul3A_2119 : i32
          %add3A_2121 = arith.addi %mul3A_1790, %mul3A_2120 : i32
          %add3A_2122 = arith.constant 240 : i32
          %add3A_2123 = arith.addi %add3A_2121, %add3A_2122 : i32
          %get3A_2124 = arith.index_cast %add3A_2123 : i32 to index
          %get3A_2125 = tpu.vector_load %arg9[%get3A_2124] {strides = array<i32>} : memref<65536xf32, #tpu.memory_space<vmem>>, vector<16xf32>,
          %max3A_2126 = arith.maximumf %max3A_2118, %get3A_2125 : vector<16xf32>
          %mul3A_2127 = arith.constant 512 : i32
          %mul3A_2128 = arith.muli %scan3A_1994, %mul3A_2127 : i32
          %add3A_2129 = arith.addi %mul3A_1790, %mul3A_2128 : i32
          %add3A_2130 = arith.constant 256 : i32
          %add3A_2131 = arith.addi %add3A_2129, %add3A_2130 : i32
          %get3A_2132 = arith.index_cast %add3A_2131 : i32 to index
          %get3A_2133 = tpu.vector_load %arg9[%get3A_2132] {strides = array<i32>} : memref<65536xf32, #tpu.memory_space<vmem>>, vector<16xf32>,
          %max3A_2134 = arith.maximumf %max3A_2126, %get3A_2133 : vector<16xf32>
          %mul3A_2135 = arith.constant 512 : i32
          %mul3A_2136 = arith.muli %scan3A_1994, %mul3A_2135 : i32
          %add3A_2137 = arith.addi %mul3A_1790, %mul3A_2136 : i32
          %add3A_2138 = arith.constant 272 : i32
          %add3A_2139 = arith.addi %add3A_2137, %add3A_2138 : i32
          %get3A_2140 = arith.index_cast %add3A_2139 : i32 to index
          %get3A_2141 = tpu.vector_load %arg9[%get3A_2140] {strides = array<i32>} : memref<65536xf32, #tpu.memory_space<vmem>>, vector<16xf32>,
          %max3A_2142 = arith.maximumf %max3A_2134, %get3A_2141 : vector<16xf32>
          %mul3A_2143 = arith.constant 512 : i32
          %mul3A_2144 = arith.muli %scan3A_1994, %mul3A_2143 : i32
          %add3A_2145 = arith.addi %mul3A_1790, %mul3A_2144 : i32
          %add3A_2146 = arith.constant 288 : i32
          %add3A_2147 = arith.addi %add3A_2145, %add3A_2146 : i32
          %get3A_2148 = arith.index_cast %add3A_2147 : i32 to index
          %get3A_2149 = tpu.vector_load %arg9[%get3A_2148] {strides = array<i32>} : memref<65536xf32, #tpu.memory_space<vmem>>, vector<16xf32>,
          %max3A_2150 = arith.maximumf %max3A_2142, %get3A_2149 : vector<16xf32>
          %mul3A_2151 = arith.constant 512 : i32
          %mul3A_2152 = arith.muli %scan3A_1994, %mul3A_2151 : i32
          %add3A_2153 = arith.addi %mul3A_1790, %mul3A_2152 : i32
          %add3A_2154 = arith.constant 304 : i32
          %add3A_2155 = arith.addi %add3A_2153, %add3A_2154 : i32
          %get3A_2156 = arith.index_cast %add3A_2155 : i32 to index
          %get3A_2157 = tpu.vector_load %arg9[%get3A_2156] {strides = array<i32>} : memref<65536xf32, #tpu.memory_space<vmem>>, vector<16xf32>,
          %max3A_2158 = arith.maximumf %max3A_2150, %get3A_2157 : vector<16xf32>
          %mul3A_2159 = arith.constant 512 : i32
          %mul3A_2160 = arith.muli %scan3A_1994, %mul3A_2159 : i32
          %add3A_2161 = arith.addi %mul3A_1790, %mul3A_2160 : i32
          %add3A_2162 = arith.constant 320 : i32
          %add3A_2163 = arith.addi %add3A_2161, %add3A_2162 : i32
          %get3A_2164 = arith.index_cast %add3A_2163 : i32 to index
          %get3A_2165 = tpu.vector_load %arg9[%get3A_2164] {strides = array<i32>} : memref<65536xf32, #tpu.memory_space<vmem>>, vector<16xf32>,
          %max3A_2166 = arith.maximumf %max3A_2158, %get3A_2165 : vector<16xf32>
          %mul3A_2167 = arith.constant 512 : i32
          %mul3A_2168 = arith.muli %scan3A_1994, %mul3A_2167 : i32
          %add3A_2169 = arith.addi %mul3A_1790, %mul3A_2168 : i32
          %add3A_2170 = arith.constant 336 : i32
          %add3A_2171 = arith.addi %add3A_2169, %add3A_2170 : i32
          %get3A_2172 = arith.index_cast %add3A_2171 : i32 to index
          %get3A_2173 = tpu.vector_load %arg9[%get3A_2172] {strides = array<i32>} : memref<65536xf32, #tpu.memory_space<vmem>>, vector<16xf32>,
          %max3A_2174 = arith.maximumf %max3A_2166, %get3A_2173 : vector<16xf32>
          %mul3A_2175 = arith.constant 512 : i32
          %mul3A_2176 = arith.muli %scan3A_1994, %mul3A_2175 : i32
          %add3A_2177 = arith.addi %mul3A_1790, %mul3A_2176 : i32
          %add3A_2178 = arith.constant 352 : i32
          %add3A_2179 = arith.addi %add3A_2177, %add3A_2178 : i32
          %get3A_2180 = arith.index_cast %add3A_2179 : i32 to index
          %get3A_2181 = tpu.vector_load %arg9[%get3A_2180] {strides = array<i32>} : memref<65536xf32, #tpu.memory_space<vmem>>, vector<16xf32>,
          %max3A_2182 = arith.maximumf %max3A_2174, %get3A_2181 : vector<16xf32>
          %mul3A_2183 = arith.constant 512 : i32
          %mul3A_2184 = arith.muli %scan3A_1994, %mul3A_2183 : i32
          %add3A_2185 = arith.addi %mul3A_1790, %mul3A_2184 : i32
          %add3A_2186 = arith.constant 368 : i32
          %add3A_2187 = arith.addi %add3A_2185, %add3A_2186 : i32
          %get3A_2188 = arith.index_cast %add3A_2187 : i32 to index
          %get3A_2189 = tpu.vector_load %arg9[%get3A_2188] {strides = array<i32>} : memref<65536xf32, #tpu.memory_space<vmem>>, vector<16xf32>,
          %max3A_2190 = arith.maximumf %max3A_2182, %get3A_2189 : vector<16xf32>
          %mul3A_2191 = arith.constant 512 : i32
          %mul3A_2192 = arith.muli %scan3A_1994, %mul3A_2191 : i32
          %add3A_2193 = arith.addi %mul3A_1790, %mul3A_2192 : i32
          %add3A_2194 = arith.constant 384 : i32
          %add3A_2195 = arith.addi %add3A_2193, %add3A_2194 : i32
          %get3A_2196 = arith.index_cast %add3A_2195 : i32 to index
          %get3A_2197 = tpu.vector_load %arg9[%get3A_2196] {strides = array<i32>} : memref<65536xf32, #tpu.memory_space<vmem>>, vector<16xf32>,
          %max3A_2198 = arith.maximumf %max3A_2190, %get3A_2197 : vector<16xf32>
          %mul3A_2199 = arith.constant 512 : i32
          %mul3A_2200 = arith.muli %scan3A_1994, %mul3A_2199 : i32
          %add3A_2201 = arith.addi %mul3A_1790, %mul3A_2200 : i32
          %add3A_2202 = arith.constant 400 : i32
          %add3A_2203 = arith.addi %add3A_2201, %add3A_2202 : i32
          %get3A_2204 = arith.index_cast %add3A_2203 : i32 to index
          %get3A_2205 = tpu.vector_load %arg9[%get3A_2204] {strides = array<i32>} : memref<65536xf32, #tpu.memory_space<vmem>>, vector<16xf32>,
          %max3A_2206 = arith.maximumf %max3A_2198, %get3A_2205 : vector<16xf32>
          %mul3A_2207 = arith.constant 512 : i32
          %mul3A_2208 = arith.muli %scan3A_1994, %mul3A_2207 : i32
          %add3A_2209 = arith.addi %mul3A_1790, %mul3A_2208 : i32
          %add3A_2210 = arith.constant 416 : i32
          %add3A_2211 = arith.addi %add3A_2209, %add3A_2210 : i32
          %get3A_2212 = arith.index_cast %add3A_2211 : i32 to index
          %get3A_2213 = tpu.vector_load %arg9[%get3A_2212] {strides = array<i32>} : memref<65536xf32, #tpu.memory_space<vmem>>, vector<16xf32>,
          %max3A_2214 = arith.maximumf %max3A_2206, %get3A_2213 : vector<16xf32>
          %mul3A_2215 = arith.constant 512 : i32
          %mul3A_2216 = arith.muli %scan3A_1994, %mul3A_2215 : i32
          %add3A_2217 = arith.addi %mul3A_1790, %mul3A_2216 : i32
          %add3A_2218 = arith.constant 432 : i32
          %add3A_2219 = arith.addi %add3A_2217, %add3A_2218 : i32
          %get3A_2220 = arith.index_cast %add3A_2219 : i32 to index
          %get3A_2221 = tpu.vector_load %arg9[%get3A_2220] {strides = array<i32>} : memref<65536xf32, #tpu.memory_space<vmem>>, vector<16xf32>,
          %max3A_2222 = arith.maximumf %max3A_2214, %get3A_2221 : vector<16xf32>
          %mul3A_2223 = arith.constant 512 : i32
          %mul3A_2224 = arith.muli %scan3A_1994, %mul3A_2223 : i32
          %add3A_2225 = arith.addi %mul3A_1790, %mul3A_2224 : i32
          %add3A_2226 = arith.constant 448 : i32
          %add3A_2227 = arith.addi %add3A_2225, %add3A_2226 : i32
          %get3A_2228 = arith.index_cast %add3A_2227 : i32 to index
          %get3A_2229 = tpu.vector_load %arg9[%get3A_2228] {strides = array<i32>} : memref<65536xf32, #tpu.memory_space<vmem>>, vector<16xf32>,
          %max3A_2230 = arith.maximumf %max3A_2222, %get3A_2229 : vector<16xf32>
          %mul3A_2231 = arith.constant 512 : i32
          %mul3A_2232 = arith.muli %scan3A_1994, %mul3A_2231 : i32
          %add3A_2233 = arith.addi %mul3A_1790, %mul3A_2232 : i32
          %add3A_2234 = arith.constant 464 : i32
          %add3A_2235 = arith.addi %add3A_2233, %add3A_2234 : i32
          %get3A_2236 = arith.index_cast %add3A_2235 : i32 to index
          %get3A_2237 = tpu.vector_load %arg9[%get3A_2236] {strides = array<i32>} : memref<65536xf32, #tpu.memory_space<vmem>>, vector<16xf32>,
          %max3A_2238 = arith.maximumf %max3A_2230, %get3A_2237 : vector<16xf32>
          %mul3A_2239 = arith.constant 512 : i32
          %mul3A_2240 = arith.muli %scan3A_1994, %mul3A_2239 : i32
          %add3A_2241 = arith.addi %mul3A_1790, %mul3A_2240 : i32
          %add3A_2242 = arith.constant 480 : i32
          %add3A_2243 = arith.addi %add3A_2241, %add3A_2242 : i32
          %get3A_2244 = arith.index_cast %add3A_2243 : i32 to index
          %get3A_2245 = tpu.vector_load %arg9[%get3A_2244] {strides = array<i32>} : memref<65536xf32, #tpu.memory_space<vmem>>, vector<16xf32>,
          %max3A_2246 = arith.maximumf %max3A_2238, %get3A_2245 : vector<16xf32>
          %mul3A_2247 = arith.constant 512 : i32
          %mul3A_2248 = arith.muli %scan3A_1994, %mul3A_2247 : i32
          %add3A_2249 = arith.addi %mul3A_1790, %mul3A_2248 : i32
          %add3A_2250 = arith.constant 496 : i32
          %add3A_2251 = arith.addi %add3A_2249, %add3A_2250 : i32
          %get3A_2252 = arith.index_cast %add3A_2251 : i32 to index
          %get3A_2253 = tpu.vector_load %arg9[%get3A_2252] {strides = array<i32>} : memref<65536xf32, #tpu.memory_space<vmem>>, vector<16xf32>,
          %max3A_2254 = arith.maximumf %max3A_2246, %get3A_2253 : vector<16xf32>
          %reduce_max3A_2255 = arith.constant true
          %reduce_max3A_2256 = vector.broadcast %reduce_max3A_2255 : i1 to vector<16xi1>
          %reduce_max3A_2257 = tpu.scan <max>, %max3A_2254 masked %reduce_max3A_2256 : vector<16xf32>, vector<16xi1> -> vector<16xf32>
          %reduce_max3A_2258 = vector.extract %reduce_max3A_2257[15] : f32 from vector<16xf32>
          %add3A_2259 = arith.constant 0 : i32
          %add3A_2260 = vector.broadcast %add3A_2259 : i32 to vector<16xi32>
          %add3A_2261 = arith.addi %iota3A, %add3A_2260 : vector<16xi32>
          %eq3A_2262 = vector.broadcast %scan3A_1994 : i32 to vector<16xi32>
          %eq3A_2263 = arith.cmpi eq, %add3A_2261, %eq3A_2262 : vector<16xi32>
          %broadcast_in_dim3A_2264 = vector.broadcast %reduce_max3A_2258 : f32 to vector<16xf32>
          %select_n3A_2265 = arith.select %eq3A_2263, %broadcast_in_dim3A_2264, %scan3A_1995 : vector<16xi1>, vector<16xf32>
          %add3A_2266 = arith.constant 16 : i32
          %add3A_2267 = vector.broadcast %add3A_2266 : i32 to vector<16xi32>
          %add3A_2268 = arith.addi %iota3A, %add3A_2267 : vector<16xi32>
          %eq3A_2269 = vector.broadcast %scan3A_1994 : i32 to vector<16xi32>
          %eq3A_2270 = arith.cmpi eq, %add3A_2268, %eq3A_2269 : vector<16xi32>
          %broadcast_in_dim3A_2271 = vector.broadcast %reduce_max3A_2258 : f32 to vector<16xf32>
          %select_n3A_2272 = arith.select %eq3A_2270, %broadcast_in_dim3A_2271, %scan3A_1996 : vector<16xi1>, vector<16xf32>
          %add3A_2273 = arith.constant 32 : i32
          %add3A_2274 = vector.broadcast %add3A_2273 : i32 to vector<16xi32>
          %add3A_2275 = arith.addi %iota3A, %add3A_2274 : vector<16xi32>
          %eq3A_2276 = vector.broadcast %scan3A_1994 : i32 to vector<16xi32>
          %eq3A_2277 = arith.cmpi eq, %add3A_2275, %eq3A_2276 : vector<16xi32>
          %broadcast_in_dim3A_2278 = vector.broadcast %reduce_max3A_2258 : f32 to vector<16xf32>
          %select_n3A_2279 = arith.select %eq3A_2277, %broadcast_in_dim3A_2278, %scan3A_1997 : vector<16xi1>, vector<16xf32>
          %add3A_2280 = arith.constant 48 : i32
          %add3A_2281 = vector.broadcast %add3A_2280 : i32 to vector<16xi32>
          %add3A_2282 = arith.addi %iota3A, %add3A_2281 : vector<16xi32>
          %eq3A_2283 = vector.broadcast %scan3A_1994 : i32 to vector<16xi32>
          %eq3A_2284 = arith.cmpi eq, %add3A_2282, %eq3A_2283 : vector<16xi32>
          %broadcast_in_dim3A_2285 = vector.broadcast %reduce_max3A_2258 : f32 to vector<16xf32>
          %select_n3A_2286 = arith.select %eq3A_2284, %broadcast_in_dim3A_2285, %scan3A_1998 : vector<16xi1>, vector<16xf32>
          scf.yield %select_n3A_2265, %select_n3A_2272, %select_n3A_2279, %select_n3A_2286 : vector<16xf32>, vector<16xf32>, vector<16xf32>, vector<16xf32>
        }
        %scan3A_1895 = arith.constant 64 : i32
        %max3A = arith.maximumf %scan3A_1894#0, %scan3A_1894#1 : vector<16xf32>
        %max3A_1896 = arith.maximumf %max3A, %scan3A_1894#2 : vector<16xf32>
        %max3A_1897 = arith.maximumf %max3A_1896, %scan3A_1894#3 : vector<16xf32>
        %reduce_max3A_1898 = arith.constant true
        %reduce_max3A_1899 = vector.broadcast %reduce_max3A_1898 : i1 to vector<16xi1>
        %reduce_max3A_1900 = tpu.scan <max>, %max3A_1897 masked %reduce_max3A_1899 : vector<16xf32>, vector<16xi1> -> vector<16xf32>
        %reduce_max3A_1901 = vector.extract %reduce_max3A_1900[15] : f32 from vector<16xf32>
        %mul3A_1902 = arith.constant 1.500000e+00 : f32
        %mul3A_1903 = arith.mulf %mul3A_1902, %reduce_max3A_1901 : f32
        %lt3A_1904 = arith.cmpf olt, %reduce_max3A_1877, %mul3A_1903 : f32
        %jit3A_1905 = arith.constant -1.000000e+20 : f32
        %select_n3A_1906 = arith.select %lt3A_1904, %jit3A_1905, %reduce_max3A_1877 : f32
        %add3A_1907 = arith.constant 32768 : i32
        %add3A_1908 = arith.addi %mul3A_1790, %add3A_1907 : i32
        %sub3A_1909 = arith.constant 16 : i32
        %sub3A_1910 = arith.subi %add3A_1908, %sub3A_1909 : i32
        %get3A_1911 = arith.index_cast %sub3A_1910 : i32 to index
        %get3A_1912 = tpu.vector_load %arg9[%get3A_1911] {strides = array<i32>} : memref<65536xf32, #tpu.memory_space<vmem>>, vector<16xf32>,
        %eq3A_1913 = arith.constant 15 : i32
        %eq3A_1914 = vector.broadcast %eq3A_1913 : i32 to vector<16xi32>
        %eq3A_1915 = arith.cmpi eq, %iota3A, %eq3A_1914 : vector<16xi32>
        %broadcast_in_dim3A_1916 = vector.broadcast %select_n3A_1906 : f32 to vector<16xf32>
        %select_n3A_1917 = arith.select %eq3A_1915, %broadcast_in_dim3A_1916, %get3A_1912 : vector<16xi1>, vector<16xf32>
        %add3A_1918 = arith.constant 32768 : i32
        %add3A_1919 = arith.addi %mul3A_1790, %add3A_1918 : i32
        %sub3A_1920 = arith.constant 16 : i32
        %sub3A_1921 = arith.subi %add3A_1919, %sub3A_1920 : i32
        %swap3A_1922 = arith.index_cast %sub3A_1921 : i32 to index
        %swap3A_1923 = tpu.vector_load %arg9[%swap3A_1922] {strides = array<i32>} : memref<65536xf32, #tpu.memory_space<vmem>>, vector<16xf32>,
        tpu.vector_store %arg9[%swap3A_1922], %select_n3A_1917 {strides = array<i32>} : memref<65536xf32, #tpu.memory_space<vmem>>, vector<16xf32>,
        %eq3A_1924 = arith.constant 15 : i32
        %eq3A_1925 = vector.broadcast %eq3A_1924 : i32 to vector<16xi32>
        %eq3A_1926 = arith.cmpi eq, %iota3A, %eq3A_1925 : vector<16xi32>
        %max3A_1927 = vector.broadcast %select_n3A_1906 : f32 to vector<16xf32>
        %max3A_1928 = arith.maximumf %scan3A_1894#3, %max3A_1927 : vector<16xf32>
        %select_n3A_1929 = arith.select %eq3A_1926, %max3A_1928, %scan3A_1894#3 : vector<16xi1>, vector<16xf32>
        %scan3A_1930 = arith.constant 0 : i32
        %scan3A_1931 = arith.constant 8 : i32
        %scan3A_1932 = arith.addi %scan3A_1930, %scan3A_1931 : i32
        %scan3A_1933 = arith.constant 1 : i32
        %scan3A_1934:6 = scf.for %scan3A_1994 = %scan3A_1930 to %scan3A_1932 step %scan3A_1933 iter_args(%scan3A_1995 = %scan3A_1894#0, %scan3A_1996 = %scan3A_1894#1, %scan3A_1997 = %scan3A_1894#2, %scan3A_1998 = %select_n3A_1929, %scan3A_1999 = %broadcast_in_dim3A_0, %scan3A_2000 = %broadcast_in_dim3A_2) -> (vector<16xf32>, vector<16xf32>, vector<16xf32>, vector<16xf32>, vector<16xf32>, vector<16xi32>)  : i32 {
          %max3A_2001 = arith.maximumf %scan3A_1995, %scan3A_1996 : vector<16xf32>
          %max3A_2002 = arith.maximumf %max3A_2001, %scan3A_1997 : vector<16xf32>
          %max3A_2003 = arith.maximumf %max3A_2002, %scan3A_1998 : vector<16xf32>
          %reduce_max3A_2004 = arith.constant true
          %reduce_max3A_2005 = vector.broadcast %reduce_max3A_2004 : i1 to vector<16xi1>
          %reduce_max3A_2006 = tpu.scan <max>, %max3A_2003 masked %reduce_max3A_2005 : vector<16xf32>, vector<16xi1> -> vector<16xf32>
          %reduce_max3A_2007 = vector.extract %reduce_max3A_2006[15] : f32 from vector<16xf32>
          %eq3A_2008 = vector.broadcast %reduce_max3A_2007 : f32 to vector<16xf32>
          %eq3A_2009 = arith.cmpf oeq, %scan3A_1995, %eq3A_2008 : vector<16xf32>
          %add3A_2010 = arith.constant 0 : i32
          %add3A_2011 = vector.broadcast %add3A_2010 : i32 to vector<16xi32>
          %add3A_2012 = arith.addi %iota3A, %add3A_2011 : vector<16xi32>
          %jit3A_2013 = arith.constant 2147483647 : i32
          %broadcast_in_dim3A_2014 = vector.broadcast %jit3A_2013 : i32 to vector<16xi32>
          %select_n3A_2015 = arith.select %eq3A_2009, %add3A_2012, %broadcast_in_dim3A_2014 : vector<16xi1>, vector<16xi32>
          %eq3A_2016 = vector.broadcast %reduce_max3A_2007 : f32 to vector<16xf32>
          %eq3A_2017 = arith.cmpf oeq, %scan3A_1996, %eq3A_2016 : vector<16xf32>
          %add3A_2018 = arith.constant 16 : i32
          %add3A_2019 = vector.broadcast %add3A_2018 : i32 to vector<16xi32>
          %add3A_2020 = arith.addi %iota3A, %add3A_2019 : vector<16xi32>
          %jit3A_2021 = arith.constant 2147483647 : i32
          %broadcast_in_dim3A_2022 = vector.broadcast %jit3A_2021 : i32 to vector<16xi32>
          %select_n3A_2023 = arith.select %eq3A_2017, %add3A_2020, %broadcast_in_dim3A_2022 : vector<16xi1>, vector<16xi32>
          %eq3A_2024 = vector.broadcast %reduce_max3A_2007 : f32 to vector<16xf32>
          %eq3A_2025 = arith.cmpf oeq, %scan3A_1997, %eq3A_2024 : vector<16xf32>
          %add3A_2026 = arith.constant 32 : i32
          %add3A_2027 = vector.broadcast %add3A_2026 : i32 to vector<16xi32>
          %add3A_2028 = arith.addi %iota3A, %add3A_2027 : vector<16xi32>
          %jit3A_2029 = arith.constant 2147483647 : i32
          %broadcast_in_dim3A_2030 = vector.broadcast %jit3A_2029 : i32 to vector<16xi32>
          %select_n3A_2031 = arith.select %eq3A_2025, %add3A_2028, %broadcast_in_dim3A_2030 : vector<16xi1>, vector<16xi32>
          %eq3A_2032 = vector.broadcast %reduce_max3A_2007 : f32 to vector<16xf32>
          %eq3A_2033 = arith.cmpf oeq, %scan3A_1998, %eq3A_2032 : vector<16xf32>
          %add3A_2034 = arith.constant 48 : i32
          %add3A_2035 = vector.broadcast %add3A_2034 : i32 to vector<16xi32>
          %add3A_2036 = arith.addi %iota3A, %add3A_2035 : vector<16xi32>
          %jit3A_2037 = arith.constant 2147483647 : i32
          %broadcast_in_dim3A_2038 = vector.broadcast %jit3A_2037 : i32 to vector<16xi32>
          %select_n3A_2039 = arith.select %eq3A_2033, %add3A_2036, %broadcast_in_dim3A_2038 : vector<16xi1>, vector<16xi32>
          %min3A_2040 = arith.minsi %select_n3A_2015, %select_n3A_2023 : vector<16xi32>
          %min3A_2041 = arith.minsi %min3A_2040, %select_n3A_2031 : vector<16xi32>
          %min3A_2042 = arith.minsi %min3A_2041, %select_n3A_2039 : vector<16xi32>
          %reduce_min3A_2043 = arith.constant true
          %reduce_min3A_2044 = vector.broadcast %reduce_min3A_2043 : i1 to vector<16xi1>
          %reduce_min3A_2045 = arith.constant -2147483648 : i32
          %reduce_min3A_2046 = vector.broadcast %reduce_min3A_2045 : i32 to vector<16xi32>
          %reduce_min3A_2047 = arith.xori %min3A_2042, %reduce_min3A_2046 : vector<16xi32>
          %reduce_min3A_2048 = tpu.scan <min>, %reduce_min3A_2047 masked %reduce_min3A_2044 : vector<16xi32>, vector<16xi1> -> vector<16xi32>
          %reduce_min3A_2049 = arith.xori %reduce_min3A_2048, %reduce_min3A_2046 : vector<16xi32>
          %reduce_min3A_2050 = vector.extract %reduce_min3A_2049[15] : i32 from vector<16xi32>
          %mul3A_2051 = arith.constant 512 : i32
          %mul3A_2052 = arith.muli %reduce_min3A_2050, %mul3A_2051 : i32
          %add3A_2053 = arith.addi %mul3A_1790, %mul3A_2052 : i32
          %scan3A_2054 = arith.constant 0 : i32
          %scan3A_2055 = arith.constant 4 : i32
          %scan3A_2056 = arith.addi %scan3A_2054, %scan3A_2055 : i32
          %scan3A_2057 = arith.constant 1 : i32
          %scan3A_2058:3 = scf.for %scan3A_2177 = %scan3A_2054 to %scan3A_2056 step %scan3A_2057 iter_args(%scan3A_2178 = %broadcast_in_dim3A_0, %scan3A_2179 = %broadcast_in_dim3A_0, %scan3A_2180 = %broadcast_in_dim3A_4) -> (vector<16xf32>, vector<16xf32>, vector<16xi32>)  : i32 {
            %mul3A_2181 = arith.constant 8 : i32
            %mul3A_2182 = arith.muli %scan3A_2177, %mul3A_2181 : i32
            %add3A_2183 = arith.constant 0 : i32
            %add3A_2184 = arith.addi %mul3A_2182, %add3A_2183 : i32
            %mul3A_2185 = arith.constant 16 : i32
            %mul3A_2186 = arith.muli %add3A_2184, %mul3A_2185 : i32
            %add3A_2187 = arith.addi %add3A_2053, %mul3A_2186 : i32
            %get3A_2188 = arith.index_cast %add3A_2187 : i32 to index
            %get3A_2189 = tpu.vector_load %arg9[%get3A_2188] {strides = array<i32>} : memref<65536xf32, #tpu.memory_space<vmem>>, vector<16xf32>,
            %gt3A_2190 = arith.cmpf ogt, %get3A_2189, %scan3A_2178 : vector<16xf32>
            %select_n3A_2191 = arith.select %gt3A_2190, %scan3A_2178, %get3A_2189 : vector<16xi1>, vector<16xf32>
            %max3A_2192 = arith.maximumf %scan3A_2179, %select_n3A_2191 : vector<16xf32>
            %select_n3A_2193 = arith.select %gt3A_2190, %get3A_2189, %scan3A_2178 : vector<16xi1>, vector<16xf32>
            %mul3A_2194 = arith.constant 8 : i32
            %mul3A_2195 = arith.muli %scan3A_2177, %mul3A_2194 : i32
            %add3A_2196 = arith.constant 0 : i32
            %add3A_2197 = arith.addi %mul3A_2195, %add3A_2196 : i32
            %broadcast_in_dim3A_2198 = vector.broadcast %add3A_2197 : i32 to vector<16xi32>
            %select_n3A_2199 = arith.select %gt3A_2190, %broadcast_in_dim3A_2198, %scan3A_2180 : vector<16xi1>, vector<16xi32>
            %mul3A_2200 = arith.constant 8 : i32
            %mul3A_2201 = arith.muli %scan3A_2177, %mul3A_2200 : i32
            %add3A_2202 = arith.constant 1 : i32
            %add3A_2203 = arith.addi %mul3A_2201, %add3A_2202 : i32
            %mul3A_2204 = arith.constant 16 : i32
            %mul3A_2205 = arith.muli %add3A_2203, %mul3A_2204 : i32
            %add3A_2206 = arith.addi %add3A_2053, %mul3A_2205 : i32
            %get3A_2207 = arith.index_cast %add3A_2206 : i32 to index
            %get3A_2208 = tpu.vector_load %arg9[%get3A_2207] {strides = array<i32>} : memref<65536xf32, #tpu.memory_space<vmem>>, vector<16xf32>,
            %gt3A_2209 = arith.cmpf ogt, %get3A_2208, %select_n3A_2193 : vector<16xf32>
            %select_n3A_2210 = arith.select %gt3A_2209, %select_n3A_2193, %get3A_2208 : vector<16xi1>, vector<16xf32>
            %max3A_2211 = arith.maximumf %max3A_2192, %select_n3A_2210 : vector<16xf32>
            %select_n3A_2212 = arith.select %gt3A_2209, %get3A_2208, %select_n3A_2193 : vector<16xi1>, vector<16xf32>
            %mul3A_2213 = arith.constant 8 : i32
            %mul3A_2214 = arith.muli %scan3A_2177, %mul3A_2213 : i32
            %add3A_2215 = arith.constant 1 : i32
            %add3A_2216 = arith.addi %mul3A_2214, %add3A_2215 : i32
            %broadcast_in_dim3A_2217 = vector.broadcast %add3A_2216 : i32 to vector<16xi32>
            %select_n3A_2218 = arith.select %gt3A_2209, %broadcast_in_dim3A_2217, %select_n3A_2199 : vector<16xi1>, vector<16xi32>
            %mul3A_2219 = arith.constant 8 : i32
            %mul3A_2220 = arith.muli %scan3A_2177, %mul3A_2219 : i32
            %add3A_2221 = arith.constant 2 : i32
            %add3A_2222 = arith.addi %mul3A_2220, %add3A_2221 : i32
            %mul3A_2223 = arith.constant 16 : i32
            %mul3A_2224 = arith.muli %add3A_2222, %mul3A_2223 : i32
            %add3A_2225 = arith.addi %add3A_2053, %mul3A_2224 : i32
            %get3A_2226 = arith.index_cast %add3A_2225 : i32 to index
            %get3A_2227 = tpu.vector_load %arg9[%get3A_2226] {strides = array<i32>} : memref<65536xf32, #tpu.memory_space<vmem>>, vector<16xf32>,
            %gt3A_2228 = arith.cmpf ogt, %get3A_2227, %select_n3A_2212 : vector<16xf32>
            %select_n3A_2229 = arith.select %gt3A_2228, %select_n3A_2212, %get3A_2227 : vector<16xi1>, vector<16xf32>
            %max3A_2230 = arith.maximumf %max3A_2211, %select_n3A_2229 : vector<16xf32>
            %select_n3A_2231 = arith.select %gt3A_2228, %get3A_2227, %select_n3A_2212 : vector<16xi1>, vector<16xf32>
            %mul3A_2232 = arith.constant 8 : i32
            %mul3A_2233 = arith.muli %scan3A_2177, %mul3A_2232 : i32
            %add3A_2234 = arith.constant 2 : i32
            %add3A_2235 = arith.addi %mul3A_2233, %add3A_2234 : i32
            %broadcast_in_dim3A_2236 = vector.broadcast %add3A_2235 : i32 to vector<16xi32>
            %select_n3A_2237 = arith.select %gt3A_2228, %broadcast_in_dim3A_2236, %select_n3A_2218 : vector<16xi1>, vector<16xi32>
            %mul3A_2238 = arith.constant 8 : i32
            %mul3A_2239 = arith.muli %scan3A_2177, %mul3A_2238 : i32
            %add3A_2240 = arith.constant 3 : i32
            %add3A_2241 = arith.addi %mul3A_2239, %add3A_2240 : i32
            %mul3A_2242 = arith.constant 16 : i32
            %mul3A_2243 = arith.muli %add3A_2241, %mul3A_2242 : i32
            %add3A_2244 = arith.addi %add3A_2053, %mul3A_2243 : i32
            %get3A_2245 = arith.index_cast %add3A_2244 : i32 to index
            %get3A_2246 = tpu.vector_load %arg9[%get3A_2245] {strides = array<i32>} : memref<65536xf32, #tpu.memory_space<vmem>>, vector<16xf32>,
            %gt3A_2247 = arith.cmpf ogt, %get3A_2246, %select_n3A_2231 : vector<16xf32>
            %select_n3A_2248 = arith.select %gt3A_2247, %select_n3A_2231, %get3A_2246 : vector<16xi1>, vector<16xf32>
            %max3A_2249 = arith.maximumf %max3A_2230, %select_n3A_2248 : vector<16xf32>
            %select_n3A_2250 = arith.select %gt3A_2247, %get3A_2246, %select_n3A_2231 : vector<16xi1>, vector<16xf32>
            %mul3A_2251 = arith.constant 8 : i32
            %mul3A_2252 = arith.muli %scan3A_2177, %mul3A_2251 : i32
            %add3A_2253 = arith.constant 3 : i32
            %add3A_2254 = arith.addi %mul3A_2252, %add3A_2253 : i32
            %broadcast_in_dim3A_2255 = vector.broadcast %add3A_2254 : i32 to vector<16xi32>
            %select_n3A_2256 = arith.select %gt3A_2247, %broadcast_in_dim3A_2255, %select_n3A_2237 : vector<16xi1>, vector<16xi32>
            %mul3A_2257 = arith.constant 8 : i32
            %mul3A_2258 = arith.muli %scan3A_2177, %mul3A_2257 : i32
            %add3A_2259 = arith.constant 4 : i32
            %add3A_2260 = arith.addi %mul3A_2258, %add3A_2259 : i32
            %mul3A_2261 = arith.constant 16 : i32
            %mul3A_2262 = arith.muli %add3A_2260, %mul3A_2261 : i32
            %add3A_2263 = arith.addi %add3A_2053, %mul3A_2262 : i32
            %get3A_2264 = arith.index_cast %add3A_2263 : i32 to index
            %get3A_2265 = tpu.vector_load %arg9[%get3A_2264] {strides = array<i32>} : memref<65536xf32, #tpu.memory_space<vmem>>, vector<16xf32>,
            %gt3A_2266 = arith.cmpf ogt, %get3A_2265, %select_n3A_2250 : vector<16xf32>
            %select_n3A_2267 = arith.select %gt3A_2266, %select_n3A_2250, %get3A_2265 : vector<16xi1>, vector<16xf32>
            %max3A_2268 = arith.maximumf %max3A_2249, %select_n3A_2267 : vector<16xf32>
            %select_n3A_2269 = arith.select %gt3A_2266, %get3A_2265, %select_n3A_2250 : vector<16xi1>, vector<16xf32>
            %mul3A_2270 = arith.constant 8 : i32
            %mul3A_2271 = arith.muli %scan3A_2177, %mul3A_2270 : i32
            %add3A_2272 = arith.constant 4 : i32
            %add3A_2273 = arith.addi %mul3A_2271, %add3A_2272 : i32
            %broadcast_in_dim3A_2274 = vector.broadcast %add3A_2273 : i32 to vector<16xi32>
            %select_n3A_2275 = arith.select %gt3A_2266, %broadcast_in_dim3A_2274, %select_n3A_2256 : vector<16xi1>, vector<16xi32>
            %mul3A_2276 = arith.constant 8 : i32
            %mul3A_2277 = arith.muli %scan3A_2177, %mul3A_2276 : i32
            %add3A_2278 = arith.constant 5 : i32
            %add3A_2279 = arith.addi %mul3A_2277, %add3A_2278 : i32
            %mul3A_2280 = arith.constant 16 : i32
            %mul3A_2281 = arith.muli %add3A_2279, %mul3A_2280 : i32
            %add3A_2282 = arith.addi %add3A_2053, %mul3A_2281 : i32
            %get3A_2283 = arith.index_cast %add3A_2282 : i32 to index
            %get3A_2284 = tpu.vector_load %arg9[%get3A_2283] {strides = array<i32>} : memref<65536xf32, #tpu.memory_space<vmem>>, vector<16xf32>,
            %gt3A_2285 = arith.cmpf ogt, %get3A_2284, %select_n3A_2269 : vector<16xf32>
            %select_n3A_2286 = arith.select %gt3A_2285, %select_n3A_2269, %get3A_2284 : vector<16xi1>, vector<16xf32>
            %max3A_2287 = arith.maximumf %max3A_2268, %select_n3A_2286 : vector<16xf32>
            %select_n3A_2288 = arith.select %gt3A_2285, %get3A_2284, %select_n3A_2269 : vector<16xi1>, vector<16xf32>
            %mul3A_2289 = arith.constant 8 : i32
            %mul3A_2290 = arith.muli %scan3A_2177, %mul3A_2289 : i32
            %add3A_2291 = arith.constant 5 : i32
            %add3A_2292 = arith.addi %mul3A_2290, %add3A_2291 : i32
            %broadcast_in_dim3A_2293 = vector.broadcast %add3A_2292 : i32 to vector<16xi32>
            %select_n3A_2294 = arith.select %gt3A_2285, %broadcast_in_dim3A_2293, %select_n3A_2275 : vector<16xi1>, vector<16xi32>
            %mul3A_2295 = arith.constant 8 : i32
            %mul3A_2296 = arith.muli %scan3A_2177, %mul3A_2295 : i32
            %add3A_2297 = arith.constant 6 : i32
            %add3A_2298 = arith.addi %mul3A_2296, %add3A_2297 : i32
            %mul3A_2299 = arith.constant 16 : i32
            %mul3A_2300 = arith.muli %add3A_2298, %mul3A_2299 : i32
            %add3A_2301 = arith.addi %add3A_2053, %mul3A_2300 : i32
            %get3A_2302 = arith.index_cast %add3A_2301 : i32 to index
            %get3A_2303 = tpu.vector_load %arg9[%get3A_2302] {strides = array<i32>} : memref<65536xf32, #tpu.memory_space<vmem>>, vector<16xf32>,
            %gt3A_2304 = arith.cmpf ogt, %get3A_2303, %select_n3A_2288 : vector<16xf32>
            %select_n3A_2305 = arith.select %gt3A_2304, %select_n3A_2288, %get3A_2303 : vector<16xi1>, vector<16xf32>
            %max3A_2306 = arith.maximumf %max3A_2287, %select_n3A_2305 : vector<16xf32>
            %select_n3A_2307 = arith.select %gt3A_2304, %get3A_2303, %select_n3A_2288 : vector<16xi1>, vector<16xf32>
            %mul3A_2308 = arith.constant 8 : i32
            %mul3A_2309 = arith.muli %scan3A_2177, %mul3A_2308 : i32
            %add3A_2310 = arith.constant 6 : i32
            %add3A_2311 = arith.addi %mul3A_2309, %add3A_2310 : i32
            %broadcast_in_dim3A_2312 = vector.broadcast %add3A_2311 : i32 to vector<16xi32>
            %select_n3A_2313 = arith.select %gt3A_2304, %broadcast_in_dim3A_2312, %select_n3A_2294 : vector<16xi1>, vector<16xi32>
            %mul3A_2314 = arith.constant 8 : i32
            %mul3A_2315 = arith.muli %scan3A_2177, %mul3A_2314 : i32
            %add3A_2316 = arith.constant 7 : i32
            %add3A_2317 = arith.addi %mul3A_2315, %add3A_2316 : i32
            %mul3A_2318 = arith.constant 16 : i32
            %mul3A_2319 = arith.muli %add3A_2317, %mul3A_2318 : i32
            %add3A_2320 = arith.addi %add3A_2053, %mul3A_2319 : i32
            %get3A_2321 = arith.index_cast %add3A_2320 : i32 to index
            %get3A_2322 = tpu.vector_load %arg9[%get3A_2321] {strides = array<i32>} : memref<65536xf32, #tpu.memory_space<vmem>>, vector<16xf32>,
            %gt3A_2323 = arith.cmpf ogt, %get3A_2322, %select_n3A_2307 : vector<16xf32>
            %select_n3A_2324 = arith.select %gt3A_2323, %select_n3A_2307, %get3A_2322 : vector<16xi1>, vector<16xf32>
            %max3A_2325 = arith.maximumf %max3A_2306, %select_n3A_2324 : vector<16xf32>
            %select_n3A_2326 = arith.select %gt3A_2323, %get3A_2322, %select_n3A_2307 : vector<16xi1>, vector<16xf32>
            %mul3A_2327 = arith.constant 8 : i32
            %mul3A_2328 = arith.muli %scan3A_2177, %mul3A_2327 : i32
            %add3A_2329 = arith.constant 7 : i32
            %add3A_2330 = arith.addi %mul3A_2328, %add3A_2329 : i32
            %broadcast_in_dim3A_2331 = vector.broadcast %add3A_2330 : i32 to vector<16xi32>
            %select_n3A_2332 = arith.select %gt3A_2323, %broadcast_in_dim3A_2331, %select_n3A_2313 : vector<16xi1>, vector<16xi32>
            scf.yield %select_n3A_2326, %max3A_2325, %select_n3A_2332 : vector<16xf32>, vector<16xf32>, vector<16xi32>
          }
          %scan3A_2059 = arith.constant 4 : i32
          %eq3A_2060 = vector.broadcast %reduce_max3A_2007 : f32 to vector<16xf32>
          %eq3A_2061 = arith.cmpf oeq, %scan3A_2058#0, %eq3A_2060 : vector<16xf32>
          %mul3A_2062 = arith.constant 16 : i32
          %mul3A_2063 = vector.broadcast %mul3A_2062 : i32 to vector<16xi32>
          %mul3A_2064 = arith.muli %scan3A_2058#2, %mul3A_2063 : vector<16xi32>
          %add3A_2065 = arith.addi %mul3A_2064, %iota3A : vector<16xi32>
          %jit3A_2066 = arith.constant 2147483647 : i32
          %broadcast_in_dim3A_2067 = vector.broadcast %jit3A_2066 : i32 to vector<16xi32>
          %select_n3A_2068 = arith.select %eq3A_2061, %add3A_2065, %broadcast_in_dim3A_2067 : vector<16xi1>, vector<16xi32>
          %reduce_min3A_2069 = arith.constant true
          %reduce_min3A_2070 = vector.broadcast %reduce_min3A_2069 : i1 to vector<16xi1>
          %reduce_min3A_2071 = arith.constant -2147483648 : i32
          %reduce_min3A_2072 = vector.broadcast %reduce_min3A_2071 : i32 to vector<16xi32>
          %reduce_min3A_2073 = arith.xori %select_n3A_2068, %reduce_min3A_2072 : vector<16xi32>
          %reduce_min3A_2074 = tpu.scan <min>, %reduce_min3A_2073 masked %reduce_min3A_2070 : vector<16xi32>, vector<16xi1> -> vector<16xi32>
          %reduce_min3A_2075 = arith.xori %reduce_min3A_2074, %reduce_min3A_2072 : vector<16xi32>
          %reduce_min3A_2076 = vector.extract %reduce_min3A_2075[15] : i32 from vector<16xi32>
          %sub3A_2077 = arith.subi %add3A_2053, %mul3A_1790 : i32
          %add3A_2078 = arith.addi %sub3A_2077, %reduce_min3A_2076 : i32
          %jit3A_2079 = arith.constant 16 : i32
          %div3A_2080 = arith.divsi %reduce_min3A_2076, %jit3A_2079 : i32
          %sign3A_2081 = arith.constant 0 : i32
          %sign3A_2082 = arith.cmpi sgt, %reduce_min3A_2076, %sign3A_2081 : i32
          %sign3A_2083 = arith.extui %sign3A_2082 : i1 to i32
          %sign3A_2084 = arith.constant 0 : i32
          %sign3A_2085 = arith.cmpi slt, %reduce_min3A_2076, %sign3A_2084 : i32
          %sign3A_2086 = arith.extui %sign3A_2085 : i1 to i32
          %sign3A_2087 = arith.subi %sign3A_2083, %sign3A_2086 : i32
          %sign3A_2088 = arith.constant 0 : i32
          %sign3A_2089 = arith.cmpi sgt, %jit3A_2079, %sign3A_2088 : i32
          %sign3A_2090 = arith.extui %sign3A_2089 : i1 to i32
          %sign3A_2091 = arith.constant 0 : i32
          %sign3A_2092 = arith.cmpi slt, %jit3A_2079, %sign3A_2091 : i32
          %sign3A_2093 = arith.extui %sign3A_2092 : i1 to i32
          %sign3A_2094 = arith.subi %sign3A_2090, %sign3A_2093 : i32
          %ne3A_2095 = arith.cmpi ne, %sign3A_2087, %sign3A_2094 : i32
          %rem3A_2096 = arith.remsi %reduce_min3A_2076, %jit3A_2079 : i32
          %ne3A_2097 = arith.constant 0 : i32
          %ne3A_2098 = arith.cmpi ne, %rem3A_2096, %ne3A_2097 : i32
          %and3A_2099 = arith.andi %ne3A_2095, %ne3A_2098 : i1
          %sub3A_2100 = arith.constant 1 : i32
          %sub3A_2101 = arith.subi %div3A_2080, %sub3A_2100 : i32
          %select_n3A_2102 = arith.select %and3A_2099, %sub3A_2101, %div3A_2080 : i32
          %mul3A_2103 = arith.constant 16 : i32
          %mul3A_2104 = arith.muli %select_n3A_2102, %mul3A_2103 : i32
          %add3A_2105 = arith.addi %add3A_2053, %mul3A_2104 : i32
          %jit3A_2106 = arith.constant 16 : i32
          %eq3A_2107 = arith.constant 0 : i32
          %eq3A_2108 = arith.cmpi eq, %jit3A_2106, %eq3A_2107 : i32
          %jit3A_2109 = arith.constant 1 : i32
          %select_n3A_2110 = arith.select %eq3A_2108, %jit3A_2109, %jit3A_2106 : i32
          %rem3A_2111 = arith.remsi %reduce_min3A_2076, %select_n3A_2110 : i32
          %ne3A_2112 = arith.constant 0 : i32
          %ne3A_2113 = arith.cmpi ne, %rem3A_2111, %ne3A_2112 : i32
          %lt3A_2114 = arith.constant 0 : i32
          %lt3A_2115 = arith.cmpi slt, %rem3A_2111, %lt3A_2114 : i32
          %lt3A_2116 = arith.constant 0 : i32
          %lt3A_2117 = arith.cmpi slt, %select_n3A_2110, %lt3A_2116 : i32
          %ne3A_2118 = arith.xori %lt3A_2115, %lt3A_2117 : i1
          %and3A_2119 = arith.andi %ne3A_2118, %ne3A_2113 : i1
          %add3A_2120 = arith.addi %rem3A_2111, %select_n3A_2110 : i32
          %select_n3A_2121 = arith.select %and3A_2119, %add3A_2120, %rem3A_2111 : i32
          %get3A_2122 = arith.index_cast %add3A_2105 : i32 to index
          %get3A_2123 = tpu.vector_load %arg9[%get3A_2122] {strides = array<i32>} : memref<65536xf32, #tpu.memory_space<vmem>>, vector<16xf32>,
          %eq3A_2124 = vector.broadcast %select_n3A_2121 : i32 to vector<16xi32>
          %eq3A_2125 = arith.cmpi eq, %iota3A, %eq3A_2124 : vector<16xi32>
          %jit3A_2126 = arith.constant -3.400000e+38 : f32
          %broadcast_in_dim3A_2127 = vector.broadcast %jit3A_2126 : f32 to vector<16xf32>
          %select_n3A_2128 = arith.select %eq3A_2125, %broadcast_in_dim3A_2127, %get3A_2123 : vector<16xi1>, vector<16xf32>
          %swap3A_2129 = arith.index_cast %add3A_2105 : i32 to index
          %swap3A_2130 = tpu.vector_load %arg9[%swap3A_2129] {strides = array<i32>} : memref<65536xf32, #tpu.memory_space<vmem>>, vector<16xf32>,
          tpu.vector_store %arg9[%swap3A_2129], %select_n3A_2128 {strides = array<i32>} : memref<65536xf32, #tpu.memory_space<vmem>>, vector<16xf32>,
          %eq3A_2131 = vector.broadcast %select_n3A_2121 : i32 to vector<16xi32>
          %eq3A_2132 = arith.cmpi eq, %iota3A, %eq3A_2131 : vector<16xi32>
          %select_n3A_2133 = arith.select %eq3A_2132, %scan3A_2058#1, %scan3A_2058#0 : vector<16xi1>, vector<16xf32>
          %reduce_max3A_2134 = arith.constant true
          %reduce_max3A_2135 = vector.broadcast %reduce_max3A_2134 : i1 to vector<16xi1>
          %reduce_max3A_2136 = tpu.scan <max>, %select_n3A_2133 masked %reduce_max3A_2135 : vector<16xf32>, vector<16xi1> -> vector<16xf32>
          %reduce_max3A_2137 = vector.extract %reduce_max3A_2136[15] : f32 from vector<16xf32>
          %add3A_2138 = arith.constant 0 : i32
          %add3A_2139 = vector.broadcast %add3A_2138 : i32 to vector<16xi32>
          %add3A_2140 = arith.addi %iota3A, %add3A_2139 : vector<16xi32>
          %eq3A_2141 = vector.broadcast %reduce_min3A_2050 : i32 to vector<16xi32>
          %eq3A_2142 = arith.cmpi eq, %add3A_2140, %eq3A_2141 : vector<16xi32>
          %broadcast_in_dim3A_2143 = vector.broadcast %reduce_max3A_2137 : f32 to vector<16xf32>
          %select_n3A_2144 = arith.select %eq3A_2142, %broadcast_in_dim3A_2143, %scan3A_1995 : vector<16xi1>, vector<16xf32>
          %add3A_2145 = arith.constant 16 : i32
          %add3A_2146 = vector.broadcast %add3A_2145 : i32 to vector<16xi32>
          %add3A_2147 = arith.addi %iota3A, %add3A_2146 : vector<16xi32>
          %eq3A_2148 = vector.broadcast %reduce_min3A_2050 : i32 to vector<16xi32>
          %eq3A_2149 = arith.cmpi eq, %add3A_2147, %eq3A_2148 : vector<16xi32>
          %broadcast_in_dim3A_2150 = vector.broadcast %reduce_max3A_2137 : f32 to vector<16xf32>
          %select_n3A_2151 = arith.select %eq3A_2149, %broadcast_in_dim3A_2150, %scan3A_1996 : vector<16xi1>, vector<16xf32>
          %add3A_2152 = arith.constant 32 : i32
          %add3A_2153 = vector.broadcast %add3A_2152 : i32 to vector<16xi32>
          %add3A_2154 = arith.addi %iota3A, %add3A_2153 : vector<16xi32>
          %eq3A_2155 = vector.broadcast %reduce_min3A_2050 : i32 to vector<16xi32>
          %eq3A_2156 = arith.cmpi eq, %add3A_2154, %eq3A_2155 : vector<16xi32>
          %broadcast_in_dim3A_2157 = vector.broadcast %reduce_max3A_2137 : f32 to vector<16xf32>
          %select_n3A_2158 = arith.select %eq3A_2156, %broadcast_in_dim3A_2157, %scan3A_1997 : vector<16xi1>, vector<16xf32>
          %add3A_2159 = arith.constant 48 : i32
          %add3A_2160 = vector.broadcast %add3A_2159 : i32 to vector<16xi32>
          %add3A_2161 = arith.addi %iota3A, %add3A_2160 : vector<16xi32>
          %eq3A_2162 = vector.broadcast %reduce_min3A_2050 : i32 to vector<16xi32>
          %eq3A_2163 = arith.cmpi eq, %add3A_2161, %eq3A_2162 : vector<16xi32>
          %broadcast_in_dim3A_2164 = vector.broadcast %reduce_max3A_2137 : f32 to vector<16xf32>
          %select_n3A_2165 = arith.select %eq3A_2163, %broadcast_in_dim3A_2164, %scan3A_1998 : vector<16xi1>, vector<16xf32>
          %eq3A_2166 = vector.broadcast %scan3A_1994 : i32 to vector<16xi32>
          %eq3A_2167 = arith.cmpi eq, %iota3A, %eq3A_2166 : vector<16xi32>
          %broadcast_in_dim3A_2168 = vector.broadcast %reduce_max3A_2007 : f32 to vector<16xf32>
          %select_n3A_2169 = arith.select %eq3A_2167, %broadcast_in_dim3A_2168, %scan3A_1999 : vector<16xi1>, vector<16xf32>
          %eq3A_2170 = vector.broadcast %scan3A_1994 : i32 to vector<16xi32>
          %eq3A_2171 = arith.cmpi eq, %iota3A, %eq3A_2170 : vector<16xi32>
          %mul3A_2172 = arith.constant 32768 : i32
          %mul3A_2173 = arith.muli %select_n3A_1861, %mul3A_2172 : i32
          %add3A_2174 = arith.addi %mul3A_2173, %add3A_2078 : i32
          %broadcast_in_dim3A_2175 = vector.broadcast %add3A_2174 : i32 to vector<16xi32>
          %select_n3A_2176 = arith.select %eq3A_2171, %broadcast_in_dim3A_2175, %scan3A_2000 : vector<16xi1>, vector<16xi32>
          scf.yield %select_n3A_2144, %select_n3A_2151, %select_n3A_2158, %select_n3A_2165, %select_n3A_2169, %select_n3A_2176 : vector<16xf32>, vector<16xf32>, vector<16xf32>, vector<16xf32>, vector<16xf32>, vector<16xi32>
        }
        %scan3A_1935 = arith.constant 8 : i32
        %add3A_1936 = vector.broadcast %reduce_max3A_1845 : f32 to vector<16xf32>
        %add3A_1937 = arith.addf %scan3A_1934#4, %add3A_1936 : vector<16xf32>
        %swap3A_1938 = arith.constant 0 : index
        %swap3A_1939 = tpu.vector_load %arg14[%swap3A_1938] {strides = array<i32>} : memref<16xf32, #tpu.memory_space<vmem>>, vector<16xf32>,
        tpu.vector_store %arg14[%swap3A_1938], %add3A_1937 {strides = array<i32>} : memref<16xf32, #tpu.memory_space<vmem>>, vector<16xf32>,
        %swap3A_1940 = arith.constant 0 : index
        %swap3A_1941 = tpu.vector_load %arg15[%swap3A_1940] {strides = array<i32>} : memref<16xi32, #tpu.memory_space<vmem>>, vector<16xi32>,
        tpu.vector_store %arg15[%swap3A_1940], %scan3A_1934#5 {strides = array<i32>} : memref<16xi32, #tpu.memory_space<vmem>>, vector<16xi32>,
        %jit3A_1942 = arith.constant 8 : i32
        %div3A_1943 = arith.divsi %reduce_min3A_1711, %jit3A_1942 : i32
        %sign3A_1944 = arith.constant 0 : i32
        %sign3A_1945 = arith.cmpi sgt, %reduce_min3A_1711, %sign3A_1944 : i32
        %sign3A_1946 = arith.extui %sign3A_1945 : i1 to i32
        %sign3A_1947 = arith.constant 0 : i32
        %sign3A_1948 = arith.cmpi slt, %reduce_min3A_1711, %sign3A_1947 : i32
        %sign3A_1949 = arith.extui %sign3A_1948 : i1 to i32
        %sign3A_1950 = arith.subi %sign3A_1946, %sign3A_1949 : i32
        %sign3A_1951 = arith.constant 0 : i32
        %sign3A_1952 = arith.cmpi sgt, %jit3A_1942, %sign3A_1951 : i32
        %sign3A_1953 = arith.extui %sign3A_1952 : i1 to i32
        %sign3A_1954 = arith.constant 0 : i32
        %sign3A_1955 = arith.cmpi slt, %jit3A_1942, %sign3A_1954 : i32
        %sign3A_1956 = arith.extui %sign3A_1955 : i1 to i32
        %sign3A_1957 = arith.subi %sign3A_1953, %sign3A_1956 : i32
        %ne3A_1958 = arith.cmpi ne, %sign3A_1950, %sign3A_1957 : i32
        %rem3A_1959 = arith.remsi %reduce_min3A_1711, %jit3A_1942 : i32
        %ne3A_1960 = arith.constant 0 : i32
        %ne3A_1961 = arith.cmpi ne, %rem3A_1959, %ne3A_1960 : i32
        %and3A_1962 = arith.andi %ne3A_1958, %ne3A_1961 : i1
        %sub3A_1963 = arith.constant 1 : i32
        %sub3A_1964 = arith.subi %div3A_1943, %sub3A_1963 : i32
        %select_n3A_1965 = arith.select %and3A_1962, %sub3A_1964, %div3A_1943 : i32
        %mul3A_1966 = arith.constant 16 : i32
        %mul3A_1967 = arith.muli %select_n3A_1861, %mul3A_1966 : i32
        "tpu.region"() ({
          %run_scoped3A = tpu.sem_alloc : memref<!tpu.dma_semaphore, #tpu.memory_space<semaphore_mem>>
          %dma_start3A_1994 = tpu.memref_slice %arg21[%select_n3A_1965, %mul3A_1967] : memref<8x128xf32, #tpu.memory_space<vmem_shared>> -> memref<1x16xf32, #tpu.memory_space<vmem_shared>>
          %dma_start3A_1995 = tpu.memref_squeeze %dma_start3A_1994 : memref<1x16xf32, #tpu.memory_space<vmem_shared>> -> memref<16xf32, #tpu.memory_space<vmem_shared>>
          %dma_start3A_1996 = tpu.memref_slice %arg21[%select_n3A_1965, %mul3A_1967] : memref<8x128xf32, #tpu.memory_space<vmem_shared>> -> memref<1x16xf32, #tpu.memory_space<vmem_shared>>
          %dma_start3A_1997 = tpu.memref_squeeze %dma_start3A_1996 : memref<1x16xf32, #tpu.memory_space<vmem_shared>> -> memref<16xf32, #tpu.memory_space<vmem_shared>>
          tpu.enqueue_dma source(%arg14 : memref<16xf32, #tpu.memory_space<vmem>>) target(%dma_start3A_1997 : memref<16xf32, #tpu.memory_space<vmem_shared>>) target_semaphore(%run_scoped3A : memref<!tpu.dma_semaphore, #tpu.memory_space<semaphore_mem>>)
          %dma_wait3A_1998 = tpu.memref_slice %arg21[%select_n3A_1965, %mul3A_1967] : memref<8x128xf32, #tpu.memory_space<vmem_shared>> -> memref<1x16xf32, #tpu.memory_space<vmem_shared>>
          %dma_wait3A_1999 = tpu.memref_squeeze %dma_wait3A_1998 : memref<1x16xf32, #tpu.memory_space<vmem_shared>> -> memref<16xf32, #tpu.memory_space<vmem_shared>>
          %dma_wait3A_2000 = tpu.memref_slice %arg21[%select_n3A_1965, %mul3A_1967] : memref<8x128xf32, #tpu.memory_space<vmem_shared>> -> memref<1x16xf32, #tpu.memory_space<vmem_shared>>
          %dma_wait3A_2001 = tpu.memref_squeeze %dma_wait3A_2000 : memref<1x16xf32, #tpu.memory_space<vmem_shared>> -> memref<16xf32, #tpu.memory_space<vmem_shared>>
          tpu.wait_dma2 semaphore(%run_scoped3A : memref<!tpu.dma_semaphore, #tpu.memory_space<semaphore_mem>>) src(%arg14 : memref<16xf32, #tpu.memory_space<vmem>>) dst(%dma_wait3A_2001 : memref<16xf32, #tpu.memory_space<vmem_shared>>)
          tpu.yield
        }) : () -> ()
        %jit3A_1968 = arith.constant 8 : i32
        %div3A_1969 = arith.divsi %reduce_min3A_1711, %jit3A_1968 : i32
        %sign3A_1970 = arith.constant 0 : i32
        %sign3A_1971 = arith.cmpi sgt, %reduce_min3A_1711, %sign3A_1970 : i32
        %sign3A_1972 = arith.extui %sign3A_1971 : i1 to i32
        %sign3A_1973 = arith.constant 0 : i32
        %sign3A_1974 = arith.cmpi slt, %reduce_min3A_1711, %sign3A_1973 : i32
        %sign3A_1975 = arith.extui %sign3A_1974 : i1 to i32
        %sign3A_1976 = arith.subi %sign3A_1972, %sign3A_1975 : i32
        %sign3A_1977 = arith.constant 0 : i32
        %sign3A_1978 = arith.cmpi sgt, %jit3A_1968, %sign3A_1977 : i32
        %sign3A_1979 = arith.extui %sign3A_1978 : i1 to i32
        %sign3A_1980 = arith.constant 0 : i32
        %sign3A_1981 = arith.cmpi slt, %jit3A_1968, %sign3A_1980 : i32
        %sign3A_1982 = arith.extui %sign3A_1981 : i1 to i32
        %sign3A_1983 = arith.subi %sign3A_1979, %sign3A_1982 : i32
        %ne3A_1984 = arith.cmpi ne, %sign3A_1976, %sign3A_1983 : i32
        %rem3A_1985 = arith.remsi %reduce_min3A_1711, %jit3A_1968 : i32
        %ne3A_1986 = arith.constant 0 : i32
        %ne3A_1987 = arith.cmpi ne, %rem3A_1985, %ne3A_1986 : i32
        %and3A_1988 = arith.andi %ne3A_1984, %ne3A_1987 : i1
        %sub3A_1989 = arith.constant 1 : i32
        %sub3A_1990 = arith.subi %div3A_1969, %sub3A_1989 : i32
        %select_n3A_1991 = arith.select %and3A_1988, %sub3A_1990, %div3A_1969 : i32
        %mul3A_1992 = arith.constant 16 : i32
        %mul3A_1993 = arith.muli %select_n3A_1861, %mul3A_1992 : i32
        "tpu.region"() ({
          %run_scoped3A = tpu.sem_alloc : memref<!tpu.dma_semaphore, #tpu.memory_space<semaphore_mem>>
          %dma_start3A_1994 = tpu.memref_slice %arg22[%select_n3A_1991, %mul3A_1993] : memref<8x128xi32, #tpu.memory_space<vmem_shared>> -> memref<1x16xi32, #tpu.memory_space<vmem_shared>>
          %dma_start3A_1995 = tpu.memref_squeeze %dma_start3A_1994 : memref<1x16xi32, #tpu.memory_space<vmem_shared>> -> memref<16xi32, #tpu.memory_space<vmem_shared>>
          %dma_start3A_1996 = tpu.memref_slice %arg22[%select_n3A_1991, %mul3A_1993] : memref<8x128xi32, #tpu.memory_space<vmem_shared>> -> memref<1x16xi32, #tpu.memory_space<vmem_shared>>
          %dma_start3A_1997 = tpu.memref_squeeze %dma_start3A_1996 : memref<1x16xi32, #tpu.memory_space<vmem_shared>> -> memref<16xi32, #tpu.memory_space<vmem_shared>>
          tpu.enqueue_dma source(%arg15 : memref<16xi32, #tpu.memory_space<vmem>>) target(%dma_start3A_1997 : memref<16xi32, #tpu.memory_space<vmem_shared>>) target_semaphore(%run_scoped3A : memref<!tpu.dma_semaphore, #tpu.memory_space<semaphore_mem>>)
          %dma_wait3A_1998 = tpu.memref_slice %arg22[%select_n3A_1991, %mul3A_1993] : memref<8x128xi32, #tpu.memory_space<vmem_shared>> -> memref<1x16xi32, #tpu.memory_space<vmem_shared>>
          %dma_wait3A_1999 = tpu.memref_squeeze %dma_wait3A_1998 : memref<1x16xi32, #tpu.memory_space<vmem_shared>> -> memref<16xi32, #tpu.memory_space<vmem_shared>>
          %dma_wait3A_2000 = tpu.memref_slice %arg22[%select_n3A_1991, %mul3A_1993] : memref<8x128xi32, #tpu.memory_space<vmem_shared>> -> memref<1x16xi32, #tpu.memory_space<vmem_shared>>
          %dma_wait3A_2001 = tpu.memref_squeeze %dma_wait3A_2000 : memref<1x16xi32, #tpu.memory_space<vmem_shared>> -> memref<16xi32, #tpu.memory_space<vmem_shared>>
          tpu.wait_dma2 semaphore(%run_scoped3A : memref<!tpu.dma_semaphore, #tpu.memory_space<semaphore_mem>>) src(%arg15 : memref<16xi32, #tpu.memory_space<vmem>>) dst(%dma_wait3A_2001 : memref<16xi32, #tpu.memory_space<vmem_shared>>)
          tpu.yield
        }) : () -> ()
      } else {
      }
      %add3A_1745 = arith.constant 2 : i32
      %add3A_1746 = arith.addi %scan3A_1697, %add3A_1745 : i32
      %eq3A_1747 = vector.broadcast %add3A_1746 : i32 to vector<16xi32>
      %eq3A_1748 = arith.cmpi eq, %iota3A, %eq3A_1747 : vector<16xi32>
      %jit3A_1749 = arith.constant 2147483647 : i32
      %broadcast_in_dim3A_1750 = vector.broadcast %jit3A_1749 : i32 to vector<16xi32>
      %select_n3A_1751 = arith.select %eq3A_1748, %select_n3A_1594, %broadcast_in_dim3A_1750 : vector<16xi1>, vector<16xi32>
      %reduce_min3A_1752 = arith.constant true
      %reduce_min3A_1753 = vector.broadcast %reduce_min3A_1752 : i1 to vector<16xi1>
      %reduce_min3A_1754 = arith.constant -2147483648 : i32
      %reduce_min3A_1755 = vector.broadcast %reduce_min3A_1754 : i32 to vector<16xi32>
      %reduce_min3A_1756 = arith.xori %select_n3A_1751, %reduce_min3A_1755 : vector<16xi32>
      %reduce_min3A_1757 = tpu.scan <min>, %reduce_min3A_1756 masked %reduce_min3A_1753 : vector<16xi32>, vector<16xi1> -> vector<16xi32>
      %reduce_min3A_1758 = arith.xori %reduce_min3A_1757, %reduce_min3A_1755 : vector<16xi32>
      %reduce_min3A_1759 = vector.extract %reduce_min3A_1758[15] : i32 from vector<16xi32>
      %lt3A_1760 = arith.constant 2147483647 : i32
      %lt3A_1761 = arith.cmpi slt, %reduce_min3A_1759, %lt3A_1760 : i32
      %and3A_1762 = arith.andi %lt3A_1761, %eq3A_1731 : i1
      %convert_element_type3A_1763 = arith.extui %and3A_1762 : i1 to i32
      %cond3A_1764 = arith.constant 0 : i32
      %cond3A_1765 = arith.cmpi ne, %convert_element_type3A_1763, %cond3A_1764 : i32
      scf.if %cond3A_1765 {
        %mul3A_1773 = arith.constant 64 : i32
        %mul3A_1774 = arith.muli %arg0, %mul3A_1773 : i32
        %add3A_1775 = arith.addi %mul3A_1774, %reduce_min3A_1759 : i32
        %dma_start3A_1776 = arith.constant 0 : i32
        %dma_start3A_1777 = tpu.memref_slice %arg9[%dma_start3A_1776] : memref<65536xf32, #tpu.memory_space<vmem>> -> memref<32768xf32, #tpu.memory_space<vmem>>
        %dma_start3A_1778 = arith.constant 0 : i32
        %dma_start3A_1779 = tpu.memref_slice %arg2[%add3A_1775, %dma_start3A_1778] : memref<128x32768xf32, #tpu.memory_space<hbm>> -> memref<1x32768xf32, #tpu.memory_space<hbm>>
        %dma_start3A_1780 = tpu.memref_squeeze %dma_start3A_1779 : memref<1x32768xf32, #tpu.memory_space<hbm>> -> memref<32768xf32, #tpu.memory_space<hbm>>
        %dma_start3A_1781 = arith.constant 0 : i32
        %dma_start3A_1782 = tpu.memref_slice %arg9[%dma_start3A_1781] : memref<65536xf32, #tpu.memory_space<vmem>> -> memref<32768xf32, #tpu.memory_space<vmem>>
        %dma_start3A_1783 = arith.constant 0 : i32
        %dma_start3A_1784 = tpu.memref_slice %arg2[%add3A_1775, %dma_start3A_1783] : memref<128x32768xf32, #tpu.memory_space<hbm>> -> memref<1x32768xf32, #tpu.memory_space<hbm>>
        %dma_start3A_1785 = tpu.memref_squeeze %dma_start3A_1784 : memref<1x32768xf32, #tpu.memory_space<hbm>> -> memref<32768xf32, #tpu.memory_space<hbm>>
        tpu.enqueue_dma source(%dma_start3A_1785 : memref<32768xf32, #tpu.memory_space<hbm>>) target(%dma_start3A_1782 : memref<32768xf32, #tpu.memory_space<vmem>>) target_semaphore(%arg25 : memref<!tpu.dma_semaphore, #tpu.memory_space<semaphore_mem>>)
      } else {
      }
      %not3A_1766 = arith.constant true
      %not3A_1767 = arith.xori %eq3A_1731, %not3A_1766 : i1
      %and3A_1768 = arith.andi %lt3A_1761, %not3A_1767 : i1
      %convert_element_type3A_1769 = arith.extui %and3A_1768 : i1 to i32
      %cond3A_1770 = arith.constant 0 : i32
      %cond3A_1771 = arith.cmpi ne, %convert_element_type3A_1769, %cond3A_1770 : i32
      scf.if %cond3A_1771 {
        %mul3A_1773 = arith.constant 64 : i32
        %mul3A_1774 = arith.muli %arg0, %mul3A_1773 : i32
        %add3A_1775 = arith.addi %mul3A_1774, %reduce_min3A_1759 : i32
        %dma_start3A_1776 = arith.constant 32768 : i32
        %dma_start3A_1777 = tpu.memref_slice %arg9[%dma_start3A_1776] : memref<65536xf32, #tpu.memory_space<vmem>> -> memref<32768xf32, #tpu.memory_space<vmem>>
        %dma_start3A_1778 = arith.constant 0 : i32
        %dma_start3A_1779 = tpu.memref_slice %arg2[%add3A_1775, %dma_start3A_1778] : memref<128x32768xf32, #tpu.memory_space<hbm>> -> memref<1x32768xf32, #tpu.memory_space<hbm>>
        %dma_start3A_1780 = tpu.memref_squeeze %dma_start3A_1779 : memref<1x32768xf32, #tpu.memory_space<hbm>> -> memref<32768xf32, #tpu.memory_space<hbm>>
        %dma_start3A_1781 = arith.constant 32768 : i32
        %dma_start3A_1782 = tpu.memref_slice %arg9[%dma_start3A_1781] : memref<65536xf32, #tpu.memory_space<vmem>> -> memref<32768xf32, #tpu.memory_space<vmem>>
        %dma_start3A_1783 = arith.constant 0 : i32
        %dma_start3A_1784 = tpu.memref_slice %arg2[%add3A_1775, %dma_start3A_1783] : memref<128x32768xf32, #tpu.memory_space<hbm>> -> memref<1x32768xf32, #tpu.memory_space<hbm>>
        %dma_start3A_1785 = tpu.memref_squeeze %dma_start3A_1784 : memref<1x32768xf32, #tpu.memory_space<hbm>> -> memref<32768xf32, #tpu.memory_space<hbm>>
        tpu.enqueue_dma source(%dma_start3A_1785 : memref<32768xf32, #tpu.memory_space<hbm>>) target(%dma_start3A_1782 : memref<32768xf32, #tpu.memory_space<vmem>>) target_semaphore(%arg26 : memref<!tpu.dma_semaphore, #tpu.memory_space<semaphore_mem>>)
      } else {
      }
      %scan3A_1772 = arith.constant 0 : i32
      scf.yield %scan3A_1772 : i32
    }
    %scan3A_1690 = arith.constant 4 : i32
    %barrier3A_1691 = arith.constant 0 : index
    tpu.barrier barrier_id(%barrier3A_1691)
    %lt3A_1692 = arith.constant 8 : i32
    %lt3A_1693 = arith.cmpi slt, %arg1, %lt3A_1692 : i32
    %convert_element_type3A_1694 = arith.extui %lt3A_1693 : i1 to i32
    %cond3A_1695 = arith.constant 0 : i32
    %cond3A_1696 = arith.cmpi ne, %convert_element_type3A_1694, %cond3A_1695 : i32
    scf.if %cond3A_1696 {
      "tpu.region"() ({
        %run_scoped3A = tpu.sem_alloc : memref<!tpu.dma_semaphore, #tpu.memory_space<semaphore_mem>>
        %dma_start3A_1733 = arith.constant 0 : i32
        %dma_start3A_1734 = tpu.memref_slice %arg21[%arg1, %dma_start3A_1733] : memref<8x128xf32, #tpu.memory_space<vmem_shared>> -> memref<1x128xf32, #tpu.memory_space<vmem_shared>>
        %dma_start3A_1735 = tpu.memref_squeeze %dma_start3A_1734 : memref<1x128xf32, #tpu.memory_space<vmem_shared>> -> memref<128xf32, #tpu.memory_space<vmem_shared>>
        %dma_start3A_1736 = arith.constant 0 : i32
        %dma_start3A_1737 = tpu.memref_slice %arg21[%arg1, %dma_start3A_1736] : memref<8x128xf32, #tpu.memory_space<vmem_shared>> -> memref<1x128xf32, #tpu.memory_space<vmem_shared>>
        %dma_start3A_1738 = tpu.memref_squeeze %dma_start3A_1737 : memref<1x128xf32, #tpu.memory_space<vmem_shared>> -> memref<128xf32, #tpu.memory_space<vmem_shared>>
        tpu.enqueue_dma source(%dma_start3A_1738 : memref<128xf32, #tpu.memory_space<vmem_shared>>) target(%arg16 : memref<128xf32, #tpu.memory_space<vmem>>) target_semaphore(%run_scoped3A : memref<!tpu.dma_semaphore, #tpu.memory_space<semaphore_mem>>)
        %dma_wait3A_1739 = arith.constant 0 : i32
        %dma_wait3A_1740 = tpu.memref_slice %arg21[%arg1, %dma_wait3A_1739] : memref<8x128xf32, #tpu.memory_space<vmem_shared>> -> memref<1x128xf32, #tpu.memory_space<vmem_shared>>
        %dma_wait3A_1741 = tpu.memref_squeeze %dma_wait3A_1740 : memref<1x128xf32, #tpu.memory_space<vmem_shared>> -> memref<128xf32, #tpu.memory_space<vmem_shared>>
        %dma_wait3A_1742 = arith.constant 0 : i32
        %dma_wait3A_1743 = tpu.memref_slice %arg21[%arg1, %dma_wait3A_1742] : memref<8x128xf32, #tpu.memory_space<vmem_shared>> -> memref<1x128xf32, #tpu.memory_space<vmem_shared>>
        %dma_wait3A_1744 = tpu.memref_squeeze %dma_wait3A_1743 : memref<1x128xf32, #tpu.memory_space<vmem_shared>> -> memref<128xf32, #tpu.memory_space<vmem_shared>>
        tpu.wait_dma2 semaphore(%run_scoped3A : memref<!tpu.dma_semaphore, #tpu.memory_space<semaphore_mem>>) src(%dma_wait3A_1744 : memref<128xf32, #tpu.memory_space<vmem_shared>>) dst(%arg16 : memref<128xf32, #tpu.memory_space<vmem>>)
        tpu.yield
      }) : () -> ()
      "tpu.region"() ({
        %run_scoped3A = tpu.sem_alloc : memref<!tpu.dma_semaphore, #tpu.memory_space<semaphore_mem>>
        %dma_start3A_1733 = arith.constant 0 : i32
        %dma_start3A_1734 = tpu.memref_slice %arg22[%arg1, %dma_start3A_1733] : memref<8x128xi32, #tpu.memory_space<vmem_shared>> -> memref<1x128xi32, #tpu.memory_space<vmem_shared>>
        %dma_start3A_1735 = tpu.memref_squeeze %dma_start3A_1734 : memref<1x128xi32, #tpu.memory_space<vmem_shared>> -> memref<128xi32, #tpu.memory_space<vmem_shared>>
        %dma_start3A_1736 = arith.constant 0 : i32
        %dma_start3A_1737 = tpu.memref_slice %arg22[%arg1, %dma_start3A_1736] : memref<8x128xi32, #tpu.memory_space<vmem_shared>> -> memref<1x128xi32, #tpu.memory_space<vmem_shared>>
        %dma_start3A_1738 = tpu.memref_squeeze %dma_start3A_1737 : memref<1x128xi32, #tpu.memory_space<vmem_shared>> -> memref<128xi32, #tpu.memory_space<vmem_shared>>
        tpu.enqueue_dma source(%dma_start3A_1738 : memref<128xi32, #tpu.memory_space<vmem_shared>>) target(%arg17 : memref<128xi32, #tpu.memory_space<vmem>>) target_semaphore(%run_scoped3A : memref<!tpu.dma_semaphore, #tpu.memory_space<semaphore_mem>>)
        %dma_wait3A_1739 = arith.constant 0 : i32
        %dma_wait3A_1740 = tpu.memref_slice %arg22[%arg1, %dma_wait3A_1739] : memref<8x128xi32, #tpu.memory_space<vmem_shared>> -> memref<1x128xi32, #tpu.memory_space<vmem_shared>>
        %dma_wait3A_1741 = tpu.memref_squeeze %dma_wait3A_1740 : memref<1x128xi32, #tpu.memory_space<vmem_shared>> -> memref<128xi32, #tpu.memory_space<vmem_shared>>
        %dma_wait3A_1742 = arith.constant 0 : i32
        %dma_wait3A_1743 = tpu.memref_slice %arg22[%arg1, %dma_wait3A_1742] : memref<8x128xi32, #tpu.memory_space<vmem_shared>> -> memref<1x128xi32, #tpu.memory_space<vmem_shared>>
        %dma_wait3A_1744 = tpu.memref_squeeze %dma_wait3A_1743 : memref<1x128xi32, #tpu.memory_space<vmem_shared>> -> memref<128xi32, #tpu.memory_space<vmem_shared>>
        tpu.wait_dma2 semaphore(%run_scoped3A : memref<!tpu.dma_semaphore, #tpu.memory_space<semaphore_mem>>) src(%dma_wait3A_1744 : memref<128xi32, #tpu.memory_space<vmem_shared>>) dst(%arg17 : memref<128xi32, #tpu.memory_space<vmem>>)
        tpu.yield
      }) : () -> ()
      %mul3A_1697 = arith.constant 8 : i32
      %mul3A_1698 = arith.muli %arg0, %mul3A_1697 : i32
      %add3A_1699 = arith.addi %mul3A_1698, %arg1 : i32
      %get3A = arith.constant 0 : index
      %get3A_1700 = tpu.vector_load %arg16[%get3A] {strides = array<i32>} : memref<128xf32, #tpu.memory_space<vmem>>, vector<16xf32>,
      %get3A_1701 = arith.constant 16 : index
      %get3A_1702 = tpu.vector_load %arg16[%get3A_1701] {strides = array<i32>} : memref<128xf32, #tpu.memory_space<vmem>>, vector<16xf32>,
      %get3A_1703 = arith.constant 32 : index
      %get3A_1704 = tpu.vector_load %arg16[%get3A_1703] {strides = array<i32>} : memref<128xf32, #tpu.memory_space<vmem>>, vector<16xf32>,
      %get3A_1705 = arith.constant 48 : index
      %get3A_1706 = tpu.vector_load %arg16[%get3A_1705] {strides = array<i32>} : memref<128xf32, #tpu.memory_space<vmem>>, vector<16xf32>,
      %get3A_1707 = arith.constant 64 : index
      %get3A_1708 = tpu.vector_load %arg16[%get3A_1707] {strides = array<i32>} : memref<128xf32, #tpu.memory_space<vmem>>, vector<16xf32>,
      %get3A_1709 = arith.constant 80 : index
      %get3A_1710 = tpu.vector_load %arg16[%get3A_1709] {strides = array<i32>} : memref<128xf32, #tpu.memory_space<vmem>>, vector<16xf32>,
      %get3A_1711 = arith.constant 96 : index
      %get3A_1712 = tpu.vector_load %arg16[%get3A_1711] {strides = array<i32>} : memref<128xf32, #tpu.memory_space<vmem>>, vector<16xf32>,
      %get3A_1713 = arith.constant 112 : index
      %get3A_1714 = tpu.vector_load %arg16[%get3A_1713] {strides = array<i32>} : memref<128xf32, #tpu.memory_space<vmem>>, vector<16xf32>,
      %scan3A_1715 = arith.constant 0 : i32
      %scan3A_1716 = arith.constant 8 : i32
      %scan3A_1717 = arith.addi %scan3A_1715, %scan3A_1716 : i32
      %scan3A_1718 = arith.constant 1 : i32
      %scan3A_1719:11 = scf.for %scan3A_1733 = %scan3A_1715 to %scan3A_1717 step %scan3A_1718 iter_args(%scan3A_1734 = %get3A_1700, %scan3A_1735 = %get3A_1702, %scan3A_1736 = %get3A_1704, %scan3A_1737 = %get3A_1706, %scan3A_1738 = %get3A_1708, %scan3A_1739 = %get3A_1710, %scan3A_1740 = %get3A_1712, %scan3A_1741 = %get3A_1714, %scan3A_1742 = %broadcast_in_dim3A_0, %scan3A_1743 = %broadcast_in_dim3A_4, %scan3A_1744 = %broadcast_in_dim3A_4) -> (vector<16xf32>, vector<16xf32>, vector<16xf32>, vector<16xf32>, vector<16xf32>, vector<16xf32>, vector<16xf32>, vector<16xf32>, vector<16xf32>, vector<16xi32>, vector<16xi32>)  : i32 {
        %get3A_1745 = arith.constant 0 : index
        %get3A_1746 = tpu.vector_load %arg17[%get3A_1745] {strides = array<i32>} : memref<128xi32, #tpu.memory_space<vmem>>, vector<16xi32>,
        %get3A_1747 = arith.constant 16 : index
        %get3A_1748 = tpu.vector_load %arg17[%get3A_1747] {strides = array<i32>} : memref<128xi32, #tpu.memory_space<vmem>>, vector<16xi32>,
        %get3A_1749 = arith.constant 32 : index
        %get3A_1750 = tpu.vector_load %arg17[%get3A_1749] {strides = array<i32>} : memref<128xi32, #tpu.memory_space<vmem>>, vector<16xi32>,
        %get3A_1751 = arith.constant 48 : index
        %get3A_1752 = tpu.vector_load %arg17[%get3A_1751] {strides = array<i32>} : memref<128xi32, #tpu.memory_space<vmem>>, vector<16xi32>,
        %get3A_1753 = arith.constant 64 : index
        %get3A_1754 = tpu.vector_load %arg17[%get3A_1753] {strides = array<i32>} : memref<128xi32, #tpu.memory_space<vmem>>, vector<16xi32>,
        %get3A_1755 = arith.constant 80 : index
        %get3A_1756 = tpu.vector_load %arg17[%get3A_1755] {strides = array<i32>} : memref<128xi32, #tpu.memory_space<vmem>>, vector<16xi32>,
        %get3A_1757 = arith.constant 96 : index
        %get3A_1758 = tpu.vector_load %arg17[%get3A_1757] {strides = array<i32>} : memref<128xi32, #tpu.memory_space<vmem>>, vector<16xi32>,
        %get3A_1759 = arith.constant 112 : index
        %get3A_1760 = tpu.vector_load %arg17[%get3A_1759] {strides = array<i32>} : memref<128xi32, #tpu.memory_space<vmem>>, vector<16xi32>,
        %max3A = arith.maximumf %scan3A_1734, %scan3A_1735 : vector<16xf32>
        %max3A_1761 = arith.maximumf %max3A, %scan3A_1736 : vector<16xf32>
        %max3A_1762 = arith.maximumf %max3A_1761, %scan3A_1737 : vector<16xf32>
        %max3A_1763 = arith.maximumf %max3A_1762, %scan3A_1738 : vector<16xf32>
        %max3A_1764 = arith.maximumf %max3A_1763, %scan3A_1739 : vector<16xf32>
        %max3A_1765 = arith.maximumf %max3A_1764, %scan3A_1740 : vector<16xf32>
        %max3A_1766 = arith.maximumf %max3A_1765, %scan3A_1741 : vector<16xf32>
        %reduce_max3A_1767 = arith.constant true
        %reduce_max3A_1768 = vector.broadcast %reduce_max3A_1767 : i1 to vector<16xi1>
        %reduce_max3A_1769 = tpu.scan <max>, %max3A_1766 masked %reduce_max3A_1768 : vector<16xf32>, vector<16xi1> -> vector<16xf32>
        %reduce_max3A_1770 = vector.extract %reduce_max3A_1769[15] : f32 from vector<16xf32>
        %eq3A_1771 = vector.broadcast %reduce_max3A_1770 : f32 to vector<16xf32>
        %eq3A_1772 = arith.cmpf oeq, %scan3A_1734, %eq3A_1771 : vector<16xf32>
        %jit3A_1773 = arith.constant 2147483647 : i32
        %broadcast_in_dim3A_1774 = vector.broadcast %jit3A_1773 : i32 to vector<16xi32>
        %select_n3A_1775 = arith.select %eq3A_1772, %get3A_1746, %broadcast_in_dim3A_1774 : vector<16xi1>, vector<16xi32>
        %eq3A_1776 = vector.broadcast %reduce_max3A_1770 : f32 to vector<16xf32>
        %eq3A_1777 = arith.cmpf oeq, %scan3A_1735, %eq3A_1776 : vector<16xf32>
        %jit3A_1778 = arith.constant 2147483647 : i32
        %broadcast_in_dim3A_1779 = vector.broadcast %jit3A_1778 : i32 to vector<16xi32>
        %select_n3A_1780 = arith.select %eq3A_1777, %get3A_1748, %broadcast_in_dim3A_1779 : vector<16xi1>, vector<16xi32>
        %eq3A_1781 = vector.broadcast %reduce_max3A_1770 : f32 to vector<16xf32>
        %eq3A_1782 = arith.cmpf oeq, %scan3A_1736, %eq3A_1781 : vector<16xf32>
        %jit3A_1783 = arith.constant 2147483647 : i32
        %broadcast_in_dim3A_1784 = vector.broadcast %jit3A_1783 : i32 to vector<16xi32>
        %select_n3A_1785 = arith.select %eq3A_1782, %get3A_1750, %broadcast_in_dim3A_1784 : vector<16xi1>, vector<16xi32>
        %eq3A_1786 = vector.broadcast %reduce_max3A_1770 : f32 to vector<16xf32>
        %eq3A_1787 = arith.cmpf oeq, %scan3A_1737, %eq3A_1786 : vector<16xf32>
        %jit3A_1788 = arith.constant 2147483647 : i32
        %broadcast_in_dim3A_1789 = vector.broadcast %jit3A_1788 : i32 to vector<16xi32>
        %select_n3A_1790 = arith.select %eq3A_1787, %get3A_1752, %broadcast_in_dim3A_1789 : vector<16xi1>, vector<16xi32>
        %eq3A_1791 = vector.broadcast %reduce_max3A_1770 : f32 to vector<16xf32>
        %eq3A_1792 = arith.cmpf oeq, %scan3A_1738, %eq3A_1791 : vector<16xf32>
        %jit3A_1793 = arith.constant 2147483647 : i32
        %broadcast_in_dim3A_1794 = vector.broadcast %jit3A_1793 : i32 to vector<16xi32>
        %select_n3A_1795 = arith.select %eq3A_1792, %get3A_1754, %broadcast_in_dim3A_1794 : vector<16xi1>, vector<16xi32>
        %eq3A_1796 = vector.broadcast %reduce_max3A_1770 : f32 to vector<16xf32>
        %eq3A_1797 = arith.cmpf oeq, %scan3A_1739, %eq3A_1796 : vector<16xf32>
        %jit3A_1798 = arith.constant 2147483647 : i32
        %broadcast_in_dim3A_1799 = vector.broadcast %jit3A_1798 : i32 to vector<16xi32>
        %select_n3A_1800 = arith.select %eq3A_1797, %get3A_1756, %broadcast_in_dim3A_1799 : vector<16xi1>, vector<16xi32>
        %eq3A_1801 = vector.broadcast %reduce_max3A_1770 : f32 to vector<16xf32>
        %eq3A_1802 = arith.cmpf oeq, %scan3A_1740, %eq3A_1801 : vector<16xf32>
        %jit3A_1803 = arith.constant 2147483647 : i32
        %broadcast_in_dim3A_1804 = vector.broadcast %jit3A_1803 : i32 to vector<16xi32>
        %select_n3A_1805 = arith.select %eq3A_1802, %get3A_1758, %broadcast_in_dim3A_1804 : vector<16xi1>, vector<16xi32>
        %eq3A_1806 = vector.broadcast %reduce_max3A_1770 : f32 to vector<16xf32>
        %eq3A_1807 = arith.cmpf oeq, %scan3A_1741, %eq3A_1806 : vector<16xf32>
        %jit3A_1808 = arith.constant 2147483647 : i32
        %broadcast_in_dim3A_1809 = vector.broadcast %jit3A_1808 : i32 to vector<16xi32>
        %select_n3A_1810 = arith.select %eq3A_1807, %get3A_1760, %broadcast_in_dim3A_1809 : vector<16xi1>, vector<16xi32>
        %min3A_1811 = arith.minsi %select_n3A_1775, %select_n3A_1780 : vector<16xi32>
        %min3A_1812 = arith.minsi %min3A_1811, %select_n3A_1785 : vector<16xi32>
        %min3A_1813 = arith.minsi %min3A_1812, %select_n3A_1790 : vector<16xi32>
        %min3A_1814 = arith.minsi %min3A_1813, %select_n3A_1795 : vector<16xi32>
        %min3A_1815 = arith.minsi %min3A_1814, %select_n3A_1800 : vector<16xi32>
        %min3A_1816 = arith.minsi %min3A_1815, %select_n3A_1805 : vector<16xi32>
        %min3A_1817 = arith.minsi %min3A_1816, %select_n3A_1810 : vector<16xi32>
        %reduce_min3A_1818 = arith.constant true
        %reduce_min3A_1819 = vector.broadcast %reduce_min3A_1818 : i1 to vector<16xi1>
        %reduce_min3A_1820 = arith.constant -2147483648 : i32
        %reduce_min3A_1821 = vector.broadcast %reduce_min3A_1820 : i32 to vector<16xi32>
        %reduce_min3A_1822 = arith.xori %min3A_1817, %reduce_min3A_1821 : vector<16xi32>
        %reduce_min3A_1823 = tpu.scan <min>, %reduce_min3A_1822 masked %reduce_min3A_1819 : vector<16xi32>, vector<16xi1> -> vector<16xi32>
        %reduce_min3A_1824 = arith.xori %reduce_min3A_1823, %reduce_min3A_1821 : vector<16xi32>
        %reduce_min3A_1825 = vector.extract %reduce_min3A_1824[15] : i32 from vector<16xi32>
        %eq3A_1826 = vector.broadcast %reduce_min3A_1825 : i32 to vector<16xi32>
        %eq3A_1827 = arith.cmpi eq, %get3A_1746, %eq3A_1826 : vector<16xi32>
        %jit3A_1828 = arith.constant -3.400000e+38 : f32
        %broadcast_in_dim3A_1829 = vector.broadcast %jit3A_1828 : f32 to vector<16xf32>
        %select_n3A_1830 = arith.select %eq3A_1827, %broadcast_in_dim3A_1829, %scan3A_1734 : vector<16xi1>, vector<16xf32>
        %eq3A_1831 = vector.broadcast %reduce_min3A_1825 : i32 to vector<16xi32>
        %eq3A_1832 = arith.cmpi eq, %get3A_1748, %eq3A_1831 : vector<16xi32>
        %jit3A_1833 = arith.constant -3.400000e+38 : f32
        %broadcast_in_dim3A_1834 = vector.broadcast %jit3A_1833 : f32 to vector<16xf32>
        %select_n3A_1835 = arith.select %eq3A_1832, %broadcast_in_dim3A_1834, %scan3A_1735 : vector<16xi1>, vector<16xf32>
        %eq3A_1836 = vector.broadcast %reduce_min3A_1825 : i32 to vector<16xi32>
        %eq3A_1837 = arith.cmpi eq, %get3A_1750, %eq3A_1836 : vector<16xi32>
        %jit3A_1838 = arith.constant -3.400000e+38 : f32
        %broadcast_in_dim3A_1839 = vector.broadcast %jit3A_1838 : f32 to vector<16xf32>
        %select_n3A_1840 = arith.select %eq3A_1837, %broadcast_in_dim3A_1839, %scan3A_1736 : vector<16xi1>, vector<16xf32>
        %eq3A_1841 = vector.broadcast %reduce_min3A_1825 : i32 to vector<16xi32>
        %eq3A_1842 = arith.cmpi eq, %get3A_1752, %eq3A_1841 : vector<16xi32>
        %jit3A_1843 = arith.constant -3.400000e+38 : f32
        %broadcast_in_dim3A_1844 = vector.broadcast %jit3A_1843 : f32 to vector<16xf32>
        %select_n3A_1845 = arith.select %eq3A_1842, %broadcast_in_dim3A_1844, %scan3A_1737 : vector<16xi1>, vector<16xf32>
        %eq3A_1846 = vector.broadcast %reduce_min3A_1825 : i32 to vector<16xi32>
        %eq3A_1847 = arith.cmpi eq, %get3A_1754, %eq3A_1846 : vector<16xi32>
        %jit3A_1848 = arith.constant -3.400000e+38 : f32
        %broadcast_in_dim3A_1849 = vector.broadcast %jit3A_1848 : f32 to vector<16xf32>
        %select_n3A_1850 = arith.select %eq3A_1847, %broadcast_in_dim3A_1849, %scan3A_1738 : vector<16xi1>, vector<16xf32>
        %eq3A_1851 = vector.broadcast %reduce_min3A_1825 : i32 to vector<16xi32>
        %eq3A_1852 = arith.cmpi eq, %get3A_1756, %eq3A_1851 : vector<16xi32>
        %jit3A_1853 = arith.constant -3.400000e+38 : f32
        %broadcast_in_dim3A_1854 = vector.broadcast %jit3A_1853 : f32 to vector<16xf32>
        %select_n3A_1855 = arith.select %eq3A_1852, %broadcast_in_dim3A_1854, %scan3A_1739 : vector<16xi1>, vector<16xf32>
        %eq3A_1856 = vector.broadcast %reduce_min3A_1825 : i32 to vector<16xi32>
        %eq3A_1857 = arith.cmpi eq, %get3A_1758, %eq3A_1856 : vector<16xi32>
        %jit3A_1858 = arith.constant -3.400000e+38 : f32
        %broadcast_in_dim3A_1859 = vector.broadcast %jit3A_1858 : f32 to vector<16xf32>
        %select_n3A_1860 = arith.select %eq3A_1857, %broadcast_in_dim3A_1859, %scan3A_1740 : vector<16xi1>, vector<16xf32>
        %eq3A_1861 = vector.broadcast %reduce_min3A_1825 : i32 to vector<16xi32>
        %eq3A_1862 = arith.cmpi eq, %get3A_1760, %eq3A_1861 : vector<16xi32>
        %jit3A_1863 = arith.constant -3.400000e+38 : f32
        %broadcast_in_dim3A_1864 = vector.broadcast %jit3A_1863 : f32 to vector<16xf32>
        %select_n3A_1865 = arith.select %eq3A_1862, %broadcast_in_dim3A_1864, %scan3A_1741 : vector<16xi1>, vector<16xf32>
        %eq3A_1866 = vector.broadcast %scan3A_1733 : i32 to vector<16xi32>
        %eq3A_1867 = arith.cmpi eq, %iota3A, %eq3A_1866 : vector<16xi32>
        %broadcast_in_dim3A_1868 = vector.broadcast %reduce_max3A_1770 : f32 to vector<16xf32>
        %select_n3A_1869 = arith.select %eq3A_1867, %broadcast_in_dim3A_1868, %scan3A_1742 : vector<16xi1>, vector<16xf32>
        %eq3A_1870 = vector.broadcast %scan3A_1733 : i32 to vector<16xi32>
        %eq3A_1871 = arith.cmpi eq, %iota3A, %eq3A_1870 : vector<16xi32>
        %and3A_1872 = arith.constant 32767 : i32
        %and3A_1873 = arith.andi %reduce_min3A_1825, %and3A_1872 : i32
        %broadcast_in_dim3A_1874 = vector.broadcast %and3A_1873 : i32 to vector<16xi32>
        %select_n3A_1875 = arith.select %eq3A_1871, %broadcast_in_dim3A_1874, %scan3A_1743 : vector<16xi1>, vector<16xi32>
        %eq3A_1876 = vector.broadcast %scan3A_1733 : i32 to vector<16xi32>
        %eq3A_1877 = arith.cmpi eq, %iota3A, %eq3A_1876 : vector<16xi32>
        %shift_right_arithmetic3A = arith.constant 15 : i32
        %shift_right_arithmetic3A_1878 = arith.shrsi %reduce_min3A_1825, %shift_right_arithmetic3A : i32
        %mul3A_1879 = arith.constant 8 : i32
        %mul3A_1880 = arith.muli %add3A_1699, %mul3A_1879 : i32
        %add3A_1881 = arith.addi %shift_right_arithmetic3A_1878, %mul3A_1880 : i32
        %broadcast_in_dim3A_1882 = vector.broadcast %add3A_1881 : i32 to vector<16xi32>
        %select_n3A_1883 = arith.select %eq3A_1877, %broadcast_in_dim3A_1882, %scan3A_1744 : vector<16xi1>, vector<16xi32>
        scf.yield %select_n3A_1830, %select_n3A_1835, %select_n3A_1840, %select_n3A_1845, %select_n3A_1850, %select_n3A_1855, %select_n3A_1860, %select_n3A_1865, %select_n3A_1869, %select_n3A_1875, %select_n3A_1883 : vector<16xf32>, vector<16xf32>, vector<16xf32>, vector<16xf32>, vector<16xf32>, vector<16xf32>, vector<16xf32>, vector<16xf32>, vector<16xf32>, vector<16xi32>, vector<16xi32>
      }
      %scan3A_1720 = arith.constant 8 : i32
      %swap3A_1721 = arith.constant 0 : index
      %swap3A_1722 = tpu.vector_load %arg18[%swap3A_1721] {strides = array<i32>} : memref<16xf32, #tpu.memory_space<vmem>>, vector<16xf32>,
      tpu.vector_store %arg18[%swap3A_1721], %scan3A_1719#8 {strides = array<i32>} : memref<16xf32, #tpu.memory_space<vmem>>, vector<16xf32>,
      %swap3A_1723 = arith.constant 0 : index
      %swap3A_1724 = tpu.vector_load %arg19[%swap3A_1723] {strides = array<i32>} : memref<16xi32, #tpu.memory_space<vmem>>, vector<16xi32>,
      tpu.vector_store %arg19[%swap3A_1723], %scan3A_1719#9 {strides = array<i32>} : memref<16xi32, #tpu.memory_space<vmem>>, vector<16xi32>,
      %swap3A_1725 = arith.constant 0 : index
      %swap3A_1726 = tpu.vector_load %arg20[%swap3A_1725] {strides = array<i32>} : memref<16xi32, #tpu.memory_space<vmem>>, vector<16xi32>,
      tpu.vector_store %arg20[%swap3A_1725], %scan3A_1719#10 {strides = array<i32>} : memref<16xi32, #tpu.memory_space<vmem>>, vector<16xi32>,
      %mul3A_1727 = arith.constant 8 : i32
      %mul3A_1728 = arith.muli %add3A_1699, %mul3A_1727 : i32
      "tpu.region"() ({
        %run_scoped3A = tpu.sem_alloc : memref<!tpu.dma_semaphore, #tpu.memory_space<semaphore_mem>>
        %dma_start3A_1733 = arith.constant 0 : i32
        %dma_start3A_1734 = tpu.memref_slice %arg18[%dma_start3A_1733] : memref<16xf32, #tpu.memory_space<vmem>> -> memref<8xf32, #tpu.memory_space<vmem>>
        %dma_start3A_1735 = tpu.memref_slice %arg6[%mul3A_1728] : memref<128xf32, #tpu.memory_space<hbm>> -> memref<8xf32, #tpu.memory_space<hbm>>
        %dma_start3A_1736 = tpu.memref_slice %arg6[%mul3A_1728] : memref<128xf32, #tpu.memory_space<hbm>> -> memref<8xf32, #tpu.memory_space<hbm>>
        %dma_start3A_1737 = arith.constant 0 : i32
        %dma_start3A_1738 = tpu.memref_slice %arg18[%dma_start3A_1737] : memref<16xf32, #tpu.memory_space<vmem>> -> memref<8xf32, #tpu.memory_space<vmem>>
        tpu.enqueue_dma source(%dma_start3A_1738 : memref<8xf32, #tpu.memory_space<vmem>>) target(%dma_start3A_1736 : memref<8xf32, #tpu.memory_space<hbm>>) target_semaphore(%run_scoped3A : memref<!tpu.dma_semaphore, #tpu.memory_space<semaphore_mem>>)
        %dma_wait3A_1739 = arith.constant 0 : i32
        %dma_wait3A_1740 = tpu.memref_slice %arg18[%dma_wait3A_1739] : memref<16xf32, #tpu.memory_space<vmem>> -> memref<8xf32, #tpu.memory_space<vmem>>
        %dma_wait3A_1741 = tpu.memref_slice %arg6[%mul3A_1728] : memref<128xf32, #tpu.memory_space<hbm>> -> memref<8xf32, #tpu.memory_space<hbm>>
        %dma_wait3A_1742 = tpu.memref_slice %arg6[%mul3A_1728] : memref<128xf32, #tpu.memory_space<hbm>> -> memref<8xf32, #tpu.memory_space<hbm>>
        %dma_wait3A_1743 = arith.constant 0 : i32
        %dma_wait3A_1744 = tpu.memref_slice %arg18[%dma_wait3A_1743] : memref<16xf32, #tpu.memory_space<vmem>> -> memref<8xf32, #tpu.memory_space<vmem>>
        tpu.wait_dma2 semaphore(%run_scoped3A : memref<!tpu.dma_semaphore, #tpu.memory_space<semaphore_mem>>) src(%dma_wait3A_1744 : memref<8xf32, #tpu.memory_space<vmem>>) dst(%dma_wait3A_1742 : memref<8xf32, #tpu.memory_space<hbm>>)
        tpu.yield
      }) : () -> ()
      %mul3A_1729 = arith.constant 8 : i32
      %mul3A_1730 = arith.muli %add3A_1699, %mul3A_1729 : i32
      "tpu.region"() ({
        %run_scoped3A = tpu.sem_alloc : memref<!tpu.dma_semaphore, #tpu.memory_space<semaphore_mem>>
        %dma_start3A_1733 = arith.constant 0 : i32
        %dma_start3A_1734 = tpu.memref_slice %arg19[%dma_start3A_1733] : memref<16xi32, #tpu.memory_space<vmem>> -> memref<8xi32, #tpu.memory_space<vmem>>
        %dma_start3A_1735 = tpu.memref_slice %arg7[%mul3A_1730] : memref<128xi32, #tpu.memory_space<hbm>> -> memref<8xi32, #tpu.memory_space<hbm>>
        %dma_start3A_1736 = tpu.memref_slice %arg7[%mul3A_1730] : memref<128xi32, #tpu.memory_space<hbm>> -> memref<8xi32, #tpu.memory_space<hbm>>
        %dma_start3A_1737 = arith.constant 0 : i32
        %dma_start3A_1738 = tpu.memref_slice %arg19[%dma_start3A_1737] : memref<16xi32, #tpu.memory_space<vmem>> -> memref<8xi32, #tpu.memory_space<vmem>>
        tpu.enqueue_dma source(%dma_start3A_1738 : memref<8xi32, #tpu.memory_space<vmem>>) target(%dma_start3A_1736 : memref<8xi32, #tpu.memory_space<hbm>>) target_semaphore(%run_scoped3A : memref<!tpu.dma_semaphore, #tpu.memory_space<semaphore_mem>>)
        %dma_wait3A_1739 = arith.constant 0 : i32
        %dma_wait3A_1740 = tpu.memref_slice %arg19[%dma_wait3A_1739] : memref<16xi32, #tpu.memory_space<vmem>> -> memref<8xi32, #tpu.memory_space<vmem>>
        %dma_wait3A_1741 = tpu.memref_slice %arg7[%mul3A_1730] : memref<128xi32, #tpu.memory_space<hbm>> -> memref<8xi32, #tpu.memory_space<hbm>>
        %dma_wait3A_1742 = tpu.memref_slice %arg7[%mul3A_1730] : memref<128xi32, #tpu.memory_space<hbm>> -> memref<8xi32, #tpu.memory_space<hbm>>
        %dma_wait3A_1743 = arith.constant 0 : i32
        %dma_wait3A_1744 = tpu.memref_slice %arg19[%dma_wait3A_1743] : memref<16xi32, #tpu.memory_space<vmem>> -> memref<8xi32, #tpu.memory_space<vmem>>
        tpu.wait_dma2 semaphore(%run_scoped3A : memref<!tpu.dma_semaphore, #tpu.memory_space<semaphore_mem>>) src(%dma_wait3A_1744 : memref<8xi32, #tpu.memory_space<vmem>>) dst(%dma_wait3A_1742 : memref<8xi32, #tpu.memory_space<hbm>>)
        tpu.yield
      }) : () -> ()
      %mul3A_1731 = arith.constant 8 : i32
      %mul3A_1732 = arith.muli %add3A_1699, %mul3A_1731 : i32
      "tpu.region"() ({
        %run_scoped3A = tpu.sem_alloc : memref<!tpu.dma_semaphore, #tpu.memory_space<semaphore_mem>>
        %dma_start3A_1733 = arith.constant 0 : i32
        %dma_start3A_1734 = tpu.memref_slice %arg20[%dma_start3A_1733] : memref<16xi32, #tpu.memory_space<vmem>> -> memref<8xi32, #tpu.memory_space<vmem>>
        %dma_start3A_1735 = tpu.memref_slice %arg8[%mul3A_1732] : memref<128xi32, #tpu.memory_space<hbm>> -> memref<8xi32, #tpu.memory_space<hbm>>
        %dma_start3A_1736 = tpu.memref_slice %arg8[%mul3A_1732] : memref<128xi32, #tpu.memory_space<hbm>> -> memref<8xi32, #tpu.memory_space<hbm>>
        %dma_start3A_1737 = arith.constant 0 : i32
        %dma_start3A_1738 = tpu.memref_slice %arg20[%dma_start3A_1737] : memref<16xi32, #tpu.memory_space<vmem>> -> memref<8xi32, #tpu.memory_space<vmem>>
        tpu.enqueue_dma source(%dma_start3A_1738 : memref<8xi32, #tpu.memory_space<vmem>>) target(%dma_start3A_1736 : memref<8xi32, #tpu.memory_space<hbm>>) target_semaphore(%run_scoped3A : memref<!tpu.dma_semaphore, #tpu.memory_space<semaphore_mem>>)
        %dma_wait3A_1739 = arith.constant 0 : i32
        %dma_wait3A_1740 = tpu.memref_slice %arg20[%dma_wait3A_1739] : memref<16xi32, #tpu.memory_space<vmem>> -> memref<8xi32, #tpu.memory_space<vmem>>
        %dma_wait3A_1741 = tpu.memref_slice %arg8[%mul3A_1732] : memref<128xi32, #tpu.memory_space<hbm>> -> memref<8xi32, #tpu.memory_space<hbm>>
        %dma_wait3A_1742 = tpu.memref_slice %arg8[%mul3A_1732] : memref<128xi32, #tpu.memory_space<hbm>> -> memref<8xi32, #tpu.memory_space<hbm>>
        %dma_wait3A_1743 = arith.constant 0 : i32
        %dma_wait3A_1744 = tpu.memref_slice %arg20[%dma_wait3A_1743] : memref<16xi32, #tpu.memory_space<vmem>> -> memref<8xi32, #tpu.memory_space<vmem>>
        tpu.wait_dma2 semaphore(%run_scoped3A : memref<!tpu.dma_semaphore, #tpu.memory_space<semaphore_mem>>) src(%dma_wait3A_1744 : memref<8xi32, #tpu.memory_space<vmem>>) dst(%dma_wait3A_1742 : memref<8xi32, #tpu.memory_space<hbm>>)
        tpu.yield
      }) : () -> ()
    } else {
    }
    return
  }
}

</mosaic_0001>

<sc_bundles>
// kernel: _run.3.cloned.1.call-start
scs
__scs_entry_jumppad:
0x0: {  	(pc) =	sbr.rel $0x88, $3  }
0x1: {  	(tag) =	ssettag $0x0;
	lr =	simm.s32 $0x1  }
0x2: {  	[smem:$0x3F9D] =	sst lr;
	_ =	strace $0xD0000000  }
0x3: {  	_ = 	snop  }
0x4: {  	_ = 	snop  }
0x5: {  	_ = 	snop  }
0x6: {  	_ = 	snop  }
0x7: {  	_ = 	snop  }
__scs_overlays_trampoline_lowered:
0x8: {  	[smem:$0x3FAC] =	sst s0  }
0x9: {  	[smem:$0x3FAD] =	sst s1  }
0xa: {  	[smem:$0x3FAE] =	sst s2  }
0xb: {  	[smem:$0x3FAF] =	sst s3  }
0xc: {  	[smem:$0x3FB0] =	sst s4  }
0xd: {  	[smem:$0x3FB1] =	sst s5  }
0xe: {  	[smem:$0x3FB2] =	sst s6  }
0xf: {  	[smem:$0x3FB3] =	sst s7  }
0x10: {  	[smem:$0x3FB4] =	sst s8  }
0x11: {  	[smem:$0x3FB5] =	sst s9;
	s0 =	simm.s32 @!p0 $0x0  }
0x12: {  	s1 =	sld [smem:$0x3F9B];
	s0 =	simm.s32 @p0 $0x1  }
0x13: {  	[smem:$0x3FB6] =	sst s0;
	s0 =	simm.s32 @!p1 $0x0  }
0x14: {  	s2 =	sld [smem:$0x3F9A];
	s0 =	simm.s32 @p1 $0x1  }
0x15: {  	[smem:$0x3FB7] =	sst s0;
	s0 =	simm.s32 @!p2 $0x0  }
0x16: {  	s3 =	sld [smem:$0x3FDB];
	s0 =	simm.s32 @p2 $0x1  }
0x17: {  	s4 =	simm.s32 $0x1BF5;
	[smem:$0x3FB9] =	sst s0  }
0x18: {  	s0 =	sld [smem:$0x3F9C];
	_ =	swait.ge [sflag:s4], $0x0  }
0x19: {  	s7 =	sld [smem:$0x3F9D]  }
0x1a: {  	s8 =	sadd.s32 $0xFFFFE003, lr  }
0x1b: {  	s9 =	sadd.s32 $0xFFFFFEF7, lr;
	s5 =	simm.s32 $0xFFFFFFFF;
	p2 =	slt.u32 s8, $0xFFFFF086  }
0x1c: {  	p1 =	slt.u32 s9, $0xF7A;
	s5 =	simm.s32 @!p2 $0x0  }
0x1d: {  	s5 =	simm.s32 @p1 $0x1;
	p0 =	seq.s32 s7, s2  }
0x1e: {  	s7 =	smul.u32 @!p0 $0xF7A, s2;
	p2 =	seq.s32 @!p0 s5, $0x0  }
0x1f: {  	s9 =	smul.u32 $0xF7A, s1;
	s8 =	simm.s32 @!p0 $0x1BF5;
	p2 =	por !p2, p0  }
0x20: {  	[sflag:s8] =	ssyncset.s32 @!p0 $0xFFFFF086;
	s6 =	sadd.s32 @!p0 s3, s7;
	s7 =	simm.s32 @!p0 $0x108  }
0x21: {  	s3 =	sadd.s32 s3, s9;
	s6 =	sadd.s32 @!p0 $0x88, s6;
	s7 =	simm.s32 @p2 $0x1082  }
0x22: {  	[simem:s7], [sflag:s8] =	dma.local @!p0 [hbm:s6], $0xF7A  }
0x23: {  	s9 =	sor.u32 $0xD0000000, s2;
	s6 =	simm.s32 $0x108;
	_ =	swait.ge @!p0 [sflag:s8], $0x0  }
0x24: {  	s3 =	sadd.s32 $0x88, s3;
	s6 =	simm.s32 @!p1 $0x1082;
	[sflag:s4] =	ssyncset.s32 $0xFFFFF086  }
0x25: {  	[simem:s6], [sflag:s4] =	dma.local [hbm:s3], $0xF7A  }
0x26: {  	[smem:$0x3F9D] =	sst s1;
	(tag) =	ssettag s2;
	_ =	strace s9  }
0x27: {  	s1 =	sld [smem:$0x3FAD]  }
0x28: {  	s2 =	sld [smem:$0x3FAE]  }
0x29: {  	s4 =	sld [smem:$0x3FB0]  }
0x2a: {  	p0 =	seq.s32 s5, $0x0;
	s5 =	sld [smem:$0x3FB1]  }
0x2b: {  	s6 =	sld [smem:$0x3FB2]  }
0x2c: {  	s7 =	sld [smem:$0x3FB3]  }
0x2d: {  	s3 =	simm.s32 $0x108;
	s8 =	sld [smem:$0x3FB4]  }
0x2e: {  	s3 =	simm.s32 @!p0 $0x1082;
	s9 =	sld [smem:$0x3FB5]  }
0x2f: {  	lr =	sadd.s32 s0, s3;
	s0 =	sld [smem:$0x3FAC]  }
0x30: {  	s3 =	sld [smem:$0x3FAF]  }
0x31: {  	[smem:$0x3FB8] =	sst s10  }
0x32: {  	s10 =	sld [smem:$0x3FB6];
	_ =	sdelay $0x3  }
0x33: {  	p0 =	seq.s32 s10, $0x1;
	s10 =	sld [smem:$0x3FB8];
	_ =	sdelay $0x3  }
0x34: {  	[smem:$0x3FB8] =	sst s10  }
0x35: {  	s10 =	sld [smem:$0x3FB7];
	_ =	sdelay $0x3  }
0x36: {  	p1 =	seq.s32 s10, $0x1;
	s10 =	sld [smem:$0x3FB8];
	_ =	sdelay $0x3  }
0x37: {  	[smem:$0x3FB8] =	sst s10  }
0x38: {  	s10 =	sld [smem:$0x3FB9]  }
0x39: {  	_ = 	snop;
	(pc) =	sbr.ind lr, $3  }
0x3a: {  	_ = 	snop  }
0x3b: {  	_ = 	snop  }
0x3c: {  	p2 =	seq.s32 s10, $0x1;
	s10 =	sld [smem:$0x3FB8]  }
0x3d: {  	_ =	shalt  }
0x3e: {  	_ =	shalt  }
0x3f: {  	_ =	shalt  }
0x40: {  	_ =	shalt  }
0x41: {  	_ =	shalt  }
0x42: {  	_ =	shalt  }
0x43: {  	_ =	shalt  }
0x44: {  	_ =	shalt  }
0x45: {  	_ =	shalt  }
0x46: {  	_ =	shalt  }
0x47: {  	_ =	shalt  }
0x48: {  	_ =	shalt  }
0x49: {  	_ =	shalt  }
0x4a: {  	_ =	shalt  }
0x4b: {  	_ =	shalt  }
0x4c: {  	_ =	shalt  }
0x4d: {  	_ =	shalt  }
0x4e: {  	_ =	shalt  }
0x4f: {  	_ =	shalt  }
0x50: {  	_ =	shalt  }
0x51: {  	_ =	shalt  }
0x52: {  	_ =	shalt  }
0x53: {  	_ =	shalt  }
0x54: {  	_ =	shalt  }
0x55: {  	_ =	shalt  }
0x56: {  	_ =	shalt  }
0x57: {  	_ =	shalt  }
0x58: {  	_ =	shalt  }
0x59: {  	_ =	shalt  }
0x5a: {  	_ =	shalt  }
0x5b: {  	_ =	shalt  }
0x5c: {  	_ =	shalt  }
0x5d: {  	_ =	shalt  }
0x5e: {  	_ =	shalt  }
0x5f: {  	_ =	shalt  }
0x60: {  	_ =	shalt  }
0x61: {  	_ =	shalt  }
0x62: {  	_ =	shalt  }
0x63: {  	_ =	shalt  }
0x64: {  	_ =	shalt  }
0x65: {  	_ =	shalt  }
0x66: {  	_ =	shalt  }
0x67: {  	_ =	shalt  }
0x68: {  	_ =	shalt  }
0x69: {  	_ =	shalt  }
0x6a: {  	_ =	shalt  }
0x6b: {  	_ =	shalt  }
0x6c: {  	_ =	shalt  }
0x6d: {  	_ =	shalt  }
0x6e: {  	_ =	shalt  }
0x6f: {  	_ =	shalt  }
0x70: {  	_ =	shalt  }
0x71: {  	_ =	shalt  }
0x72: {  	_ =	shalt  }
0x73: {  	_ =	shalt  }
0x74: {  	_ =	shalt  }
0x75: {  	_ =	shalt  }
0x76: {  	_ =	shalt  }
0x77: {  	_ =	shalt  }
0x78: {  	_ =	shalt  }
0x79: {  	_ =	shalt  }
0x7a: {  	_ =	shalt  }
0x7b: {  	_ =	shalt  }
0x7c: {  	_ =	shalt  }
0x7d: {  	_ =	shalt  }
0x7e: {  	_ =	shalt  }
0x7f: {  	_ =	shalt  }
0x80: {  	_ =	shalt  }
0x81: {  	_ =	shalt  }
0x82: {  	_ =	shalt  }
0x83: {  	_ =	shalt  }
0x84: {  	_ =	shalt  }
0x85: {  	_ =	shalt  }
0x86: {  	_ =	shalt  }
0x87: {  	_ =	shalt  }
.Lfunc_end0:
.L_simem_size_0:
called_computation_lowered:
.L_overlay_start_0:
0x88: {  	s2 =	sld [smem:$0x3FD9]  }
0x89: {  	s3 =	sld [smem:$0x3FFE];
	_ =	sdelay $0x1  }
0x8a: {  	s1 =	srdreg.scid  }
0x8b: {  	s0 =	sand.u32 $0x1, s1  }
0x8c: {  	s14 =	sshll.u32 s0, $0xA;
	s2 =	sadd.s32 s3, s2  }
0x8d: {  	s2 =	sadd.s32 s2, s14  }
0x8e: {  	[smem:$0x3FC4] =	sst s2  }
0x8f: {  	_ = 	snop  }
0x90: {  	s2 =	sld [smem:$0x3FC9]  }
0x91: {  	s15 =	sld [smem:$0x3FD0]  }
0x92: {  	s4 =	sld [smem:$0x3FC8]  }
0x93: {  	s5 =	sld [smem:$0x3FC7]  }
0x94: {  	s7 =	simm.s32 $0xA;
	s8 =	simm.s32 $0x10;
	s6 =	sld [smem:$0x3FC6]  }
0x95: {  	[smem:s8], [sflag:s7] =	dma.local [hbm:s15], $0x1  }
0x96: {  	_ =	swait.eq [sflag:s7], $0x1  }
0x97: {  	[sflag:s7] =	ssyncset.done $0x0  }
0x98: {  	s16 =	sld [smem:$0x11];
	[sflag:s7] =	ssyncadd.s32 $0xFFFFFFFF  }
0x99: {  	s17 =	sld [smem:$0x12];
	(tm) =	ssettm $0x1  }
0x9a: {  	s18 =	sld [smem:$0x3FFB];
	_ =	sdelay $0x3  }
0x9b: {  	_ =	strace s18  }
0x9c: {  	s8 =	sld [smem:$0x3FFC];
	_ =	sdelay $0x3  }
0x9d: {  	_ =	strace s8  }
0x9e: {  	s8 =	sld [smem:$0x3FFD];
	_ =	sdelay $0x3  }
0x9f: {  	_ =	strace s8  }
0xa0: {  	_ =	strace $0x8FFFFFFF  }
0xa1: {  	s19 =	sld [smem:$0x3FDB];
	_ =	sdelay $0x1  }
0xa2: {  	s9 =	simm.s32 $_scs_section_size  }
0xa3: {  	s10 =	simm.s32 $_size__tile_overlayer_lowered;
	s11 =	simm.s32 $_tile_overlayer_lowered  }
0xa4: {  	s22 =	simm.s32 $0x1BFF;
	s21 =	sshll.u32 s11, $0x1;
	s8 =	sadd.s32 s9, s19  }
0xa5: {  	s12 =	simm.s32 $0x0;
	s20 =	sshll.u32 s10, $0x1;
	s10 =	sadd.s32 s21, s8  }
0xa6: {  	[timem:s12], [sflag:s22] =	dma.local [hbm:s10], s20  }
0xa7: {  	_ =	swait.ge [sflag:s22], s20  }
0xa8: {  	s9 =	ssub.s32 $0x0, s20;
	[sflag:s22] =	ssyncset.done $0x0  }
0xa9: {  	[sflag:s22] =	ssyncadd.s32 s9;
	_ =	sdelay $0x1  }
0xaa: {  	s23 =	simm.s32 $0x1B8B  }
0xab: {  	_ =	swait.ge [sflag:s23], $0x1  }
0xac: {  	[sflag:s23] =	ssyncset.done $0x0  }
0xad: {  	s25 =	simm.s32 $0x1B8E;
	s24 =	sld [smem:$0x3FFE];
	[sflag:s23] =	ssyncadd.s32 $0xFFFFFFFF  }
0xae: {  	s26 =	simm.s32 $execute0_lowered;
	[smem:$0x3FD2] =	sst s25  }
0xaf: {  	s10 =	sshll.u32 s26, $0x1;
	_ =	strace $0x80000046;
	[dreg:$0x1] =	wrdreg $0xFFFFFFFF  }
0xb0: {  	s28 =	simm.s32 $_size_execute0_lowered;
	s8 =	sadd.s32 s8, s10;
	[dreg:$0x0] =	wrdreg $0x0  }
0xb1: {  	s10 =	sshll.u32 s28, $0x1;
	[dreg:$0x2] =	wrdreg s8  }
0xb2: {  	[dreg:$0x3] =	wrdreg s10  }
0xb3: {  	[dreg:$0x4] =	wrdreg $0xC0  }
0xb4: {  	_ =	task [dreg:s12], $0x5FFFF  }
0xb5: {  	[dreg:$0x1] =	wrdreg $0xFFFFFFFF  }
0xb6: {  	[dreg:$0x0] =	wrdreg $0x60  }
0xb7: {  	[dreg:$0x2] =	wrdreg s2  }
0xb8: {  	[dreg:$0x3] =	wrdreg s4  }
0xb9: {  	[dreg:$0x4] =	wrdreg s5  }
0xba: {  	[dreg:$0x5] =	wrdreg s6  }
0xbb: {  	[dreg:$0x6] =	wrdreg s17  }
0xbc: {  	[dreg:$0x7] =	wrdreg s16  }
0xbd: {  	[dreg:$0x8] =	wrdreg s24  }
0xbe: {  	[dreg:$0x9] =	wrdreg $0x125800  }
0xbf: {  	[dreg:$0xa] =	wrdreg $0x125C00  }
0xc0: {  	[dreg:$0xb] =	wrdreg $0x126000  }
0xc1: {  	[dreg:$0xc] =	wrdreg $0x9  }
0xc2: {  	_ =	task.clear_ibuf [dreg:s12], $0xDFFFF;
	_ =	strace $0x90000046  }
0xc3: {  	s29 =	simm.s32 $0x9;
	_ =	strace $0x80000048  }
0xc4: {  	_ =	swait.ge [sflag:s29], $0x1  }
0xc5: {  	[sflag:s29] =	ssyncadd.s32 $0xFFFFFFFF  }
0xc6: {  	_ =	strace $0x90000048  }
0xc7: {  	_ =	sfence  }
0xc8: {  	s30 =	sld [smem:$0x0];
	_ =	sdelay $0x2  }
0xc9: {  	s31 =	sshll.u32 s1, $0xD;
	s1 =	sshrl.u32 s1, $0x2  }
0xca: {  	s3 =	sand.u32 $0x4000, s31;
	s1 =	sadd.s32 s1, s30  }
0xcb: {  	s0 =	sor.u32 s3, s0;
	s1 =	sshll.u32 s1, $0x11  }
0xcc: {  	s0 =	sor.u32 s1, s0  }
0xcd: {  	s0 =	sadd.s32 $0x8F2B, s0  }
0xce: {  	[sflag:s0] =	ssyncadd.remote.s32 $0x1  }
0xcf: {  	_ =	sfence.sel $0xFFFF  }
0xd0: {  	[dreg:$0x0] =	wrdreg $0xFFFFFFFF;
	(pc) =	sbr.abs _section_cstart, $3  }
0xd1: {  	[dreg:$0x1] =	wrdreg $0xFFFFFFFF  }
0xd2: {  	_ =	task.clear_ibuf [dreg:s12], $0x2FFFF;
	_ =	strace $0x9FFFFFFF  }
0xd3: {  	(tm) =	ssettm $0x7FFFFFFF  }
tec
execute0_lowered:
.L_overlay_start_1:
0x0: {  	(tag) =	ssettag $0x1  }
0x1: {  	s0 =	rddreg [dreg:$0x0]  }
0x2: {  	s10 =	rddreg [dreg:$0x1]  }
0x3: {  	s1 =	rddreg [dreg:$0x4]  }
0x4: {  	s2 =	rddreg [dreg:$0x5]  }
0x5: {  	s7 =	rddreg [dreg:$0x6]  }
0x6: {  	s4 =	rddreg [dreg:$0x7]  }
0x7: {  	s3 =	srdreg.scid;
	s5 =	rddreg [dreg:$0x8]  }
0x8: {  	s22 =	stileid.u32;
	s23 =	rddreg [dreg:$0x9];
	s29 =	simm.s32 $0x0  }
0x9: {  	s9 =	sand.u32 $0x1, s3;
	s12 =	sshll.u32 s22, $0x2;
	s14 =	sshll.u32 s22, $0x9  }
0xa: {  	[smem:$0x7FF] =	sst s29;
	s29 =	sshll.u32 s22, $0x6;
	s3 =	ssub.s32 $0x2, s9  }
0xb: {  	s6 =	sshll.u32 s9, $0x6;
	s9 =	sshll.u32 s9, $0x3;
	s11 =	sshrl.u32 s3, $0x1  }
0xc: {  	s8 =	sor.u32 s12, s6;
	s12 =	sand.u32 $0xC, s12;
	s9 =	sadd.s32 s22, s9  }
0xd: {  	s13 =	sshll.u32 s8, $0xB;
	s15 =	sor.u32 $0x1, s8;
	s3 =	ssub.s32 s3, s11  }
0xe: {  	s11 =	sand.u32 $0x1, s22;
	s17 =	sor.u32 $0x2, s8;
	s26 =	sor.u32 $0x3, s8  }
0xf: {  	p0 =	seq.s32 s8, $0x0;
	p1 =	sne.s32 s12, $0x0;
	s1 =	sadd.s32 s1, s9  }
0x10: {  	s14 =	sor.u32 s14, s13;
	s16 =	sshll.u32 s15, $0x7;
	s24 =	sshll.u32 s17, $0x7  }
0x11: {  	s18 =	sshll.u32 s26, $0x7;
	s19 =	sshll.u32 s11, $0x2;
	s15 =	sand.u32 $0xD, s15  }
0x12: {  	s17 =	sand.u32 $0xE, s17;
	s20 =	sshll.u32 s11, $0x11;
	s14 =	sand.u32 $0x3C200, s14  }
0x13: {  	v0 =	vlaneseq.u32;
	s16 =	sor.u32 s13, s16;
	s25 =	sor.u32 s13, s24;
	s13 =	sor.u32 s13, s18  }
0x14: {  	s18 =	sor.u32 $0x1, s19;
	s19 =	sor.u32 $0x2, s19;
	v6 =	vor.u32 s20, v0;
	s20 =	sshllo.u32 s11, $0x2  }
0x15: {  	v2 =	vmov s17;
	s11 =	sshll.u32 s11, $0x6;
	s17 =	sand.u32 $0x380, s29;
	s14 =	sshrl.u32 s14, $0x3  }
0x16: {  	s16 =	sand.u32 $0x3C280, s16;
	s24 =	sshll.u32 s19, $0xF;
	s13 =	sand.u32 $0x3C380, s13  }
0x17: {  	s11 =	sor.u32 s11, s17;
	s14 =	sadd.s32 s10, s14;
	s21 =	sshrl.u32 s16, $0x3  }
0x18: {  	s16 =	sand.u32 $0xF, s26;
	s13 =	sshrl.u32 s13, $0x3;
	s26 =	sshrl.u32 s8, $0x4  }
0x19: {  	v9 =	vimm.s32 $0x23222120;
	v11 =	vimm.s32 $0x33323130;
	v8 =	vor.u32 s24, v0;
	s24 =	sshll.u32 s19, $0x4;
	[dreg:$0xb] =	wrdreg s14;
	s14 =	sadd.s32 s10, s21  }
0x1a: {  	v12 =	vimm.s32 $0x3020100;
	v13 =	vimm.s32 $0x13121110;
	s8 =	sshll.u32 s8, $0x2;
	[dreg:$0xc] =	wrdreg s14;
	s14 =	sand.u32 $0x3C300, s25  }
0x1b: {  	vm1 =	vcmask $0x1F10;
	v14 =	vimm.s32 $0xA3A2A1A0;
	s21 =	sshll.u32 s18, $0xF;
	v3 =	vmov s16;
	s16 =	sor.u32 s17, s24;
	s14 =	sshrl.u32 s14, $0x3  }
0x1c: {  	vm0 =	vmmov $0xff;
	v15 =	vimm.s32 $0xB3B2B1B0;
	v16 =	vimm.s32 $0x83828180;
	s8 =	sand.u32 $0x1C0, s8;
	s25 =	sshll.u32 s20, $0xF;
	s14 =	sadd.s32 s10, s14  }
0x1d: {  	v17 =	vimm.s32 $0x93929190;
	v18 =	vimm.s32 $0xD3D2D1D0;
	v7 =	vor.u32 s21, v0;
	s21 =	sshll.u32 s18, $0x4;
	s10 =	sadd.s32 s10, s13;
	[dreg:$0xd] =	wrdreg s14  }
0x1e: {  	vm4 =	vmmov $0x1;
	v1 =	vmov s15;
	v10 =	vor.u32 s25, v0;
	s15 =	sor.u32 s17, s21;
	s25 =	sshll.u32 s20, $0x4;
	[dreg:$0xe] =	wrdreg s10  }
0x1f: {  	vm6 =	vcmask $0x70C;
	vm7 =	vcmask $0xB10;
	vm8 =	vcmask $0x3F3C;
	s13 =	sadd.s32 s15, s4;
	_ =	strace $0x80000047;
	[dreg:$0xf] =	wrdreg s8  }
0x20: {  	v4 =	vmov s22;
	v9 =	vunpack.c.0.s8.s32 v9;
	v11 =	vunpack.c.0.s8.s32 v11;
	s14 =	sor.u32 s17, s25;
	s17 =	sadd.s32 s15, s5;
	[dreg:$0x14] =	wrdreg s13  }
0x21: {  	v12 =	vunpack.c.0.s8.s32 v12;
	v13 =	vunpack.c.0.s8.s32 v13;
	v14 =	vunpack.c.0.s8.s32 v14;
	p0 =	por !p0, !p1;
	s18 =	sadd.s32 s16, s4;
	[dreg:$0x15] =	wrdreg s17  }
0x22: {  	v15 =	vunpack.c.0.s8.s32 v15;
	v16 =	vunpack.c.0.s8.s32 v16;
	v9 =	vsel vm1, v11, v9;
	s19 =	sadd.s32 s16, s5;
	s20 =	sshll.u32 s22, $0x7;
	[dreg:$0x16] =	wrdreg s18  }
0x23: {  	v11 =	vsel vm1, v13, v12;
	v12 =	vimm.s32 $0x63626160;
	v13 =	vimm.s32 $0x73727170;
	p0 =	por !p0, !p0;
	s24 =	sadd.s32 s20, s4;
	[dreg:$0x17] =	wrdreg s19  }
0x24: {  	v17 =	vunpack.c.0.s8.s32 v17;
	v12 =	vunpack.c.0.s8.s32 v12;
	v13 =	vunpack.c.0.s8.s32 v13;
	s10 =	simm.s32 $0x1;
	s25 =	sadd.s32 s2, s9;
	[dreg:$0x1a] =	wrdreg s24  }
0x25: {  	v18 =	vunpack.c.0.s8.s32 v18;
	v9 =	vcombine.low v11, v9;
	v11 =	vimm.s32 $0x43424140;
	s10 =	simm.s32 @!p0 $0x0;
	s21 =	sadd.s32 s14, s4;
	[dreg:$0x1c] =	wrdreg s1  }
0x26: {  	v5 =	vmov s12;
	v19 =	vunpack.c.0.s8.s32 v11;
	v13 =	vsel vm1, v13, v12;
	[dreg:$0x1d] =	wrdreg s25;
	s10 =	ssub.s32 s26, s10;
	s26 =	sshrl.u32 s29, $0x2  }
0x27: {  	s28 =	simm.s32 $0x12280;
	v12 =	vsel vm1, v15, v14;
	v14 =	vsel vm1, v17, v16;
	v15 =	vimm.s32 $0xE3E2E1E0;
	[dreg:$0x18] =	wrdreg s21;
	s8 =	sadd.s32 s26, s23  }
0x28: {  	s30 =	simm.s32 $0x3;
	v16 =	vimm.s32 $0x53525150;
	v17 =	vimm.s32 $0xC3C2C1C0;
	v14 =	vcombine.low v14, v12;
	s29 =	sshll.u32 s10, $0x6;
	[dreg:$0x10] =	wrdreg s8  }
0x29: {  	s7 =	sadd.s32 s9, s7;
	v12 =	vunpack.c.0.s8.s32 v15;
	v15 =	vimm.s32 $0xF3F2F1F0;
	v16 =	vunpack.c.0.s8.s32 v16;
	s10 =	sadd.s32 s11, s4;
	[dreg:$0x11] =	wrdreg s29  }
0x2a: {  	s31 =	sshll.u32 s9, $0x3;
	v11 =	vor.u32 $0x80000000, v0;
	v17 =	vunpack.c.0.s8.s32 v17;
	v15 =	vunpack.c.0.s8.s32 v15;
	s11 =	sadd.s32 s11, s5;
	[dreg:$0x12] =	wrdreg s10  }
.Ltmp0:
0x2b: {  	v6 =	vnsel vm0, $0x7FFFFFFF, v6;
	v8 =	vnsel vm0, $0x7FFFFFFF, v8;
	v16 =	vsel vm1, v16, v19;
	s23 =	sadd.s32 s14, s5;
	[dreg:$0x13] =	wrdreg s11;
	(pc) =	sbr.rel .LBB2_1-.Ltmp0, $4  }
0x2c: {  	v14 =	vand.u32 $0xFF, v14;
	v12 =	vsel vm1, v15, v12;
	v15 =	vsel vm1, v18, v17;
	p0 =	sgt.u32 s22, $0x7;
	s26 =	sadd.s32 $0x800, s7;
	[dreg:$0x19] =	wrdreg s23  }
0x2d: {  	v13 =	vcombine.low v16, v13;
	v18 =	vor.u32 $0x80000010, v0;
	v17 =	vcombine.low v15, v12;
	s1 =	simm.s32 $0x1;
	s8 =	sadd.s32 s20, s5;
	[dreg:$0x1e] =	wrdreg s26  }
0x2e: {  	v7 =	vnsel vm0, $0x7FFFFFFF, v7;
	v12 =	vor.u32 $0x80000030, v0;
	v15 =	vor.u32 $0x80000020, v0;
	s7 =	simm.s32 $0x4;
	s29 =	smax.u32 s3, $0x1;
	[dreg:$0x1b] =	wrdreg s8  }
0x2f: {  	v10 =	vnsel vm0, $0x7FFFFFFF, v10;
	v16 =	vand.u32 $0xFF, v17;
	v17 =	vimm.s32 $0x0;
	s10 =	simm.s32 $0x12200;
	[dreg:$0x1f] =	wrdreg s29;
	s8 =	simm.s32 $0x0  }
.LBB2_21:
0x30: {  	s8 =	sadd.s32 $0x1, s8;
	s2 =	rddreg [dreg:$0x1f]  }
0x31: {  	p1 =	sne.s32 s8, s2  }
.Ltmp1:
0x32: {  	_ = 	snop;
	(pc) =	sbr.rel @!p1 .LBB2_22-.Ltmp1, $1  }
0x33: {  	_ =	sdelay $0x3  }
.LBB2_1:
0x34: {  	s2 =	rddreg [dreg:$0x2];
	s3 =	simm.s32 $0x0;
	s9 =	simm.s32 $0x12000  }
0x35: {  	[tilespmem:s9], [sflag:$0x4] =	stream.linear.gather [hbm4b:s2+s3], $0x80, $0x38;
	[tilespmem:$0x12610] =	vst v63  }
0x36: {  	_ =	swait.ge [sflag:s7], $0x80  }
0x37: {  	[sflag:s7] =	ssyncset.done $0x0  }
0x38: {  	[sflag:s7] =	ssyncadd.s32 $0xFFFFFF80  }
0x39: {  	s17 =	simm.s32 $0x12080;
	s16 =	rddreg [dreg:$0x3]  }
0x3a: {  	[tilespmem:s17], [sflag:$0x4] =	stream.linear.gather [hbm4b:s16+s3], $0x80, $0x38;
	[tilespmem:$0x12610] =	vst v63  }
0x3b: {  	_ =	swait.ge [sflag:s7], $0x80  }
0x3c: {  	s19 =	simm.s32 $0x80;
	s20 =	simm.s32 $0x400;
	[sflag:s7] =	ssyncset.done $0x0  }
0x3d: {  	s11 =	simm.s32 $0x10000;
	s18 =	rddreg [dreg:$0xb];
	[sflag:s7] =	ssyncadd.s32 $0xFFFFFF80  }
0x3e: {  	[tilespmem:s11], [sflag:$0x1] =	stream.strided.gather [hbm4b:s18+s19], $0x800, s20, s19, $0x38;
	[tilespmem:$0x12610] =	vst v63  }
0x3f: {  	s22 =	simm.s32 $0x10800;
	s21 =	rddreg [dreg:$0xc]  }
0x40: {  	[tilespmem:s22], [sflag:$0x1] =	stream.strided.gather [hbm4b:s21+s19], $0x800, s20, s19, $0x38;
	[tilespmem:$0x12610] =	vst v63  }
0x41: {  	s24 =	simm.s32 $0x11000;
	s23 =	rddreg [dreg:$0xd]  }
0x42: {  	[tilespmem:s24], [sflag:$0x1] =	stream.strided.gather [hbm4b:s23+s19], $0x800, s20, s19, $0x38;
	[tilespmem:$0x12610] =	vst v63  }
0x43: {  	s26 =	simm.s32 $0x11800;
	s25 =	rddreg [dreg:$0xe]  }
0x44: {  	[tilespmem:s26], [sflag:$0x1] =	stream.strided.gather [hbm4b:s25+s19], $0x800, s20, s19, $0x38;
	[tilespmem:$0x12610] =	vst v63  }
0x45: {  	_ =	swait.ge [sflag:s1], $0x800  }
0x46: {  	[sflag:s1] =	ssyncset.done $0x0  }
0x47: {  	[sflag:s1] =	ssyncadd.s32 $0xFFFFF800  }
0x48: {  	_ =	swait.ge [sflag:s1], $0x800  }
0x49: {  	[sflag:s1] =	ssyncset.done $0x0  }
0x4a: {  	[sflag:s1] =	ssyncadd.s32 $0xFFFFF800  }
0x4b: {  	_ =	swait.ge [sflag:s1], $0x800  }
0x4c: {  	[sflag:s1] =	ssyncset.done $0x0  }
0x4d: {  	[sflag:s1] =	ssyncadd.s32 $0xFFFFF800  }
0x4e: {  	_ =	swait.ge [sflag:s1], $0x800  }
0x4f: {  	[sflag:s1] =	ssyncset.done $0x0;
	s29 =	rddreg [dreg:$0xf]  }
0x50: {  	[sflag:s1] =	ssyncadd.s32 $0xFFFFF800;
	s2 =	sshrl.u32 s29, $0x2  }
0x51: {  	v19 =	vimm.s32 $0x0;
	s9 =	simm.s32 $0x0;
	s3 =	simm.s32 $0x10040;
	v20 =	vld [tilespmem:s2+$0x12000]  }
.LBB2_2:
0x52: {  	v21 =	vld [tilespmem:s3+$0xFFFFFFC0];
	_ =	sdelay $0x1  }
0x53: {  	v22 =	vld [tilespmem:s3+$0xFFFFFFD0];
	_ =	sdelay $0x1  }
0x54: {  	v23 =	vimm.f32 $-3.399999950e+38;
	v24 =	vld [tilespmem:s3+$0xFFFFFFE0]  }
0x55: {  	vm0 =	vgt.f32 v21, v23  }
0x56: {  	v21 =	vsel vm0, v21, v23;
	v23 =	vld [tilespmem:s3+$0xFFFFFFF0]  }
0x57: {  	vm1 =	vgt.f32 v22, v21  }
0x58: {  	v21 =	vsel vm1, v22, v21  }
0x59: {  	v25 =	vimm.s32 $0x0;
	s2 =	simm.s32 $0x0;
	v22 =	vld [tilespmem:s3+$0x0];
	vm2 =	vgt.f32 v24, v21  }
0x5a: {  	s24 =	simm.s32 $0x1;
	v21 =	vsel vm2, v24, v21;
	v24 =	vsel vm0, s2, v25  }
0x5b: {  	v26 =	vld [tilespmem:s3+$0x10];
	s25 =	simm.s32 $0x2;
	vm13 =	vgt.f32 v23, v21;
	v24 =	vsel vm1, s24, v24  }
0x5c: {  	s26 =	simm.s32 $0x3;
	v23 =	vsel vm13, v23, v21;
	v21 =	vsel vm2, s25, v24  }
0x5d: {  	v24 =	vsel vm13, s26, v21;
	v21 =	vld [tilespmem:s3+$0x20]  }
0x5e: {  	vm14 =	vgt.f32 v22, v23  }
0x5f: {  	s29 =	simm.s32 $0x4;
	v23 =	vsel vm14, v22, v23;
	v22 =	vld [tilespmem:s3+$0x30]  }
0x60: {  	s15 =	simm.s32 $0x5;
	s13 =	sadd.s32 $0x80, s3;
	v27 =	vsel vm14, s29, v24;
	vm15 =	vgt.f32 v26, v23  }
0x61: {  	s11 =	simm.s32 $0xF;
	s14 =	simm.s32 $0x17;
	s2 =	simm.s32 $0x7;
	v24 =	vld [tilespmem:s13+$0xFFFFFFC0];
	v25 =	vsel vm15, v26, v23;
	v23 =	vsel vm15, s15, v27  }
.LBB2_3:
0x62: {  	p1 =	sne.s32 s14, $0x7F;
	s15 =	sadd.s32 $0xFFFFFFFF, s2;
	vm0 =	vgt.f32 v21, v25  }
0x63: {  	v26 =	vld [tilespmem:s13+$0xFFFFFFD0];
	v21 =	vsel vm0, v21, v25;
	v23 =	vsel vm0, s15, v23  }
0x64: {  	vm0 =	vgt.f32 v22, v21  }
0x65: {  	v25 =	vld [tilespmem:s13+$0xFFFFFFE0];
	v21 =	vsel vm0, v22, v21;
	v22 =	vsel vm0, s2, v23;
	s2 =	smov.u32 s11;
	s11 =	smov.u32 s14  }
0x66: {  	vm0 =	vgt.f32 v24, v21;
	s15 =	sadd.s32 $0xFFFFFFF9, s2  }
0x67: {  	v21 =	vsel vm0, v24, v21;
	v22 =	vsel vm0, s15, v22;
	v23 =	vld [tilespmem:s13+$0xFFFFFFF0]  }
0x68: {  	s15 =	sadd.s32 $0xFFFFFFFA, s2;
	vm0 =	vgt.f32 v26, v21  }
0x69: {  	v21 =	vsel vm0, v26, v21;
	v22 =	vsel vm0, s15, v22;
	v24 =	vld [tilespmem:s13+$0x0]  }
0x6a: {  	s15 =	sadd.s32 $0xFFFFFFFB, s2;
	vm0 =	vgt.f32 v25, v21  }
0x6b: {  	v21 =	vsel vm0, v25, v21;
	v22 =	vsel vm0, s15, v22;
	v25 =	vld [tilespmem:s13+$0x10]  }
0x6c: {  	s15 =	sadd.s32 $0xFFFFFFFC, s2;
	vm0 =	vgt.f32 v23, v21  }
.Ltmp2:
0x6d: {  	v23 =	vsel vm0, v23, v21;
	v22 =	vsel vm0, s15, v22;
	v21 =	vld [tilespmem:s13+$0x20];
	(pc) =	sbr.rel @p1 .LBB2_3-.Ltmp2, $4  }
0x6e: {  	s15 =	sadd.s32 $0xFFFFFFFD, s2;
	vm0 =	vgt.f32 v24, v23  }
0x6f: {  	v23 =	vsel vm0, v24, v23;
	v26 =	vsel vm0, s15, v22;
	v22 =	vld [tilespmem:s13+$0x30]  }
0x70: {  	s15 =	sadd.s32 $0xFFFFFFFE, s2;
	s13 =	sadd.s32 $0x80, s13;
	vm0 =	vgt.f32 v25, v23  }
0x71: {  	s14 =	sadd.s32 $0x8, s14;
	v24 =	vld [tilespmem:s13+$0xFFFFFFC0];
	v25 =	vsel vm0, v25, v23;
	v23 =	vsel vm0, s15, v26  }
0x72: {  	vm0 =	vgt.f32 v21, v25  }
0x73: {  	v26 =	vld [tilespmem:s13+$0xFFFFFFD0];
	v21 =	vsel vm0, v21, v25  }
0x74: {  	vm1 =	vgt.f32 v22, v21  }
0x75: {  	v60 =	vld [tilespmem:s13+$0xFFFFFFE0];
	v21 =	vsel vm1, v22, v21  }
0x76: {  	vm2 =	vgt.f32 v24, v21  }
0x77: {  	v22 =	vld [tilespmem:s13+$0xFFFFFFF0];
	v21 =	vsel vm2, v24, v21  }
0x78: {  	vm3 =	vgt.f32 v26, v21  }
0x79: {  	v61 =	vld [tilespmem:s13+$0x0];
	v21 =	vsel vm3, v26, v21  }
0x7a: {  	vm9 =	vgt.f32 v60, v21  }
0x7b: {  	v62 =	vld [tilespmem:s13+$0x10];
	v21 =	vsel vm9, v60, v21  }
0x7c: {  	vm10 =	vgt.f32 v22, v21  }
0x7d: {  	v21 =	vsel vm10, v22, v21;
	v22 =	vld [tilespmem:s13+$0x20]  }
0x7e: {  	vm11 =	vgt.f32 v61, v21  }
0x7f: {  	v63 =	vld [tilespmem:s13+$0x30];
	v21 =	vsel vm11, v61, v21  }
0x80: {  	vm12 =	vgt.f32 v62, v21  }
0x81: {  	v21 =	vsel vm12, v62, v21  }
0x82: {  	vm13 =	vgt.f32 v22, v21  }
0x83: {  	s17 =	sadd.s32 $0xFFFFFFFF, s2;
	v21 =	vsel vm13, v22, v21  }
0x84: {  	v22 =	vsel vm0, s17, v23;
	vm15 =	vgt.f32 v63, v21  }
0x85: {  	s18 =	sadd.s32 $0xFFFFFFF9, s11;
	v22 =	vsel vm1, s2, v22;
	v21 =	vsel vm15, v63, v21  }
0x86: {  	s19 =	sadd.s32 $0xFFFFFFFA, s11;
	v22 =	vsel vm2, s18, v22;
	(xrf0) =	vmax.scan.msk.f32 $0xffff, v21  }
0x87: {  	s20 =	sadd.s32 $0xFFFFFFFB, s11;
	v22 =	vsel vm3, s19, v22  }
0x88: {  	s21 =	sadd.s32 $0xFFFFFFFC, s11;
	v22 =	vsel vm9, s20, v22  }
0x89: {  	s22 =	sadd.s32 $0xFFFFFFFD, s11;
	v22 =	vsel vm10, s21, v22  }
0x8a: {  	s23 =	sadd.s32 $0xFFFFFFFE, s11;
	v22 =	vsel vm11, s22, v22  }
0x8b: {  	s24 =	sadd.s32 $0xFFFFFFFF, s11;
	v22 =	vsel vm12, s23, v22  }
0x8c: {  	v22 =	vsel vm13, s24, v22;
	v23, _, _ =	vpop (xrf0)  }
0x8d: {  	v22 =	vsel vm15, s11, v22;
	v23 =	vbroadcast v23, $0xF  }
0x8e: {  	s25 =	sor.u32 s12, s9;
	v22 =	vshll.u32 v22, $0x4  }
0x8f: {  	vm13 =	veq.f32 v21, v23;
	v21 =	vxor.u32 v11, v22;
	v22 =	vmov s25  }
0x90: {  	v21 =	vnsel vm13, $0xFFFFFFFF, v21;
	vm14 =	veq.s32 v22, v0  }
0x91: {  	(xrf0) =	vmin.scan.msk.u32 $0xffff, v21;
	v21 =	vnsel vm14, $0xFF7FC99E, v20  }
0x92: {  	(xrf0) =	vmax.scan.msk.f32 $0xffff, v21;
	_ =	sdelay $0x4  }
0x93: {  	v21, _, _ =	vpop (xrf0)  }
0x94: {  	(v2sf) =	vpush v21, $0xF;
	v21, _, _ =	vpop (xrf0)  }
0x95: {  	(v2sf) =	vpush v21, $0xF;
	_ =	sdelay $0xd  }
0x96: {  	s26 =	spop (v2sf)  }
0x97: {  	s2 =	sxor.u32 $0x80000000, s26;
	s29 =	spop (v2sf)  }
0x98: {  	s2 =	scvt.s32.f32 s2;
	s11 =	sadd.f32 $6.000000000e+01, s29  }
0x99: {  	_ = 	snop  }
0x9a: {  	p1 =	sgt.f32 s11, s2  }
0x9b: {  	v21 =	vmov s9;
	s9 =	sadd.s32 $0x1, s9;
	s2 =	simm.s32 $0x1  }
0x9c: {  	s2 =	simm.s32 @!p1 $0x0;
	p1 =	sne.s32 s9, $0x4  }
.Ltmp3:
0x9d: {  	_ = 	snop;
	(pc) =	sbr.rel @p1 .LBB2_2-.Ltmp3, $3  }
0x9e: {  	_ =	sdelay $0x1  }
0x9f: {  	vm15 =	veq.s32 v21, v0  }
0xa0: {  	s3 =	sadd.s32 $0x800, s3;
	v19 =	vsel vm15, s2, v19  }
0xa1: {  	[tilespmem:$0x12280] =	vst v19;
	s2 =	rddreg [dreg:$0x10]  }
0xa2: {  	[spmem:s2] =	stream.linear.scatter [tilespmem:s28], [sflag:$0x4], $0x10, $0x38;
	[tilespmem:$0x12610] =	vst v63  }
0xa3: {  	_ =	swait.ge [sflag:s7], $0x10  }
0xa4: {  	[sflag:s7] =	ssyncset.done $0x0  }
0xa5: {  	[sflag:s7] =	ssyncadd.s32 $0xFFFFFFF0  }
0xa6: {  	[bflag:$0x0] =	sbarrier.arrive $0xFFFF  }
0xa7: {  	s3 =	simm.s32 $0x12100;
	s18 =	rddreg [dreg:$0x9]  }
0xa8: {  	[tilespmem:s3], [sflag:$0x4] =	stream.linear.gather [spmem:s18], $0x100, $0x38;
	[tilespmem:$0x12610] =	vst v63  }
0xa9: {  	_ =	swait.ge [sflag:s7], $0x100  }
0xaa: {  	[sflag:s7] =	ssyncset.done $0x0  }
0xab: {  	[sflag:s7] =	ssyncadd.s32 $0xFFFFFF00  }
0xac: {  	v20 =	vld.idx.msk [tilespmem:v9+s3+$0x0], $0xffff  }
0xad: {  	v21 =	vld.idx.msk [tilespmem:v13+s3+$0x0], $0xffff  }
0xae: {  	v22 =	vld.idx.msk [tilespmem:v14+s3+$0x0], $0xffff;
	_ =	sdelay $0x2  }
0xaf: {  	(xrf0) =	vadd.scan.msk.s32 $0xffff, v20  }
0xb0: {  	(xrf0) =	vadd.scan.msk.s32 $0xffff, v21  }
0xb1: {  	(xrf0) =	vadd.scan.msk.s32 $0xffff, v22;
	_ =	sdelay $0x3  }
0xb2: {  	v23, _, _ =	vpop (xrf0)  }
0xb3: {  	v26 =	vld.idx.msk [tilespmem:v16+s3+$0x0], $0xffff;
	(v2sf) =	vpush v23, $0xF;
	v24, _, _ =	vpop (xrf0)  }
0xb4: {  	(v2sf) =	vpush v24, $0xF;
	v25, _, _ =	vpop (xrf0)  }
0xb5: {  	(v2sf) =	vpush v25, $0xF;
	_ =	sdelay $0x2  }
0xb6: {  	(xrf0) =	vadd.scan.msk.s32 $0xffff, v26;
	_ =	sdelay $0x1  }
0xb7: {  	vm9 =	veq.s32 v20, $0x1  }
0xb8: {  	vm14 =	veq.s32 v22, $0x1;
	v27 =	vsub.s32 v23, v20;
	v29 =	vbroadcast v23, $0xF  }
0xb9: {  	vm0 =	vne.s32 v23, v20;
	v28 =	vshra.s32 v27, $0x1F;
	v24 =	vsub.s32 v24, v21  }
0xba: {  	v40 =	vsel vm0, $0x1, v17;
	v30 =	vshrl.u32 v28, $0x1C;
	v38 =	vadd.s32 v29, v24  }
0xbb: {  	v25 =	vsub.s32 v25, v22;
	v41, _, _ =	vpop (xrf0);
	v28 =	vor.u32 v40, v28;
	v30 =	vadd.s32 v30, v27  }
0xbc: {  	v42 =	vsub.s32 v41, v26;
	vm1 =	vne.s32 v28, $0x1;
	v44 =	vshra.s32 v38, $0x1F  }
0xbd: {  	v47 =	vand.u32 $0xF, v38;
	v39 =	vshra.s32 v30, $0x4;
	v45 =	vshrl.u32 v44, $0x1C  }
0xbe: {  	vm2 =	vlt.s32 v38, $0x1;
	v31 =	vshll.u32 v39, $0x4;
	v24 =	vadd.s32 v45, v38  }
0xbf: {  	vm15 =	vne.s32 v27, v31;
	v46 =	vshra.s32 v24, $0x4;
	v24 =	vand.u32 $0xFFFFFFF0, v24;
	s19 =	spop (v2sf)  }
0xc0: {  	vm11 =	veq.s32 v47, v4;
	vm0 =	vmand vm15, vm1;
	vm12 =	vne.s32 v38, v24;
	s20 =	spop (v2sf)  }
0xc1: {  	v27 =	vand.u32 $0xF, v27;
	v20 =	vsel vm0, $0xFFFFFFFF, v17;
	vm0 =	vmand vm2, vm12;
	s2 =	sadd.s32 s19, s20;
	s21 =	spop (v2sf)  }
0xc2: {  	vm10 =	veq.s32 v27, v4;
	v20 =	vadd.s32 v20, v39;
	v50 =	vsel vm0, $0xFFFFFFFF, v17;
	s3 =	sadd.s32 s21, s2  }
0xc3: {  	vm1 =	veq.s32 v20, $0x0;
	v27 =	vadd.s32 v50, v46;
	v43 =	vadd.s32 s3, v42  }
0xc4: {  	vm2 =	veq.s32 v27, $0x0;
	v25 =	vadd.s32 s2, v25;
	v49 =	vshra.s32 v43, $0x1F  }
0xc5: {  	v48 =	vshra.s32 v25, $0x1F;
	v53 =	vand.u32 $0xF, v25;
	v24 =	vshrl.u32 v49, $0x1C  }
0xc6: {  	v23 =	vshrl.u32 v48, $0x1C;
	vm3 =	vlt.s32 v43, $0x1;
	v24 =	vadd.s32 v24, v43  }
0xc7: {  	v28 =	vand.u32 $0xF, v43;
	v23 =	vadd.s32 v23, v25;
	v52 =	vand.u32 $0xFFFFFFF0, v24  }
0xc8: {  	v51 =	vshra.s32 v23, $0x4;
	v23 =	vand.u32 $0xFFFFFFF0, v23;
	vm0 =	vne.s32 v43, v52  }
0xc9: {  	vm12 =	vne.s32 v25, v23;
	vm0 =	vmand vm3, vm0;
	vm3 =	vlt.s32 v25, $0x1  }
0xca: {  	v24 =	vshra.s32 v24, $0x4;
	v54 =	vsel vm0, $0xFFFFFFFF, v17;
	vm13 =	vmand vm3, vm12  }
0xcb: {  	vm15 =	veq.s32 v53, v4;
	v24 =	vadd.s32 v54, v24;
	v55 =	vsel vm13, $0xFFFFFFFF, v17  }
0xcc: {  	vm13 =	veq.s32 v28, v4;
	vm0 =	veq.s32 v24, $0x0;
	v25 =	vadd.s32 v55, v51  }
0xcd: {  	vm12 =	veq.s32 v26, $0x1;
	vm0 =	vmand vm13, vm0;
	vm3 =	veq.s32 v25, $0x0  }
0xce: {  	vm2 =	vmand vm11, vm2;
	vm0 =	vmand vm12, vm0;
	vm3 =	vmand vm15, vm3  }
0xcf: {  	v56 =	vnsel vm0, $0xFFFFFFFF, v12;
	vm0 =	veq.s32 v21, $0x1;
	vm3 =	vmand vm14, vm3  }
0xd0: {  	vm1 =	vmand vm10, vm1;
	vm2 =	vmand vm0, vm2;
	v57 =	vsel vm3, v15, v56  }
0xd1: {  	vm1 =	vmand vm9, vm1;
	v21 =	vsel vm2, v18, v57;
	vm2 =	veq.s32 v24, $0x1  }
0xd2: {  	vm3 =	veq.s32 v25, $0x1;
	v21 =	vsel vm1, v11, v21;
	vm1 =	vmand vm13, vm2  }
0xd3: {  	vm3 =	vmand vm15, vm3;
	vm1 =	vmand vm12, vm1  }
0xd4: {  	vm2 =	veq.s32 v20, $0x1;
	v58 =	vnsel vm1, $0xFFFFFFFF, v12;
	vm1 =	veq.s32 v27, $0x1  }
0xd5: {  	vm3 =	vmand vm14, vm3;
	vm2 =	vmand vm10, vm2;
	vm1 =	vmand vm11, vm1  }
0xd6: {  	v22 =	vsel vm3, v15, v58;
	vm3 =	veq.s32 v24, $0x2;
	vm1 =	vmand vm0, vm1  }
0xd7: {  	vm2 =	vmand vm9, vm2;
	v22 =	vsel vm1, v18, v22;
	vm1 =	vmand vm13, vm3  }
0xd8: {  	vm3 =	veq.s32 v27, $0x2;
	v22 =	vsel vm2, v11, v22;
	vm2 =	veq.s32 v25, $0x2  }
0xd9: {  	vm1 =	vmand vm12, vm1;
	vm3 =	vmand vm11, vm3;
	vm2 =	vmand vm15, vm2  }
0xda: {  	v59 =	vnsel vm1, $0xFFFFFFFF, v12;
	vm1 =	veq.s32 v20, $0x2;
	vm2 =	vmand vm14, vm2  }
0xdb: {  	vm1 =	vmand vm10, vm1;
	v23 =	vsel vm2, v15, v59;
	vm2 =	vmand vm0, vm3  }
0xdc: {  	vm3 =	veq.s32 v24, $0x3;
	v23 =	vsel vm2, v18, v23;
	vm2 =	veq.s32 v20, $0x3  }
0xdd: {  	vm3 =	vmand vm13, vm3;
	vm2 =	vmand vm10, vm2;
	vm10 =	veq.s32 v25, $0x3  }
0xde: {  	vm3 =	vmand vm12, vm3;
	vm12 =	veq.s32 v27, $0x3;
	vm10 =	vmand vm15, vm10  }
0xdf: {  	vm11 =	vmand vm11, vm12;
	v20 =	vnsel vm3, $0xFFFFFFFF, v12;
	vm10 =	vmand vm14, vm10  }
0xe0: {  	(xrf0) =	vmin.scan.msk.u32 $0xffff, v21;
	vm1 =	vmand vm9, vm1;
	vm0 =	vmand vm0, vm11;
	v20 =	vsel vm10, v15, v20  }
0xe1: {  	(xrf0) =	vmin.scan.msk.u32 $0xffff, v22;
	v60 =	vsel vm1, v11, v23;
	vm14 =	vmand vm9, vm2;
	v20 =	vsel vm0, v18, v20  }
0xe2: {  	v61 =	vnsel vm4, $0x0, v19;
	(xrf0) =	vmin.scan.msk.u32 $0xffff, v60;
	v20 =	vsel vm14, v11, v20  }
0xe3: {  	(xrf0) =	vmin.scan.msk.u32 $0xffff, v20;
	v20 =	vxor.u32 $0x80000000, v61  }
0xe4: {  	(xrf0) =	vmax.scan.msk.u32 $0xffff, v20;
	_ =	sdelay $0x1  }
0xe5: {  	v20, _, _ =	vpop (xrf0)  }
0xe6: {  	v62, _, _ =	vpop (xrf0);
	(v2sf) =	vpush v20, $0xF  }
0xe7: {  	v20, _, _ =	vpop (xrf0);
	(v2sf) =	vpush v62, $0xF  }
0xe8: {  	v63, _, _ =	vpop (xrf0);
	(v2sf) =	vpush v20, $0xF  }
0xe9: {  	(v2sf) =	vpush v63, $0xF;
	v20, _, _ =	vpop (xrf0)  }
0xea: {  	(v2sf) =	vpush v20, $0xF;
	_ =	sdelay $0xa  }
0xeb: {  	s14 =	spop (v2sf)  }
0xec: {  	s13 =	spop (v2sf)  }
0xed: {  	s22 =	spop (v2sf)  }
0xee: {  	s9 =	spop (v2sf)  }
0xef: {  	s23 =	spop (v2sf)  }
0xf0: {  	s2 =	rddreg [dreg:$0x11];
	p2 =	sgt.u32 s23, $0x80000000  }
0xf1: {  	s2 =	sshra.s32 @!p2 s2, $0x2  }
0xf2: {  	v20 =	vld @!p2 [tilespmem:s2+$0x12080];
	_ =	sdelay $0x2  }
0xf3: {  	v21 =	vlaneseq.u32 @!p2  }
0xf4: {  	vm0 =	veq.s32 @!p2 v5, v21  }
0xf5: {  	v20 =	vnsel @!p2 vm0, $0xFF7FC99E, v20  }
0xf6: {  	(xrf0) =	vmax.scan.msk.f32 @!p2 $0xffff, v20;
	_ =	sdelay $0x5  }
0xf7: {  	v20, _, _ =	vpop @!p2 (xrf0)  }
0xf8: {  	(v2sf) =	vpush @!p2 v20, $0xF;
	_ =	sdelay $0xe  }
0xf9: {  	s2 =	spop @!p2 (v2sf)  }
0xfa: {  	s2 =	sadd.f32 @!p2 $-1.000000020e+20, s2;
	_ =	sdelay $0x1  }
0xfb: {  	vm0 =	vmmov @!p2 $0xff;
	v20 =	vmov @!p2 s2  }
0xfc: {  	[tilespmem:$0x12280] =	vst @!p2 v6;
	v20 =	vnsel @!p2 vm0, $0xFF7FC99E, v20  }
0xfd: {  	s11 =	rddreg [dreg:$0x12];
	s2 =	simm.s32 @!p2 $0x12200;
	[tilespmem:$0x12200] =	vst @!p2 v20  }
0xfe: {  	[spmem:s11] =	stream.linear.scatter @!p2 [tilespmem:s2], [sflag:$0x4], $0x10, $0x38;
	[tilespmem:$0x12610] =	vst v63  }
0xff: {  	s2 =	simm.s32 @!p2 $0x4  }
0x100: {  	_ =	swait.ge @!p2 [sflag:s2], $0x10  }
0x101: {  	[sflag:s2] =	ssyncset.done @!p2 $0x0  }
0x102: {  	vm15 =	vcmask $0x308;
	s11 =	simm.s32 @!p2 $0x12280;
	s15 =	rddreg [dreg:$0x13];
	[sflag:s2] =	ssyncadd.s32 @!p2 $0xFFFFFFF0  }
0x103: {  	v20 =	vsel vm15, $0x0, v19;
	[spmem:s15] =	stream.linear.scatter @!p2 [tilespmem:s11], [sflag:$0x4], $0x10, $0x38;
	[tilespmem:$0x12610] =	vst v63  }
0x104: {  	v20 =	vxor.u32 $0x80000000, v20;
	_ =	swait.ge @!p2 [sflag:s2], $0x10  }
0x105: {  	(xrf0) =	vmax.scan.msk.u32 $0xffff, v20;
	_ =	sdelay $0x5  }
0x106: {  	v20, _, _ =	vpop (xrf0)  }
0x107: {  	(v2sf) =	vpush v20, $0xF;
	_ =	sdelay $0xe  }
0x108: {  	s24 =	spop (v2sf)  }
0x109: {  	[sflag:s2] =	ssyncset.done @!p2 $0x0;
	s15 =	rddreg [dreg:$0xf];
	p1 =	sgt.u32 s24, $0x80000000  }
0x10a: {  	[sflag:s2] =	ssyncadd.s32 @!p2 $0xFFFFFFF0;
	s2 =	sshrl.u32 @!p1 s15, $0x2  }
0x10b: {  	v20 =	vld @!p1 [tilespmem:s2+$0x12080];
	_ =	sdelay $0x2  }
0x10c: {  	v21 =	vlaneseq.u32 @!p1  }
0x10d: {  	vm0 =	veq.s32 @!p1 v1, v21  }
0x10e: {  	v20 =	vnsel @!p1 vm0, $0xFF7FC99E, v20  }
0x10f: {  	(xrf0) =	vmax.scan.msk.f32 @!p1 $0xffff, v20;
	_ =	sdelay $0x5  }
0x110: {  	v20, _, _ =	vpop @!p1 (xrf0)  }
0x111: {  	(v2sf) =	vpush @!p1 v20, $0xF;
	_ =	sdelay $0xe  }
0x112: {  	s2 =	spop @!p1 (v2sf)  }
0x113: {  	s2 =	sadd.f32 @!p1 $-1.000000020e+20, s2;
	_ =	sdelay $0x1  }
0x114: {  	vm0 =	vmmov @!p1 $0xff;
	v20 =	vmov @!p1 s2  }
0x115: {  	[tilespmem:$0x12280] =	vst @!p1 v7;
	v20 =	vnsel @!p1 vm0, $0xFF7FC99E, v20  }
0x116: {  	s11 =	rddreg [dreg:$0x14];
	s2 =	simm.s32 @!p1 $0x12200;
	[tilespmem:$0x12200] =	vst @!p1 v20  }
0x117: {  	[spmem:s11] =	stream.linear.scatter @!p1 [tilespmem:s2], [sflag:$0x4], $0x10, $0x38;
	[tilespmem:$0x12610] =	vst v63  }
0x118: {  	s2 =	simm.s32 @!p1 $0x4  }
0x119: {  	_ =	swait.ge @!p1 [sflag:s2], $0x10  }
0x11a: {  	[sflag:s2] =	ssyncset.done @!p1 $0x0  }
0x11b: {  	s11 =	simm.s32 @!p1 $0x12280;
	s16 =	rddreg [dreg:$0x15];
	[sflag:s2] =	ssyncadd.s32 @!p1 $0xFFFFFFF0  }
0x11c: {  	v20 =	vsel vm6, $0x0, v19;
	[spmem:s16] =	stream.linear.scatter @!p1 [tilespmem:s11], [sflag:$0x4], $0x10, $0x38;
	[tilespmem:$0x12610] =	vst v63  }
0x11d: {  	v20 =	vxor.u32 $0x80000000, v20;
	_ =	swait.ge @!p1 [sflag:s2], $0x10  }
0x11e: {  	(xrf0) =	vmax.scan.msk.u32 $0xffff, v20;
	_ =	sdelay $0x5  }
0x11f: {  	v20, _, _ =	vpop (xrf0)  }
0x120: {  	(v2sf) =	vpush v20, $0xF;
	_ =	sdelay $0xe  }
0x121: {  	s25 =	spop (v2sf)  }
0x122: {  	[sflag:s2] =	ssyncset.done @!p1 $0x0;
	p2 =	sgt.u32 s25, $0x80000000  }
0x123: {  	[sflag:s2] =	ssyncadd.s32 @!p1 $0xFFFFFFF0;
	s2 =	sshrl.u32 @!p2 s15, $0x2  }
0x124: {  	v20 =	vld @!p2 [tilespmem:s2+$0x12080];
	_ =	sdelay $0x2  }
0x125: {  	v21 =	vlaneseq.u32 @!p2  }
0x126: {  	vm0 =	veq.s32 @!p2 v2, v21  }
0x127: {  	v20 =	vnsel @!p2 vm0, $0xFF7FC99E, v20  }
0x128: {  	(xrf0) =	vmax.scan.msk.f32 @!p2 $0xffff, v20;
	_ =	sdelay $0x5  }
0x129: {  	v20, _, _ =	vpop @!p2 (xrf0)  }
0x12a: {  	(v2sf) =	vpush @!p2 v20, $0xF;
	_ =	sdelay $0xe  }
0x12b: {  	s2 =	spop @!p2 (v2sf)  }
0x12c: {  	s2 =	sadd.f32 @!p2 $-1.000000020e+20, s2;
	_ =	sdelay $0x1  }
0x12d: {  	vm0 =	vmmov @!p2 $0xff;
	v20 =	vmov @!p2 s2  }
0x12e: {  	[tilespmem:$0x12280] =	vst @!p2 v8;
	v20 =	vnsel @!p2 vm0, $0xFF7FC99E, v20  }
0x12f: {  	s11 =	rddreg [dreg:$0x16];
	s2 =	simm.s32 @!p2 $0x12200;
	[tilespmem:$0x12200] =	vst @!p2 v20  }
0x130: {  	[spmem:s11] =	stream.linear.scatter @!p2 [tilespmem:s2], [sflag:$0x4], $0x10, $0x38;
	[tilespmem:$0x12610] =	vst v63  }
0x131: {  	s2 =	simm.s32 @!p2 $0x4  }
0x132: {  	_ =	swait.ge @!p2 [sflag:s2], $0x10  }
0x133: {  	[sflag:s2] =	ssyncset.done @!p2 $0x0  }
0x134: {  	s11 =	simm.s32 @!p2 $0x12280;
	s16 =	rddreg [dreg:$0x17];
	[sflag:s2] =	ssyncadd.s32 @!p2 $0xFFFFFFF0  }
0x135: {  	v19 =	vsel vm7, $0x0, v19;
	[spmem:s16] =	stream.linear.scatter @!p2 [tilespmem:s11], [sflag:$0x4], $0x10, $0x38;
	[tilespmem:$0x12610] =	vst v63  }
0x136: {  	v19 =	vxor.u32 $0x80000000, v19;
	_ =	swait.ge @!p2 [sflag:s2], $0x10  }
0x137: {  	(xrf0) =	vmax.scan.msk.u32 $0xffff, v19;
	_ =	sdelay $0x5  }
0x138: {  	v19, _, _ =	vpop (xrf0)  }
0x139: {  	(v2sf) =	vpush v19, $0xF;
	_ =	sdelay $0xe  }
0x13a: {  	s26 =	spop (v2sf)  }
0x13b: {  	[sflag:s2] =	ssyncset.done @!p2 $0x0;
	p1 =	sgt.u32 s26, $0x80000000  }
0x13c: {  	[sflag:s2] =	ssyncadd.s32 @!p2 $0xFFFFFFF0;
	s2 =	sshrl.u32 @!p1 s15, $0x2  }
0x13d: {  	v19 =	vld @!p1 [tilespmem:s2+$0x12080];
	_ =	sdelay $0x2  }
0x13e: {  	v20 =	vlaneseq.u32 @!p1  }
0x13f: {  	vm0 =	veq.s32 @!p1 v3, v20  }
0x140: {  	v19 =	vnsel @!p1 vm0, $0xFF7FC99E, v19  }
0x141: {  	(xrf0) =	vmax.scan.msk.f32 @!p1 $0xffff, v19;
	_ =	sdelay $0x5  }
0x142: {  	v19, _, _ =	vpop @!p1 (xrf0)  }
0x143: {  	(v2sf) =	vpush @!p1 v19, $0xF;
	_ =	sdelay $0xe  }
0x144: {  	s2 =	spop @!p1 (v2sf)  }
0x145: {  	s2 =	sadd.f32 @!p1 $-1.000000020e+20, s2;
	_ =	sdelay $0x1  }
0x146: {  	vm0 =	vmmov @!p1 $0xff;
	v19 =	vmov @!p1 s2  }
0x147: {  	[tilespmem:$0x12280] =	vst @!p1 v10;
	v19 =	vnsel @!p1 vm0, $0xFF7FC99E, v19  }
0x148: {  	s11 =	rddreg [dreg:$0x18];
	s2 =	simm.s32 @!p1 $0x12200;
	[tilespmem:$0x12200] =	vst @!p1 v19  }
0x149: {  	[spmem:s11] =	stream.linear.scatter @!p1 [tilespmem:s2], [sflag:$0x4], $0x10, $0x38;
	[tilespmem:$0x12610] =	vst v63  }
0x14a: {  	s2 =	simm.s32 @!p1 $0x4  }
0x14b: {  	_ =	swait.ge @!p1 [sflag:s2], $0x10  }
0x14c: {  	p2 =	seq.s32 s14, $0xFFFFFFFF;
	[sflag:s2] =	ssyncset.done @!p1 $0x0  }
0x14d: {  	s11 =	simm.s32 @!p1 $0x12280;
	s15 =	rddreg [dreg:$0x19];
	[sflag:s2] =	ssyncadd.s32 @!p1 $0xFFFFFFF0  }
0x14e: {  	[spmem:s15] =	stream.linear.scatter @!p1 [tilespmem:s11], [sflag:$0x4], $0x10, $0x38;
	[tilespmem:$0x12610] =	vst v63  }
0x14f: {  	s11 =	sadd.s32 @!p2 s6, s14  }
0x150: {  	s15 =	sshll.u32 @!p2 s14, $0x7;
	s11 =	sshll.u32 @!p2 s11, $0xF  }
0x151: {  	s15 =	sand.u32 @!p2 $0x380, s15;
	_ =	swait.ge @!p1 [sflag:s2], $0x10;
	s11 =	sand.u32 @!p2 $0xFFFC0000, s11  }
0x152: {  	s16 =	simm.s32 @!p2 $0x0;
	[sflag:s2] =	ssyncset.done @!p1 $0x0;
	s11 =	sor.u32 @!p2 s15, s11  }
0x153: {  	[sflag:s2] =	ssyncadd.s32 @!p1 $0xFFFFFFF0;
	s15 =	simm.s32 @!p2 $0x400;
	s11 =	sshrl.u32 @!p2 s11, $0x3  }
0x154: {  	p1 =	seq.s32 s13, $0xFFFFFFFF;
	s2 =	sadd.s32 @!p2 s0, s11;
	s11 =	simm.s32 @!p2 $0x80  }
0x155: {  	[tilespmem:s16], [sflag:$0x2] =	stream.strided.gather @!p2 [hbm4b:s2+s11], $0x8000, s15, s11, $0x38;
	[tilespmem:$0x12610] =	vst v63  }
0x156: {  	s2 =	sadd.s32 @!p1 s6, s13  }
0x157: {  	s14 =	sxor.u32 $0x80000000, s14;
	s11 =	sshll.u32 @!p1 s13, $0x7;
	s2 =	sshll.u32 @!p1 s2, $0xF  }
0x158: {  	vm12 =	vcmask $0x300;
	s29 =	sxor.u32 $0x80000000, s13;
	v19 =	vmov s14;
	s11 =	sand.u32 @!p1 $0x380, s11;
	s2 =	sand.u32 @!p1 $0xFFFC0000, s2  }
.Ltmp4:
0x159: {  	vm13 =	vcmask $0x704;
	s3 =	sxor.u32 $0x80000000, s22;
	v19 =	vnsel vm12, $0x7FFFFFFF, v19;
	s2 =	sor.u32 @!p1 s11, s2;
	(pc) =	sbr.rel .LBB2_6-.Ltmp4, $4  }
0x15a: {  	vm14 =	vcmask $0xB08;
	s9 =	sxor.u32 $0x80000000, s9;
	v19 =	vsel vm13, s29, v19;
	s14 =	simm.s32 @!p1 $0x8000;
	s2 =	sshrl.u32 @!p1 s2, $0x3  }
0x15b: {  	vm15 =	vcmask $0xF0C;
	v19 =	vsel vm14, s3, v19;
	s13 =	simm.s32 @!p1 $0x400;
	s11 =	simm.s32 @!p1 $0x80;
	s2 =	sadd.s32 @!p1 s0, s2  }
0x15c: {  	v19 =	vsel vm15, s9, v19;
	[tilespmem:s14], [sflag:$0x3] =	stream.strided.gather @!p1 [hbm4b:s2+s11], $0x8000, s13, s11, $0x38;
	[tilespmem:$0x12610] =	vst v63  }
0x15d: {  	s9 =	simm.s32 $0x0;
	v19 =	vxor.u32 $0x80000000, v19;
	p1 =	por $0x0, $0x0  }
.LBB2_16:
0x15e: {  	s2 =	sadd.s32 $0x2, s9  }
0x15f: {  	v20 =	vmov s2  }
0x160: {  	vm0 =	veq.s32 v20, v0  }
0x161: {  	v20 =	vnsel vm0, $0xFFFFFFFF, v19  }
0x162: {  	(xrf0) =	vmin.scan.msk.u32 $0xffff, v20;
	_ =	sdelay $0x5  }
0x163: {  	v20, _, _ =	vpop (xrf0)  }
0x164: {  	(v2sf) =	vpush v20, $0xF;
	_ =	sdelay $0xe  }
0x165: {  	p3 =	sne.s32 s13, $0x0;
	s2 =	spop (v2sf)  }
0x166: {  	p4 =	seq.s32 @!p3 s2, $0xFFFFFFFF  }
0x167: {  	p3 =	por p4, p3  }
0x168: {  	s3 =	sadd.s32 @!p3 s6, s2  }
0x169: {  	s11 =	sshll.u32 @!p3 s2, $0x7;
	s3 =	sshll.u32 @!p3 s3, $0xF  }
0x16a: {  	s11 =	sand.u32 @!p3 $0x380, s11;
	s3 =	sand.u32 @!p3 $0xFFFC0000, s3  }
0x16b: {  	p2 =	por !p2, !p2;
	p6 =	seq.s32 s2, $0xFFFFFFFF;
	s3 =	sor.u32 @!p3 s11, s3  }
0x16c: {  	p2 =	por p6, p2;
	s13 =	simm.s32 @!p3 $0x400;
	s3 =	sshrl.u32 @!p3 s3, $0x3  }
0x16d: {  	s14 =	simm.s32 @!p3 $0x0;
	s11 =	simm.s32 @!p3 $0x80;
	s3 =	sadd.s32 @!p3 s0, s3  }
0x16e: {  	[tilespmem:s14], [sflag:$0x2] =	stream.strided.gather @!p3 [hbm4b:s3+s11], $0x8000, s13, s11, $0x38;
	[tilespmem:$0x12610] =	vst v63  }
0x16f: {  	s3 =	sadd.s32 @!p2 s6, s2  }
0x170: {  	s2 =	sshll.u32 @!p2 s2, $0x7;
	s3 =	sshll.u32 @!p2 s3, $0xF  }
0x171: {  	s2 =	sand.u32 @!p2 $0x380, s2;
	s3 =	sand.u32 @!p2 $0xFFFC0000, s3  }
0x172: {  	s2 =	sor.u32 @!p2 s2, s3  }
0x173: {  	s9 =	sadd.s32 $0x1, s9;
	s11 =	simm.s32 @!p2 $0x400;
	s2 =	sshrl.u32 @!p2 s2, $0x3  }
0x174: {  	s13 =	simm.s32 @!p2 $0x8000;
	s3 =	simm.s32 @!p2 $0x80;
	s2 =	sadd.s32 @!p2 s0, s2  }
0x175: {  	[tilespmem:s13], [sflag:$0x3] =	stream.strided.gather @!p2 [hbm4b:s2+s3], $0x8000, s11, s3, $0x38;
	[tilespmem:$0x12610] =	vst v63  }
0x176: {  	p2 =	sne.s32 s9, $0x4  }
.Ltmp5:
0x177: {  	_ = 	snop;
	(pc) =	sbr.rel @!p2 .LBB2_17-.Ltmp5, $2  }
0x178: {  	_ =	sdelay $0x2  }
0x179: {  	p1 =	por !p1, !p1  }
.LBB2_6:
0x17a: {  	v20 =	vmov s9  }
0x17b: {  	vm0 =	veq.s32 v20, v0  }
0x17c: {  	v20 =	vnsel vm0, $0xFFFFFFFF, v19  }
0x17d: {  	(xrf0) =	vmin.scan.msk.u32 $0xffff, v20;
	_ =	sdelay $0x5  }
0x17e: {  	v20, _, _ =	vpop (xrf0)  }
0x17f: {  	(v2sf) =	vpush v20, $0xF;
	_ =	sdelay $0xd  }
0x180: {  	s13 =	sand.u32 $0x1, s9  }
0x181: {  	p2 =	seq.s32 s13, $0x1;
	s14 =	spop (v2sf)  }
0x182: {  	p3 =	seq.s32 @!p2 s14, $0xFFFFFFFF  }
0x183: {  	p4 =	por p3, p2;
	p3 =	seq.s32 s14, $0xFFFFFFFF  }
0x184: {  	p5 =	por p3, !p2  }
.Ltmp6:
0x185: {  	_ = 	snop;
	(pc) =	sbr.rel @p5 .LBB2_8-.Ltmp6, $4  }
0x186: {  	s2 =	simm.s32 @!p4 $0x2  }
0x187: {  	_ =	swait.ge @!p4 [sflag:s2], $0x8000  }
0x188: {  	[sflag:s2] =	ssyncset.done @!p4 $0x0  }
0x189: {  	[sflag:s2] =	ssyncadd.s32 @!p4 $0xFFFF8000  }
.Ltmp7:
0x18a: {  	(pc) =	sbr.rel .LBB2_9-.Ltmp7, $4  }
0x18b: {  	_ = 	snop  }
0x18c: {  	_ =	swait.ge [sflag:s30], $0x8000  }
0x18d: {  	[sflag:s30] =	ssyncset.done $0x0  }
0x18e: {  	[sflag:s30] =	ssyncadd.s32 $0xFFFF8000  }
.LBB2_8:
.Ltmp8:
0x18f: {  	(pc) =	sbr.rel @p3 .LBB2_16-.Ltmp8, $1  }
0x190: {  	_ =	sdelay $0x3  }
.LBB2_9:
0x191: {  	s16 =	sxor.u32 $0x80000000, s14  }
0x192: {  	s2 =	sadd.s32 s6, s16  }
0x193: {  	s3 =	sshra.s32 s2, $0x1F  }
0x194: {  	s3 =	sshrl.u32 s3, $0x1C  }
0x195: {  	s3 =	sadd.s32 s3, s2  }
0x196: {  	s11 =	sand.u32 $0xFFFFFFF0, s3  }
0x197: {  	s17 =	sshll.u32 s13, $0xF;
	p3 =	slt.s32 s2, $0x1;
	p4 =	sne.s32 s2, s11  }
0x198: {  	v24 =	vld [tilespmem:s17+$0x7FF0];
	p3 =	por !p3, !p4  }
0x199: {  	s2 =	simm.s32 $0x1;
	p3 =	por !p3, !p3  }
0x19a: {  	s3 =	sshrl.u32 s3, $0x4;
	s11 =	simm.s32 $0x1;
	s2 =	simm.s32 @!p3 $0x0  }
0x19b: {  	s11 =	simm.s32 @!p1 $0x0;
	s2 =	ssub.s32 s3, s2  }
0x19c: {  	vm0 =	veq.s32 v0, $0xF;
	s26 =	sshll.u32 s11, $0x11;
	s2 =	sshll.u32 s2, $0x6  }
0x19d: {  	v21 =	vsel vm0, $0xFF7FC99E, v24;
	s18 =	sshrl.u32 s26, $0x2;
	s2 =	sshra.s32 s2, $0x2  }
0x19e: {  	s29 =	sor.u32 $0x100, s18;
	v20 =	vld [tilespmem:s2+$0x12080];
	[tilespmem:s17+$0x7FF0] =	vst v21  }
0x19f: {  	v21 =	vld [tilespmem:s29+$0xFFFFFF00]  }
0x1a0: {  	v22 =	vld [tilespmem:s29+$0xFFFFFF10]  }
0x1a1: {  	v23 =	vld [tilespmem:s29+$0xFFFFFF20]  }
0x1a2: {  	v25 =	vld [tilespmem:s29+$0xFFFFFF30]  }
0x1a3: {  	v26 =	vld [tilespmem:s29+$0xFFFFFF40]  }
0x1a4: {  	v27 =	vld [tilespmem:s29+$0xFFFFFF50];
	v21 =	vmax.f32 v21, $-3.399999950e+38  }
0x1a5: {  	v21 =	vmax.f32 v21, v22;
	v22 =	vld [tilespmem:s29+$0xFFFFFF60]  }
0x1a6: {  	v21 =	vmax.f32 v21, v23;
	v23 =	vld [tilespmem:s29+$0xFFFFFF70]  }
0x1a7: {  	v21 =	vmax.f32 v21, v25;
	v25 =	vld [tilespmem:s29+$0xFFFFFF80]  }
0x1a8: {  	v21 =	vmax.f32 v21, v26;
	v26 =	vld [tilespmem:s29+$0xFFFFFF90]  }
0x1a9: {  	v21 =	vmax.f32 v21, v27;
	v27 =	vld [tilespmem:s29+$0xFFFFFFA0]  }
0x1aa: {  	v21 =	vmax.f32 v21, v22;
	v22 =	vld [tilespmem:s29+$0xFFFFFFB0]  }
0x1ab: {  	v21 =	vmax.f32 v21, v23;
	v23 =	vld [tilespmem:s29+$0xFFFFFFC0]  }
0x1ac: {  	v21 =	vmax.f32 v21, v25;
	v25 =	vld [tilespmem:s29+$0xFFFFFFD0]  }
0x1ad: {  	v21 =	vmax.f32 v21, v26;
	v26 =	vld [tilespmem:s29+$0xFFFFFFE0]  }
0x1ae: {  	v21 =	vmax.f32 v21, v27;
	v27 =	vld [tilespmem:s29+$0xFFFFFFF0]  }
0x1af: {  	v21 =	vmax.f32 v21, v22;
	v22 =	vld [tilespmem:s29+$0x0]  }
0x1b0: {  	v21 =	vmax.f32 v21, v23;
	v23 =	vld [tilespmem:s29+$0x10]  }
0x1b1: {  	v21 =	vmax.f32 v21, v25;
	v25 =	vld [tilespmem:s29+$0x20]  }
0x1b2: {  	v21 =	vmax.f32 v21, v26;
	v26 =	vld [tilespmem:s29+$0x30]  }
0x1b3: {  	v21 =	vmax.f32 v21, v27;
	v27 =	vld [tilespmem:s29+$0x40]  }
0x1b4: {  	v21 =	vmax.f32 v21, v22;
	v22 =	vld [tilespmem:s29+$0x50]  }
0x1b5: {  	v21 =	vmax.f32 v21, v23;
	v23 =	vld [tilespmem:s29+$0x60]  }
0x1b6: {  	v21 =	vmax.f32 v21, v25;
	v25 =	vld [tilespmem:s29+$0x70]  }
0x1b7: {  	v21 =	vmax.f32 v21, v26;
	v26 =	vld [tilespmem:s29+$0x80]  }
0x1b8: {  	v21 =	vmax.f32 v21, v27;
	v27 =	vld [tilespmem:s29+$0x90]  }
0x1b9: {  	v21 =	vmax.f32 v21, v22;
	v22 =	vld [tilespmem:s29+$0xA0]  }
0x1ba: {  	v21 =	vmax.f32 v21, v23;
	v23 =	vld [tilespmem:s29+$0xB0]  }
0x1bb: {  	v32 =	vld [tilespmem:s29+$0xC0];
	v21 =	vmax.f32 v21, v25  }
0x1bc: {  	v31 =	vld [tilespmem:s29+$0xD0];
	v21 =	vmax.f32 v21, v26  }
0x1bd: {  	v29 =	vld [tilespmem:s29+$0xE0];
	v21 =	vmax.f32 v21, v27  }
0x1be: {  	v28 =	vimm.f32 $-3.399999950e+38;
	s20 =	sadd.s32 $0x200, s29;
	v30 =	vld [tilespmem:s29+$0xF0];
	v25 =	vimm.f32 $-3.399999950e+38;
	v21 =	vmax.f32 v21, v22  }
0x1bf: {  	s19 =	simm.s32 $0x1;
	s11 =	simm.s32 $0x2;
	s3 =	simm.s32 $0x0;
	v34 =	vld [tilespmem:s20+$0xFFFFFF00];
	v26 =	vimm.f32 $-3.399999950e+38;
	v27 =	vimm.f32 $-3.399999950e+38;
	v33 =	vmax.f32 v21, v23  }
.LBB2_10:
0x1c0: {  	p3 =	sne.s32 s11, $0x3F;
	v21 =	vld [tilespmem:s20+$0xFFFFFF10];
	v22 =	vmax.f32 v33, v32  }
0x1c1: {  	v23 =	vld [tilespmem:s20+$0xFFFFFF20];
	v22 =	vmax.f32 v22, v31  }
0x1c2: {  	v31 =	vld [tilespmem:s20+$0xFFFFFF30];
	v22 =	vmax.f32 v22, v29  }
0x1c3: {  	v29 =	vld [tilespmem:s20+$0xFFFFFF40];
	v22 =	vmax.f32 v22, v30  }
0x1c4: {  	v30 =	vmax.f32 v34, $-3.399999950e+38;
	v32 =	vld [tilespmem:s20+$0xFFFFFF50];
	(xrf0) =	vmax.scan.msk.f32 $0xffff, v22  }
0x1c5: {  	v21 =	vmax.f32 v30, v21;
	v22 =	vld [tilespmem:s20+$0xFFFFFF60]  }
0x1c6: {  	v21 =	vmax.f32 v21, v23;
	v23 =	vld [tilespmem:s20+$0xFFFFFF70]  }
0x1c7: {  	v21 =	vmax.f32 v21, v31;
	v30 =	vld [tilespmem:s20+$0xFFFFFF80]  }
0x1c8: {  	v21 =	vmax.f32 v21, v29;
	v29 =	vld [tilespmem:s20+$0xFFFFFF90]  }
0x1c9: {  	v31 =	vmax.f32 v21, v32;
	v32 =	vld [tilespmem:s20+$0xFFFFFFA0];
	v21 =	vor.u32 $0x10, v0  }
0x1ca: {  	v34 =	vmov s3;
	s3 =	smov.u32 s19;
	s19 =	smov.u32 s11;
	v31 =	vmax.f32 v31, v22;
	v33 =	vld [tilespmem:s20+$0xFFFFFFB0];
	v22 =	vor.u32 $0x20, v0;
	v35, _, _ =	vpop (xrf0)  }
0x1cb: {  	v31 =	vmax.f32 v31, v23;
	v36 =	vld [tilespmem:s20+$0xFFFFFFC0];
	v35 =	vbroadcast v35, $0xF;
	v23 =	vor.u32 $0x30, v0  }
0x1cc: {  	vm0 =	veq.s32 v34, v0;
	v30 =	vmax.f32 v31, v30;
	v31 =	vld [tilespmem:s20+$0xFFFFFFD0];
	vm1 =	veq.s32 v34, v23  }
0x1cd: {  	vm2 =	veq.s32 v34, v21;
	v29 =	vmax.f32 v30, v29;
	v30 =	vld [tilespmem:s20+$0xFFFFFFE0];
	v25 =	vsel vm1, v35, v25  }
0x1ce: {  	v28 =	vsel vm0, v35, v28;
	vm0 =	veq.s32 v34, v22;
	v29 =	vmax.f32 v29, v32;
	v32 =	vld [tilespmem:s20+$0xFFFFFFF0]  }
0x1cf: {  	v27 =	vsel vm2, v35, v27;
	v26 =	vsel vm0, v35, v26;
	v29 =	vmax.f32 v29, v33;
	v33 =	vld [tilespmem:s20+$0x0]  }
0x1d0: {  	v29 =	vmax.f32 v29, v36;
	v34 =	vld [tilespmem:s20+$0x10]  }
0x1d1: {  	v29 =	vmax.f32 v29, v31;
	v31 =	vld [tilespmem:s20+$0x20]  }
0x1d2: {  	v29 =	vmax.f32 v29, v30;
	v30 =	vld [tilespmem:s20+$0x30]  }
0x1d3: {  	v29 =	vmax.f32 v29, v32;
	v32 =	vld [tilespmem:s20+$0x40]  }
0x1d4: {  	v29 =	vmax.f32 v29, v33;
	v33 =	vld [tilespmem:s20+$0x50]  }
0x1d5: {  	v29 =	vmax.f32 v29, v34;
	v34 =	vld [tilespmem:s20+$0x60]  }
0x1d6: {  	v29 =	vmax.f32 v29, v31;
	v31 =	vld [tilespmem:s20+$0x70]  }
0x1d7: {  	v29 =	vmax.f32 v29, v30;
	v30 =	vld [tilespmem:s20+$0x80]  }
0x1d8: {  	v29 =	vmax.f32 v29, v32;
	v35 =	vld [tilespmem:s20+$0x90]  }
0x1d9: {  	v29 =	vmax.f32 v29, v33;
	v33 =	vld [tilespmem:s20+$0xA0]  }
0x1da: {  	v29 =	vmax.f32 v29, v34;
	v36 =	vld [tilespmem:s20+$0xB0]  }
.Ltmp9:
0x1db: {  	v29 =	vmax.f32 v29, v31;
	v32 =	vld [tilespmem:s20+$0xC0];
	(pc) =	sbr.rel @p3 .LBB2_10-.Ltmp9, $4  }
0x1dc: {  	v29 =	vmax.f32 v29, v30;
	v31 =	vld [tilespmem:s20+$0xD0]  }
0x1dd: {  	v30 =	vmax.f32 v29, v35;
	v29 =	vld [tilespmem:s20+$0xE0]  }
0x1de: {  	v33 =	vmax.f32 v30, v33;
	v30 =	vld [tilespmem:s20+$0xF0];
	s20 =	sadd.s32 $0x200, s20  }
0x1df: {  	s11 =	sadd.s32 $0x1, s11;
	v34 =	vld [tilespmem:s20+$0xFFFFFF00];
	v33 =	vmax.f32 v33, v36  }
0x1e0: {  	v35 =	vld [tilespmem:s20+$0xFFFFFF10]  }
0x1e1: {  	v36 =	vld [tilespmem:s20+$0xFFFFFF20]  }
0x1e2: {  	v37 =	vld [tilespmem:s20+$0xFFFFFF30]  }
0x1e3: {  	v38 =	vld [tilespmem:s20+$0xFFFFFF40]  }
0x1e4: {  	v39 =	vld [tilespmem:s20+$0xFFFFFF50];
	v34 =	vmax.f32 v34, $-3.399999950e+38  }
0x1e5: {  	v58 =	vld [tilespmem:s20+$0xFFFFFF60];
	v34 =	vmax.f32 v34, v35  }
0x1e6: {  	v59 =	vld [tilespmem:s20+$0xFFFFFF70];
	v34 =	vmax.f32 v34, v36  }
0x1e7: {  	v60 =	vld [tilespmem:s20+$0xFFFFFF80];
	v34 =	vmax.f32 v34, v37  }
0x1e8: {  	v61 =	vld [tilespmem:s20+$0xFFFFFF90];
	v34 =	vmax.f32 v34, v38  }
0x1e9: {  	v62 =	vld [tilespmem:s20+$0xFFFFFFA0];
	v34 =	vmax.f32 v34, v39  }
0x1ea: {  	v63 =	vld [tilespmem:s20+$0xFFFFFFB0];
	v34 =	vmax.f32 v34, v58  }
0x1eb: {  	v42 =	vld [tilespmem:s20+$0xFFFFFFC0];
	v34 =	vmax.f32 v34, v59  }
0x1ec: {  	v43 =	vld [tilespmem:s20+$0xFFFFFFD0];
	v34 =	vmax.f32 v34, v60  }
0x1ed: {  	v44 =	vld [tilespmem:s20+$0xFFFFFFE0];
	v34 =	vmax.f32 v34, v61  }
0x1ee: {  	v45 =	vld [tilespmem:s20+$0xFFFFFFF0];
	v34 =	vmax.f32 v34, v62  }
0x1ef: {  	v46 =	vld [tilespmem:s20+$0x0];
	v34 =	vmax.f32 v34, v63  }
0x1f0: {  	v47 =	vld [tilespmem:s20+$0x10];
	v34 =	vmax.f32 v34, v42  }
0x1f1: {  	v48 =	vld [tilespmem:s20+$0x20];
	v34 =	vmax.f32 v34, v43  }
0x1f2: {  	v49 =	vld [tilespmem:s20+$0x30];
	v34 =	vmax.f32 v34, v44  }
0x1f3: {  	v50 =	vld [tilespmem:s20+$0x40];
	v34 =	vmax.f32 v34, v45  }
0x1f4: {  	v51 =	vld [tilespmem:s20+$0x50];
	v34 =	vmax.f32 v34, v46  }
0x1f5: {  	v52 =	vld [tilespmem:s20+$0x60];
	v34 =	vmax.f32 v34, v47  }
0x1f6: {  	v53 =	vld [tilespmem:s20+$0x70];
	v34 =	vmax.f32 v34, v48  }
0x1f7: {  	v54 =	vld [tilespmem:s20+$0x80];
	v34 =	vmax.f32 v34, v49  }
0x1f8: {  	v55 =	vld [tilespmem:s20+$0x90];
	v34 =	vmax.f32 v34, v50  }
0x1f9: {  	v56 =	vld [tilespmem:s20+$0xA0];
	v34 =	vmax.f32 v34, v51  }
0x1fa: {  	v57 =	vld [tilespmem:s20+$0xB0];
	v34 =	vmax.f32 v34, v52  }
0x1fb: {  	v58 =	vld [tilespmem:s20+$0xC0];
	v34 =	vmax.f32 v34, v53  }
0x1fc: {  	v32 =	vmax.f32 v33, v32;
	v60 =	vld [tilespmem:s20+$0xD0];
	v59 =	vmax.f32 v34, v54  }
0x1fd: {  	v31 =	vmax.f32 v32, v31;
	v62 =	vld [tilespmem:s20+$0xE0];
	v61 =	vmax.f32 v59, v55  }
0x1fe: {  	v29 =	vmax.f32 v31, v29;
	v63 =	vld [tilespmem:s20+$0xF0];
	v31 =	vmax.f32 v61, v56  }
0x1ff: {  	v29 =	vmax.f32 v29, v30;
	v30 =	vmax.f32 v31, v57  }
0x200: {  	(xrf0) =	vmax.scan.msk.f32 $0xffff, v29;
	v29 =	vmax.f32 v30, v58  }
0x201: {  	v29 =	vmax.f32 v29, v60  }
0x202: {  	v29 =	vmax.f32 v29, v62  }
0x203: {  	v29 =	vmax.f32 v29, v63  }
0x204: {  	(xrf0) =	vmax.scan.msk.f32 $0xffff, v29;
	_ =	sdelay $0x2  }
0x205: {  	v30 =	vmov s3;
	v29, _, _ =	vpop (xrf0)  }
0x206: {  	vm0 =	veq.s32 v30, v23;
	v29 =	vbroadcast v29, $0xF  }
0x207: {  	vm1 =	veq.s32 v30, v0;
	vm2 =	veq.s32 v30, v21;
	vm14 =	veq.s32 v30, v22  }
0x208: {  	v31 =	vsel vm0, v29, v25;
	v25 =	vsel vm1, v29, v28;
	v27 =	vsel vm2, v29, v27;
	v28, _, _ =	vpop (xrf0)  }
0x209: {  	v29 =	vsel vm14, v29, v26;
	v26 =	vmov s19;
	v28 =	vbroadcast v28, $0xF  }
0x20a: {  	vm15 =	veq.s32 v26, v0;
	vm12 =	veq.s32 v26, v23;
	vm13 =	veq.s32 v26, v21  }
0x20b: {  	vm14 =	veq.s32 v26, v22;
	v25 =	vsel vm15, v28, v25;
	v26 =	vsel vm13, v28, v27  }
0x20c: {  	v27 =	vsel vm14, v28, v29;
	vm15 =	vmmov $0x7fff;
	v29 =	vmax.f32 v25, v26  }
0x20d: {  	v28 =	vsel vm12, v28, v31;
	v30 =	vsel vm15, $0xFF7FC99E, v24;
	v29 =	vmax.f32 v29, v27  }
0x20e: {  	(xrf0) =	vmax.scan.msk.f32 $0xffff, v30;
	v29 =	vmax.f32 v29, v28  }
0x20f: {  	(xrf0) =	vmax.scan.msk.f32 $0xffff, v29;
	_ =	sdelay $0x4  }
0x210: {  	v29, _, _ =	vpop (xrf0)  }
0x211: {  	(v2sf) =	vpush v29, $0xF;
	v29, _, _ =	vpop (xrf0)  }
0x212: {  	(v2sf) =	vpush v29, $0xF;
	_ =	sdelay $0xd  }
0x213: {  	s2 =	spop (v2sf)  }
0x214: {  	s26 =	spop (v2sf)  }
0x215: {  	s3 =	smul.f32 $1.500000000e+00, s26;
	_ =	sdelay $0x1  }
0x216: {  	p3 =	slt.f32 s2, s3  }
0x217: {  	s29 =	sshra.s32 s16, $0x1F  }
0x218: {  	s20 =	sand.u32 $0x7, s14;
	s3 =	sshrl.u32 s29, $0x1D;
	s2 =	simm.s32 @p3 $0xE0AD78EC  }
0x219: {  	s18 =	sadd.s32 $0x40, s18;
	s22 =	sshll.u32 s20, $0xF;
	v30 =	vimm.f32 $-3.399999950e+38;
	s3 =	sadd.s32 s3, s16;
	v29 =	vmax.f32 v28, s2;
	v24 =	vsel vm8, s2, v24  }
0x21a: {  	s23 =	simm.s32 $0x0;
	s19 =	sshra.s32 s3, $0x3;
	s21 =	sand.u32 $0xFFFFFFF8, s3;
	v29 =	vsel vm15, v28, v29;
	[tilespmem:s17+$0x7FF0] =	vst v24;
	v24 =	vimm.s32 $0x7FFFFFFF;
	v28 =	vimm.f32 $-3.399999950e+38  }
.LBB2_12:
0x21b: {  	v31 =	vmax.f32 v25, v26  }
0x21c: {  	v31 =	vmax.f32 v31, v27  }
0x21d: {  	v31 =	vmax.f32 v31, v29  }
0x21e: {  	(xrf0) =	vmax.scan.msk.f32 $0xffff, v31;
	_ =	sdelay $0x5  }
0x21f: {  	v31, _, _ =	vpop (xrf0)  }
0x220: {  	v31 =	vbroadcast v31, $0xF;
	_ =	sdelay $0x1  }
0x221: {  	vm0 =	veq.f32 v29, v31  }
0x222: {  	vm1 =	veq.f32 v27, v31;
	v32 =	vnsel vm0, $0xFFFFFFFF, v12  }
0x223: {  	vm14 =	veq.f32 v26, v31;
	v32 =	vsel vm1, v15, v32  }
0x224: {  	vm15 =	veq.f32 v25, v31;
	v32 =	vsel vm14, v18, v32  }
0x225: {  	v32 =	vsel vm15, v11, v32  }
0x226: {  	(xrf0) =	vmin.scan.msk.u32 $0xffff, v32;
	_ =	sdelay $0x5  }
0x227: {  	v32, _, _ =	vpop (xrf0)  }
0x228: {  	(v2sf) =	vpush v32, $0xF;
	_ =	sdelay $0xe  }
0x229: {  	s24 =	spop (v2sf)  }
0x22a: {  	s2 =	sshll.u32 s24, $0xB  }
0x22b: {  	s2 =	sshra.s32 s2, $0x2  }
0x22c: {  	s26 =	sadd.s32 s2, s18  }
0x22d: {  	v59 =	vld [tilespmem:s26+$0xFFFFFFC0];
	_ =	sdelay $0x1  }
0x22e: {  	v33 =	vld [tilespmem:s26+$0xFFFFFFD0];
	_ =	sdelay $0x1  }
0x22f: {  	v34 =	vld [tilespmem:s26+$0xFFFFFFE0]  }
0x230: {  	vm12 =	vgt.f32 v59, v30  }
0x231: {  	v36 =	vld [tilespmem:s26+$0xFFFFFFF0];
	v35 =	vsel vm12, v59, v30  }
0x232: {  	vm13 =	vgt.f32 v33, v35  }
0x233: {  	v37 =	vimm.s32 $0x0;
	v39 =	vld [tilespmem:s26+$0x0];
	v32 =	vsel vm12, v30, v59;
	v38 =	vsel vm13, v33, v35  }
0x234: {  	s25 =	simm.s32 $0x0;
	v32 =	vmax.f32 v30, v32;
	v33 =	vsel vm13, v35, v33;
	vm2 =	vgt.f32 v34, v38  }
0x235: {  	s3 =	simm.s32 $0x1;
	v60 =	vsel vm12, s25, v37;
	v33 =	vmax.f32 v32, v33;
	v32 =	vld [tilespmem:s26+$0x10];
	v61 =	vsel vm2, v34, v38  }
0x236: {  	s11 =	simm.s32 $0x2;
	v35 =	vsel vm13, s3, v60;
	v34 =	vsel vm2, v38, v34;
	vm14 =	vgt.f32 v36, v61  }
0x237: {  	s15 =	simm.s32 $0x3;
	v35 =	vsel vm2, s11, v35;
	v34 =	vmax.f32 v33, v34;
	v33 =	vld [tilespmem:s26+$0x20];
	v62 =	vsel vm14, v36, v61  }
0x238: {  	s29 =	simm.s32 $0x17;
	s25 =	sshll.u32 s24, $0x9;
	v36 =	vsel vm14, v61, v36;
	v63 =	vsel vm14, s15, v35;
	vm15 =	vgt.f32 v39, v62  }
0x239: {  	s2 =	simm.s32 $0x7;
	s3 =	sadd.s32 s17, s25;
	s15 =	simm.s32 $0x4;
	v36 =	vmax.f32 v34, v36;
	v34 =	vld [tilespmem:s26+$0x30];
	v40 =	vsel vm15, v62, v39;
	v35 =	vsel vm15, v39, v62  }
0x23a: {  	s11 =	simm.s32 $0xF;
	s26 =	sadd.s32 $0x80, s26;
	v37 =	vsel vm15, s15, v63;
	s15 =	simm.s32 $0x5;
	v36 =	vmax.f32 v36, v40;
	vm9 =	vgt.f32 v32, v35  }
.LBB2_13:
0x23b: {  	p3 =	sne.s32 s29, $0x1F;
	v38 =	vld [tilespmem:s26+$0xFFFFFFC0];
	v39 =	vsel vm9, v35, v32;
	v32 =	vsel vm9, v32, v35;
	v35 =	vsel vm9, s15, v37  }
0x23c: {  	s15 =	sadd.s32 $0xFFFFFFFF, s2;
	v36 =	vmax.f32 v36, v39;
	vm0 =	vgt.f32 v33, v32  }
0x23d: {  	v37 =	vld [tilespmem:s26+$0xFFFFFFD0];
	v39 =	vsel vm0, v32, v33;
	v32 =	vsel vm0, v33, v32;
	v33 =	vsel vm0, s15, v35  }
0x23e: {  	v35 =	vmax.f32 v36, v39;
	vm0 =	vgt.f32 v34, v32  }
0x23f: {  	v36 =	vld [tilespmem:s26+$0xFFFFFFE0];
	v39 =	vsel vm0, v32, v34;
	v32 =	vsel vm0, v34, v32;
	v33 =	vsel vm0, s2, v33;
	s2 =	smov.u32 s11;
	s11 =	smov.u32 s29  }
0x240: {  	vm0 =	vgt.f32 v38, v32;
	s15 =	sadd.s32 $0xFFFFFFF9, s2;
	v34 =	vmax.f32 v35, v39  }
0x241: {  	v35 =	vsel vm0, v32, v38;
	v32 =	vsel vm0, v38, v32;
	v33 =	vsel vm0, s15, v33;
	v38 =	vld [tilespmem:s26+$0xFFFFFFF0]  }
0x242: {  	s15 =	sadd.s32 $0xFFFFFFFA, s2;
	v34 =	vmax.f32 v34, v35;
	vm0 =	vgt.f32 v37, v32  }
0x243: {  	v35 =	vsel vm0, v32, v37;
	v32 =	vsel vm0, v37, v32;
	v33 =	vsel vm0, s15, v33;
	v37 =	vld [tilespmem:s26+$0x0]  }
0x244: {  	s15 =	sadd.s32 $0xFFFFFFFB, s2;
	v34 =	vmax.f32 v34, v35;
	vm0 =	vgt.f32 v36, v32  }
0x245: {  	v35 =	vsel vm0, v32, v36;
	v36 =	vsel vm0, v36, v32;
	v33 =	vsel vm0, s15, v33;
	v32 =	vld [tilespmem:s26+$0x10]  }
.Ltmp10:
0x246: {  	s15 =	sadd.s32 $0xFFFFFFFC, s2;
	v34 =	vmax.f32 v34, v35;
	vm0 =	vgt.f32 v38, v36;
	(pc) =	sbr.rel @p3 .LBB2_13-.Ltmp10, $4  }
0x247: {  	v35 =	vsel vm0, v36, v38;
	v36 =	vsel vm0, v38, v36;
	v38 =	vsel vm0, s15, v33;
	v33 =	vld [tilespmem:s26+$0x20]  }
0x248: {  	s15 =	sadd.s32 $0xFFFFFFFD, s2;
	v39 =	vmax.f32 v34, v35;
	vm0 =	vgt.f32 v37, v36  }
0x249: {  	v40 =	vsel vm0, v36, v37;
	v35 =	vsel vm0, v37, v36;
	v37 =	vsel vm0, s15, v38;
	v34 =	vld [tilespmem:s26+$0x30]  }
0x24a: {  	s29 =	sadd.s32 $0x8, s29;
	s15 =	sadd.s32 $0xFFFFFFFE, s2;
	s26 =	sadd.s32 $0x80, s26;
	v36 =	vmax.f32 v39, v40;
	vm9 =	vgt.f32 v32, v35  }
0x24b: {  	v38 =	vld [tilespmem:s26+$0xFFFFFFC0];
	v39 =	vsel vm9, v32, v35  }
0x24c: {  	vm10 =	vgt.f32 v33, v39  }
0x24d: {  	v40 =	vld [tilespmem:s26+$0xFFFFFFD0];
	v41 =	vsel vm10, v33, v39  }
0x24e: {  	vm11 =	vgt.f32 v34, v41  }
0x24f: {  	v42 =	vld [tilespmem:s26+$0xFFFFFFE0];
	v43 =	vsel vm11, v34, v41  }
0x250: {  	vm12 =	vgt.f32 v38, v43  }
0x251: {  	v45 =	vld [tilespmem:s26+$0xFFFFFFF0];
	v44 =	vsel vm12, v38, v43  }
0x252: {  	vm13 =	vgt.f32 v40, v44  }
0x253: {  	v47 =	vld [tilespmem:s26+$0x0];
	v46 =	vsel vm13, v40, v44  }
0x254: {  	vm14 =	vgt.f32 v42, v46  }
0x255: {  	v37 =	vsel vm9, s15, v37;
	s29 =	sadd.s32 $0xFFFFFFFF, s2;
	v49 =	vld [tilespmem:s26+$0x10];
	v48 =	vsel vm14, v42, v46  }
0x256: {  	v37 =	vsel vm10, s29, v37;
	vm15 =	vgt.f32 v45, v48  }
0x257: {  	v51 =	vld [tilespmem:s26+$0x20];
	s29 =	sadd.s32 $0xFFFFFFF9, s11;
	v37 =	vsel vm11, s2, v37;
	v50 =	vsel vm15, v45, v48  }
0x258: {  	s15 =	sadd.s32 $0xFFFFFFFA, s11;
	v37 =	vsel vm12, s29, v37;
	vm0 =	vgt.f32 v47, v50  }
0x259: {  	v53 =	vld [tilespmem:s26+$0x30];
	s29 =	sadd.s32 $0xFFFFFFFB, s11;
	v37 =	vsel vm13, s15, v37;
	v52 =	vsel vm0, v47, v50  }
0x25a: {  	s15 =	sadd.s32 $0xFFFFFFFC, s11;
	v37 =	vsel vm14, s29, v37;
	vm1 =	vgt.f32 v49, v52  }
0x25b: {  	s26 =	sadd.s32 $0xFFFFFFFD, s11;
	v37 =	vsel vm15, s15, v37;
	v54 =	vsel vm1, v49, v52  }
0x25c: {  	s29 =	sadd.s32 $0xFFFFFFFE, s11;
	v37 =	vsel vm0, s26, v37;
	vm2 =	vgt.f32 v51, v54  }
0x25d: {  	s15 =	sadd.s32 $0xFFFFFFFF, s11;
	v37 =	vsel vm1, s29, v37;
	v55 =	vsel vm2, v51, v54  }
0x25e: {  	v37 =	vsel vm2, s15, v37;
	vm3 =	vgt.f32 v53, v55  }
0x25f: {  	v37 =	vsel vm3, s11, v37  }
0x260: {  	v56 =	vsel vm3, v53, v55;
	v37 =	vshll.u32 v37, $0x4  }
0x261: {  	vm5 =	veq.f32 v56, v31;
	v37 =	vxor.u32 v11, v37  }
0x262: {  	v37 =	vnsel vm5, $0xFFFFFFFF, v37  }
0x263: {  	(xrf0) =	vmin.scan.msk.u32 $0xffff, v37;
	_ =	sdelay $0x5  }
0x264: {  	v37, _, _ =	vpop (xrf0)  }
0x265: {  	(v2sf) =	vpush v37, $0xF;
	_ =	sdelay $0xb  }
0x266: {  	v37 =	vsel vm9, v35, v32  }
0x267: {  	v39 =	vsel vm10, v39, v33;
	v32 =	vmax.f32 v36, v37  }
0x268: {  	v41 =	vsel vm11, v41, v34;
	v32 =	vmax.f32 v32, v39  }
0x269: {  	v43 =	vsel vm12, v43, v38;
	v32 =	vmax.f32 v32, v41;
	s2 =	spop (v2sf)  }
0x26a: {  	v44 =	vsel vm13, v44, v40;
	v32 =	vmax.f32 v32, v43;
	s11 =	sxor.u32 $0x80000000, s2  }
0x26b: {  	v46 =	vsel vm14, v46, v42;
	v32 =	vmax.f32 v32, v44;
	s26 =	sshra.s32 s11, $0x1F  }
0x26c: {  	v48 =	vsel vm15, v48, v45;
	v32 =	vmax.f32 v32, v46;
	s15 =	sshrl.u32 s26, $0x1C  }
0x26d: {  	v50 =	vsel vm0, v50, v47;
	v32 =	vmax.f32 v32, v48;
	s15 =	sadd.s32 s15, s11  }
0x26e: {  	v52 =	vsel vm1, v52, v49;
	v32 =	vmax.f32 v32, v50;
	p4 =	sgt.s32 s2, $0xFFFFFFFF;
	p3 =	slt.s32 s11, $0x1;
	s29 =	sand.u32 $0xFFFFFFF0, s15  }
0x26f: {  	v57 =	vsel vm2, v54, v51;
	v32 =	vmax.f32 v32, v52;
	s2 =	sand.u32 $0xF, s2;
	p3 =	por p4, p3;
	p6 =	sne.s32 s11, s29  }
0x270: {  	v58 =	vsel vm3, v55, v53;
	v32 =	vmax.f32 v32, v57;
	v59 =	vmov s2;
	p3 =	por !p3, !p6  }
0x271: {  	v32 =	vmax.f32 v32, v58;
	s26 =	simm.s32 $0x1;
	vm14 =	veq.s32 v59, v0;
	p3 =	por !p3, !p3  }
0x272: {  	v32 =	vsel vm14, v32, v56;
	s15 =	sshrl.u32 s15, $0x4;
	s26 =	simm.s32 @!p3 $0x0  }
0x273: {  	(xrf0) =	vmax.scan.msk.f32 $0xffff, v32;
	s15 =	ssub.s32 s15, s26  }
0x274: {  	s15 =	sshll.u32 s15, $0x4  }
0x275: {  	s3 =	sadd.s32 s3, s15  }
0x276: {  	s2 =	sand.u32 $0x70, s15;
	s3 =	sand.u32 $0xFFFFFF80, s3  }
0x277: {  	s2 =	sor.u32 s2, s3  }
0x278: {  	v63 =	vmov s23;
	s23 =	sadd.s32 $0x1, s23;
	v60 =	vld [tilespmem:s2+$0x0]  }
0x279: {  	p3 =	sne.s32 s23, $0x8;
	s26 =	sxor.u32 $0x80000000, s24;
	v61, _, _ =	vpop (xrf0)  }
.Ltmp11:
0x27a: {  	v62 =	vmov s26;
	v33 =	vbroadcast v61, $0xF;
	(pc) =	sbr.rel @p3 .LBB2_12-.Ltmp11, $4  }
0x27b: {  	vm15 =	veq.s32 v62, v0;
	vm12 =	veq.s32 v62, v21;
	vm13 =	veq.s32 v62, v22  }
0x27c: {  	s29 =	sadd.s32 s22, s25;
	v25 =	vsel vm15, v33, v25;
	v26 =	vsel vm12, v33, v26;
	v27 =	vsel vm13, v33, v27  }
0x27d: {  	vm15 =	veq.s32 v63, v0;
	s3 =	sadd.s32 s11, s29;
	v32 =	vsel vm14, $0xFF7FC99E, v60;
	vm14 =	veq.s32 v62, v23  }
0x27e: {  	v28 =	vsel vm15, v31, v28;
	v24 =	vsel vm15, s3, v24;
	v29 =	vsel vm14, v33, v29;
	[tilespmem:s2+$0x0] =	vst v32  }
0x27f: {  	s2 =	sand.u32 $0xF, s14  }
0x280: {  	v21 =	vmov s2  }
0x281: {  	vm0 =	veq.s32 v21, v0  }
0x282: {  	v20 =	vnsel vm0, $0xFF7FC99E, v20  }
0x283: {  	(xrf0) =	vmax.scan.msk.f32 $0xffff, v20;
	_ =	sdelay $0x2  }
0x284: {  	p3 =	slt.s32 s16, $0x1;
	p4 =	sgt.s32 s14, $0xFFFFFFFF  }
0x285: {  	p5 =	sne.s32 s16, s21;
	p3 =	por p4, p3  }
0x286: {  	p3 =	por !p3, !p5  }
0x287: {  	s2 =	simm.s32 $0x1;
	p3 =	por !p3, !p3;
	v20, _, _ =	vpop (xrf0)  }
0x288: {  	s2 =	simm.s32 @!p3 $0x0;
	v20 =	vbroadcast v20, $0xF  }
0x289: {  	s2 =	ssub.s32 s19, s2  }
0x28a: {  	s3 =	sshll.u32 s20, $0x4;
	s2 =	sshll.u32 s2, $0x7;
	v20 =	vadd.f32 v28, v20  }
0x28b: {  	[tilespmem:$0x12280] =	vst v24;
	s2 =	sor.u32 s3, s2  }
0x28c: {  	s3 =	sadd.s32 s2, s4;
	[tilespmem:$0x12200] =	vst v20  }
0x28d: {  	[spmem:s3] =	stream.linear.scatter [tilespmem:s10], [sflag:$0x4], $0x10, $0x38;
	[tilespmem:$0x12610] =	vst v63  }
0x28e: {  	_ =	swait.ge [sflag:s7], $0x10  }
0x28f: {  	[sflag:s7] =	ssyncset.done $0x0  }
.Ltmp12:
0x290: {  	s2 =	sadd.s32 s2, s5;
	[sflag:s7] =	ssyncadd.s32 $0xFFFFFFF0;
	(pc) =	sbr.rel .LBB2_16-.Ltmp12, $4  }
0x291: {  	[spmem:s2] =	stream.linear.scatter [tilespmem:s28], [sflag:$0x4], $0x10, $0x38;
	[tilespmem:$0x12610] =	vst v63  }
0x292: {  	_ =	swait.ge [sflag:s7], $0x10  }
0x293: {  	[sflag:s7] =	ssyncset.done $0x0  }
0x294: {  	[sflag:s7] =	ssyncadd.s32 $0xFFFFFFF0  }
.LBB2_17:
.Ltmp13:
0x295: {  	(pc) =	sbr.rel @p0 .LBB2_21-.Ltmp13, $2  }
0x296: {  	_ =	sdelay $0x1  }
0x297: {  	[bflag:$0x0] =	sbarrier.arrive $0xFFFF;
	_ =	sdelay $0x1  }
0x298: {  	s2 =	rddreg [dreg:$0x1a];
	s3 =	simm.s32 $0x12300  }
0x299: {  	[tilespmem:s3], [sflag:$0x4] =	stream.linear.gather [spmem:s2], $0x80, $0x38;
	[tilespmem:$0x12610] =	vst v63  }
0x29a: {  	_ =	swait.ge [sflag:s7], $0x80  }
0x29b: {  	[sflag:s7] =	ssyncset.done $0x0  }
0x29c: {  	s25 =	simm.s32 $0x12380;
	s24 =	rddreg [dreg:$0x1b];
	[sflag:s7] =	ssyncadd.s32 $0xFFFFFF80  }
0x29d: {  	[tilespmem:s25], [sflag:$0x4] =	stream.linear.gather [spmem:s24], $0x80, $0x38;
	[tilespmem:$0x12610] =	vst v63  }
0x29e: {  	_ =	swait.ge [sflag:s7], $0x80  }
0x29f: {  	[sflag:s7] =	ssyncset.done $0x0  }
0x2a0: {  	[sflag:s7] =	ssyncadd.s32 $0xFFFFFF80  }
0x2a1: {  	v34 =	vld [tilespmem:$0x12300]  }
0x2a2: {  	v36 =	vld [tilespmem:$0x12310]  }
0x2a3: {  	v38 =	vld [tilespmem:$0x12320]  }
0x2a4: {  	v30 =	vld [tilespmem:$0x12330]  }
0x2a5: {  	v31 =	vld [tilespmem:$0x12340]  }
0x2a6: {  	v27 =	vld [tilespmem:$0x12350]  }
0x2a7: {  	v28 =	vld [tilespmem:$0x12360];
	v19 =	vmax.f32 v34, v36  }
0x2a8: {  	v23 =	vld [tilespmem:$0x12370];
	v19 =	vmax.f32 v19, v38  }
0x2a9: {  	v19 =	vmax.f32 v19, v30  }
0x2aa: {  	v19 =	vmax.f32 v19, v31  }
0x2ab: {  	v19 =	vmax.f32 v19, v27  }
0x2ac: {  	v19 =	vmax.f32 v19, v28  }
0x2ad: {  	v19 =	vmax.f32 v19, v23  }
0x2ae: {  	(xrf0) =	vmax.scan.msk.f32 $0xffff, v19;
	_ =	sdelay $0x4  }
0x2af: {  	v25 =	vld [tilespmem:$0x12390]  }
0x2b0: {  	v21 =	vld [tilespmem:$0x12380];
	v19, _, _ =	vpop (xrf0)  }
0x2b1: {  	v33 =	vbroadcast v19, $0xF;
	_ =	sdelay $0x1  }
0x2b2: {  	v19 =	vld [tilespmem:$0x123A0];
	vm0 =	veq.f32 v36, v33  }
0x2b3: {  	v22 =	vnsel vm0, $0x7FFFFFFF, v25  }
0x2b4: {  	vm0 =	vlt.s32 v21, v22  }
0x2b5: {  	v20 =	vld [tilespmem:$0x123B0];
	vm1 =	veq.f32 v34, v33;
	v24 =	vsel vm0, v21, v22  }
0x2b6: {  	v24 =	vsel vm1, v24, v22  }
0x2b7: {  	vm14 =	vlt.s32 v24, v19  }
0x2b8: {  	vm15 =	veq.f32 v38, v33;
	v22 =	vld [tilespmem:$0x123C0];
	v26 =	vsel vm14, v24, v19  }
0x2b9: {  	v26 =	vsel vm15, v26, v24  }
0x2ba: {  	vm12 =	vlt.s32 v26, v20  }
0x2bb: {  	vm13 =	veq.f32 v30, v33;
	v24 =	vld [tilespmem:$0x123D0];
	v29 =	vsel vm12, v26, v20  }
0x2bc: {  	v29 =	vsel vm13, v29, v26  }
0x2bd: {  	vm14 =	vlt.s32 v29, v22  }
0x2be: {  	vm15 =	veq.f32 v31, v33;
	v26 =	vld [tilespmem:$0x123E0];
	v32 =	vsel vm14, v29, v22  }
0x2bf: {  	v32 =	vsel vm15, v32, v29  }
0x2c0: {  	vm12 =	vlt.s32 v32, v24  }
0x2c1: {  	vm13 =	veq.f32 v27, v33;
	v29 =	vld [tilespmem:$0x123F0];
	v35 =	vsel vm12, v32, v24  }
0x2c2: {  	v32 =	vsel vm13, v35, v32  }
0x2c3: {  	vm14 =	vlt.s32 v32, v26  }
0x2c4: {  	vm15 =	veq.f32 v28, v33;
	v35 =	vsel vm14, v32, v26  }
0x2c5: {  	v32 =	vsel vm15, v35, v32  }
0x2c6: {  	vm12 =	vlt.s32 v32, v29  }
0x2c7: {  	vm13 =	veq.f32 v23, v33;
	v35 =	vsel vm12, v32, v29  }
0x2c8: {  	v32 =	vsel vm13, v35, v32  }
0x2c9: {  	v32 =	vxor.u32 $0x80000000, v32  }
0x2ca: {  	(xrf0) =	vmin.scan.msk.u32 $0xffff, v32;
	_ =	sdelay $0x5  }
0x2cb: {  	v32, _, _ =	vpop (xrf0)  }
0x2cc: {  	(v2sf) =	vpush v32, $0xF;
	_ =	sdelay $0xd  }
0x2cd: {  	s26 =	simm.s32 $0x0  }
0x2ce: {  	v62 =	vmov s26;
	s29 =	spop (v2sf)  }
0x2cf: {  	v63 =	vimm.f32 $-3.399999950e+38;
	vm9 =	veq.s32 v62, v0;
	s13 =	sxor.u32 $0x80000000, s29  }
0x2d0: {  	v33 =	vsel vm9, v33, v63;
	v32 =	vimm.s32 $0x0;
	vm14 =	veq.s32 v21, s13  }
0x2d1: {  	s9 =	simm.s32 $0x1;
	vm15 =	veq.s32 v25, s13;
	vm2 =	veq.s32 v19, s13;
	s11 =	sshra.s32 s13, $0xF;
	v35 =	vsel vm14, $0xFF7FC99E, v34  }
0x2d2: {  	s3 =	simm.s32 $0x2;
	s2 =	sand.u32 $0x7FFF, s29;
	v37 =	vsel vm15, $0xFF7FC99E, v36;
	v36 =	vsel vm2, $0xFF7FC99E, v38;
	s11 =	sadd.s32 s31, s11;
	v34 =	vimm.s32 $0x0  }
.LBB2_19:
0x2d3: {  	p1 =	sne.s32 s3, $0x7;
	v38 =	vmax.f32 v35, v37;
	vm0 =	veq.s32 v20, s13;
	vm1 =	veq.s32 v22, s13  }
0x2d4: {  	v38 =	vmax.f32 v38, v36;
	v30 =	vsel vm0, $0xFF7FC99E, v30;
	v31 =	vsel vm1, $0xFF7FC99E, v31  }
0x2d5: {  	vm0 =	veq.s32 v24, s13;
	vm1 =	veq.s32 v26, s13;
	v38 =	vmax.f32 v38, v30  }
0x2d6: {  	v27 =	vsel vm0, $0xFF7FC99E, v27;
	v28 =	vsel vm1, $0xFF7FC99E, v28;
	v38 =	vmax.f32 v38, v31  }
0x2d7: {  	v32 =	vsel vm9, s11, v32;
	vm0 =	veq.s32 v29, s13;
	v38 =	vmax.f32 v38, v27  }
0x2d8: {  	v34 =	vsel vm9, s2, v34;
	v23 =	vsel vm0, $0xFF7FC99E, v23;
	v38 =	vmax.f32 v38, v28  }
0x2d9: {  	v38 =	vmax.f32 v38, v23  }
0x2da: {  	(xrf0) =	vmax.scan.msk.f32 $0xffff, v38;
	_ =	sdelay $0x5  }
0x2db: {  	v38, _, _ =	vpop (xrf0)  }
0x2dc: {  	v39 =	vmov s9;
	s9 =	smov.u32 s3;
	v38 =	vbroadcast v38, $0xF  }
0x2dd: {  	vm9 =	veq.s32 v39, v0  }
0x2de: {  	vm0 =	veq.f32 v37, v38;
	v33 =	vsel vm9, v38, v33  }
0x2df: {  	v39 =	vnsel vm0, $0x7FFFFFFF, v25  }
0x2e0: {  	vm0 =	vlt.s32 v21, v39  }
0x2e1: {  	vm1 =	veq.f32 v35, v38;
	v40 =	vsel vm0, v21, v39  }
0x2e2: {  	v39 =	vsel vm1, v40, v39  }
0x2e3: {  	vm0 =	vlt.s32 v39, v19  }
0x2e4: {  	vm1 =	veq.f32 v36, v38;
	v40 =	vsel vm0, v39, v19  }
0x2e5: {  	v39 =	vsel vm1, v40, v39  }
0x2e6: {  	vm0 =	vlt.s32 v39, v20  }
0x2e7: {  	vm1 =	veq.f32 v30, v38;
	v40 =	vsel vm0, v39, v20  }
0x2e8: {  	v39 =	vsel vm1, v40, v39  }
0x2e9: {  	vm0 =	vlt.s32 v39, v22  }
0x2ea: {  	vm1 =	veq.f32 v31, v38;
	v40 =	vsel vm0, v39, v22  }
0x2eb: {  	v39 =	vsel vm1, v40, v39  }
0x2ec: {  	vm0 =	vlt.s32 v39, v24  }
0x2ed: {  	vm1 =	veq.f32 v27, v38;
	v40 =	vsel vm0, v39, v24  }
0x2ee: {  	v39 =	vsel vm1, v40, v39  }
0x2ef: {  	vm0 =	vlt.s32 v39, v26  }
0x2f0: {  	vm1 =	veq.f32 v28, v38;
	v40 =	vsel vm0, v39, v26  }
0x2f1: {  	v39 =	vsel vm1, v40, v39  }
0x2f2: {  	vm0 =	vlt.s32 v39, v29  }
0x2f3: {  	vm1 =	veq.f32 v23, v38;
	v38 =	vsel vm0, v39, v29  }
0x2f4: {  	v38 =	vsel vm1, v38, v39  }
0x2f5: {  	v38 =	vxor.u32 $0x80000000, v38  }
0x2f6: {  	(xrf0) =	vmin.scan.msk.u32 $0xffff, v38;
	_ =	sdelay $0x5  }
0x2f7: {  	v38, _, _ =	vpop (xrf0)  }
0x2f8: {  	(v2sf) =	vpush v38, $0xF;
	_ =	sdelay $0xd  }
.Ltmp14:
0x2f9: {  	(pc) =	sbr.rel @p1 .LBB2_19-.Ltmp14, $4  }
0x2fa: {  	s2 =	spop (v2sf)  }
0x2fb: {  	s13 =	sxor.u32 $0x80000000, s2;
	s2 =	sand.u32 $0x7FFF, s2  }
0x2fc: {  	vm0 =	veq.s32 v21, s13;
	vm1 =	veq.s32 v25, s13;
	vm2 =	veq.s32 v19, s13;
	s11 =	sshra.s32 s13, $0xF  }
0x2fd: {  	s3 =	sadd.s32 $0x1, s3;
	v35 =	vsel vm0, $0xFF7FC99E, v35;
	v37 =	vsel vm1, $0xFF7FC99E, v37;
	v36 =	vsel vm2, $0xFF7FC99E, v36;
	s11 =	sadd.s32 s31, s11  }
0x2fe: {  	v38 =	vmax.f32 v35, v37;
	vm0 =	veq.s32 v20, s13  }
0x2ff: {  	vm1 =	veq.s32 v22, s13;
	v38 =	vmax.f32 v38, v36;
	v30 =	vsel vm0, $0xFF7FC99E, v30  }
0x300: {  	vm14 =	veq.s32 v24, s13;
	v31 =	vsel vm1, $0xFF7FC99E, v31;
	v38 =	vmax.f32 v38, v30  }
0x301: {  	vm15 =	veq.s32 v26, s13;
	v27 =	vsel vm14, $0xFF7FC99E, v27;
	v38 =	vmax.f32 v38, v31  }
0x302: {  	vm12 =	veq.s32 v29, s13;
	v28 =	vsel vm15, $0xFF7FC99E, v28;
	v38 =	vmax.f32 v38, v27  }
0x303: {  	v23 =	vsel vm12, $0xFF7FC99E, v23;
	v38 =	vmax.f32 v38, v28  }
0x304: {  	v38 =	vmax.f32 v38, v23  }
0x305: {  	(xrf0) =	vmax.scan.msk.f32 $0xffff, v38;
	_ =	sdelay $0x5  }
0x306: {  	v38, _, _ =	vpop (xrf0)  }
0x307: {  	v38 =	vbroadcast v38, $0xF;
	_ =	sdelay $0x1  }
0x308: {  	vm13 =	veq.f32 v37, v38  }
0x309: {  	v25 =	vnsel vm13, $0x7FFFFFFF, v25  }
0x30a: {  	vm0 =	vlt.s32 v21, v25  }
0x30b: {  	vm14 =	veq.f32 v35, v38;
	v21 =	vsel vm0, v21, v25  }
0x30c: {  	v21 =	vsel vm14, v21, v25  }
0x30d: {  	vm15 =	vlt.s32 v21, v19  }
0x30e: {  	vm12 =	veq.f32 v36, v38;
	v19 =	vsel vm15, v21, v19  }
0x30f: {  	v19 =	vsel vm12, v19, v21  }
0x310: {  	vm13 =	vlt.s32 v19, v20  }
0x311: {  	vm14 =	veq.f32 v30, v38;
	v20 =	vsel vm13, v19, v20  }
0x312: {  	v19 =	vsel vm14, v20, v19  }
0x313: {  	vm15 =	vlt.s32 v19, v22  }
0x314: {  	vm12 =	veq.f32 v31, v38;
	v20 =	vsel vm15, v19, v22  }
0x315: {  	v19 =	vsel vm12, v20, v19  }
0x316: {  	vm13 =	vlt.s32 v19, v24  }
0x317: {  	vm14 =	veq.f32 v27, v38;
	v20 =	vsel vm13, v19, v24  }
0x318: {  	v19 =	vsel vm14, v20, v19  }
0x319: {  	vm15 =	vlt.s32 v19, v26  }
0x31a: {  	vm12 =	veq.f32 v28, v38;
	v20 =	vsel vm15, v19, v26  }
0x31b: {  	v19 =	vsel vm12, v20, v19  }
0x31c: {  	vm13 =	vlt.s32 v19, v29  }
0x31d: {  	vm14 =	veq.f32 v23, v38;
	v20 =	vsel vm13, v19, v29  }
0x31e: {  	v19 =	vsel vm14, v20, v19  }
0x31f: {  	v19 =	vxor.u32 $0x80000000, v19  }
0x320: {  	(xrf0) =	vmin.scan.msk.u32 $0xffff, v19;
	_ =	sdelay $0x5  }
0x321: {  	v19, _, _ =	vpop (xrf0)  }
0x322: {  	(v2sf) =	vpush v19, $0xF;
	_ =	sdelay $0xe  }
0x323: {  	v19 =	vmov s9;
	s3 =	spop (v2sf)  }
0x324: {  	vm15 =	veq.s32 v19, v0;
	s18 =	sxor.u32 $0x80000000, s3  }
0x325: {  	v19 =	vsel vm9, s2, v34;
	v20 =	vsel vm15, v38, v33;
	s19 =	sand.u32 $0x7FFF, s3;
	s20 =	sshra.s32 s18, $0xF  }
0x326: {  	v63 =	vsel vm9, s11, v32;
	[tilespmem:$0x12400] =	vst v20;
	v19 =	vsel vm15, s19, v19;
	s3 =	sadd.s32 s31, s20  }
0x327: {  	[tilespmem:$0x12480] =	vst v19;
	v20 =	vsel vm15, s3, v63  }
0x328: {  	s21 =	simm.s32 $0x0;
	s22 =	rddreg [dreg:$0x1c];
	s23 =	simm.s32 $0x12400;
	[tilespmem:$0x12500] =	vst v20  }
0x329: {  	[hbm4b:s22+s21] =	stream.linear.scatter [tilespmem:s23], [sflag:$0x4], $0x8, $0x38;
	[tilespmem:$0x12610] =	vst v63  }
0x32a: {  	_ =	swait.ge [sflag:s7], $0x8  }
0x32b: {  	[sflag:s7] =	ssyncset.done $0x0  }
0x32c: {  	s25 =	simm.s32 $0x12480;
	s24 =	rddreg [dreg:$0x1d];
	[sflag:s7] =	ssyncadd.s32 $0xFFFFFFF8  }
0x32d: {  	[hbm4b:s24+s21] =	stream.linear.scatter [tilespmem:s25], [sflag:$0x4], $0x8, $0x38;
	[tilespmem:$0x12610] =	vst v63  }
0x32e: {  	_ =	swait.ge [sflag:s7], $0x8  }
0x32f: {  	s29 =	simm.s32 $0x12500;
	[sflag:s7] =	ssyncset.done $0x0  }
.Ltmp15:
0x330: {  	s26 =	rddreg [dreg:$0x1e];
	[sflag:s7] =	ssyncadd.s32 $0xFFFFFFF8;
	(pc) =	sbr.rel .LBB2_21-.Ltmp15, $4  }
0x331: {  	[hbm4b:s26+s21] =	stream.linear.scatter [tilespmem:s29], [sflag:$0x4], $0x8, $0x38;
	[tilespmem:$0x12610] =	vst v63  }
0x332: {  	_ =	swait.ge [sflag:s7], $0x8  }
0x333: {  	[sflag:s7] =	ssyncset.done $0x0  }
0x334: {  	[sflag:s7] =	ssyncadd.s32 $0xFFFFFFF8  }
.LBB2_22:
0x335: {  	_ =	sfence.sel $0x180000  }
0x336: {  	[bflag:$0x0] =	sbarrier.arrive $0xFFFF  }
0x337: {  	_ =	strace $0x90000047  }
0x338: {  	s0 =	stileid.u32;
	[bflag:$0x2] =	sbarrier.arrive $0xFFFF  }
0x339: {  	p0 =	sne.s32 s0, $0x0;
	s0 =	rddreg [dreg:$0xa]  }
0x33a: {  	s0 =	sadd.s32 @!p0 $0x100000, s0  }
0x33b: {  	[sflag:s0] =	ssyncadd.tile.s32 @!p0 $0x1;
	_ =	shalt  }
.Lfunc_end2:
_tile_overlayer_lowered:
.L_overlay_start_2:
0x33c: {  	(tag) =	ssettag $0x2  }
0x33d: {  	s0 =	rddreg [dreg:$0x0];
	s2 =	stileid.u32  }
0x33e: {  	s1 =	rddreg [dreg:$0x1];
	p0 =	sne.s32 s2, $0x0  }
0x33f: {  	s3 =	rddreg [dreg:$0x2];
	[bflag:$0x3] =	sbarrier.arrive $0xFFFF;
	s2 =	simm.s32 @!p0 $0x1C04  }
0x340: {  	[timem:s3], [sflag:s2] =	dma.local @!p0 [hbm:s0], s1  }
0x341: {  	s0 =	simm.s32 @!p0 $0x4  }
0x342: {  	_ =	swait.ge @!p0 [sflag:s0], s1  }
0x343: {  	s1 =	ssub.s32 @!p0 $0x0, s1;
	[sflag:s0] =	ssyncset.done @!p0 $0x0  }
0x344: {  	[sflag:s0] =	ssyncadd.s32 @!p0 s1  }
0x345: {  	[bflag:$0x3] =	sbarrier.arrive $0xFFFF  }
0x346: {  	_ =	shalt  }

</sc_bundles>
